<compile_context>
chip_gen: v7x
topology: tpu7x:2x2x1
jax: 0.10.2.dev20260603
libtpu: 0.0.44.dev20260713+nightly
codegen_flags: <defaults>
</compile_context>

<pallas_src>
import functools

import jax
import jax.numpy as jnp
from jax import lax
from jax.experimental import pallas as pl
from jax.experimental.pallas import tpu as pltpu
from jax.experimental.pallas import tpu_sc as plsc

N_NODES = 10000
N_EDGES = 320000
EDGES_PAD = 327680
IDX_ROWS = EDGES_PAD // 128
NW = 32
CH = IDX_ROWS // NW
EBLK = 2048
EGRID = EDGES_PAD // EBLK
TAB_W = 80
F32 = jnp.float32


def _dot(a, b):
    return jnp.dot(a, b, preferred_element_type=F32)


def _dot_hi(a, b):
    return jnp.dot(a, b, preferred_element_type=F32,
                   precision=jax.lax.Precision.HIGHEST)



def _embed_body(nodes_ref, wn_ref, bn_ref, pos_ref, wg_ref, bg_ref,
                tab_ref, glob_ref):
    h = _dot_hi(nodes_ref[...], wn_ref[...]) + bn_ref[...]
    tab_ref[...] = jnp.concatenate([h, pos_ref[...]], axis=1)
    glob_ref[...] = 0.0 * wg_ref[...] + bg_ref[...]


def _tc_embed(nodes, wn, bn, pos_pad, wg, bg):
    return pl.pallas_call(
        _embed_body,
        out_shape=(jax.ShapeDtypeStruct((N_NODES, TAB_W), F32),
                   jax.ShapeDtypeStruct((1, 64), F32)),
    )(nodes, wn, bn, pos_pad, wg, bg)


def _edge_tail(i, eh, sn, rn, gvec_con, w1a, w1b, w1c, w2, b2,
               out_ref, esum_ref):
    y = _dot(eh, w1a) + _dot(sn, w1b) + _dot(rn, w1c) + gvec_con
    h = jnp.maximum(y, 0.0)
    e = _dot(h, w2) + b2
    rows = i * EBLK + lax.broadcasted_iota(jnp.int32, (EBLK, 1), 0)
    e = jnp.where(rows < N_EDGES, e, 0.0)
    out_ref[...] = e

    @pl.when(i == 0)
    def _():
        esum_ref[...] = jnp.zeros_like(esum_ref)
    esum_ref[...] += jnp.sum(e, axis=0, keepdims=True)


def _edge_first_body(gs_ref, gr_ref, sh_ref, boxt_ref, wee_ref, bee_ref,
                     g_ref, w1a_ref, w1b_ref, w1c_ref, w1d_ref, b1_ref,
                     w2_ref, b2_ref, out_ref, esum_ref):
    i = pl.program_id(0)
    gs = gs_ref[...]
    gr = gr_ref[...]
    draw = gr[:, 64:80] - gs[:, 64:80] - sh_ref[...]
    dR = _dot(draw, boxt_ref[...])
    dr2 = jnp.sum(dR * dR, axis=1, keepdims=True) + 1e-12
    dr = jnp.sqrt(dr2)
    k = lax.broadcasted_iota(jnp.int32, (1, 32), 1).astype(F32)
    r0 = 0.05 + k * (3.95 / 29.0)
    d = dr - r0
    rbf = jnp.exp(-(d * d) * 4.0)
    eh = _dot(rbf, wee_ref[...]) + bee_ref[...]
    gcon = _dot(g_ref[...], w1d_ref[...]) + b1_ref[...]
    _edge_tail(i, eh, gs[:, :64], gr[:, :64], gcon,
               w1a_ref[...], w1b_ref[...], w1c_ref[...],
               w2_ref[...], b2_ref[...], out_ref, esum_ref)


def _edge_block_body(eh_ref, gs_ref, gr_ref, g_ref, w1a_ref, w1b_ref,
                     w1c_ref, w1d_ref, b1_ref, w2_ref, b2_ref,
                     out_ref, esum_ref):
    i = pl.program_id(0)
    gcon = _dot(g_ref[...], w1d_ref[...]) + b1_ref[...]
    _edge_tail(i, eh_ref[...], gs_ref[...], gr_ref[...], gcon,
               w1a_ref[...], w1b_ref[...], w1c_ref[...],
               w2_ref[...], b2_ref[...], out_ref, esum_ref)


def _tc_edge_first(gs, gr, shifts_pad, boxt, wee, bee, glob, w1s, b1, w2, b2):
    eb = lambda w: pl.BlockSpec((EBLK, w), lambda i: (i, 0))
    full = lambda a: pl.BlockSpec(a.shape, lambda i: (0,) * a.ndim)
    w1a, w1b, w1c, w1d = w1s
    return pl.pallas_call(
        _edge_first_body,
        grid=(EGRID,),
        in_specs=[eb(TAB_W), eb(TAB_W), eb(16), full(boxt), full(wee),
                  full(bee), full(glob), full(w1a), full(w1b), full(w1c),
                  full(w1d), full(b1), full(w2), full(b2)],
        out_specs=(pl.BlockSpec((EBLK, 64), lambda i: (i, 0)),
                   pl.BlockSpec((1, 64), lambda i: (0, 0))),
        out_shape=(jax.ShapeDtypeStruct((EDGES_PAD, 64), F32),
                   jax.ShapeDtypeStruct((1, 64), F32)),
    )(gs, gr, shifts_pad, boxt, wee, bee, glob, w1a, w1b, w1c, w1d, b1,
      w2, b2)


def _tc_edge_block(eh, gs, gr, glob, w1s, b1, w2, b2):
    eb = lambda w: pl.BlockSpec((EBLK, w), lambda i: (i, 0))
    full = lambda a: pl.BlockSpec(a.shape, lambda i: (0,) * a.ndim)
    w1a, w1b, w1c, w1d = w1s
    return pl.pallas_call(
        _edge_block_body,
        grid=(EGRID,),
        in_specs=[eb(64), eb(64), eb(64), full(glob), full(w1a), full(w1b),
                  full(w1c), full(w1d), full(b1), full(w2), full(b2)],
        out_specs=(pl.BlockSpec((EBLK, 64), lambda i: (i, 0)),
                   pl.BlockSpec((1, 64), lambda i: (0, 0))),
        out_shape=(jax.ShapeDtypeStruct((EDGES_PAD, 64), F32),
                   jax.ShapeDtypeStruct((1, 64), F32)),
    )(eh, gs, gr, glob, w1a, w1b, w1c, w1d, b1, w2, b2)


NBLK = 2000
NGRID = N_NODES // NBLK


def _node_body(out_scale, nh_ref, sp0_ref, sp1_ref, rp0_ref, rp1_ref,
               esum_ref, g_ref, v1a_ref, v1b_ref, v1c_ref, v1d_ref, bv1_ref,
               v2_ref, bv2_ref, gn_ref, ge_ref, gg_ref, bg1_ref, g2_ref,
               bg2_ref, nodes_out, glob_out, nsum_ref):
    i = pl.program_id(0)
    sa = sp0_ref[...] + sp1_ref[...]
    ra = rp0_ref[...] + rp1_ref[...]
    g = g_ref[...]
    y = (_dot_hi(nh_ref[...], v1a_ref[...]) + _dot_hi(sa, v1b_ref[...])
         + _dot_hi(ra, v1c_ref[...]) + _dot_hi(g, v1d_ref[...]) + bv1_ref[...])
    h = jnp.maximum(y, 0.0)
    nn = _dot_hi(h, v2_ref[...]) + bv2_ref[...]
    nodes_out[...] = nn

    @pl.when(i == 0)
    def _():
        nsum_ref[...] = jnp.zeros_like(nsum_ref)
    nsum_ref[...] += jnp.sum(nn, axis=0, keepdims=True)

    @pl.when(i == NGRID - 1)
    def _():
        nmean = nsum_ref[...] * (1.0 / N_NODES)
        emean = esum_ref[...] * (1.0 / N_EDGES)
        gy = (_dot_hi(nmean, gn_ref[...]) + _dot_hi(emean, ge_ref[...])
              + _dot_hi(g, gg_ref[...]) + bg1_ref[...])
        gh = jnp.maximum(gy, 0.0)
        go = _dot_hi(gh, g2_ref[...]) + bg2_ref[...]
        glob_out[...] = out_scale * go


def _tc_node(nh, parts, esum, glob, v1s, bv1, v2, bv2, g1s, bg1, g2, bg2,
             out_scale):
    sp0, sp1 = parts[0, 0], parts[0, 1]
    rp0, rp1 = parts[1, 0], parts[1, 1]
    v1a, v1b, v1c, v1d = v1s
    gn, ge, gg = g1s
    nb = lambda: pl.BlockSpec((NBLK, 64), lambda i: (i, 0))
    full = lambda a: pl.BlockSpec(a.shape, lambda i: (0,) * a.ndim)
    nodes_new, glob_new, _ = pl.pallas_call(
        functools.partial(_node_body, out_scale),
        grid=(NGRID,),
        in_specs=[nb(), nb(), nb(), nb(), nb(), full(esum), full(glob),
                  full(v1a), full(v1b), full(v1c), full(v1d), full(bv1),
                  full(v2), full(bv2), full(gn), full(ge), full(gg),
                  full(bg1), full(g2), full(bg2)],
        out_specs=(pl.BlockSpec((NBLK, 64), lambda i: (i, 0)),
                   pl.BlockSpec((1, 64), lambda i: (0, 0)),
                   pl.BlockSpec((1, 64), lambda i: (0, 0))),
        out_shape=(jax.ShapeDtypeStruct((N_NODES, 64), F32),
                   jax.ShapeDtypeStruct((1, 64), F32),
                   jax.ShapeDtypeStruct((1, 64), F32)),
    )(nh, sp0, sp1, rp0, rp1, esum, glob, v1a, v1b, v1c, v1d, bv1, v2,
      bv2, gn, ge, gg, bg1, g2, bg2)
    return nodes_new, glob_new



@functools.lru_cache(maxsize=None)
def _make_sc_gather(width):
    mesh = plsc.VectorSubcoreMesh(core_axis_name="c", subcore_axis_name="s")

    stripe = N_NODES // 16

    def body(tab, is_h, ir_h, os_h, or_h, tab_sp, idxs, idxr, ra, rb, sga,
             sgb):
        cid = lax.axis_index("c")
        sid = lax.axis_index("s")
        wid = sid * 2 + cid
        pltpu.sync_copy(tab.at[pl.ds(sid * stripe, stripe)],
                        tab_sp.at[pl.ds(sid * stripe, stripe)])
        pltpu.sync_copy(is_h.at[pl.ds(wid * CH, CH)], idxs)
        pltpu.sync_copy(ir_h.at[pl.ds(wid * CH, CH)], idxr)
        plsc.subcore_barrier()
        base = wid * CH * 128

        def run(idxv, out):
            def fire(buf, sem, cbase):
                for b in range(2):
                    pltpu.async_copy(tab_sp.at[idxv.at[cbase + b]],
                                     buf.at[pl.ds(b * 128, 128)], sem)

            def drain_store(buf, sem, cbase):
                for b in range(2):
                    pltpu.make_async_copy(tab_sp.at[idxv.at[0]],
                                          buf.at[pl.ds(b * 128, 128)],
                                          sem).wait()
                pltpu.sync_copy(buf, out.at[pl.ds(base + cbase * 128, 256)])

            fire(ra, sga, 0)

            def step(j, carry):
                c = j * 4
                fire(rb, sgb, c + 2)
                drain_store(ra, sga, c)

                @pl.when(j < CH // 4 - 1)
                def _():
                    fire(ra, sga, c + 4)
                drain_store(rb, sgb, c + 2)
                return carry

            lax.fori_loop(0, CH // 4, step, 0)

        run(idxs, os_h)
        run(idxr, or_h)

    return pl.kernel(
        body,
        out_type=(jax.ShapeDtypeStruct((EDGES_PAD, width), F32),
                  jax.ShapeDtypeStruct((EDGES_PAD, width), F32)),
        mesh=mesh,
        scratch_types=[
            pltpu.VMEM_SHARED((N_NODES, width), F32),
            pltpu.VMEM((CH, 128), jnp.int32),
            pltpu.VMEM((CH, 128), jnp.int32),
            pltpu.VMEM((256, width), F32),
            pltpu.VMEM((256, width), F32),
            pltpu.SemaphoreType.DMA,
            pltpu.SemaphoreType.DMA,
        ],
        compiler_params=pltpu.CompilerParams(use_tc_tiling_on_sc=False),
    )


def _sc_gather_pair(table, idx2_s, idx2_r):
    return _make_sc_gather(table.shape[1])(table, idx2_s, idx2_r)


@functools.lru_cache(maxsize=None)
def _make_sc_scatter():
    mesh = plsc.VectorSubcoreMesh(core_axis_name="c", subcore_axis_name="s")
    stripe = N_NODES // 16

    def body(edges_h, is_h, ir_h, zeros_h, out_h, acc_s, acc_r, idxs, idxr,
             rowbuf):
        cid = lax.axis_index("c")
        sid = lax.axis_index("s")
        wid = sid * 2 + cid
        pltpu.sync_copy(zeros_h.at[pl.ds(sid * stripe, stripe)],
                        acc_s.at[pl.ds(sid * stripe, stripe)])
        pltpu.sync_copy(zeros_h.at[pl.ds(sid * stripe, stripe)],
                        acc_r.at[pl.ds(sid * stripe, stripe)])
        pltpu.sync_copy(is_h.at[pl.ds(wid * CH, CH)], idxs)
        pltpu.sync_copy(ir_h.at[pl.ds(wid * CH, CH)], idxr)
        plsc.subcore_barrier()
        base = wid * CH * 128

        def step(c, carry):
            pltpu.sync_copy(edges_h.at[pl.ds(base + c * 128, 128)], rowbuf)
            pltpu.sync_copy(rowbuf, acc_s.at[idxs.at[c]], add=True)
            pltpu.sync_copy(rowbuf, acc_r.at[idxr.at[c]], add=True)
            return carry

        lax.fori_loop(0, CH, step, 0)
        plsc.subcore_barrier()
        pltpu.sync_copy(acc_s.at[pl.ds(sid * stripe, stripe)],
                        out_h.at[0, cid, pl.ds(sid * stripe, stripe)])
        pltpu.sync_copy(acc_r.at[pl.ds(sid * stripe, stripe)],
                        out_h.at[1, cid, pl.ds(sid * stripe, stripe)])

    return pl.kernel(
        body,
        out_type=jax.ShapeDtypeStruct((2, 2, N_NODES, 64), F32),
        mesh=mesh,
        scratch_types=[
            pltpu.VMEM_SHARED((N_NODES, 64), F32),
            pltpu.VMEM_SHARED((N_NODES, 64), F32),
            pltpu.VMEM((CH, 128), jnp.int32),
            pltpu.VMEM((CH, 128), jnp.int32),
            pltpu.VMEM((128, 64), F32),
        ],
        compiler_params=pltpu.CompilerParams(use_tc_tiling_on_sc=False),
    )


def _sc_scatter_pair(edges, idx2_s, idx2_r, zeros_tab):
    return _make_sc_scatter()(edges, idx2_s, idx2_r, zeros_tab)



def _split_w1(w):
    return (w[0:64], w[64:128], w[128:192], w[192:256])


def _split_g1(w):
    return (w[0:64], w[64:128], w[128:192])


def _b2d(b):
    return b.reshape(1, -1)


def kernel(nodes, positions, box, edge_shifts, senders, receivers, params):
    p = params
    pad = EDGES_PAD - N_EDGES
    s32 = senders.astype(jnp.int32)
    r32 = receivers.astype(jnp.int32)
    idx_s = jnp.concatenate([s32, jnp.zeros((pad,), jnp.int32)]).reshape(
        IDX_ROWS, 128)
    idx_r = jnp.concatenate([r32, jnp.zeros((pad,), jnp.int32)]).reshape(
        IDX_ROWS, 128)
    shifts_pad = jnp.pad(edge_shifts, ((0, pad), (0, 13)))
    pos_pad = jnp.pad(positions, ((0, 0), (0, 13)))
    boxt = jnp.pad(box[0].T, ((0, 13), (0, 13)))
    zeros_tab = jnp.zeros((N_NODES, 64), F32)
    wee = jnp.pad(p['edge_emb']['W'], ((0, 2), (0, 0)))

    tab0, glob0 = _tc_embed(nodes, p['node_emb']['W'],
                            _b2d(p['node_emb']['b']), pos_pad,
                            p['glob_emb']['W'], _b2d(p['glob_emb']['b']))

    gs, gr = _sc_gather_pair(tab0, idx_s, idx_r)

    sp = p['steps'][0]
    edges_h, esum = _tc_edge_first(
        gs, gr, shifts_pad, boxt, wee, _b2d(p['edge_emb']['b']), glob0,
        _split_w1(sp['edge'][0]['W']), _b2d(sp['edge'][0]['b']),
        sp['edge'][1]['W'], _b2d(sp['edge'][1]['b']))

    nodes_h = tab0[:, :64]
    glob_h = glob0
    n_steps = len(p['steps'])
    for step_i in range(n_steps + 1):
        sp = p['steps'][step_i] if step_i < n_steps else p['readout']
        is_last = step_i == n_steps
        parts = _sc_scatter_pair(edges_h, idx_s, idx_r, zeros_tab)
        g2 = sp['global'][1]['W']
        bg2 = _b2d(sp['global'][1]['b'])
        if is_last:
            g2 = jnp.pad(g2, ((0, 0), (0, 64 - g2.shape[1])))
            bg2 = jnp.pad(bg2, ((0, 0), (0, 64 - bg2.shape[1])))
        nodes_h, glob_h = _tc_node(
            nodes_h, parts, esum, glob_h,
            _split_w1(sp['node'][0]['W']), _b2d(sp['node'][0]['b']),
            sp['node'][1]['W'], _b2d(sp['node'][1]['b']),
            _split_g1(sp['global'][0]['W']), _b2d(sp['global'][0]['b']),
            g2, bg2,
            out_scale=float(N_NODES) if is_last else 1.0)
        if is_last:
            break
        nsp = p['steps'][step_i + 1] if step_i + 1 < n_steps else p['readout']
        gs, gr = _sc_gather_pair(nodes_h, idx_s, idx_r)
        edges_h, esum = _tc_edge_block(
            edges_h, gs, gr, glob_h,
            _split_w1(nsp['edge'][0]['W']), _b2d(nsp['edge'][0]['b']),
            nsp['edge'][1]['W'], _b2d(nsp['edge'][1]['b']))

    return glob_h[:, :1]

# --- scband reference (transcript-rebuilt; emitter-appended) ---
"""Pipeline reference for scband-crystal-energy-model-49443663511703 (READ-ONLY COPY).

The authoritative reference and input builder live on the scoring server;
editing this copy changes nothing except your own understanding.
"""

import jax, jax.numpy as jnp
import numpy as np

N_NODE = 10000
N_EDGE = 320000
D_FEAT = 128
EMB = 64
MLP_W = (64, 64)
STEPS = 3
SHIFT = 0.0
SCALE = 1.0
N_RBF = 30


def _dense_params(key, din, dout):
    W = jax.random.normal(key, (din, dout), jnp.float32) * (1.0 / np.sqrt(din))
    b = jnp.zeros((dout,), jnp.float32)
    return {'W': W, 'b': b}


def _mlp_params(key, din, feats):
    layers = []
    d = din
    for i, h in enumerate(feats):
        layers.append(_dense_params(jax.random.fold_in(key, i), d, h))
        d = h
    return layers


def _dense(p, x):
    return x @ p['W'] + p['b']


def _mlp(layers, x):
    for i, l in enumerate(layers):
        x = _dense(l, x)
        if i < len(layers) - 1:
            x = jax.nn.relu(x)
    return x


def setup_inputs(seed: int = 0):
    key = jax.random.key(seed)
    ks = jax.random.split(key, 8)
    nodes = jax.random.normal(ks[0], (N_NODE, D_FEAT), jnp.float32)
    positions = jax.random.uniform(ks[1], (N_NODE, 3), jnp.float32) * 10.0
    box = jax.random.uniform(ks[2], (1, 3, 3), jnp.float32)
    edge_shifts = jax.random.normal(ks[3], (N_EDGE, 3), jnp.float32)
    senders = jax.random.randint(ks[4], (N_EDGE,), 0, N_NODE)
    receivers = jax.random.randint(ks[5], (N_EDGE,), 0, N_NODE)
    pk = ks[6]
    steps = []
    for i in range(STEPS - 1):
        sk = jax.random.fold_in(pk, i)
        steps.append({
            'edge': _mlp_params(jax.random.fold_in(sk, 0), 4 * EMB, MLP_W),
            'node': _mlp_params(jax.random.fold_in(sk, 1), 4 * EMB, MLP_W),
            'global': _mlp_params(jax.random.fold_in(sk, 2), 3 * EMB, MLP_W),
        })
    rk = jax.random.fold_in(pk, 1000)
    params = {
        'node_emb': _dense_params(jax.random.fold_in(pk, 100), D_FEAT, EMB),
        'edge_emb': _dense_params(jax.random.fold_in(pk, 101), N_RBF, EMB),
        'glob_emb': _dense_params(jax.random.fold_in(pk, 102), 1, EMB),
        'steps': steps,
        'readout': {
            'edge': _mlp_params(jax.random.fold_in(rk, 0), 4 * EMB, MLP_W),
            'node': _mlp_params(jax.random.fold_in(rk, 1), 4 * EMB, MLP_W),
            'global': _mlp_params(jax.random.fold_in(rk, 2), 3 * EMB, MLP_W[:-1] + (1,)),
        },
    }
    return {'nodes': nodes, 'positions': positions, 'box': box,
            'edge_shifts': edge_shifts, 'senders': senders,
            'receivers': receivers, 'params': params}


def _graphnet_block(p, nodes_h, edges_h, glob_h, senders, receivers):
    # jraph.GraphNetwork order: edges -> nodes -> globals (single-graph batch, G=1)
    glob_e = jnp.broadcast_to(glob_h, (edges_h.shape[0], glob_h.shape[-1]))
    sent_n = nodes_h[senders]
    recv_n = nodes_h[receivers]
    e_in = jnp.concatenate([edges_h, sent_n, recv_n, glob_e], axis=-1)
    edges_new = _mlp(p['edge'], e_in)
    sent_agg = jax.ops.segment_sum(edges_new, senders, num_segments=N_NODE)
    recv_agg = jax.ops.segment_sum(edges_new, receivers, num_segments=N_NODE)
    glob_n = jnp.broadcast_to(glob_h, (nodes_h.shape[0], glob_h.shape[-1]))
    n_in = jnp.concatenate([nodes_h, sent_agg, recv_agg, glob_n], axis=-1)
    nodes_new = _mlp(p['node'], n_in)
    node_agg = jnp.mean(nodes_new, axis=0, keepdims=True)  # segment_mean, G=1
    edge_agg = jnp.mean(edges_new, axis=0, keepdims=True)  # segment_mean, G=1
    g_in = jnp.concatenate([node_agg, edge_agg, glob_h], axis=-1)
    glob_new = _mlp(p['global'], g_in)
    return nodes_new, edges_new, glob_new


def _forward(nodes, positions, box, edge_shifts, senders, receivers, params):
    # standard_gaussian_features: RBF centers linspace(0.05, 4, 30), width 0.5
    r0 = jnp.linspace(0.05, 4.0, N_RBF)
    Rb = positions[senders]
    Ra = positions[receivers]
    node_box = jnp.repeat(box, jnp.array([N_NODE]), axis=0, total_repeat_length=N_NODE)
    edge_box = node_box[senders]
    dRraw = Ra - Rb - edge_shifts
    dR = jnp.einsum('eij,ej->ei', edge_box, dRraw)  # vmap(space.transform)
    dr = jnp.sqrt(jnp.sum(dR * dR, axis=-1) + 1e-12)  # space.distance
    edge_feats = jnp.exp(-((dr[:, None] - r0[None, :]) ** 2) / 0.25)
    glob0 = jnp.zeros((1, 1), jnp.float32)
    nodes_h = _dense(params['node_emb'], nodes)
    edges_h = _dense(params['edge_emb'], edge_feats)
    glob_h = _dense(params['glob_emb'], glob0)
    for i in range(STEPS - 1):
        nodes_h, edges_h, glob_h = _graphnet_block(params['steps'][i], nodes_h, edges_h, glob_h, senders, receivers)
    _, _, out_glob = _graphnet_block(params['readout'], nodes_h, edges_h, glob_h, senders, receivers)
    n_node = jnp.array([[float(N_NODE)]], jnp.float32)
    return n_node * (SCALE * out_glob + SHIFT)


def reference(nodes, positions, box, edge_shifts, senders, receivers, params):
    return _forward(nodes, positions, box, edge_shifts, senders, receivers, params)

if __name__ == "__main__":
    import jax
    _d = setup_inputs()
    print(jax.jit(kernel)(*tuple(_d.values())))

</pallas_src>

<mosaic_0001>
#map = affine_map<(d0, d1) -> (0, 0)>
#map1 = affine_map<(d0, d1) -> (0, 0, 0, 0)>
module attributes {stable_mosaic.version = 14 : i64} {
  func.func @body(%arg0: i32, %arg1: i32, %arg2: memref<327680x64xf32, #tpu.memory_space<hbm>>, %arg3: memref<2560x128xi32, #tpu.memory_space<hbm>>, %arg4: memref<2560x128xi32, #tpu.memory_space<hbm>>, %arg5: memref<10000x64xf32, #tpu.memory_space<hbm>>, %arg6: memref<2x2x10000x64xf32, #tpu.memory_space<hbm>>, %arg7: memref<10000x64xf32, #tpu.memory_space<vmem_shared>>, %arg8: memref<10000x64xf32, #tpu.memory_space<vmem_shared>>, %arg9: memref<80x128xi32, #tpu.memory_space<vmem>>, %arg10: memref<80x128xi32, #tpu.memory_space<vmem>>, %arg11: memref<128x64xf32, #tpu.memory_space<vmem>>) attributes {dimension_semantics = [#tpu.dimension_semantics<core_parallel>, #tpu.dimension_semantics<subcore_parallel>], iteration_bounds = array<i64: 2, 16>, scalar_prefetch = 0 : i64, scratch_operands = 5 : i64, tpu.core_type = #tpu.core_type<sc_vector_subcore>, window_params = [{transform_indices = #map}, {transform_indices = #map}, {transform_indices = #map}, {transform_indices = #map}, {transform_indices = #map1}]} {
    %mul3A = arith.constant 2 : i32
    %mul3A_0 = arith.muli %arg1, %mul3A : i32
    %add3A = arith.addi %mul3A_0, %arg0 : i32
    %mul3A_1 = arith.constant 625 : i32
    %mul3A_2 = arith.muli %arg1, %mul3A_1 : i32
    %mul3A_3 = arith.constant 625 : i32
    %mul3A_4 = arith.muli %arg1, %mul3A_3 : i32
    "tpu.region"() ({
      %run_scoped3A_32 = tpu.sem_alloc : memref<!tpu.dma_semaphore, #tpu.memory_space<semaphore_mem>>
      %dma_start3A = arith.constant 0 : i32
      %dma_start3A_33 = tpu.memref_slice %arg7[%mul3A_4, %dma_start3A] : memref<10000x64xf32, #tpu.memory_space<vmem_shared>> -> memref<625x64xf32, #tpu.memory_space<vmem_shared>>
      %dma_start3A_34 = arith.constant 0 : i32
      %dma_start3A_35 = tpu.memref_slice %arg5[%mul3A_2, %dma_start3A_34] : memref<10000x64xf32, #tpu.memory_space<hbm>> -> memref<625x64xf32, #tpu.memory_space<hbm>>
      tpu.enqueue_dma source(%dma_start3A_35 : memref<625x64xf32, #tpu.memory_space<hbm>>) target(%dma_start3A_33 : memref<625x64xf32, #tpu.memory_space<vmem_shared>>) target_semaphore(%run_scoped3A_32 : memref<!tpu.dma_semaphore, #tpu.memory_space<semaphore_mem>>)
      %dma_wait3A = arith.constant 0 : i32
      %dma_wait3A_36 = tpu.memref_slice %arg7[%mul3A_4, %dma_wait3A] : memref<10000x64xf32, #tpu.memory_space<vmem_shared>> -> memref<625x64xf32, #tpu.memory_space<vmem_shared>>
      %dma_wait3A_37 = arith.constant 0 : i32
      %dma_wait3A_38 = tpu.memref_slice %arg5[%mul3A_2, %dma_wait3A_37] : memref<10000x64xf32, #tpu.memory_space<hbm>> -> memref<625x64xf32, #tpu.memory_space<hbm>>
      tpu.wait_dma2 semaphore(%run_scoped3A_32 : memref<!tpu.dma_semaphore, #tpu.memory_space<semaphore_mem>>) src(%dma_wait3A_38 : memref<625x64xf32, #tpu.memory_space<hbm>>) dst(%dma_wait3A_36 : memref<625x64xf32, #tpu.memory_space<vmem_shared>>)
      tpu.yield
    }) : () -> ()
    %mul3A_5 = arith.constant 625 : i32
    %mul3A_6 = arith.muli %arg1, %mul3A_5 : i32
    %mul3A_7 = arith.constant 625 : i32
    %mul3A_8 = arith.muli %arg1, %mul3A_7 : i32
    "tpu.region"() ({
      %run_scoped3A_32 = tpu.sem_alloc : memref<!tpu.dma_semaphore, #tpu.memory_space<semaphore_mem>>
      %dma_start3A = arith.constant 0 : i32
      %dma_start3A_33 = tpu.memref_slice %arg8[%mul3A_8, %dma_start3A] : memref<10000x64xf32, #tpu.memory_space<vmem_shared>> -> memref<625x64xf32, #tpu.memory_space<vmem_shared>>
      %dma_start3A_34 = arith.constant 0 : i32
      %dma_start3A_35 = tpu.memref_slice %arg5[%mul3A_6, %dma_start3A_34] : memref<10000x64xf32, #tpu.memory_space<hbm>> -> memref<625x64xf32, #tpu.memory_space<hbm>>
      tpu.enqueue_dma source(%dma_start3A_35 : memref<625x64xf32, #tpu.memory_space<hbm>>) target(%dma_start3A_33 : memref<625x64xf32, #tpu.memory_space<vmem_shared>>) target_semaphore(%run_scoped3A_32 : memref<!tpu.dma_semaphore, #tpu.memory_space<semaphore_mem>>)
      %dma_wait3A = arith.constant 0 : i32
      %dma_wait3A_36 = tpu.memref_slice %arg8[%mul3A_8, %dma_wait3A] : memref<10000x64xf32, #tpu.memory_space<vmem_shared>> -> memref<625x64xf32, #tpu.memory_space<vmem_shared>>
      %dma_wait3A_37 = arith.constant 0 : i32
      %dma_wait3A_38 = tpu.memref_slice %arg5[%mul3A_6, %dma_wait3A_37] : memref<10000x64xf32, #tpu.memory_space<hbm>> -> memref<625x64xf32, #tpu.memory_space<hbm>>
      tpu.wait_dma2 semaphore(%run_scoped3A_32 : memref<!tpu.dma_semaphore, #tpu.memory_space<semaphore_mem>>) src(%dma_wait3A_38 : memref<625x64xf32, #tpu.memory_space<hbm>>) dst(%dma_wait3A_36 : memref<625x64xf32, #tpu.memory_space<vmem_shared>>)
      tpu.yield
    }) : () -> ()
    %mul3A_9 = arith.constant 80 : i32
    %mul3A_10 = arith.muli %add3A, %mul3A_9 : i32
    "tpu.region"() ({
      %run_scoped3A_32 = tpu.sem_alloc : memref<!tpu.dma_semaphore, #tpu.memory_space<semaphore_mem>>
      %dma_start3A = arith.constant 0 : i32
      %dma_start3A_33 = tpu.memref_slice %arg3[%mul3A_10, %dma_start3A] : memref<2560x128xi32, #tpu.memory_space<hbm>> -> memref<80x128xi32, #tpu.memory_space<hbm>>
      %dma_start3A_34 = arith.constant 0 : i32
      %dma_start3A_35 = tpu.memref_slice %arg3[%mul3A_10, %dma_start3A_34] : memref<2560x128xi32, #tpu.memory_space<hbm>> -> memref<80x128xi32, #tpu.memory_space<hbm>>
      tpu.enqueue_dma source(%dma_start3A_35 : memref<80x128xi32, #tpu.memory_space<hbm>>) target(%arg9 : memref<80x128xi32, #tpu.memory_space<vmem>>) target_semaphore(%run_scoped3A_32 : memref<!tpu.dma_semaphore, #tpu.memory_space<semaphore_mem>>)
      %dma_wait3A = arith.constant 0 : i32
      %dma_wait3A_36 = tpu.memref_slice %arg3[%mul3A_10, %dma_wait3A] : memref<2560x128xi32, #tpu.memory_space<hbm>> -> memref<80x128xi32, #tpu.memory_space<hbm>>
      %dma_wait3A_37 = arith.constant 0 : i32
      %dma_wait3A_38 = tpu.memref_slice %arg3[%mul3A_10, %dma_wait3A_37] : memref<2560x128xi32, #tpu.memory_space<hbm>> -> memref<80x128xi32, #tpu.memory_space<hbm>>
      tpu.wait_dma2 semaphore(%run_scoped3A_32 : memref<!tpu.dma_semaphore, #tpu.memory_space<semaphore_mem>>) src(%dma_wait3A_38 : memref<80x128xi32, #tpu.memory_space<hbm>>) dst(%arg9 : memref<80x128xi32, #tpu.memory_space<vmem>>)
      tpu.yield
    }) : () -> ()
    %mul3A_11 = arith.constant 80 : i32
    %mul3A_12 = arith.muli %add3A, %mul3A_11 : i32
    "tpu.region"() ({
      %run_scoped3A_32 = tpu.sem_alloc : memref<!tpu.dma_semaphore, #tpu.memory_space<semaphore_mem>>
      %dma_start3A = arith.constant 0 : i32
      %dma_start3A_33 = tpu.memref_slice %arg4[%mul3A_12, %dma_start3A] : memref<2560x128xi32, #tpu.memory_space<hbm>> -> memref<80x128xi32, #tpu.memory_space<hbm>>
      %dma_start3A_34 = arith.constant 0 : i32
      %dma_start3A_35 = tpu.memref_slice %arg4[%mul3A_12, %dma_start3A_34] : memref<2560x128xi32, #tpu.memory_space<hbm>> -> memref<80x128xi32, #tpu.memory_space<hbm>>
      tpu.enqueue_dma source(%dma_start3A_35 : memref<80x128xi32, #tpu.memory_space<hbm>>) target(%arg10 : memref<80x128xi32, #tpu.memory_space<vmem>>) target_semaphore(%run_scoped3A_32 : memref<!tpu.dma_semaphore, #tpu.memory_space<semaphore_mem>>)
      %dma_wait3A = arith.constant 0 : i32
      %dma_wait3A_36 = tpu.memref_slice %arg4[%mul3A_12, %dma_wait3A] : memref<2560x128xi32, #tpu.memory_space<hbm>> -> memref<80x128xi32, #tpu.memory_space<hbm>>
      %dma_wait3A_37 = arith.constant 0 : i32
      %dma_wait3A_38 = tpu.memref_slice %arg4[%mul3A_12, %dma_wait3A_37] : memref<2560x128xi32, #tpu.memory_space<hbm>> -> memref<80x128xi32, #tpu.memory_space<hbm>>
      tpu.wait_dma2 semaphore(%run_scoped3A_32 : memref<!tpu.dma_semaphore, #tpu.memory_space<semaphore_mem>>) src(%dma_wait3A_38 : memref<80x128xi32, #tpu.memory_space<hbm>>) dst(%arg10 : memref<80x128xi32, #tpu.memory_space<vmem>>)
      tpu.yield
    }) : () -> ()
    %barrier3A = arith.constant 0 : index
    tpu.barrier barrier_id(%barrier3A)
    %mul3A_13 = arith.constant 80 : i32
    %mul3A_14 = arith.muli %add3A, %mul3A_13 : i32
    %mul3A_15 = arith.constant 128 : i32
    %mul3A_16 = arith.muli %mul3A_14, %mul3A_15 : i32
    %scan3A = arith.constant 0 : i32
    %scan3A_17 = arith.constant 0 : i32
    %scan3A_18 = arith.constant 80 : i32
    %scan3A_19 = arith.addi %scan3A_17, %scan3A_18 : i32
    %scan3A_20 = arith.constant 1 : i32
    scf.for %scan3A_32 = %scan3A_17 to %scan3A_19 step %scan3A_20  : i32 {
      %mul3A_33 = arith.constant 128 : i32
      %mul3A_34 = arith.muli %scan3A_32, %mul3A_33 : i32
      %add3A_35 = arith.addi %mul3A_16, %mul3A_34 : i32
      "tpu.region"() ({
        %run_scoped3A_36 = tpu.sem_alloc : memref<!tpu.dma_semaphore, #tpu.memory_space<semaphore_mem>>
        %dma_start3A = arith.constant 0 : i32
        %dma_start3A_37 = tpu.memref_slice %arg2[%add3A_35, %dma_start3A] : memref<327680x64xf32, #tpu.memory_space<hbm>> -> memref<128x64xf32, #tpu.memory_space<hbm>>
        %dma_start3A_38 = arith.constant 0 : i32
        %dma_start3A_39 = tpu.memref_slice %arg2[%add3A_35, %dma_start3A_38] : memref<327680x64xf32, #tpu.memory_space<hbm>> -> memref<128x64xf32, #tpu.memory_space<hbm>>
        tpu.enqueue_dma source(%dma_start3A_39 : memref<128x64xf32, #tpu.memory_space<hbm>>) target(%arg11 : memref<128x64xf32, #tpu.memory_space<vmem>>) target_semaphore(%run_scoped3A_36 : memref<!tpu.dma_semaphore, #tpu.memory_space<semaphore_mem>>)
        %dma_wait3A = arith.constant 0 : i32
        %dma_wait3A_40 = tpu.memref_slice %arg2[%add3A_35, %dma_wait3A] : memref<327680x64xf32, #tpu.memory_space<hbm>> -> memref<128x64xf32, #tpu.memory_space<hbm>>
        %dma_wait3A_41 = arith.constant 0 : i32
        %dma_wait3A_42 = tpu.memref_slice %arg2[%add3A_35, %dma_wait3A_41] : memref<327680x64xf32, #tpu.memory_space<hbm>> -> memref<128x64xf32, #tpu.memory_space<hbm>>
        tpu.wait_dma2 semaphore(%run_scoped3A_36 : memref<!tpu.dma_semaphore, #tpu.memory_space<semaphore_mem>>) src(%dma_wait3A_42 : memref<128x64xf32, #tpu.memory_space<hbm>>) dst(%arg11 : memref<128x64xf32, #tpu.memory_space<vmem>>)
        tpu.yield
      }) : () -> ()
      "tpu.region"() ({
        %run_scoped3A_36 = tpu.sem_alloc : memref<!tpu.dma_semaphore, #tpu.memory_space<semaphore_mem>>
        %dma_start3A = arith.constant 0 : i32
        %dma_start3A_37 = tpu.memref_slice %arg9[%scan3A_32, %dma_start3A] : memref<80x128xi32, #tpu.memory_space<vmem>> -> memref<1x128xi32, #tpu.memory_space<vmem>>
        %dma_start3A_38 = tpu.memref_squeeze %dma_start3A_37 : memref<1x128xi32, #tpu.memory_space<vmem>> -> memref<128xi32, #tpu.memory_space<vmem>>
        %dma_start3A_39 = arith.constant 0 : i32
        %dma_start3A_40 = arith.constant 0 : i32
        %dma_start3A_41 = tpu.memref_slice %arg7[%dma_start3A_39, %dma_start3A_40] : memref<10000x64xf32, #tpu.memory_space<vmem_shared>> -> memref<10000x64xf32, #tpu.memory_space<vmem_shared>>
        tpu.enqueue_indirect_dma source(%arg11 : memref<128x64xf32, #tpu.memory_space<vmem>>) target(%dma_start3A_41 : memref<10000x64xf32, #tpu.memory_space<vmem_shared>>) offsets(%dma_start3A_38 : memref<128xi32, #tpu.memory_space<vmem>>) semaphore(%run_scoped3A_36 : memref<!tpu.dma_semaphore, #tpu.memory_space<semaphore_mem>>) {add = true}
        %dma_wait3A = arith.constant 0 : i32
        %dma_wait3A_42 = tpu.memref_slice %arg9[%scan3A_32, %dma_wait3A] : memref<80x128xi32, #tpu.memory_space<vmem>> -> memref<1x128xi32, #tpu.memory_space<vmem>>
        %dma_wait3A_43 = tpu.memref_squeeze %dma_wait3A_42 : memref<1x128xi32, #tpu.memory_space<vmem>> -> memref<128xi32, #tpu.memory_space<vmem>>
        %dma_wait3A_44 = arith.constant 0 : i32
        %dma_wait3A_45 = arith.constant 0 : i32
        %dma_wait3A_46 = tpu.memref_slice %arg7[%dma_wait3A_44, %dma_wait3A_45] : memref<10000x64xf32, #tpu.memory_space<vmem_shared>> -> memref<10000x64xf32, #tpu.memory_space<vmem_shared>>
        tpu.wait_indirect_dma semaphore(%run_scoped3A_36 : memref<!tpu.dma_semaphore, #tpu.memory_space<semaphore_mem>>) src(%arg11 : memref<128x64xf32, #tpu.memory_space<vmem>>) dst(%dma_wait3A_46 : memref<10000x64xf32, #tpu.memory_space<vmem_shared>>)
        tpu.yield
      }) : () -> ()
      "tpu.region"() ({
        %run_scoped3A_36 = tpu.sem_alloc : memref<!tpu.dma_semaphore, #tpu.memory_space<semaphore_mem>>
        %dma_start3A = arith.constant 0 : i32
        %dma_start3A_37 = tpu.memref_slice %arg10[%scan3A_32, %dma_start3A] : memref<80x128xi32, #tpu.memory_space<vmem>> -> memref<1x128xi32, #tpu.memory_space<vmem>>
        %dma_start3A_38 = tpu.memref_squeeze %dma_start3A_37 : memref<1x128xi32, #tpu.memory_space<vmem>> -> memref<128xi32, #tpu.memory_space<vmem>>
        %dma_start3A_39 = arith.constant 0 : i32
        %dma_start3A_40 = arith.constant 0 : i32
        %dma_start3A_41 = tpu.memref_slice %arg8[%dma_start3A_39, %dma_start3A_40] : memref<10000x64xf32, #tpu.memory_space<vmem_shared>> -> memref<10000x64xf32, #tpu.memory_space<vmem_shared>>
        tpu.enqueue_indirect_dma source(%arg11 : memref<128x64xf32, #tpu.memory_space<vmem>>) target(%dma_start3A_41 : memref<10000x64xf32, #tpu.memory_space<vmem_shared>>) offsets(%dma_start3A_38 : memref<128xi32, #tpu.memory_space<vmem>>) semaphore(%run_scoped3A_36 : memref<!tpu.dma_semaphore, #tpu.memory_space<semaphore_mem>>) {add = true}
        %dma_wait3A = arith.constant 0 : i32
        %dma_wait3A_42 = tpu.memref_slice %arg10[%scan3A_32, %dma_wait3A] : memref<80x128xi32, #tpu.memory_space<vmem>> -> memref<1x128xi32, #tpu.memory_space<vmem>>
        %dma_wait3A_43 = tpu.memref_squeeze %dma_wait3A_42 : memref<1x128xi32, #tpu.memory_space<vmem>> -> memref<128xi32, #tpu.memory_space<vmem>>
        %dma_wait3A_44 = arith.constant 0 : i32
        %dma_wait3A_45 = arith.constant 0 : i32
        %dma_wait3A_46 = tpu.memref_slice %arg8[%dma_wait3A_44, %dma_wait3A_45] : memref<10000x64xf32, #tpu.memory_space<vmem_shared>> -> memref<10000x64xf32, #tpu.memory_space<vmem_shared>>
        tpu.wait_indirect_dma semaphore(%run_scoped3A_36 : memref<!tpu.dma_semaphore, #tpu.memory_space<semaphore_mem>>) src(%arg11 : memref<128x64xf32, #tpu.memory_space<vmem>>) dst(%dma_wait3A_46 : memref<10000x64xf32, #tpu.memory_space<vmem_shared>>)
        tpu.yield
      }) : () -> ()
    }
    %scan3A_21 = arith.constant 80 : i32
    %barrier3A_22 = arith.constant 0 : index
    tpu.barrier barrier_id(%barrier3A_22)
    %mul3A_23 = arith.constant 625 : i32
    %mul3A_24 = arith.muli %arg1, %mul3A_23 : i32
    %mul3A_25 = arith.constant 625 : i32
    %mul3A_26 = arith.muli %arg1, %mul3A_25 : i32
    %run_scoped3A = arith.constant 0 : i32
    "tpu.region"() ({
      %run_scoped3A_32 = tpu.sem_alloc : memref<!tpu.dma_semaphore, #tpu.memory_space<semaphore_mem>>
      %dma_start3A = arith.constant 0 : i32
      %dma_start3A_33 = tpu.memref_slice %arg6[%run_scoped3A, %arg0, %mul3A_26, %dma_start3A] : memref<2x2x10000x64xf32, #tpu.memory_space<hbm>> -> memref<1x1x625x64xf32, #tpu.memory_space<hbm>>
      %dma_start3A_34 = tpu.memref_squeeze %dma_start3A_33 : memref<1x1x625x64xf32, #tpu.memory_space<hbm>> -> memref<625x64xf32, #tpu.memory_space<hbm>>
      %dma_start3A_35 = arith.constant 0 : i32
      %dma_start3A_36 = tpu.memref_slice %arg7[%mul3A_24, %dma_start3A_35] : memref<10000x64xf32, #tpu.memory_space<vmem_shared>> -> memref<625x64xf32, #tpu.memory_space<vmem_shared>>
      tpu.enqueue_dma source(%dma_start3A_36 : memref<625x64xf32, #tpu.memory_space<vmem_shared>>) target(%dma_start3A_34 : memref<625x64xf32, #tpu.memory_space<hbm>>) target_semaphore(%run_scoped3A_32 : memref<!tpu.dma_semaphore, #tpu.memory_space<semaphore_mem>>)
      %dma_wait3A = arith.constant 0 : i32
      %dma_wait3A_37 = tpu.memref_slice %arg6[%run_scoped3A, %arg0, %mul3A_26, %dma_wait3A] : memref<2x2x10000x64xf32, #tpu.memory_space<hbm>> -> memref<1x1x625x64xf32, #tpu.memory_space<hbm>>
      %dma_wait3A_38 = tpu.memref_squeeze %dma_wait3A_37 : memref<1x1x625x64xf32, #tpu.memory_space<hbm>> -> memref<625x64xf32, #tpu.memory_space<hbm>>
      %dma_wait3A_39 = arith.constant 0 : i32
      %dma_wait3A_40 = tpu.memref_slice %arg7[%mul3A_24, %dma_wait3A_39] : memref<10000x64xf32, #tpu.memory_space<vmem_shared>> -> memref<625x64xf32, #tpu.memory_space<vmem_shared>>
      tpu.wait_dma2 semaphore(%run_scoped3A_32 : memref<!tpu.dma_semaphore, #tpu.memory_space<semaphore_mem>>) src(%dma_wait3A_40 : memref<625x64xf32, #tpu.memory_space<vmem_shared>>) dst(%dma_wait3A_38 : memref<625x64xf32, #tpu.memory_space<hbm>>)
      tpu.yield
    }) : () -> ()
    %mul3A_27 = arith.constant 625 : i32
    %mul3A_28 = arith.muli %arg1, %mul3A_27 : i32
    %mul3A_29 = arith.constant 625 : i32
    %mul3A_30 = arith.muli %arg1, %mul3A_29 : i32
    %run_scoped3A_31 = arith.constant 1 : i32
    "tpu.region"() ({
      %run_scoped3A_32 = tpu.sem_alloc : memref<!tpu.dma_semaphore, #tpu.memory_space<semaphore_mem>>
      %dma_start3A = arith.constant 0 : i32
      %dma_start3A_33 = tpu.memref_slice %arg6[%run_scoped3A_31, %arg0, %mul3A_30, %dma_start3A] : memref<2x2x10000x64xf32, #tpu.memory_space<hbm>> -> memref<1x1x625x64xf32, #tpu.memory_space<hbm>>
      %dma_start3A_34 = tpu.memref_squeeze %dma_start3A_33 : memref<1x1x625x64xf32, #tpu.memory_space<hbm>> -> memref<625x64xf32, #tpu.memory_space<hbm>>
      %dma_start3A_35 = arith.constant 0 : i32
      %dma_start3A_36 = tpu.memref_slice %arg8[%mul3A_28, %dma_start3A_35] : memref<10000x64xf32, #tpu.memory_space<vmem_shared>> -> memref<625x64xf32, #tpu.memory_space<vmem_shared>>
      tpu.enqueue_dma source(%dma_start3A_36 : memref<625x64xf32, #tpu.memory_space<vmem_shared>>) target(%dma_start3A_34 : memref<625x64xf32, #tpu.memory_space<hbm>>) target_semaphore(%run_scoped3A_32 : memref<!tpu.dma_semaphore, #tpu.memory_space<semaphore_mem>>)
      %dma_wait3A = arith.constant 0 : i32
      %dma_wait3A_37 = tpu.memref_slice %arg6[%run_scoped3A_31, %arg0, %mul3A_30, %dma_wait3A] : memref<2x2x10000x64xf32, #tpu.memory_space<hbm>> -> memref<1x1x625x64xf32, #tpu.memory_space<hbm>>
      %dma_wait3A_38 = tpu.memref_squeeze %dma_wait3A_37 : memref<1x1x625x64xf32, #tpu.memory_space<hbm>> -> memref<625x64xf32, #tpu.memory_space<hbm>>
      %dma_wait3A_39 = arith.constant 0 : i32
      %dma_wait3A_40 = tpu.memref_slice %arg8[%mul3A_28, %dma_wait3A_39] : memref<10000x64xf32, #tpu.memory_space<vmem_shared>> -> memref<625x64xf32, #tpu.memory_space<vmem_shared>>
      tpu.wait_dma2 semaphore(%run_scoped3A_32 : memref<!tpu.dma_semaphore, #tpu.memory_space<semaphore_mem>>) src(%dma_wait3A_40 : memref<625x64xf32, #tpu.memory_space<vmem_shared>>) dst(%dma_wait3A_38 : memref<625x64xf32, #tpu.memory_space<hbm>>)
      tpu.yield
    }) : () -> ()
    return
  }
}

#map = affine_map<(d0, d1) -> (0, 0)>
module attributes {stable_mosaic.version = 14 : i64} {
  func.func @body(%arg0: i32, %arg1: i32, %arg2: memref<10000x80xf32, #tpu.memory_space<hbm>>, %arg3: memref<2560x128xi32, #tpu.memory_space<hbm>>, %arg4: memref<2560x128xi32, #tpu.memory_space<hbm>>, %arg5: memref<327680x80xf32, #tpu.memory_space<hbm>>, %arg6: memref<327680x80xf32, #tpu.memory_space<hbm>>, %arg7: memref<10000x80xf32, #tpu.memory_space<vmem_shared>>, %arg8: memref<80x128xi32, #tpu.memory_space<vmem>>, %arg9: memref<80x128xi32, #tpu.memory_space<vmem>>, %arg10: memref<256x80xf32, #tpu.memory_space<vmem>>, %arg11: memref<256x80xf32, #tpu.memory_space<vmem>>, %arg12: memref<!tpu.dma_semaphore, #tpu.memory_space<semaphore_mem>>, %arg13: memref<!tpu.dma_semaphore, #tpu.memory_space<semaphore_mem>>) attributes {dimension_semantics = [#tpu.dimension_semantics<core_parallel>, #tpu.dimension_semantics<subcore_parallel>], iteration_bounds = array<i64: 2, 16>, scalar_prefetch = 0 : i64, scratch_operands = 7 : i64, tpu.core_type = #tpu.core_type<sc_vector_subcore>, window_params = [{transform_indices = #map}, {transform_indices = #map}, {transform_indices = #map}, {transform_indices = #map}, {transform_indices = #map}]} {
    %mul3A = arith.constant 2 : i32
    %mul3A_0 = arith.muli %arg1, %mul3A : i32
    %add3A = arith.addi %mul3A_0, %arg0 : i32
    %mul3A_1 = arith.constant 625 : i32
    %mul3A_2 = arith.muli %arg1, %mul3A_1 : i32
    %mul3A_3 = arith.constant 625 : i32
    %mul3A_4 = arith.muli %arg1, %mul3A_3 : i32
    "tpu.region"() ({
      %run_scoped3A = tpu.sem_alloc : memref<!tpu.dma_semaphore, #tpu.memory_space<semaphore_mem>>
      %dma_start3A_63 = arith.constant 0 : i32
      %dma_start3A_64 = tpu.memref_slice %arg7[%mul3A_4, %dma_start3A_63] : memref<10000x80xf32, #tpu.memory_space<vmem_shared>> -> memref<625x80xf32, #tpu.memory_space<vmem_shared>>
      %dma_start3A_65 = arith.constant 0 : i32
      %dma_start3A_66 = tpu.memref_slice %arg2[%mul3A_2, %dma_start3A_65] : memref<10000x80xf32, #tpu.memory_space<hbm>> -> memref<625x80xf32, #tpu.memory_space<hbm>>
      tpu.enqueue_dma source(%dma_start3A_66 : memref<625x80xf32, #tpu.memory_space<hbm>>) target(%dma_start3A_64 : memref<625x80xf32, #tpu.memory_space<vmem_shared>>) target_semaphore(%run_scoped3A : memref<!tpu.dma_semaphore, #tpu.memory_space<semaphore_mem>>)
      %dma_wait3A = arith.constant 0 : i32
      %dma_wait3A_67 = tpu.memref_slice %arg7[%mul3A_4, %dma_wait3A] : memref<10000x80xf32, #tpu.memory_space<vmem_shared>> -> memref<625x80xf32, #tpu.memory_space<vmem_shared>>
      %dma_wait3A_68 = arith.constant 0 : i32
      %dma_wait3A_69 = tpu.memref_slice %arg2[%mul3A_2, %dma_wait3A_68] : memref<10000x80xf32, #tpu.memory_space<hbm>> -> memref<625x80xf32, #tpu.memory_space<hbm>>
      tpu.wait_dma2 semaphore(%run_scoped3A : memref<!tpu.dma_semaphore, #tpu.memory_space<semaphore_mem>>) src(%dma_wait3A_69 : memref<625x80xf32, #tpu.memory_space<hbm>>) dst(%dma_wait3A_67 : memref<625x80xf32, #tpu.memory_space<vmem_shared>>)
      tpu.yield
    }) : () -> ()
    %mul3A_5 = arith.constant 80 : i32
    %mul3A_6 = arith.muli %add3A, %mul3A_5 : i32
    "tpu.region"() ({
      %run_scoped3A = tpu.sem_alloc : memref<!tpu.dma_semaphore, #tpu.memory_space<semaphore_mem>>
      %dma_start3A_63 = arith.constant 0 : i32
      %dma_start3A_64 = tpu.memref_slice %arg3[%mul3A_6, %dma_start3A_63] : memref<2560x128xi32, #tpu.memory_space<hbm>> -> memref<80x128xi32, #tpu.memory_space<hbm>>
      %dma_start3A_65 = arith.constant 0 : i32
      %dma_start3A_66 = tpu.memref_slice %arg3[%mul3A_6, %dma_start3A_65] : memref<2560x128xi32, #tpu.memory_space<hbm>> -> memref<80x128xi32, #tpu.memory_space<hbm>>
      tpu.enqueue_dma source(%dma_start3A_66 : memref<80x128xi32, #tpu.memory_space<hbm>>) target(%arg8 : memref<80x128xi32, #tpu.memory_space<vmem>>) target_semaphore(%run_scoped3A : memref<!tpu.dma_semaphore, #tpu.memory_space<semaphore_mem>>)
      %dma_wait3A = arith.constant 0 : i32
      %dma_wait3A_67 = tpu.memref_slice %arg3[%mul3A_6, %dma_wait3A] : memref<2560x128xi32, #tpu.memory_space<hbm>> -> memref<80x128xi32, #tpu.memory_space<hbm>>
      %dma_wait3A_68 = arith.constant 0 : i32
      %dma_wait3A_69 = tpu.memref_slice %arg3[%mul3A_6, %dma_wait3A_68] : memref<2560x128xi32, #tpu.memory_space<hbm>> -> memref<80x128xi32, #tpu.memory_space<hbm>>
      tpu.wait_dma2 semaphore(%run_scoped3A : memref<!tpu.dma_semaphore, #tpu.memory_space<semaphore_mem>>) src(%dma_wait3A_69 : memref<80x128xi32, #tpu.memory_space<hbm>>) dst(%arg8 : memref<80x128xi32, #tpu.memory_space<vmem>>)
      tpu.yield
    }) : () -> ()
    %mul3A_7 = arith.constant 80 : i32
    %mul3A_8 = arith.muli %add3A, %mul3A_7 : i32
    "tpu.region"() ({
      %run_scoped3A = tpu.sem_alloc : memref<!tpu.dma_semaphore, #tpu.memory_space<semaphore_mem>>
      %dma_start3A_63 = arith.constant 0 : i32
      %dma_start3A_64 = tpu.memref_slice %arg4[%mul3A_8, %dma_start3A_63] : memref<2560x128xi32, #tpu.memory_space<hbm>> -> memref<80x128xi32, #tpu.memory_space<hbm>>
      %dma_start3A_65 = arith.constant 0 : i32
      %dma_start3A_66 = tpu.memref_slice %arg4[%mul3A_8, %dma_start3A_65] : memref<2560x128xi32, #tpu.memory_space<hbm>> -> memref<80x128xi32, #tpu.memory_space<hbm>>
      tpu.enqueue_dma source(%dma_start3A_66 : memref<80x128xi32, #tpu.memory_space<hbm>>) target(%arg9 : memref<80x128xi32, #tpu.memory_space<vmem>>) target_semaphore(%run_scoped3A : memref<!tpu.dma_semaphore, #tpu.memory_space<semaphore_mem>>)
      %dma_wait3A = arith.constant 0 : i32
      %dma_wait3A_67 = tpu.memref_slice %arg4[%mul3A_8, %dma_wait3A] : memref<2560x128xi32, #tpu.memory_space<hbm>> -> memref<80x128xi32, #tpu.memory_space<hbm>>
      %dma_wait3A_68 = arith.constant 0 : i32
      %dma_wait3A_69 = tpu.memref_slice %arg4[%mul3A_8, %dma_wait3A_68] : memref<2560x128xi32, #tpu.memory_space<hbm>> -> memref<80x128xi32, #tpu.memory_space<hbm>>
      tpu.wait_dma2 semaphore(%run_scoped3A : memref<!tpu.dma_semaphore, #tpu.memory_space<semaphore_mem>>) src(%dma_wait3A_69 : memref<80x128xi32, #tpu.memory_space<hbm>>) dst(%arg9 : memref<80x128xi32, #tpu.memory_space<vmem>>)
      tpu.yield
    }) : () -> ()
    %barrier3A = arith.constant 0 : index
    tpu.barrier barrier_id(%barrier3A)
    %mul3A_9 = arith.constant 80 : i32
    %mul3A_10 = arith.muli %add3A, %mul3A_9 : i32
    %mul3A_11 = arith.constant 128 : i32
    %mul3A_12 = arith.muli %mul3A_10, %mul3A_11 : i32
    %dma_start3A = arith.constant 0 : i32
    %dma_start3A_13 = arith.constant 0 : i32
    %dma_start3A_14 = arith.constant 0 : i32
    %dma_start3A_15 = tpu.memref_slice %arg10[%dma_start3A_13, %dma_start3A_14] : memref<256x80xf32, #tpu.memory_space<vmem>> -> memref<128x80xf32, #tpu.memory_space<vmem>>
    %dma_start3A_16 = arith.constant 0 : i32
    %dma_start3A_17 = tpu.memref_slice %arg8[%dma_start3A, %dma_start3A_16] : memref<80x128xi32, #tpu.memory_space<vmem>> -> memref<1x128xi32, #tpu.memory_space<vmem>>
    %dma_start3A_18 = tpu.memref_squeeze %dma_start3A_17 : memref<1x128xi32, #tpu.memory_space<vmem>> -> memref<128xi32, #tpu.memory_space<vmem>>
    %dma_start3A_19 = arith.constant 0 : i32
    %dma_start3A_20 = arith.constant 0 : i32
    %dma_start3A_21 = tpu.memref_slice %arg7[%dma_start3A_19, %dma_start3A_20] : memref<10000x80xf32, #tpu.memory_space<vmem_shared>> -> memref<10000x80xf32, #tpu.memory_space<vmem_shared>>
    tpu.enqueue_indirect_dma source(%dma_start3A_21 : memref<10000x80xf32, #tpu.memory_space<vmem_shared>>) target(%dma_start3A_15 : memref<128x80xf32, #tpu.memory_space<vmem>>) offsets(%dma_start3A_18 : memref<128xi32, #tpu.memory_space<vmem>>) semaphore(%arg12 : memref<!tpu.dma_semaphore, #tpu.memory_space<semaphore_mem>>)
    %dma_start3A_22 = arith.constant 1 : i32
    %dma_start3A_23 = arith.constant 128 : i32
    %dma_start3A_24 = arith.constant 0 : i32
    %dma_start3A_25 = tpu.memref_slice %arg10[%dma_start3A_23, %dma_start3A_24] : memref<256x80xf32, #tpu.memory_space<vmem>> -> memref<128x80xf32, #tpu.memory_space<vmem>>
    %dma_start3A_26 = arith.constant 0 : i32
    %dma_start3A_27 = tpu.memref_slice %arg8[%dma_start3A_22, %dma_start3A_26] : memref<80x128xi32, #tpu.memory_space<vmem>> -> memref<1x128xi32, #tpu.memory_space<vmem>>
    %dma_start3A_28 = tpu.memref_squeeze %dma_start3A_27 : memref<1x128xi32, #tpu.memory_space<vmem>> -> memref<128xi32, #tpu.memory_space<vmem>>
    %dma_start3A_29 = arith.constant 0 : i32
    %dma_start3A_30 = arith.constant 0 : i32
    %dma_start3A_31 = tpu.memref_slice %arg7[%dma_start3A_29, %dma_start3A_30] : memref<10000x80xf32, #tpu.memory_space<vmem_shared>> -> memref<10000x80xf32, #tpu.memory_space<vmem_shared>>
    tpu.enqueue_indirect_dma source(%dma_start3A_31 : memref<10000x80xf32, #tpu.memory_space<vmem_shared>>) target(%dma_start3A_25 : memref<128x80xf32, #tpu.memory_space<vmem>>) offsets(%dma_start3A_28 : memref<128xi32, #tpu.memory_space<vmem>>) semaphore(%arg12 : memref<!tpu.dma_semaphore, #tpu.memory_space<semaphore_mem>>)
    %scan3A = arith.constant 0 : i32
    %scan3A_32 = arith.constant 0 : i32
    %scan3A_33 = arith.constant 20 : i32
    %scan3A_34 = arith.addi %scan3A_32, %scan3A_33 : i32
    %scan3A_35 = arith.constant 1 : i32
    scf.for %scan3A_63 = %scan3A_32 to %scan3A_34 step %scan3A_35  : i32 {
      %mul3A_64 = arith.constant 4 : i32
      %mul3A_65 = arith.muli %scan3A_63, %mul3A_64 : i32
      %add3A_66 = arith.constant 2 : i32
      %add3A_67 = arith.addi %mul3A_65, %add3A_66 : i32
      %add3A_68 = arith.constant 0 : i32
      %add3A_69 = arith.addi %add3A_67, %add3A_68 : i32
      %dma_start3A_70 = arith.constant 0 : i32
      %dma_start3A_71 = arith.constant 0 : i32
      %dma_start3A_72 = tpu.memref_slice %arg11[%dma_start3A_70, %dma_start3A_71] : memref<256x80xf32, #tpu.memory_space<vmem>> -> memref<128x80xf32, #tpu.memory_space<vmem>>
      %dma_start3A_73 = arith.constant 0 : i32
      %dma_start3A_74 = tpu.memref_slice %arg8[%add3A_69, %dma_start3A_73] : memref<80x128xi32, #tpu.memory_space<vmem>> -> memref<1x128xi32, #tpu.memory_space<vmem>>
      %dma_start3A_75 = tpu.memref_squeeze %dma_start3A_74 : memref<1x128xi32, #tpu.memory_space<vmem>> -> memref<128xi32, #tpu.memory_space<vmem>>
      %dma_start3A_76 = arith.constant 0 : i32
      %dma_start3A_77 = arith.constant 0 : i32
      %dma_start3A_78 = tpu.memref_slice %arg7[%dma_start3A_76, %dma_start3A_77] : memref<10000x80xf32, #tpu.memory_space<vmem_shared>> -> memref<10000x80xf32, #tpu.memory_space<vmem_shared>>
      tpu.enqueue_indirect_dma source(%dma_start3A_78 : memref<10000x80xf32, #tpu.memory_space<vmem_shared>>) target(%dma_start3A_72 : memref<128x80xf32, #tpu.memory_space<vmem>>) offsets(%dma_start3A_75 : memref<128xi32, #tpu.memory_space<vmem>>) semaphore(%arg13 : memref<!tpu.dma_semaphore, #tpu.memory_space<semaphore_mem>>)
      %add3A_79 = arith.constant 1 : i32
      %add3A_80 = arith.addi %add3A_67, %add3A_79 : i32
      %dma_start3A_81 = arith.constant 128 : i32
      %dma_start3A_82 = arith.constant 0 : i32
      %dma_start3A_83 = tpu.memref_slice %arg11[%dma_start3A_81, %dma_start3A_82] : memref<256x80xf32, #tpu.memory_space<vmem>> -> memref<128x80xf32, #tpu.memory_space<vmem>>
      %dma_start3A_84 = arith.constant 0 : i32
      %dma_start3A_85 = tpu.memref_slice %arg8[%add3A_80, %dma_start3A_84] : memref<80x128xi32, #tpu.memory_space<vmem>> -> memref<1x128xi32, #tpu.memory_space<vmem>>
      %dma_start3A_86 = tpu.memref_squeeze %dma_start3A_85 : memref<1x128xi32, #tpu.memory_space<vmem>> -> memref<128xi32, #tpu.memory_space<vmem>>
      %dma_start3A_87 = arith.constant 0 : i32
      %dma_start3A_88 = arith.constant 0 : i32
      %dma_start3A_89 = tpu.memref_slice %arg7[%dma_start3A_87, %dma_start3A_88] : memref<10000x80xf32, #tpu.memory_space<vmem_shared>> -> memref<10000x80xf32, #tpu.memory_space<vmem_shared>>
      tpu.enqueue_indirect_dma source(%dma_start3A_89 : memref<10000x80xf32, #tpu.memory_space<vmem_shared>>) target(%dma_start3A_83 : memref<128x80xf32, #tpu.memory_space<vmem>>) offsets(%dma_start3A_86 : memref<128xi32, #tpu.memory_space<vmem>>) semaphore(%arg13 : memref<!tpu.dma_semaphore, #tpu.memory_space<semaphore_mem>>)
      %dma_wait3A = arith.constant 0 : i32
      %dma_wait3A_90 = arith.constant 0 : i32
      %dma_wait3A_91 = arith.constant 0 : i32
      %dma_wait3A_92 = tpu.memref_slice %arg10[%dma_wait3A_90, %dma_wait3A_91] : memref<256x80xf32, #tpu.memory_space<vmem>> -> memref<128x80xf32, #tpu.memory_space<vmem>>
      %dma_wait3A_93 = arith.constant 0 : i32
      %dma_wait3A_94 = tpu.memref_slice %arg8[%dma_wait3A, %dma_wait3A_93] : memref<80x128xi32, #tpu.memory_space<vmem>> -> memref<1x128xi32, #tpu.memory_space<vmem>>
      %dma_wait3A_95 = tpu.memref_squeeze %dma_wait3A_94 : memref<1x128xi32, #tpu.memory_space<vmem>> -> memref<128xi32, #tpu.memory_space<vmem>>
      %dma_wait3A_96 = arith.constant 0 : i32
      %dma_wait3A_97 = arith.constant 0 : i32
      %dma_wait3A_98 = tpu.memref_slice %arg7[%dma_wait3A_96, %dma_wait3A_97] : memref<10000x80xf32, #tpu.memory_space<vmem_shared>> -> memref<10000x80xf32, #tpu.memory_space<vmem_shared>>
      tpu.wait_indirect_dma semaphore(%arg12 : memref<!tpu.dma_semaphore, #tpu.memory_space<semaphore_mem>>) src(%dma_wait3A_98 : memref<10000x80xf32, #tpu.memory_space<vmem_shared>>) dst(%dma_wait3A_92 : memref<128x80xf32, #tpu.memory_space<vmem>>)
      %dma_wait3A_99 = arith.constant 0 : i32
      %dma_wait3A_100 = arith.constant 128 : i32
      %dma_wait3A_101 = arith.constant 0 : i32
      %dma_wait3A_102 = tpu.memref_slice %arg10[%dma_wait3A_100, %dma_wait3A_101] : memref<256x80xf32, #tpu.memory_space<vmem>> -> memref<128x80xf32, #tpu.memory_space<vmem>>
      %dma_wait3A_103 = arith.constant 0 : i32
      %dma_wait3A_104 = tpu.memref_slice %arg8[%dma_wait3A_99, %dma_wait3A_103] : memref<80x128xi32, #tpu.memory_space<vmem>> -> memref<1x128xi32, #tpu.memory_space<vmem>>
      %dma_wait3A_105 = tpu.memref_squeeze %dma_wait3A_104 : memref<1x128xi32, #tpu.memory_space<vmem>> -> memref<128xi32, #tpu.memory_space<vmem>>
      %dma_wait3A_106 = arith.constant 0 : i32
      %dma_wait3A_107 = arith.constant 0 : i32
      %dma_wait3A_108 = tpu.memref_slice %arg7[%dma_wait3A_106, %dma_wait3A_107] : memref<10000x80xf32, #tpu.memory_space<vmem_shared>> -> memref<10000x80xf32, #tpu.memory_space<vmem_shared>>
      tpu.wait_indirect_dma semaphore(%arg12 : memref<!tpu.dma_semaphore, #tpu.memory_space<semaphore_mem>>) src(%dma_wait3A_108 : memref<10000x80xf32, #tpu.memory_space<vmem_shared>>) dst(%dma_wait3A_102 : memref<128x80xf32, #tpu.memory_space<vmem>>)
      %mul3A_109 = arith.constant 128 : i32
      %mul3A_110 = arith.muli %mul3A_65, %mul3A_109 : i32
      %add3A_111 = arith.addi %mul3A_12, %mul3A_110 : i32
      "tpu.region"() ({
        %run_scoped3A = tpu.sem_alloc : memref<!tpu.dma_semaphore, #tpu.memory_space<semaphore_mem>>
        %dma_start3A_139 = arith.constant 0 : i32
        %dma_start3A_140 = tpu.memref_slice %arg5[%add3A_111, %dma_start3A_139] : memref<327680x80xf32, #tpu.memory_space<hbm>> -> memref<256x80xf32, #tpu.memory_space<hbm>>
        %dma_start3A_141 = arith.constant 0 : i32
        %dma_start3A_142 = tpu.memref_slice %arg5[%add3A_111, %dma_start3A_141] : memref<327680x80xf32, #tpu.memory_space<hbm>> -> memref<256x80xf32, #tpu.memory_space<hbm>>
        tpu.enqueue_dma source(%arg10 : memref<256x80xf32, #tpu.memory_space<vmem>>) target(%dma_start3A_142 : memref<256x80xf32, #tpu.memory_space<hbm>>) target_semaphore(%run_scoped3A : memref<!tpu.dma_semaphore, #tpu.memory_space<semaphore_mem>>)
        %dma_wait3A_143 = arith.constant 0 : i32
        %dma_wait3A_144 = tpu.memref_slice %arg5[%add3A_111, %dma_wait3A_143] : memref<327680x80xf32, #tpu.memory_space<hbm>> -> memref<256x80xf32, #tpu.memory_space<hbm>>
        %dma_wait3A_145 = arith.constant 0 : i32
        %dma_wait3A_146 = tpu.memref_slice %arg5[%add3A_111, %dma_wait3A_145] : memref<327680x80xf32, #tpu.memory_space<hbm>> -> memref<256x80xf32, #tpu.memory_space<hbm>>
        tpu.wait_dma2 semaphore(%run_scoped3A : memref<!tpu.dma_semaphore, #tpu.memory_space<semaphore_mem>>) src(%arg10 : memref<256x80xf32, #tpu.memory_space<vmem>>) dst(%dma_wait3A_146 : memref<256x80xf32, #tpu.memory_space<hbm>>)
        tpu.yield
      }) : () -> ()
      %lt3A = arith.constant 19 : i32
      %lt3A_112 = arith.cmpi slt, %scan3A_63, %lt3A : i32
      %convert_element_type3A = arith.extui %lt3A_112 : i1 to i32
      %cond3A = arith.constant 0 : i32
      %cond3A_113 = arith.cmpi ne, %convert_element_type3A, %cond3A : i32
      scf.if %cond3A_113 {
        %add3A_139 = arith.constant 4 : i32
        %add3A_140 = arith.addi %mul3A_65, %add3A_139 : i32
        %add3A_141 = arith.constant 0 : i32
        %add3A_142 = arith.addi %add3A_140, %add3A_141 : i32
        %dma_start3A_143 = arith.constant 0 : i32
        %dma_start3A_144 = arith.constant 0 : i32
        %dma_start3A_145 = tpu.memref_slice %arg10[%dma_start3A_143, %dma_start3A_144] : memref<256x80xf32, #tpu.memory_space<vmem>> -> memref<128x80xf32, #tpu.memory_space<vmem>>
        %dma_start3A_146 = arith.constant 0 : i32
        %dma_start3A_147 = tpu.memref_slice %arg8[%add3A_142, %dma_start3A_146] : memref<80x128xi32, #tpu.memory_space<vmem>> -> memref<1x128xi32, #tpu.memory_space<vmem>>
        %dma_start3A_148 = tpu.memref_squeeze %dma_start3A_147 : memref<1x128xi32, #tpu.memory_space<vmem>> -> memref<128xi32, #tpu.memory_space<vmem>>
        %dma_start3A_149 = arith.constant 0 : i32
        %dma_start3A_150 = arith.constant 0 : i32
        %dma_start3A_151 = tpu.memref_slice %arg7[%dma_start3A_149, %dma_start3A_150] : memref<10000x80xf32, #tpu.memory_space<vmem_shared>> -> memref<10000x80xf32, #tpu.memory_space<vmem_shared>>
        tpu.enqueue_indirect_dma source(%dma_start3A_151 : memref<10000x80xf32, #tpu.memory_space<vmem_shared>>) target(%dma_start3A_145 : memref<128x80xf32, #tpu.memory_space<vmem>>) offsets(%dma_start3A_148 : memref<128xi32, #tpu.memory_space<vmem>>) semaphore(%arg12 : memref<!tpu.dma_semaphore, #tpu.memory_space<semaphore_mem>>)
        %add3A_152 = arith.constant 1 : i32
        %add3A_153 = arith.addi %add3A_140, %add3A_152 : i32
        %dma_start3A_154 = arith.constant 128 : i32
        %dma_start3A_155 = arith.constant 0 : i32
        %dma_start3A_156 = tpu.memref_slice %arg10[%dma_start3A_154, %dma_start3A_155] : memref<256x80xf32, #tpu.memory_space<vmem>> -> memref<128x80xf32, #tpu.memory_space<vmem>>
        %dma_start3A_157 = arith.constant 0 : i32
        %dma_start3A_158 = tpu.memref_slice %arg8[%add3A_153, %dma_start3A_157] : memref<80x128xi32, #tpu.memory_space<vmem>> -> memref<1x128xi32, #tpu.memory_space<vmem>>
        %dma_start3A_159 = tpu.memref_squeeze %dma_start3A_158 : memref<1x128xi32, #tpu.memory_space<vmem>> -> memref<128xi32, #tpu.memory_space<vmem>>
        %dma_start3A_160 = arith.constant 0 : i32
        %dma_start3A_161 = arith.constant 0 : i32
        %dma_start3A_162 = tpu.memref_slice %arg7[%dma_start3A_160, %dma_start3A_161] : memref<10000x80xf32, #tpu.memory_space<vmem_shared>> -> memref<10000x80xf32, #tpu.memory_space<vmem_shared>>
        tpu.enqueue_indirect_dma source(%dma_start3A_162 : memref<10000x80xf32, #tpu.memory_space<vmem_shared>>) target(%dma_start3A_156 : memref<128x80xf32, #tpu.memory_space<vmem>>) offsets(%dma_start3A_159 : memref<128xi32, #tpu.memory_space<vmem>>) semaphore(%arg12 : memref<!tpu.dma_semaphore, #tpu.memory_space<semaphore_mem>>)
      } else {
      }
      %add3A_114 = arith.constant 2 : i32
      %add3A_115 = arith.addi %mul3A_65, %add3A_114 : i32
      %dma_wait3A_116 = arith.constant 0 : i32
      %dma_wait3A_117 = arith.constant 0 : i32
      %dma_wait3A_118 = arith.constant 0 : i32
      %dma_wait3A_119 = tpu.memref_slice %arg11[%dma_wait3A_117, %dma_wait3A_118] : memref<256x80xf32, #tpu.memory_space<vmem>> -> memref<128x80xf32, #tpu.memory_space<vmem>>
      %dma_wait3A_120 = arith.constant 0 : i32
      %dma_wait3A_121 = tpu.memref_slice %arg8[%dma_wait3A_116, %dma_wait3A_120] : memref<80x128xi32, #tpu.memory_space<vmem>> -> memref<1x128xi32, #tpu.memory_space<vmem>>
      %dma_wait3A_122 = tpu.memref_squeeze %dma_wait3A_121 : memref<1x128xi32, #tpu.memory_space<vmem>> -> memref<128xi32, #tpu.memory_space<vmem>>
      %dma_wait3A_123 = arith.constant 0 : i32
      %dma_wait3A_124 = arith.constant 0 : i32
      %dma_wait3A_125 = tpu.memref_slice %arg7[%dma_wait3A_123, %dma_wait3A_124] : memref<10000x80xf32, #tpu.memory_space<vmem_shared>> -> memref<10000x80xf32, #tpu.memory_space<vmem_shared>>
      tpu.wait_indirect_dma semaphore(%arg13 : memref<!tpu.dma_semaphore, #tpu.memory_space<semaphore_mem>>) src(%dma_wait3A_125 : memref<10000x80xf32, #tpu.memory_space<vmem_shared>>) dst(%dma_wait3A_119 : memref<128x80xf32, #tpu.memory_space<vmem>>)
      %dma_wait3A_126 = arith.constant 0 : i32
      %dma_wait3A_127 = arith.constant 128 : i32
      %dma_wait3A_128 = arith.constant 0 : i32
      %dma_wait3A_129 = tpu.memref_slice %arg11[%dma_wait3A_127, %dma_wait3A_128] : memref<256x80xf32, #tpu.memory_space<vmem>> -> memref<128x80xf32, #tpu.memory_space<vmem>>
      %dma_wait3A_130 = arith.constant 0 : i32
      %dma_wait3A_131 = tpu.memref_slice %arg8[%dma_wait3A_126, %dma_wait3A_130] : memref<80x128xi32, #tpu.memory_space<vmem>> -> memref<1x128xi32, #tpu.memory_space<vmem>>
      %dma_wait3A_132 = tpu.memref_squeeze %dma_wait3A_131 : memref<1x128xi32, #tpu.memory_space<vmem>> -> memref<128xi32, #tpu.memory_space<vmem>>
      %dma_wait3A_133 = arith.constant 0 : i32
      %dma_wait3A_134 = arith.constant 0 : i32
      %dma_wait3A_135 = tpu.memref_slice %arg7[%dma_wait3A_133, %dma_wait3A_134] : memref<10000x80xf32, #tpu.memory_space<vmem_shared>> -> memref<10000x80xf32, #tpu.memory_space<vmem_shared>>
      tpu.wait_indirect_dma semaphore(%arg13 : memref<!tpu.dma_semaphore, #tpu.memory_space<semaphore_mem>>) src(%dma_wait3A_135 : memref<10000x80xf32, #tpu.memory_space<vmem_shared>>) dst(%dma_wait3A_129 : memref<128x80xf32, #tpu.memory_space<vmem>>)
      %mul3A_136 = arith.constant 128 : i32
      %mul3A_137 = arith.muli %add3A_115, %mul3A_136 : i32
      %add3A_138 = arith.addi %mul3A_12, %mul3A_137 : i32
      "tpu.region"() ({
        %run_scoped3A = tpu.sem_alloc : memref<!tpu.dma_semaphore, #tpu.memory_space<semaphore_mem>>
        %dma_start3A_139 = arith.constant 0 : i32
        %dma_start3A_140 = tpu.memref_slice %arg5[%add3A_138, %dma_start3A_139] : memref<327680x80xf32, #tpu.memory_space<hbm>> -> memref<256x80xf32, #tpu.memory_space<hbm>>
        %dma_start3A_141 = arith.constant 0 : i32
        %dma_start3A_142 = tpu.memref_slice %arg5[%add3A_138, %dma_start3A_141] : memref<327680x80xf32, #tpu.memory_space<hbm>> -> memref<256x80xf32, #tpu.memory_space<hbm>>
        tpu.enqueue_dma source(%arg11 : memref<256x80xf32, #tpu.memory_space<vmem>>) target(%dma_start3A_142 : memref<256x80xf32, #tpu.memory_space<hbm>>) target_semaphore(%run_scoped3A : memref<!tpu.dma_semaphore, #tpu.memory_space<semaphore_mem>>)
        %dma_wait3A_143 = arith.constant 0 : i32
        %dma_wait3A_144 = tpu.memref_slice %arg5[%add3A_138, %dma_wait3A_143] : memref<327680x80xf32, #tpu.memory_space<hbm>> -> memref<256x80xf32, #tpu.memory_space<hbm>>
        %dma_wait3A_145 = arith.constant 0 : i32
        %dma_wait3A_146 = tpu.memref_slice %arg5[%add3A_138, %dma_wait3A_145] : memref<327680x80xf32, #tpu.memory_space<hbm>> -> memref<256x80xf32, #tpu.memory_space<hbm>>
        tpu.wait_dma2 semaphore(%run_scoped3A : memref<!tpu.dma_semaphore, #tpu.memory_space<semaphore_mem>>) src(%arg11 : memref<256x80xf32, #tpu.memory_space<vmem>>) dst(%dma_wait3A_146 : memref<256x80xf32, #tpu.memory_space<hbm>>)
        tpu.yield
      }) : () -> ()
    }
    %scan3A_36 = arith.constant 20 : i32
    %dma_start3A_37 = arith.constant 0 : i32
    %dma_start3A_38 = arith.constant 0 : i32
    %dma_start3A_39 = arith.constant 0 : i32
    %dma_start3A_40 = tpu.memref_slice %arg10[%dma_start3A_38, %dma_start3A_39] : memref<256x80xf32, #tpu.memory_space<vmem>> -> memref<128x80xf32, #tpu.memory_space<vmem>>
    %dma_start3A_41 = arith.constant 0 : i32
    %dma_start3A_42 = tpu.memref_slice %arg9[%dma_start3A_37, %dma_start3A_41] : memref<80x128xi32, #tpu.memory_space<vmem>> -> memref<1x128xi32, #tpu.memory_space<vmem>>
    %dma_start3A_43 = tpu.memref_squeeze %dma_start3A_42 : memref<1x128xi32, #tpu.memory_space<vmem>> -> memref<128xi32, #tpu.memory_space<vmem>>
    %dma_start3A_44 = arith.constant 0 : i32
    %dma_start3A_45 = arith.constant 0 : i32
    %dma_start3A_46 = tpu.memref_slice %arg7[%dma_start3A_44, %dma_start3A_45] : memref<10000x80xf32, #tpu.memory_space<vmem_shared>> -> memref<10000x80xf32, #tpu.memory_space<vmem_shared>>
    tpu.enqueue_indirect_dma source(%dma_start3A_46 : memref<10000x80xf32, #tpu.memory_space<vmem_shared>>) target(%dma_start3A_40 : memref<128x80xf32, #tpu.memory_space<vmem>>) offsets(%dma_start3A_43 : memref<128xi32, #tpu.memory_space<vmem>>) semaphore(%arg12 : memref<!tpu.dma_semaphore, #tpu.memory_space<semaphore_mem>>)
    %dma_start3A_47 = arith.constant 1 : i32
    %dma_start3A_48 = arith.constant 128 : i32
    %dma_start3A_49 = arith.constant 0 : i32
    %dma_start3A_50 = tpu.memref_slice %arg10[%dma_start3A_48, %dma_start3A_49] : memref<256x80xf32, #tpu.memory_space<vmem>> -> memref<128x80xf32, #tpu.memory_space<vmem>>
    %dma_start3A_51 = arith.constant 0 : i32
    %dma_start3A_52 = tpu.memref_slice %arg9[%dma_start3A_47, %dma_start3A_51] : memref<80x128xi32, #tpu.memory_space<vmem>> -> memref<1x128xi32, #tpu.memory_space<vmem>>
    %dma_start3A_53 = tpu.memref_squeeze %dma_start3A_52 : memref<1x128xi32, #tpu.memory_space<vmem>> -> memref<128xi32, #tpu.memory_space<vmem>>
    %dma_start3A_54 = arith.constant 0 : i32
    %dma_start3A_55 = arith.constant 0 : i32
    %dma_start3A_56 = tpu.memref_slice %arg7[%dma_start3A_54, %dma_start3A_55] : memref<10000x80xf32, #tpu.memory_space<vmem_shared>> -> memref<10000x80xf32, #tpu.memory_space<vmem_shared>>
    tpu.enqueue_indirect_dma source(%dma_start3A_56 : memref<10000x80xf32, #tpu.memory_space<vmem_shared>>) target(%dma_start3A_50 : memref<128x80xf32, #tpu.memory_space<vmem>>) offsets(%dma_start3A_53 : memref<128xi32, #tpu.memory_space<vmem>>) semaphore(%arg12 : memref<!tpu.dma_semaphore, #tpu.memory_space<semaphore_mem>>)
    %scan3A_57 = arith.constant 0 : i32
    %scan3A_58 = arith.constant 0 : i32
    %scan3A_59 = arith.constant 20 : i32
    %scan3A_60 = arith.addi %scan3A_58, %scan3A_59 : i32
    %scan3A_61 = arith.constant 1 : i32
    scf.for %scan3A_63 = %scan3A_58 to %scan3A_60 step %scan3A_61  : i32 {
      %mul3A_64 = arith.constant 4 : i32
      %mul3A_65 = arith.muli %scan3A_63, %mul3A_64 : i32
      %add3A_66 = arith.constant 2 : i32
      %add3A_67 = arith.addi %mul3A_65, %add3A_66 : i32
      %add3A_68 = arith.constant 0 : i32
      %add3A_69 = arith.addi %add3A_67, %add3A_68 : i32
      %dma_start3A_70 = arith.constant 0 : i32
      %dma_start3A_71 = arith.constant 0 : i32
      %dma_start3A_72 = tpu.memref_slice %arg11[%dma_start3A_70, %dma_start3A_71] : memref<256x80xf32, #tpu.memory_space<vmem>> -> memref<128x80xf32, #tpu.memory_space<vmem>>
      %dma_start3A_73 = arith.constant 0 : i32
      %dma_start3A_74 = tpu.memref_slice %arg9[%add3A_69, %dma_start3A_73] : memref<80x128xi32, #tpu.memory_space<vmem>> -> memref<1x128xi32, #tpu.memory_space<vmem>>
      %dma_start3A_75 = tpu.memref_squeeze %dma_start3A_74 : memref<1x128xi32, #tpu.memory_space<vmem>> -> memref<128xi32, #tpu.memory_space<vmem>>
      %dma_start3A_76 = arith.constant 0 : i32
      %dma_start3A_77 = arith.constant 0 : i32
      %dma_start3A_78 = tpu.memref_slice %arg7[%dma_start3A_76, %dma_start3A_77] : memref<10000x80xf32, #tpu.memory_space<vmem_shared>> -> memref<10000x80xf32, #tpu.memory_space<vmem_shared>>
      tpu.enqueue_indirect_dma source(%dma_start3A_78 : memref<10000x80xf32, #tpu.memory_space<vmem_shared>>) target(%dma_start3A_72 : memref<128x80xf32, #tpu.memory_space<vmem>>) offsets(%dma_start3A_75 : memref<128xi32, #tpu.memory_space<vmem>>) semaphore(%arg13 : memref<!tpu.dma_semaphore, #tpu.memory_space<semaphore_mem>>)
      %add3A_79 = arith.constant 1 : i32
      %add3A_80 = arith.addi %add3A_67, %add3A_79 : i32
      %dma_start3A_81 = arith.constant 128 : i32
      %dma_start3A_82 = arith.constant 0 : i32
      %dma_start3A_83 = tpu.memref_slice %arg11[%dma_start3A_81, %dma_start3A_82] : memref<256x80xf32, #tpu.memory_space<vmem>> -> memref<128x80xf32, #tpu.memory_space<vmem>>
      %dma_start3A_84 = arith.constant 0 : i32
      %dma_start3A_85 = tpu.memref_slice %arg9[%add3A_80, %dma_start3A_84] : memref<80x128xi32, #tpu.memory_space<vmem>> -> memref<1x128xi32, #tpu.memory_space<vmem>>
      %dma_start3A_86 = tpu.memref_squeeze %dma_start3A_85 : memref<1x128xi32, #tpu.memory_space<vmem>> -> memref<128xi32, #tpu.memory_space<vmem>>
      %dma_start3A_87 = arith.constant 0 : i32
      %dma_start3A_88 = arith.constant 0 : i32
      %dma_start3A_89 = tpu.memref_slice %arg7[%dma_start3A_87, %dma_start3A_88] : memref<10000x80xf32, #tpu.memory_space<vmem_shared>> -> memref<10000x80xf32, #tpu.memory_space<vmem_shared>>
      tpu.enqueue_indirect_dma source(%dma_start3A_89 : memref<10000x80xf32, #tpu.memory_space<vmem_shared>>) target(%dma_start3A_83 : memref<128x80xf32, #tpu.memory_space<vmem>>) offsets(%dma_start3A_86 : memref<128xi32, #tpu.memory_space<vmem>>) semaphore(%arg13 : memref<!tpu.dma_semaphore, #tpu.memory_space<semaphore_mem>>)
      %dma_wait3A = arith.constant 0 : i32
      %dma_wait3A_90 = arith.constant 0 : i32
      %dma_wait3A_91 = arith.constant 0 : i32
      %dma_wait3A_92 = tpu.memref_slice %arg10[%dma_wait3A_90, %dma_wait3A_91] : memref<256x80xf32, #tpu.memory_space<vmem>> -> memref<128x80xf32, #tpu.memory_space<vmem>>
      %dma_wait3A_93 = arith.constant 0 : i32
      %dma_wait3A_94 = tpu.memref_slice %arg9[%dma_wait3A, %dma_wait3A_93] : memref<80x128xi32, #tpu.memory_space<vmem>> -> memref<1x128xi32, #tpu.memory_space<vmem>>
      %dma_wait3A_95 = tpu.memref_squeeze %dma_wait3A_94 : memref<1x128xi32, #tpu.memory_space<vmem>> -> memref<128xi32, #tpu.memory_space<vmem>>
      %dma_wait3A_96 = arith.constant 0 : i32
      %dma_wait3A_97 = arith.constant 0 : i32
      %dma_wait3A_98 = tpu.memref_slice %arg7[%dma_wait3A_96, %dma_wait3A_97] : memref<10000x80xf32, #tpu.memory_space<vmem_shared>> -> memref<10000x80xf32, #tpu.memory_space<vmem_shared>>
      tpu.wait_indirect_dma semaphore(%arg12 : memref<!tpu.dma_semaphore, #tpu.memory_space<semaphore_mem>>) src(%dma_wait3A_98 : memref<10000x80xf32, #tpu.memory_space<vmem_shared>>) dst(%dma_wait3A_92 : memref<128x80xf32, #tpu.memory_space<vmem>>)
      %dma_wait3A_99 = arith.constant 0 : i32
      %dma_wait3A_100 = arith.constant 128 : i32
      %dma_wait3A_101 = arith.constant 0 : i32
      %dma_wait3A_102 = tpu.memref_slice %arg10[%dma_wait3A_100, %dma_wait3A_101] : memref<256x80xf32, #tpu.memory_space<vmem>> -> memref<128x80xf32, #tpu.memory_space<vmem>>
      %dma_wait3A_103 = arith.constant 0 : i32
      %dma_wait3A_104 = tpu.memref_slice %arg9[%dma_wait3A_99, %dma_wait3A_103] : memref<80x128xi32, #tpu.memory_space<vmem>> -> memref<1x128xi32, #tpu.memory_space<vmem>>
      %dma_wait3A_105 = tpu.memref_squeeze %dma_wait3A_104 : memref<1x128xi32, #tpu.memory_space<vmem>> -> memref<128xi32, #tpu.memory_space<vmem>>
      %dma_wait3A_106 = arith.constant 0 : i32
      %dma_wait3A_107 = arith.constant 0 : i32
      %dma_wait3A_108 = tpu.memref_slice %arg7[%dma_wait3A_106, %dma_wait3A_107] : memref<10000x80xf32, #tpu.memory_space<vmem_shared>> -> memref<10000x80xf32, #tpu.memory_space<vmem_shared>>
      tpu.wait_indirect_dma semaphore(%arg12 : memref<!tpu.dma_semaphore, #tpu.memory_space<semaphore_mem>>) src(%dma_wait3A_108 : memref<10000x80xf32, #tpu.memory_space<vmem_shared>>) dst(%dma_wait3A_102 : memref<128x80xf32, #tpu.memory_space<vmem>>)
      %mul3A_109 = arith.constant 128 : i32
      %mul3A_110 = arith.muli %mul3A_65, %mul3A_109 : i32
      %add3A_111 = arith.addi %mul3A_12, %mul3A_110 : i32
      "tpu.region"() ({
        %run_scoped3A = tpu.sem_alloc : memref<!tpu.dma_semaphore, #tpu.memory_space<semaphore_mem>>
        %dma_start3A_139 = arith.constant 0 : i32
        %dma_start3A_140 = tpu.memref_slice %arg6[%add3A_111, %dma_start3A_139] : memref<327680x80xf32, #tpu.memory_space<hbm>> -> memref<256x80xf32, #tpu.memory_space<hbm>>
        %dma_start3A_141 = arith.constant 0 : i32
        %dma_start3A_142 = tpu.memref_slice %arg6[%add3A_111, %dma_start3A_141] : memref<327680x80xf32, #tpu.memory_space<hbm>> -> memref<256x80xf32, #tpu.memory_space<hbm>>
        tpu.enqueue_dma source(%arg10 : memref<256x80xf32, #tpu.memory_space<vmem>>) target(%dma_start3A_142 : memref<256x80xf32, #tpu.memory_space<hbm>>) target_semaphore(%run_scoped3A : memref<!tpu.dma_semaphore, #tpu.memory_space<semaphore_mem>>)
        %dma_wait3A_143 = arith.constant 0 : i32
        %dma_wait3A_144 = tpu.memref_slice %arg6[%add3A_111, %dma_wait3A_143] : memref<327680x80xf32, #tpu.memory_space<hbm>> -> memref<256x80xf32, #tpu.memory_space<hbm>>
        %dma_wait3A_145 = arith.constant 0 : i32
        %dma_wait3A_146 = tpu.memref_slice %arg6[%add3A_111, %dma_wait3A_145] : memref<327680x80xf32, #tpu.memory_space<hbm>> -> memref<256x80xf32, #tpu.memory_space<hbm>>
        tpu.wait_dma2 semaphore(%run_scoped3A : memref<!tpu.dma_semaphore, #tpu.memory_space<semaphore_mem>>) src(%arg10 : memref<256x80xf32, #tpu.memory_space<vmem>>) dst(%dma_wait3A_146 : memref<256x80xf32, #tpu.memory_space<hbm>>)
        tpu.yield
      }) : () -> ()
      %lt3A = arith.constant 19 : i32
      %lt3A_112 = arith.cmpi slt, %scan3A_63, %lt3A : i32
      %convert_element_type3A = arith.extui %lt3A_112 : i1 to i32
      %cond3A = arith.constant 0 : i32
      %cond3A_113 = arith.cmpi ne, %convert_element_type3A, %cond3A : i32
      scf.if %cond3A_113 {
        %add3A_139 = arith.constant 4 : i32
        %add3A_140 = arith.addi %mul3A_65, %add3A_139 : i32
        %add3A_141 = arith.constant 0 : i32
        %add3A_142 = arith.addi %add3A_140, %add3A_141 : i32
        %dma_start3A_143 = arith.constant 0 : i32
        %dma_start3A_144 = arith.constant 0 : i32
        %dma_start3A_145 = tpu.memref_slice %arg10[%dma_start3A_143, %dma_start3A_144] : memref<256x80xf32, #tpu.memory_space<vmem>> -> memref<128x80xf32, #tpu.memory_space<vmem>>
        %dma_start3A_146 = arith.constant 0 : i32
        %dma_start3A_147 = tpu.memref_slice %arg9[%add3A_142, %dma_start3A_146] : memref<80x128xi32, #tpu.memory_space<vmem>> -> memref<1x128xi32, #tpu.memory_space<vmem>>
        %dma_start3A_148 = tpu.memref_squeeze %dma_start3A_147 : memref<1x128xi32, #tpu.memory_space<vmem>> -> memref<128xi32, #tpu.memory_space<vmem>>
        %dma_start3A_149 = arith.constant 0 : i32
        %dma_start3A_150 = arith.constant 0 : i32
        %dma_start3A_151 = tpu.memref_slice %arg7[%dma_start3A_149, %dma_start3A_150] : memref<10000x80xf32, #tpu.memory_space<vmem_shared>> -> memref<10000x80xf32, #tpu.memory_space<vmem_shared>>
        tpu.enqueue_indirect_dma source(%dma_start3A_151 : memref<10000x80xf32, #tpu.memory_space<vmem_shared>>) target(%dma_start3A_145 : memref<128x80xf32, #tpu.memory_space<vmem>>) offsets(%dma_start3A_148 : memref<128xi32, #tpu.memory_space<vmem>>) semaphore(%arg12 : memref<!tpu.dma_semaphore, #tpu.memory_space<semaphore_mem>>)
        %add3A_152 = arith.constant 1 : i32
        %add3A_153 = arith.addi %add3A_140, %add3A_152 : i32
        %dma_start3A_154 = arith.constant 128 : i32
        %dma_start3A_155 = arith.constant 0 : i32
        %dma_start3A_156 = tpu.memref_slice %arg10[%dma_start3A_154, %dma_start3A_155] : memref<256x80xf32, #tpu.memory_space<vmem>> -> memref<128x80xf32, #tpu.memory_space<vmem>>
        %dma_start3A_157 = arith.constant 0 : i32
        %dma_start3A_158 = tpu.memref_slice %arg9[%add3A_153, %dma_start3A_157] : memref<80x128xi32, #tpu.memory_space<vmem>> -> memref<1x128xi32, #tpu.memory_space<vmem>>
        %dma_start3A_159 = tpu.memref_squeeze %dma_start3A_158 : memref<1x128xi32, #tpu.memory_space<vmem>> -> memref<128xi32, #tpu.memory_space<vmem>>
        %dma_start3A_160 = arith.constant 0 : i32
        %dma_start3A_161 = arith.constant 0 : i32
        %dma_start3A_162 = tpu.memref_slice %arg7[%dma_start3A_160, %dma_start3A_161] : memref<10000x80xf32, #tpu.memory_space<vmem_shared>> -> memref<10000x80xf32, #tpu.memory_space<vmem_shared>>
        tpu.enqueue_indirect_dma source(%dma_start3A_162 : memref<10000x80xf32, #tpu.memory_space<vmem_shared>>) target(%dma_start3A_156 : memref<128x80xf32, #tpu.memory_space<vmem>>) offsets(%dma_start3A_159 : memref<128xi32, #tpu.memory_space<vmem>>) semaphore(%arg12 : memref<!tpu.dma_semaphore, #tpu.memory_space<semaphore_mem>>)
      } else {
      }
      %add3A_114 = arith.constant 2 : i32
      %add3A_115 = arith.addi %mul3A_65, %add3A_114 : i32
      %dma_wait3A_116 = arith.constant 0 : i32
      %dma_wait3A_117 = arith.constant 0 : i32
      %dma_wait3A_118 = arith.constant 0 : i32
      %dma_wait3A_119 = tpu.memref_slice %arg11[%dma_wait3A_117, %dma_wait3A_118] : memref<256x80xf32, #tpu.memory_space<vmem>> -> memref<128x80xf32, #tpu.memory_space<vmem>>
      %dma_wait3A_120 = arith.constant 0 : i32
      %dma_wait3A_121 = tpu.memref_slice %arg9[%dma_wait3A_116, %dma_wait3A_120] : memref<80x128xi32, #tpu.memory_space<vmem>> -> memref<1x128xi32, #tpu.memory_space<vmem>>
      %dma_wait3A_122 = tpu.memref_squeeze %dma_wait3A_121 : memref<1x128xi32, #tpu.memory_space<vmem>> -> memref<128xi32, #tpu.memory_space<vmem>>
      %dma_wait3A_123 = arith.constant 0 : i32
      %dma_wait3A_124 = arith.constant 0 : i32
      %dma_wait3A_125 = tpu.memref_slice %arg7[%dma_wait3A_123, %dma_wait3A_124] : memref<10000x80xf32, #tpu.memory_space<vmem_shared>> -> memref<10000x80xf32, #tpu.memory_space<vmem_shared>>
      tpu.wait_indirect_dma semaphore(%arg13 : memref<!tpu.dma_semaphore, #tpu.memory_space<semaphore_mem>>) src(%dma_wait3A_125 : memref<10000x80xf32, #tpu.memory_space<vmem_shared>>) dst(%dma_wait3A_119 : memref<128x80xf32, #tpu.memory_space<vmem>>)
      %dma_wait3A_126 = arith.constant 0 : i32
      %dma_wait3A_127 = arith.constant 128 : i32
      %dma_wait3A_128 = arith.constant 0 : i32
      %dma_wait3A_129 = tpu.memref_slice %arg11[%dma_wait3A_127, %dma_wait3A_128] : memref<256x80xf32, #tpu.memory_space<vmem>> -> memref<128x80xf32, #tpu.memory_space<vmem>>
      %dma_wait3A_130 = arith.constant 0 : i32
      %dma_wait3A_131 = tpu.memref_slice %arg9[%dma_wait3A_126, %dma_wait3A_130] : memref<80x128xi32, #tpu.memory_space<vmem>> -> memref<1x128xi32, #tpu.memory_space<vmem>>
      %dma_wait3A_132 = tpu.memref_squeeze %dma_wait3A_131 : memref<1x128xi32, #tpu.memory_space<vmem>> -> memref<128xi32, #tpu.memory_space<vmem>>
      %dma_wait3A_133 = arith.constant 0 : i32
      %dma_wait3A_134 = arith.constant 0 : i32
      %dma_wait3A_135 = tpu.memref_slice %arg7[%dma_wait3A_133, %dma_wait3A_134] : memref<10000x80xf32, #tpu.memory_space<vmem_shared>> -> memref<10000x80xf32, #tpu.memory_space<vmem_shared>>
      tpu.wait_indirect_dma semaphore(%arg13 : memref<!tpu.dma_semaphore, #tpu.memory_space<semaphore_mem>>) src(%dma_wait3A_135 : memref<10000x80xf32, #tpu.memory_space<vmem_shared>>) dst(%dma_wait3A_129 : memref<128x80xf32, #tpu.memory_space<vmem>>)
      %mul3A_136 = arith.constant 128 : i32
      %mul3A_137 = arith.muli %add3A_115, %mul3A_136 : i32
      %add3A_138 = arith.addi %mul3A_12, %mul3A_137 : i32
      "tpu.region"() ({
        %run_scoped3A = tpu.sem_alloc : memref<!tpu.dma_semaphore, #tpu.memory_space<semaphore_mem>>
        %dma_start3A_139 = arith.constant 0 : i32
        %dma_start3A_140 = tpu.memref_slice %arg6[%add3A_138, %dma_start3A_139] : memref<327680x80xf32, #tpu.memory_space<hbm>> -> memref<256x80xf32, #tpu.memory_space<hbm>>
        %dma_start3A_141 = arith.constant 0 : i32
        %dma_start3A_142 = tpu.memref_slice %arg6[%add3A_138, %dma_start3A_141] : memref<327680x80xf32, #tpu.memory_space<hbm>> -> memref<256x80xf32, #tpu.memory_space<hbm>>
        tpu.enqueue_dma source(%arg11 : memref<256x80xf32, #tpu.memory_space<vmem>>) target(%dma_start3A_142 : memref<256x80xf32, #tpu.memory_space<hbm>>) target_semaphore(%run_scoped3A : memref<!tpu.dma_semaphore, #tpu.memory_space<semaphore_mem>>)
        %dma_wait3A_143 = arith.constant 0 : i32
        %dma_wait3A_144 = tpu.memref_slice %arg6[%add3A_138, %dma_wait3A_143] : memref<327680x80xf32, #tpu.memory_space<hbm>> -> memref<256x80xf32, #tpu.memory_space<hbm>>
        %dma_wait3A_145 = arith.constant 0 : i32
        %dma_wait3A_146 = tpu.memref_slice %arg6[%add3A_138, %dma_wait3A_145] : memref<327680x80xf32, #tpu.memory_space<hbm>> -> memref<256x80xf32, #tpu.memory_space<hbm>>
        tpu.wait_dma2 semaphore(%run_scoped3A : memref<!tpu.dma_semaphore, #tpu.memory_space<semaphore_mem>>) src(%arg11 : memref<256x80xf32, #tpu.memory_space<vmem>>) dst(%dma_wait3A_146 : memref<256x80xf32, #tpu.memory_space<hbm>>)
        tpu.yield
      }) : () -> ()
    }
    %scan3A_62 = arith.constant 20 : i32
    return
  }
}

#map = affine_map<(d0, d1) -> (0, 0)>
module attributes {stable_mosaic.version = 14 : i64} {
  func.func @body(%arg0: i32, %arg1: i32, %arg2: memref<10000x64xf32, #tpu.memory_space<hbm>>, %arg3: memref<2560x128xi32, #tpu.memory_space<hbm>>, %arg4: memref<2560x128xi32, #tpu.memory_space<hbm>>, %arg5: memref<327680x64xf32, #tpu.memory_space<hbm>>, %arg6: memref<327680x64xf32, #tpu.memory_space<hbm>>, %arg7: memref<10000x64xf32, #tpu.memory_space<vmem_shared>>, %arg8: memref<80x128xi32, #tpu.memory_space<vmem>>, %arg9: memref<80x128xi32, #tpu.memory_space<vmem>>, %arg10: memref<256x64xf32, #tpu.memory_space<vmem>>, %arg11: memref<256x64xf32, #tpu.memory_space<vmem>>, %arg12: memref<!tpu.dma_semaphore, #tpu.memory_space<semaphore_mem>>, %arg13: memref<!tpu.dma_semaphore, #tpu.memory_space<semaphore_mem>>) attributes {dimension_semantics = [#tpu.dimension_semantics<core_parallel>, #tpu.dimension_semantics<subcore_parallel>], iteration_bounds = array<i64: 2, 16>, scalar_prefetch = 0 : i64, scratch_operands = 7 : i64, tpu.core_type = #tpu.core_type<sc_vector_subcore>, window_params = [{transform_indices = #map}, {transform_indices = #map}, {transform_indices = #map}, {transform_indices = #map}, {transform_indices = #map}]} {
    %mul3A = arith.constant 2 : i32
    %mul3A_0 = arith.muli %arg1, %mul3A : i32
    %add3A = arith.addi %mul3A_0, %arg0 : i32
    %mul3A_1 = arith.constant 625 : i32
    %mul3A_2 = arith.muli %arg1, %mul3A_1 : i32
    %mul3A_3 = arith.constant 625 : i32
    %mul3A_4 = arith.muli %arg1, %mul3A_3 : i32
    "tpu.region"() ({
      %run_scoped3A = tpu.sem_alloc : memref<!tpu.dma_semaphore, #tpu.memory_space<semaphore_mem>>
      %dma_start3A_63 = arith.constant 0 : i32
      %dma_start3A_64 = tpu.memref_slice %arg7[%mul3A_4, %dma_start3A_63] : memref<10000x64xf32, #tpu.memory_space<vmem_shared>> -> memref<625x64xf32, #tpu.memory_space<vmem_shared>>
      %dma_start3A_65 = arith.constant 0 : i32
      %dma_start3A_66 = tpu.memref_slice %arg2[%mul3A_2, %dma_start3A_65] : memref<10000x64xf32, #tpu.memory_space<hbm>> -> memref<625x64xf32, #tpu.memory_space<hbm>>
      tpu.enqueue_dma source(%dma_start3A_66 : memref<625x64xf32, #tpu.memory_space<hbm>>) target(%dma_start3A_64 : memref<625x64xf32, #tpu.memory_space<vmem_shared>>) target_semaphore(%run_scoped3A : memref<!tpu.dma_semaphore, #tpu.memory_space<semaphore_mem>>)
      %dma_wait3A = arith.constant 0 : i32
      %dma_wait3A_67 = tpu.memref_slice %arg7[%mul3A_4, %dma_wait3A] : memref<10000x64xf32, #tpu.memory_space<vmem_shared>> -> memref<625x64xf32, #tpu.memory_space<vmem_shared>>
      %dma_wait3A_68 = arith.constant 0 : i32
      %dma_wait3A_69 = tpu.memref_slice %arg2[%mul3A_2, %dma_wait3A_68] : memref<10000x64xf32, #tpu.memory_space<hbm>> -> memref<625x64xf32, #tpu.memory_space<hbm>>
      tpu.wait_dma2 semaphore(%run_scoped3A : memref<!tpu.dma_semaphore, #tpu.memory_space<semaphore_mem>>) src(%dma_wait3A_69 : memref<625x64xf32, #tpu.memory_space<hbm>>) dst(%dma_wait3A_67 : memref<625x64xf32, #tpu.memory_space<vmem_shared>>)
      tpu.yield
    }) : () -> ()
    %mul3A_5 = arith.constant 80 : i32
    %mul3A_6 = arith.muli %add3A, %mul3A_5 : i32
    "tpu.region"() ({
      %run_scoped3A = tpu.sem_alloc : memref<!tpu.dma_semaphore, #tpu.memory_space<semaphore_mem>>
      %dma_start3A_63 = arith.constant 0 : i32
      %dma_start3A_64 = tpu.memref_slice %arg3[%mul3A_6, %dma_start3A_63] : memref<2560x128xi32, #tpu.memory_space<hbm>> -> memref<80x128xi32, #tpu.memory_space<hbm>>
      %dma_start3A_65 = arith.constant 0 : i32
      %dma_start3A_66 = tpu.memref_slice %arg3[%mul3A_6, %dma_start3A_65] : memref<2560x128xi32, #tpu.memory_space<hbm>> -> memref<80x128xi32, #tpu.memory_space<hbm>>
      tpu.enqueue_dma source(%dma_start3A_66 : memref<80x128xi32, #tpu.memory_space<hbm>>) target(%arg8 : memref<80x128xi32, #tpu.memory_space<vmem>>) target_semaphore(%run_scoped3A : memref<!tpu.dma_semaphore, #tpu.memory_space<semaphore_mem>>)
      %dma_wait3A = arith.constant 0 : i32
      %dma_wait3A_67 = tpu.memref_slice %arg3[%mul3A_6, %dma_wait3A] : memref<2560x128xi32, #tpu.memory_space<hbm>> -> memref<80x128xi32, #tpu.memory_space<hbm>>
      %dma_wait3A_68 = arith.constant 0 : i32
      %dma_wait3A_69 = tpu.memref_slice %arg3[%mul3A_6, %dma_wait3A_68] : memref<2560x128xi32, #tpu.memory_space<hbm>> -> memref<80x128xi32, #tpu.memory_space<hbm>>
      tpu.wait_dma2 semaphore(%run_scoped3A : memref<!tpu.dma_semaphore, #tpu.memory_space<semaphore_mem>>) src(%dma_wait3A_69 : memref<80x128xi32, #tpu.memory_space<hbm>>) dst(%arg8 : memref<80x128xi32, #tpu.memory_space<vmem>>)
      tpu.yield
    }) : () -> ()
    %mul3A_7 = arith.constant 80 : i32
    %mul3A_8 = arith.muli %add3A, %mul3A_7 : i32
    "tpu.region"() ({
      %run_scoped3A = tpu.sem_alloc : memref<!tpu.dma_semaphore, #tpu.memory_space<semaphore_mem>>
      %dma_start3A_63 = arith.constant 0 : i32
      %dma_start3A_64 = tpu.memref_slice %arg4[%mul3A_8, %dma_start3A_63] : memref<2560x128xi32, #tpu.memory_space<hbm>> -> memref<80x128xi32, #tpu.memory_space<hbm>>
      %dma_start3A_65 = arith.constant 0 : i32
      %dma_start3A_66 = tpu.memref_slice %arg4[%mul3A_8, %dma_start3A_65] : memref<2560x128xi32, #tpu.memory_space<hbm>> -> memref<80x128xi32, #tpu.memory_space<hbm>>
      tpu.enqueue_dma source(%dma_start3A_66 : memref<80x128xi32, #tpu.memory_space<hbm>>) target(%arg9 : memref<80x128xi32, #tpu.memory_space<vmem>>) target_semaphore(%run_scoped3A : memref<!tpu.dma_semaphore, #tpu.memory_space<semaphore_mem>>)
      %dma_wait3A = arith.constant 0 : i32
      %dma_wait3A_67 = tpu.memref_slice %arg4[%mul3A_8, %dma_wait3A] : memref<2560x128xi32, #tpu.memory_space<hbm>> -> memref<80x128xi32, #tpu.memory_space<hbm>>
      %dma_wait3A_68 = arith.constant 0 : i32
      %dma_wait3A_69 = tpu.memref_slice %arg4[%mul3A_8, %dma_wait3A_68] : memref<2560x128xi32, #tpu.memory_space<hbm>> -> memref<80x128xi32, #tpu.memory_space<hbm>>
      tpu.wait_dma2 semaphore(%run_scoped3A : memref<!tpu.dma_semaphore, #tpu.memory_space<semaphore_mem>>) src(%dma_wait3A_69 : memref<80x128xi32, #tpu.memory_space<hbm>>) dst(%arg9 : memref<80x128xi32, #tpu.memory_space<vmem>>)
      tpu.yield
    }) : () -> ()
    %barrier3A = arith.constant 0 : index
    tpu.barrier barrier_id(%barrier3A)
    %mul3A_9 = arith.constant 80 : i32
    %mul3A_10 = arith.muli %add3A, %mul3A_9 : i32
    %mul3A_11 = arith.constant 128 : i32
    %mul3A_12 = arith.muli %mul3A_10, %mul3A_11 : i32
    %dma_start3A = arith.constant 0 : i32
    %dma_start3A_13 = arith.constant 0 : i32
    %dma_start3A_14 = arith.constant 0 : i32
    %dma_start3A_15 = tpu.memref_slice %arg10[%dma_start3A_13, %dma_start3A_14] : memref<256x64xf32, #tpu.memory_space<vmem>> -> memref<128x64xf32, #tpu.memory_space<vmem>>
    %dma_start3A_16 = arith.constant 0 : i32
    %dma_start3A_17 = tpu.memref_slice %arg8[%dma_start3A, %dma_start3A_16] : memref<80x128xi32, #tpu.memory_space<vmem>> -> memref<1x128xi32, #tpu.memory_space<vmem>>
    %dma_start3A_18 = tpu.memref_squeeze %dma_start3A_17 : memref<1x128xi32, #tpu.memory_space<vmem>> -> memref<128xi32, #tpu.memory_space<vmem>>
    %dma_start3A_19 = arith.constant 0 : i32
    %dma_start3A_20 = arith.constant 0 : i32
    %dma_start3A_21 = tpu.memref_slice %arg7[%dma_start3A_19, %dma_start3A_20] : memref<10000x64xf32, #tpu.memory_space<vmem_shared>> -> memref<10000x64xf32, #tpu.memory_space<vmem_shared>>
    tpu.enqueue_indirect_dma source(%dma_start3A_21 : memref<10000x64xf32, #tpu.memory_space<vmem_shared>>) target(%dma_start3A_15 : memref<128x64xf32, #tpu.memory_space<vmem>>) offsets(%dma_start3A_18 : memref<128xi32, #tpu.memory_space<vmem>>) semaphore(%arg12 : memref<!tpu.dma_semaphore, #tpu.memory_space<semaphore_mem>>)
    %dma_start3A_22 = arith.constant 1 : i32
    %dma_start3A_23 = arith.constant 128 : i32
    %dma_start3A_24 = arith.constant 0 : i32
    %dma_start3A_25 = tpu.memref_slice %arg10[%dma_start3A_23, %dma_start3A_24] : memref<256x64xf32, #tpu.memory_space<vmem>> -> memref<128x64xf32, #tpu.memory_space<vmem>>
    %dma_start3A_26 = arith.constant 0 : i32
    %dma_start3A_27 = tpu.memref_slice %arg8[%dma_start3A_22, %dma_start3A_26] : memref<80x128xi32, #tpu.memory_space<vmem>> -> memref<1x128xi32, #tpu.memory_space<vmem>>
    %dma_start3A_28 = tpu.memref_squeeze %dma_start3A_27 : memref<1x128xi32, #tpu.memory_space<vmem>> -> memref<128xi32, #tpu.memory_space<vmem>>
    %dma_start3A_29 = arith.constant 0 : i32
    %dma_start3A_30 = arith.constant 0 : i32
    %dma_start3A_31 = tpu.memref_slice %arg7[%dma_start3A_29, %dma_start3A_30] : memref<10000x64xf32, #tpu.memory_space<vmem_shared>> -> memref<10000x64xf32, #tpu.memory_space<vmem_shared>>
    tpu.enqueue_indirect_dma source(%dma_start3A_31 : memref<10000x64xf32, #tpu.memory_space<vmem_shared>>) target(%dma_start3A_25 : memref<128x64xf32, #tpu.memory_space<vmem>>) offsets(%dma_start3A_28 : memref<128xi32, #tpu.memory_space<vmem>>) semaphore(%arg12 : memref<!tpu.dma_semaphore, #tpu.memory_space<semaphore_mem>>)
    %scan3A = arith.constant 0 : i32
    %scan3A_32 = arith.constant 0 : i32
    %scan3A_33 = arith.constant 20 : i32
    %scan3A_34 = arith.addi %scan3A_32, %scan3A_33 : i32
    %scan3A_35 = arith.constant 1 : i32
    scf.for %scan3A_63 = %scan3A_32 to %scan3A_34 step %scan3A_35  : i32 {
      %mul3A_64 = arith.constant 4 : i32
      %mul3A_65 = arith.muli %scan3A_63, %mul3A_64 : i32
      %add3A_66 = arith.constant 2 : i32
      %add3A_67 = arith.addi %mul3A_65, %add3A_66 : i32
      %add3A_68 = arith.constant 0 : i32
      %add3A_69 = arith.addi %add3A_67, %add3A_68 : i32
      %dma_start3A_70 = arith.constant 0 : i32
      %dma_start3A_71 = arith.constant 0 : i32
      %dma_start3A_72 = tpu.memref_slice %arg11[%dma_start3A_70, %dma_start3A_71] : memref<256x64xf32, #tpu.memory_space<vmem>> -> memref<128x64xf32, #tpu.memory_space<vmem>>
      %dma_start3A_73 = arith.constant 0 : i32
      %dma_start3A_74 = tpu.memref_slice %arg8[%add3A_69, %dma_start3A_73] : memref<80x128xi32, #tpu.memory_space<vmem>> -> memref<1x128xi32, #tpu.memory_space<vmem>>
      %dma_start3A_75 = tpu.memref_squeeze %dma_start3A_74 : memref<1x128xi32, #tpu.memory_space<vmem>> -> memref<128xi32, #tpu.memory_space<vmem>>
      %dma_start3A_76 = arith.constant 0 : i32
      %dma_start3A_77 = arith.constant 0 : i32
      %dma_start3A_78 = tpu.memref_slice %arg7[%dma_start3A_76, %dma_start3A_77] : memref<10000x64xf32, #tpu.memory_space<vmem_shared>> -> memref<10000x64xf32, #tpu.memory_space<vmem_shared>>
      tpu.enqueue_indirect_dma source(%dma_start3A_78 : memref<10000x64xf32, #tpu.memory_space<vmem_shared>>) target(%dma_start3A_72 : memref<128x64xf32, #tpu.memory_space<vmem>>) offsets(%dma_start3A_75 : memref<128xi32, #tpu.memory_space<vmem>>) semaphore(%arg13 : memref<!tpu.dma_semaphore, #tpu.memory_space<semaphore_mem>>)
      %add3A_79 = arith.constant 1 : i32
      %add3A_80 = arith.addi %add3A_67, %add3A_79 : i32
      %dma_start3A_81 = arith.constant 128 : i32
      %dma_start3A_82 = arith.constant 0 : i32
      %dma_start3A_83 = tpu.memref_slice %arg11[%dma_start3A_81, %dma_start3A_82] : memref<256x64xf32, #tpu.memory_space<vmem>> -> memref<128x64xf32, #tpu.memory_space<vmem>>
      %dma_start3A_84 = arith.constant 0 : i32
      %dma_start3A_85 = tpu.memref_slice %arg8[%add3A_80, %dma_start3A_84] : memref<80x128xi32, #tpu.memory_space<vmem>> -> memref<1x128xi32, #tpu.memory_space<vmem>>
      %dma_start3A_86 = tpu.memref_squeeze %dma_start3A_85 : memref<1x128xi32, #tpu.memory_space<vmem>> -> memref<128xi32, #tpu.memory_space<vmem>>
      %dma_start3A_87 = arith.constant 0 : i32
      %dma_start3A_88 = arith.constant 0 : i32
      %dma_start3A_89 = tpu.memref_slice %arg7[%dma_start3A_87, %dma_start3A_88] : memref<10000x64xf32, #tpu.memory_space<vmem_shared>> -> memref<10000x64xf32, #tpu.memory_space<vmem_shared>>
      tpu.enqueue_indirect_dma source(%dma_start3A_89 : memref<10000x64xf32, #tpu.memory_space<vmem_shared>>) target(%dma_start3A_83 : memref<128x64xf32, #tpu.memory_space<vmem>>) offsets(%dma_start3A_86 : memref<128xi32, #tpu.memory_space<vmem>>) semaphore(%arg13 : memref<!tpu.dma_semaphore, #tpu.memory_space<semaphore_mem>>)
      %dma_wait3A = arith.constant 0 : i32
      %dma_wait3A_90 = arith.constant 0 : i32
      %dma_wait3A_91 = arith.constant 0 : i32
      %dma_wait3A_92 = tpu.memref_slice %arg10[%dma_wait3A_90, %dma_wait3A_91] : memref<256x64xf32, #tpu.memory_space<vmem>> -> memref<128x64xf32, #tpu.memory_space<vmem>>
      %dma_wait3A_93 = arith.constant 0 : i32
      %dma_wait3A_94 = tpu.memref_slice %arg8[%dma_wait3A, %dma_wait3A_93] : memref<80x128xi32, #tpu.memory_space<vmem>> -> memref<1x128xi32, #tpu.memory_space<vmem>>
      %dma_wait3A_95 = tpu.memref_squeeze %dma_wait3A_94 : memref<1x128xi32, #tpu.memory_space<vmem>> -> memref<128xi32, #tpu.memory_space<vmem>>
      %dma_wait3A_96 = arith.constant 0 : i32
      %dma_wait3A_97 = arith.constant 0 : i32
      %dma_wait3A_98 = tpu.memref_slice %arg7[%dma_wait3A_96, %dma_wait3A_97] : memref<10000x64xf32, #tpu.memory_space<vmem_shared>> -> memref<10000x64xf32, #tpu.memory_space<vmem_shared>>
      tpu.wait_indirect_dma semaphore(%arg12 : memref<!tpu.dma_semaphore, #tpu.memory_space<semaphore_mem>>) src(%dma_wait3A_98 : memref<10000x64xf32, #tpu.memory_space<vmem_shared>>) dst(%dma_wait3A_92 : memref<128x64xf32, #tpu.memory_space<vmem>>)
      %dma_wait3A_99 = arith.constant 0 : i32
      %dma_wait3A_100 = arith.constant 128 : i32
      %dma_wait3A_101 = arith.constant 0 : i32
      %dma_wait3A_102 = tpu.memref_slice %arg10[%dma_wait3A_100, %dma_wait3A_101] : memref<256x64xf32, #tpu.memory_space<vmem>> -> memref<128x64xf32, #tpu.memory_space<vmem>>
      %dma_wait3A_103 = arith.constant 0 : i32
      %dma_wait3A_104 = tpu.memref_slice %arg8[%dma_wait3A_99, %dma_wait3A_103] : memref<80x128xi32, #tpu.memory_space<vmem>> -> memref<1x128xi32, #tpu.memory_space<vmem>>
      %dma_wait3A_105 = tpu.memref_squeeze %dma_wait3A_104 : memref<1x128xi32, #tpu.memory_space<vmem>> -> memref<128xi32, #tpu.memory_space<vmem>>
      %dma_wait3A_106 = arith.constant 0 : i32
      %dma_wait3A_107 = arith.constant 0 : i32
      %dma_wait3A_108 = tpu.memref_slice %arg7[%dma_wait3A_106, %dma_wait3A_107] : memref<10000x64xf32, #tpu.memory_space<vmem_shared>> -> memref<10000x64xf32, #tpu.memory_space<vmem_shared>>
      tpu.wait_indirect_dma semaphore(%arg12 : memref<!tpu.dma_semaphore, #tpu.memory_space<semaphore_mem>>) src(%dma_wait3A_108 : memref<10000x64xf32, #tpu.memory_space<vmem_shared>>) dst(%dma_wait3A_102 : memref<128x64xf32, #tpu.memory_space<vmem>>)
      %mul3A_109 = arith.constant 128 : i32
      %mul3A_110 = arith.muli %mul3A_65, %mul3A_109 : i32
      %add3A_111 = arith.addi %mul3A_12, %mul3A_110 : i32
      "tpu.region"() ({
        %run_scoped3A = tpu.sem_alloc : memref<!tpu.dma_semaphore, #tpu.memory_space<semaphore_mem>>
        %dma_start3A_139 = arith.constant 0 : i32
        %dma_start3A_140 = tpu.memref_slice %arg5[%add3A_111, %dma_start3A_139] : memref<327680x64xf32, #tpu.memory_space<hbm>> -> memref<256x64xf32, #tpu.memory_space<hbm>>
        %dma_start3A_141 = arith.constant 0 : i32
        %dma_start3A_142 = tpu.memref_slice %arg5[%add3A_111, %dma_start3A_141] : memref<327680x64xf32, #tpu.memory_space<hbm>> -> memref<256x64xf32, #tpu.memory_space<hbm>>
        tpu.enqueue_dma source(%arg10 : memref<256x64xf32, #tpu.memory_space<vmem>>) target(%dma_start3A_142 : memref<256x64xf32, #tpu.memory_space<hbm>>) target_semaphore(%run_scoped3A : memref<!tpu.dma_semaphore, #tpu.memory_space<semaphore_mem>>)
        %dma_wait3A_143 = arith.constant 0 : i32
        %dma_wait3A_144 = tpu.memref_slice %arg5[%add3A_111, %dma_wait3A_143] : memref<327680x64xf32, #tpu.memory_space<hbm>> -> memref<256x64xf32, #tpu.memory_space<hbm>>
        %dma_wait3A_145 = arith.constant 0 : i32
        %dma_wait3A_146 = tpu.memref_slice %arg5[%add3A_111, %dma_wait3A_145] : memref<327680x64xf32, #tpu.memory_space<hbm>> -> memref<256x64xf32, #tpu.memory_space<hbm>>
        tpu.wait_dma2 semaphore(%run_scoped3A : memref<!tpu.dma_semaphore, #tpu.memory_space<semaphore_mem>>) src(%arg10 : memref<256x64xf32, #tpu.memory_space<vmem>>) dst(%dma_wait3A_146 : memref<256x64xf32, #tpu.memory_space<hbm>>)
        tpu.yield
      }) : () -> ()
      %lt3A = arith.constant 19 : i32
      %lt3A_112 = arith.cmpi slt, %scan3A_63, %lt3A : i32
      %convert_element_type3A = arith.extui %lt3A_112 : i1 to i32
      %cond3A = arith.constant 0 : i32
      %cond3A_113 = arith.cmpi ne, %convert_element_type3A, %cond3A : i32
      scf.if %cond3A_113 {
        %add3A_139 = arith.constant 4 : i32
        %add3A_140 = arith.addi %mul3A_65, %add3A_139 : i32
        %add3A_141 = arith.constant 0 : i32
        %add3A_142 = arith.addi %add3A_140, %add3A_141 : i32
        %dma_start3A_143 = arith.constant 0 : i32
        %dma_start3A_144 = arith.constant 0 : i32
        %dma_start3A_145 = tpu.memref_slice %arg10[%dma_start3A_143, %dma_start3A_144] : memref<256x64xf32, #tpu.memory_space<vmem>> -> memref<128x64xf32, #tpu.memory_space<vmem>>
        %dma_start3A_146 = arith.constant 0 : i32
        %dma_start3A_147 = tpu.memref_slice %arg8[%add3A_142, %dma_start3A_146] : memref<80x128xi32, #tpu.memory_space<vmem>> -> memref<1x128xi32, #tpu.memory_space<vmem>>
        %dma_start3A_148 = tpu.memref_squeeze %dma_start3A_147 : memref<1x128xi32, #tpu.memory_space<vmem>> -> memref<128xi32, #tpu.memory_space<vmem>>
        %dma_start3A_149 = arith.constant 0 : i32
        %dma_start3A_150 = arith.constant 0 : i32
        %dma_start3A_151 = tpu.memref_slice %arg7[%dma_start3A_149, %dma_start3A_150] : memref<10000x64xf32, #tpu.memory_space<vmem_shared>> -> memref<10000x64xf32, #tpu.memory_space<vmem_shared>>
        tpu.enqueue_indirect_dma source(%dma_start3A_151 : memref<10000x64xf32, #tpu.memory_space<vmem_shared>>) target(%dma_start3A_145 : memref<128x64xf32, #tpu.memory_space<vmem>>) offsets(%dma_start3A_148 : memref<128xi32, #tpu.memory_space<vmem>>) semaphore(%arg12 : memref<!tpu.dma_semaphore, #tpu.memory_space<semaphore_mem>>)
        %add3A_152 = arith.constant 1 : i32
        %add3A_153 = arith.addi %add3A_140, %add3A_152 : i32
        %dma_start3A_154 = arith.constant 128 : i32
        %dma_start3A_155 = arith.constant 0 : i32
        %dma_start3A_156 = tpu.memref_slice %arg10[%dma_start3A_154, %dma_start3A_155] : memref<256x64xf32, #tpu.memory_space<vmem>> -> memref<128x64xf32, #tpu.memory_space<vmem>>
        %dma_start3A_157 = arith.constant 0 : i32
        %dma_start3A_158 = tpu.memref_slice %arg8[%add3A_153, %dma_start3A_157] : memref<80x128xi32, #tpu.memory_space<vmem>> -> memref<1x128xi32, #tpu.memory_space<vmem>>
        %dma_start3A_159 = tpu.memref_squeeze %dma_start3A_158 : memref<1x128xi32, #tpu.memory_space<vmem>> -> memref<128xi32, #tpu.memory_space<vmem>>
        %dma_start3A_160 = arith.constant 0 : i32
        %dma_start3A_161 = arith.constant 0 : i32
        %dma_start3A_162 = tpu.memref_slice %arg7[%dma_start3A_160, %dma_start3A_161] : memref<10000x64xf32, #tpu.memory_space<vmem_shared>> -> memref<10000x64xf32, #tpu.memory_space<vmem_shared>>
        tpu.enqueue_indirect_dma source(%dma_start3A_162 : memref<10000x64xf32, #tpu.memory_space<vmem_shared>>) target(%dma_start3A_156 : memref<128x64xf32, #tpu.memory_space<vmem>>) offsets(%dma_start3A_159 : memref<128xi32, #tpu.memory_space<vmem>>) semaphore(%arg12 : memref<!tpu.dma_semaphore, #tpu.memory_space<semaphore_mem>>)
      } else {
      }
      %add3A_114 = arith.constant 2 : i32
      %add3A_115 = arith.addi %mul3A_65, %add3A_114 : i32
      %dma_wait3A_116 = arith.constant 0 : i32
      %dma_wait3A_117 = arith.constant 0 : i32
      %dma_wait3A_118 = arith.constant 0 : i32
      %dma_wait3A_119 = tpu.memref_slice %arg11[%dma_wait3A_117, %dma_wait3A_118] : memref<256x64xf32, #tpu.memory_space<vmem>> -> memref<128x64xf32, #tpu.memory_space<vmem>>
      %dma_wait3A_120 = arith.constant 0 : i32
      %dma_wait3A_121 = tpu.memref_slice %arg8[%dma_wait3A_116, %dma_wait3A_120] : memref<80x128xi32, #tpu.memory_space<vmem>> -> memref<1x128xi32, #tpu.memory_space<vmem>>
      %dma_wait3A_122 = tpu.memref_squeeze %dma_wait3A_121 : memref<1x128xi32, #tpu.memory_space<vmem>> -> memref<128xi32, #tpu.memory_space<vmem>>
      %dma_wait3A_123 = arith.constant 0 : i32
      %dma_wait3A_124 = arith.constant 0 : i32
      %dma_wait3A_125 = tpu.memref_slice %arg7[%dma_wait3A_123, %dma_wait3A_124] : memref<10000x64xf32, #tpu.memory_space<vmem_shared>> -> memref<10000x64xf32, #tpu.memory_space<vmem_shared>>
      tpu.wait_indirect_dma semaphore(%arg13 : memref<!tpu.dma_semaphore, #tpu.memory_space<semaphore_mem>>) src(%dma_wait3A_125 : memref<10000x64xf32, #tpu.memory_space<vmem_shared>>) dst(%dma_wait3A_119 : memref<128x64xf32, #tpu.memory_space<vmem>>)
      %dma_wait3A_126 = arith.constant 0 : i32
      %dma_wait3A_127 = arith.constant 128 : i32
      %dma_wait3A_128 = arith.constant 0 : i32
      %dma_wait3A_129 = tpu.memref_slice %arg11[%dma_wait3A_127, %dma_wait3A_128] : memref<256x64xf32, #tpu.memory_space<vmem>> -> memref<128x64xf32, #tpu.memory_space<vmem>>
      %dma_wait3A_130 = arith.constant 0 : i32
      %dma_wait3A_131 = tpu.memref_slice %arg8[%dma_wait3A_126, %dma_wait3A_130] : memref<80x128xi32, #tpu.memory_space<vmem>> -> memref<1x128xi32, #tpu.memory_space<vmem>>
      %dma_wait3A_132 = tpu.memref_squeeze %dma_wait3A_131 : memref<1x128xi32, #tpu.memory_space<vmem>> -> memref<128xi32, #tpu.memory_space<vmem>>
      %dma_wait3A_133 = arith.constant 0 : i32
      %dma_wait3A_134 = arith.constant 0 : i32
      %dma_wait3A_135 = tpu.memref_slice %arg7[%dma_wait3A_133, %dma_wait3A_134] : memref<10000x64xf32, #tpu.memory_space<vmem_shared>> -> memref<10000x64xf32, #tpu.memory_space<vmem_shared>>
      tpu.wait_indirect_dma semaphore(%arg13 : memref<!tpu.dma_semaphore, #tpu.memory_space<semaphore_mem>>) src(%dma_wait3A_135 : memref<10000x64xf32, #tpu.memory_space<vmem_shared>>) dst(%dma_wait3A_129 : memref<128x64xf32, #tpu.memory_space<vmem>>)
      %mul3A_136 = arith.constant 128 : i32
      %mul3A_137 = arith.muli %add3A_115, %mul3A_136 : i32
      %add3A_138 = arith.addi %mul3A_12, %mul3A_137 : i32
      "tpu.region"() ({
        %run_scoped3A = tpu.sem_alloc : memref<!tpu.dma_semaphore, #tpu.memory_space<semaphore_mem>>
        %dma_start3A_139 = arith.constant 0 : i32
        %dma_start3A_140 = tpu.memref_slice %arg5[%add3A_138, %dma_start3A_139] : memref<327680x64xf32, #tpu.memory_space<hbm>> -> memref<256x64xf32, #tpu.memory_space<hbm>>
        %dma_start3A_141 = arith.constant 0 : i32
        %dma_start3A_142 = tpu.memref_slice %arg5[%add3A_138, %dma_start3A_141] : memref<327680x64xf32, #tpu.memory_space<hbm>> -> memref<256x64xf32, #tpu.memory_space<hbm>>
        tpu.enqueue_dma source(%arg11 : memref<256x64xf32, #tpu.memory_space<vmem>>) target(%dma_start3A_142 : memref<256x64xf32, #tpu.memory_space<hbm>>) target_semaphore(%run_scoped3A : memref<!tpu.dma_semaphore, #tpu.memory_space<semaphore_mem>>)
        %dma_wait3A_143 = arith.constant 0 : i32
        %dma_wait3A_144 = tpu.memref_slice %arg5[%add3A_138, %dma_wait3A_143] : memref<327680x64xf32, #tpu.memory_space<hbm>> -> memref<256x64xf32, #tpu.memory_space<hbm>>
        %dma_wait3A_145 = arith.constant 0 : i32
        %dma_wait3A_146 = tpu.memref_slice %arg5[%add3A_138, %dma_wait3A_145] : memref<327680x64xf32, #tpu.memory_space<hbm>> -> memref<256x64xf32, #tpu.memory_space<hbm>>
        tpu.wait_dma2 semaphore(%run_scoped3A : memref<!tpu.dma_semaphore, #tpu.memory_space<semaphore_mem>>) src(%arg11 : memref<256x64xf32, #tpu.memory_space<vmem>>) dst(%dma_wait3A_146 : memref<256x64xf32, #tpu.memory_space<hbm>>)
        tpu.yield
      }) : () -> ()
    }
    %scan3A_36 = arith.constant 20 : i32
    %dma_start3A_37 = arith.constant 0 : i32
    %dma_start3A_38 = arith.constant 0 : i32
    %dma_start3A_39 = arith.constant 0 : i32
    %dma_start3A_40 = tpu.memref_slice %arg10[%dma_start3A_38, %dma_start3A_39] : memref<256x64xf32, #tpu.memory_space<vmem>> -> memref<128x64xf32, #tpu.memory_space<vmem>>
    %dma_start3A_41 = arith.constant 0 : i32
    %dma_start3A_42 = tpu.memref_slice %arg9[%dma_start3A_37, %dma_start3A_41] : memref<80x128xi32, #tpu.memory_space<vmem>> -> memref<1x128xi32, #tpu.memory_space<vmem>>
    %dma_start3A_43 = tpu.memref_squeeze %dma_start3A_42 : memref<1x128xi32, #tpu.memory_space<vmem>> -> memref<128xi32, #tpu.memory_space<vmem>>
    %dma_start3A_44 = arith.constant 0 : i32
    %dma_start3A_45 = arith.constant 0 : i32
    %dma_start3A_46 = tpu.memref_slice %arg7[%dma_start3A_44, %dma_start3A_45] : memref<10000x64xf32, #tpu.memory_space<vmem_shared>> -> memref<10000x64xf32, #tpu.memory_space<vmem_shared>>
    tpu.enqueue_indirect_dma source(%dma_start3A_46 : memref<10000x64xf32, #tpu.memory_space<vmem_shared>>) target(%dma_start3A_40 : memref<128x64xf32, #tpu.memory_space<vmem>>) offsets(%dma_start3A_43 : memref<128xi32, #tpu.memory_space<vmem>>) semaphore(%arg12 : memref<!tpu.dma_semaphore, #tpu.memory_space<semaphore_mem>>)
    %dma_start3A_47 = arith.constant 1 : i32
    %dma_start3A_48 = arith.constant 128 : i32
    %dma_start3A_49 = arith.constant 0 : i32
    %dma_start3A_50 = tpu.memref_slice %arg10[%dma_start3A_48, %dma_start3A_49] : memref<256x64xf32, #tpu.memory_space<vmem>> -> memref<128x64xf32, #tpu.memory_space<vmem>>
    %dma_start3A_51 = arith.constant 0 : i32
    %dma_start3A_52 = tpu.memref_slice %arg9[%dma_start3A_47, %dma_start3A_51] : memref<80x128xi32, #tpu.memory_space<vmem>> -> memref<1x128xi32, #tpu.memory_space<vmem>>
    %dma_start3A_53 = tpu.memref_squeeze %dma_start3A_52 : memref<1x128xi32, #tpu.memory_space<vmem>> -> memref<128xi32, #tpu.memory_space<vmem>>
    %dma_start3A_54 = arith.constant 0 : i32
    %dma_start3A_55 = arith.constant 0 : i32
    %dma_start3A_56 = tpu.memref_slice %arg7[%dma_start3A_54, %dma_start3A_55] : memref<10000x64xf32, #tpu.memory_space<vmem_shared>> -> memref<10000x64xf32, #tpu.memory_space<vmem_shared>>
    tpu.enqueue_indirect_dma source(%dma_start3A_56 : memref<10000x64xf32, #tpu.memory_space<vmem_shared>>) target(%dma_start3A_50 : memref<128x64xf32, #tpu.memory_space<vmem>>) offsets(%dma_start3A_53 : memref<128xi32, #tpu.memory_space<vmem>>) semaphore(%arg12 : memref<!tpu.dma_semaphore, #tpu.memory_space<semaphore_mem>>)
    %scan3A_57 = arith.constant 0 : i32
    %scan3A_58 = arith.constant 0 : i32
    %scan3A_59 = arith.constant 20 : i32
    %scan3A_60 = arith.addi %scan3A_58, %scan3A_59 : i32
    %scan3A_61 = arith.constant 1 : i32
    scf.for %scan3A_63 = %scan3A_58 to %scan3A_60 step %scan3A_61  : i32 {
      %mul3A_64 = arith.constant 4 : i32
      %mul3A_65 = arith.muli %scan3A_63, %mul3A_64 : i32
      %add3A_66 = arith.constant 2 : i32
      %add3A_67 = arith.addi %mul3A_65, %add3A_66 : i32
      %add3A_68 = arith.constant 0 : i32
      %add3A_69 = arith.addi %add3A_67, %add3A_68 : i32
      %dma_start3A_70 = arith.constant 0 : i32
      %dma_start3A_71 = arith.constant 0 : i32
      %dma_start3A_72 = tpu.memref_slice %arg11[%dma_start3A_70, %dma_start3A_71] : memref<256x64xf32, #tpu.memory_space<vmem>> -> memref<128x64xf32, #tpu.memory_space<vmem>>
      %dma_start3A_73 = arith.constant 0 : i32
      %dma_start3A_74 = tpu.memref_slice %arg9[%add3A_69, %dma_start3A_73] : memref<80x128xi32, #tpu.memory_space<vmem>> -> memref<1x128xi32, #tpu.memory_space<vmem>>
      %dma_start3A_75 = tpu.memref_squeeze %dma_start3A_74 : memref<1x128xi32, #tpu.memory_space<vmem>> -> memref<128xi32, #tpu.memory_space<vmem>>
      %dma_start3A_76 = arith.constant 0 : i32
      %dma_start3A_77 = arith.constant 0 : i32
      %dma_start3A_78 = tpu.memref_slice %arg7[%dma_start3A_76, %dma_start3A_77] : memref<10000x64xf32, #tpu.memory_space<vmem_shared>> -> memref<10000x64xf32, #tpu.memory_space<vmem_shared>>
      tpu.enqueue_indirect_dma source(%dma_start3A_78 : memref<10000x64xf32, #tpu.memory_space<vmem_shared>>) target(%dma_start3A_72 : memref<128x64xf32, #tpu.memory_space<vmem>>) offsets(%dma_start3A_75 : memref<128xi32, #tpu.memory_space<vmem>>) semaphore(%arg13 : memref<!tpu.dma_semaphore, #tpu.memory_space<semaphore_mem>>)
      %add3A_79 = arith.constant 1 : i32
      %add3A_80 = arith.addi %add3A_67, %add3A_79 : i32
      %dma_start3A_81 = arith.constant 128 : i32
      %dma_start3A_82 = arith.constant 0 : i32
      %dma_start3A_83 = tpu.memref_slice %arg11[%dma_start3A_81, %dma_start3A_82] : memref<256x64xf32, #tpu.memory_space<vmem>> -> memref<128x64xf32, #tpu.memory_space<vmem>>
      %dma_start3A_84 = arith.constant 0 : i32
      %dma_start3A_85 = tpu.memref_slice %arg9[%add3A_80, %dma_start3A_84] : memref<80x128xi32, #tpu.memory_space<vmem>> -> memref<1x128xi32, #tpu.memory_space<vmem>>
      %dma_start3A_86 = tpu.memref_squeeze %dma_start3A_85 : memref<1x128xi32, #tpu.memory_space<vmem>> -> memref<128xi32, #tpu.memory_space<vmem>>
      %dma_start3A_87 = arith.constant 0 : i32
      %dma_start3A_88 = arith.constant 0 : i32
      %dma_start3A_89 = tpu.memref_slice %arg7[%dma_start3A_87, %dma_start3A_88] : memref<10000x64xf32, #tpu.memory_space<vmem_shared>> -> memref<10000x64xf32, #tpu.memory_space<vmem_shared>>
      tpu.enqueue_indirect_dma source(%dma_start3A_89 : memref<10000x64xf32, #tpu.memory_space<vmem_shared>>) target(%dma_start3A_83 : memref<128x64xf32, #tpu.memory_space<vmem>>) offsets(%dma_start3A_86 : memref<128xi32, #tpu.memory_space<vmem>>) semaphore(%arg13 : memref<!tpu.dma_semaphore, #tpu.memory_space<semaphore_mem>>)
      %dma_wait3A = arith.constant 0 : i32
      %dma_wait3A_90 = arith.constant 0 : i32
      %dma_wait3A_91 = arith.constant 0 : i32
      %dma_wait3A_92 = tpu.memref_slice %arg10[%dma_wait3A_90, %dma_wait3A_91] : memref<256x64xf32, #tpu.memory_space<vmem>> -> memref<128x64xf32, #tpu.memory_space<vmem>>
      %dma_wait3A_93 = arith.constant 0 : i32
      %dma_wait3A_94 = tpu.memref_slice %arg9[%dma_wait3A, %dma_wait3A_93] : memref<80x128xi32, #tpu.memory_space<vmem>> -> memref<1x128xi32, #tpu.memory_space<vmem>>
      %dma_wait3A_95 = tpu.memref_squeeze %dma_wait3A_94 : memref<1x128xi32, #tpu.memory_space<vmem>> -> memref<128xi32, #tpu.memory_space<vmem>>
      %dma_wait3A_96 = arith.constant 0 : i32
      %dma_wait3A_97 = arith.constant 0 : i32
      %dma_wait3A_98 = tpu.memref_slice %arg7[%dma_wait3A_96, %dma_wait3A_97] : memref<10000x64xf32, #tpu.memory_space<vmem_shared>> -> memref<10000x64xf32, #tpu.memory_space<vmem_shared>>
      tpu.wait_indirect_dma semaphore(%arg12 : memref<!tpu.dma_semaphore, #tpu.memory_space<semaphore_mem>>) src(%dma_wait3A_98 : memref<10000x64xf32, #tpu.memory_space<vmem_shared>>) dst(%dma_wait3A_92 : memref<128x64xf32, #tpu.memory_space<vmem>>)
      %dma_wait3A_99 = arith.constant 0 : i32
      %dma_wait3A_100 = arith.constant 128 : i32
      %dma_wait3A_101 = arith.constant 0 : i32
      %dma_wait3A_102 = tpu.memref_slice %arg10[%dma_wait3A_100, %dma_wait3A_101] : memref<256x64xf32, #tpu.memory_space<vmem>> -> memref<128x64xf32, #tpu.memory_space<vmem>>
      %dma_wait3A_103 = arith.constant 0 : i32
      %dma_wait3A_104 = tpu.memref_slice %arg9[%dma_wait3A_99, %dma_wait3A_103] : memref<80x128xi32, #tpu.memory_space<vmem>> -> memref<1x128xi32, #tpu.memory_space<vmem>>
      %dma_wait3A_105 = tpu.memref_squeeze %dma_wait3A_104 : memref<1x128xi32, #tpu.memory_space<vmem>> -> memref<128xi32, #tpu.memory_space<vmem>>
      %dma_wait3A_106 = arith.constant 0 : i32
      %dma_wait3A_107 = arith.constant 0 : i32
      %dma_wait3A_108 = tpu.memref_slice %arg7[%dma_wait3A_106, %dma_wait3A_107] : memref<10000x64xf32, #tpu.memory_space<vmem_shared>> -> memref<10000x64xf32, #tpu.memory_space<vmem_shared>>
      tpu.wait_indirect_dma semaphore(%arg12 : memref<!tpu.dma_semaphore, #tpu.memory_space<semaphore_mem>>) src(%dma_wait3A_108 : memref<10000x64xf32, #tpu.memory_space<vmem_shared>>) dst(%dma_wait3A_102 : memref<128x64xf32, #tpu.memory_space<vmem>>)
      %mul3A_109 = arith.constant 128 : i32
      %mul3A_110 = arith.muli %mul3A_65, %mul3A_109 : i32
      %add3A_111 = arith.addi %mul3A_12, %mul3A_110 : i32
      "tpu.region"() ({
        %run_scoped3A = tpu.sem_alloc : memref<!tpu.dma_semaphore, #tpu.memory_space<semaphore_mem>>
        %dma_start3A_139 = arith.constant 0 : i32
        %dma_start3A_140 = tpu.memref_slice %arg6[%add3A_111, %dma_start3A_139] : memref<327680x64xf32, #tpu.memory_space<hbm>> -> memref<256x64xf32, #tpu.memory_space<hbm>>
        %dma_start3A_141 = arith.constant 0 : i32
        %dma_start3A_142 = tpu.memref_slice %arg6[%add3A_111, %dma_start3A_141] : memref<327680x64xf32, #tpu.memory_space<hbm>> -> memref<256x64xf32, #tpu.memory_space<hbm>>
        tpu.enqueue_dma source(%arg10 : memref<256x64xf32, #tpu.memory_space<vmem>>) target(%dma_start3A_142 : memref<256x64xf32, #tpu.memory_space<hbm>>) target_semaphore(%run_scoped3A : memref<!tpu.dma_semaphore, #tpu.memory_space<semaphore_mem>>)
        %dma_wait3A_143 = arith.constant 0 : i32
        %dma_wait3A_144 = tpu.memref_slice %arg6[%add3A_111, %dma_wait3A_143] : memref<327680x64xf32, #tpu.memory_space<hbm>> -> memref<256x64xf32, #tpu.memory_space<hbm>>
        %dma_wait3A_145 = arith.constant 0 : i32
        %dma_wait3A_146 = tpu.memref_slice %arg6[%add3A_111, %dma_wait3A_145] : memref<327680x64xf32, #tpu.memory_space<hbm>> -> memref<256x64xf32, #tpu.memory_space<hbm>>
        tpu.wait_dma2 semaphore(%run_scoped3A : memref<!tpu.dma_semaphore, #tpu.memory_space<semaphore_mem>>) src(%arg10 : memref<256x64xf32, #tpu.memory_space<vmem>>) dst(%dma_wait3A_146 : memref<256x64xf32, #tpu.memory_space<hbm>>)
        tpu.yield
      }) : () -> ()
      %lt3A = arith.constant 19 : i32
      %lt3A_112 = arith.cmpi slt, %scan3A_63, %lt3A : i32
      %convert_element_type3A = arith.extui %lt3A_112 : i1 to i32
      %cond3A = arith.constant 0 : i32
      %cond3A_113 = arith.cmpi ne, %convert_element_type3A, %cond3A : i32
      scf.if %cond3A_113 {
        %add3A_139 = arith.constant 4 : i32
        %add3A_140 = arith.addi %mul3A_65, %add3A_139 : i32
        %add3A_141 = arith.constant 0 : i32
        %add3A_142 = arith.addi %add3A_140, %add3A_141 : i32
        %dma_start3A_143 = arith.constant 0 : i32
        %dma_start3A_144 = arith.constant 0 : i32
        %dma_start3A_145 = tpu.memref_slice %arg10[%dma_start3A_143, %dma_start3A_144] : memref<256x64xf32, #tpu.memory_space<vmem>> -> memref<128x64xf32, #tpu.memory_space<vmem>>
        %dma_start3A_146 = arith.constant 0 : i32
        %dma_start3A_147 = tpu.memref_slice %arg9[%add3A_142, %dma_start3A_146] : memref<80x128xi32, #tpu.memory_space<vmem>> -> memref<1x128xi32, #tpu.memory_space<vmem>>
        %dma_start3A_148 = tpu.memref_squeeze %dma_start3A_147 : memref<1x128xi32, #tpu.memory_space<vmem>> -> memref<128xi32, #tpu.memory_space<vmem>>
        %dma_start3A_149 = arith.constant 0 : i32
        %dma_start3A_150 = arith.constant 0 : i32
        %dma_start3A_151 = tpu.memref_slice %arg7[%dma_start3A_149, %dma_start3A_150] : memref<10000x64xf32, #tpu.memory_space<vmem_shared>> -> memref<10000x64xf32, #tpu.memory_space<vmem_shared>>
        tpu.enqueue_indirect_dma source(%dma_start3A_151 : memref<10000x64xf32, #tpu.memory_space<vmem_shared>>) target(%dma_start3A_145 : memref<128x64xf32, #tpu.memory_space<vmem>>) offsets(%dma_start3A_148 : memref<128xi32, #tpu.memory_space<vmem>>) semaphore(%arg12 : memref<!tpu.dma_semaphore, #tpu.memory_space<semaphore_mem>>)
        %add3A_152 = arith.constant 1 : i32
        %add3A_153 = arith.addi %add3A_140, %add3A_152 : i32
        %dma_start3A_154 = arith.constant 128 : i32
        %dma_start3A_155 = arith.constant 0 : i32
        %dma_start3A_156 = tpu.memref_slice %arg10[%dma_start3A_154, %dma_start3A_155] : memref<256x64xf32, #tpu.memory_space<vmem>> -> memref<128x64xf32, #tpu.memory_space<vmem>>
        %dma_start3A_157 = arith.constant 0 : i32
        %dma_start3A_158 = tpu.memref_slice %arg9[%add3A_153, %dma_start3A_157] : memref<80x128xi32, #tpu.memory_space<vmem>> -> memref<1x128xi32, #tpu.memory_space<vmem>>
        %dma_start3A_159 = tpu.memref_squeeze %dma_start3A_158 : memref<1x128xi32, #tpu.memory_space<vmem>> -> memref<128xi32, #tpu.memory_space<vmem>>
        %dma_start3A_160 = arith.constant 0 : i32
        %dma_start3A_161 = arith.constant 0 : i32
        %dma_start3A_162 = tpu.memref_slice %arg7[%dma_start3A_160, %dma_start3A_161] : memref<10000x64xf32, #tpu.memory_space<vmem_shared>> -> memref<10000x64xf32, #tpu.memory_space<vmem_shared>>
        tpu.enqueue_indirect_dma source(%dma_start3A_162 : memref<10000x64xf32, #tpu.memory_space<vmem_shared>>) target(%dma_start3A_156 : memref<128x64xf32, #tpu.memory_space<vmem>>) offsets(%dma_start3A_159 : memref<128xi32, #tpu.memory_space<vmem>>) semaphore(%arg12 : memref<!tpu.dma_semaphore, #tpu.memory_space<semaphore_mem>>)
      } else {
      }
      %add3A_114 = arith.constant 2 : i32
      %add3A_115 = arith.addi %mul3A_65, %add3A_114 : i32
      %dma_wait3A_116 = arith.constant 0 : i32
      %dma_wait3A_117 = arith.constant 0 : i32
      %dma_wait3A_118 = arith.constant 0 : i32
      %dma_wait3A_119 = tpu.memref_slice %arg11[%dma_wait3A_117, %dma_wait3A_118] : memref<256x64xf32, #tpu.memory_space<vmem>> -> memref<128x64xf32, #tpu.memory_space<vmem>>
      %dma_wait3A_120 = arith.constant 0 : i32
      %dma_wait3A_121 = tpu.memref_slice %arg9[%dma_wait3A_116, %dma_wait3A_120] : memref<80x128xi32, #tpu.memory_space<vmem>> -> memref<1x128xi32, #tpu.memory_space<vmem>>
      %dma_wait3A_122 = tpu.memref_squeeze %dma_wait3A_121 : memref<1x128xi32, #tpu.memory_space<vmem>> -> memref<128xi32, #tpu.memory_space<vmem>>
      %dma_wait3A_123 = arith.constant 0 : i32
      %dma_wait3A_124 = arith.constant 0 : i32
      %dma_wait3A_125 = tpu.memref_slice %arg7[%dma_wait3A_123, %dma_wait3A_124] : memref<10000x64xf32, #tpu.memory_space<vmem_shared>> -> memref<10000x64xf32, #tpu.memory_space<vmem_shared>>
      tpu.wait_indirect_dma semaphore(%arg13 : memref<!tpu.dma_semaphore, #tpu.memory_space<semaphore_mem>>) src(%dma_wait3A_125 : memref<10000x64xf32, #tpu.memory_space<vmem_shared>>) dst(%dma_wait3A_119 : memref<128x64xf32, #tpu.memory_space<vmem>>)
      %dma_wait3A_126 = arith.constant 0 : i32
      %dma_wait3A_127 = arith.constant 128 : i32
      %dma_wait3A_128 = arith.constant 0 : i32
      %dma_wait3A_129 = tpu.memref_slice %arg11[%dma_wait3A_127, %dma_wait3A_128] : memref<256x64xf32, #tpu.memory_space<vmem>> -> memref<128x64xf32, #tpu.memory_space<vmem>>
      %dma_wait3A_130 = arith.constant 0 : i32
      %dma_wait3A_131 = tpu.memref_slice %arg9[%dma_wait3A_126, %dma_wait3A_130] : memref<80x128xi32, #tpu.memory_space<vmem>> -> memref<1x128xi32, #tpu.memory_space<vmem>>
      %dma_wait3A_132 = tpu.memref_squeeze %dma_wait3A_131 : memref<1x128xi32, #tpu.memory_space<vmem>> -> memref<128xi32, #tpu.memory_space<vmem>>
      %dma_wait3A_133 = arith.constant 0 : i32
      %dma_wait3A_134 = arith.constant 0 : i32
      %dma_wait3A_135 = tpu.memref_slice %arg7[%dma_wait3A_133, %dma_wait3A_134] : memref<10000x64xf32, #tpu.memory_space<vmem_shared>> -> memref<10000x64xf32, #tpu.memory_space<vmem_shared>>
      tpu.wait_indirect_dma semaphore(%arg13 : memref<!tpu.dma_semaphore, #tpu.memory_space<semaphore_mem>>) src(%dma_wait3A_135 : memref<10000x64xf32, #tpu.memory_space<vmem_shared>>) dst(%dma_wait3A_129 : memref<128x64xf32, #tpu.memory_space<vmem>>)
      %mul3A_136 = arith.constant 128 : i32
      %mul3A_137 = arith.muli %add3A_115, %mul3A_136 : i32
      %add3A_138 = arith.addi %mul3A_12, %mul3A_137 : i32
      "tpu.region"() ({
        %run_scoped3A = tpu.sem_alloc : memref<!tpu.dma_semaphore, #tpu.memory_space<semaphore_mem>>
        %dma_start3A_139 = arith.constant 0 : i32
        %dma_start3A_140 = tpu.memref_slice %arg6[%add3A_138, %dma_start3A_139] : memref<327680x64xf32, #tpu.memory_space<hbm>> -> memref<256x64xf32, #tpu.memory_space<hbm>>
        %dma_start3A_141 = arith.constant 0 : i32
        %dma_start3A_142 = tpu.memref_slice %arg6[%add3A_138, %dma_start3A_141] : memref<327680x64xf32, #tpu.memory_space<hbm>> -> memref<256x64xf32, #tpu.memory_space<hbm>>
        tpu.enqueue_dma source(%arg11 : memref<256x64xf32, #tpu.memory_space<vmem>>) target(%dma_start3A_142 : memref<256x64xf32, #tpu.memory_space<hbm>>) target_semaphore(%run_scoped3A : memref<!tpu.dma_semaphore, #tpu.memory_space<semaphore_mem>>)
        %dma_wait3A_143 = arith.constant 0 : i32
        %dma_wait3A_144 = tpu.memref_slice %arg6[%add3A_138, %dma_wait3A_143] : memref<327680x64xf32, #tpu.memory_space<hbm>> -> memref<256x64xf32, #tpu.memory_space<hbm>>
        %dma_wait3A_145 = arith.constant 0 : i32
        %dma_wait3A_146 = tpu.memref_slice %arg6[%add3A_138, %dma_wait3A_145] : memref<327680x64xf32, #tpu.memory_space<hbm>> -> memref<256x64xf32, #tpu.memory_space<hbm>>
        tpu.wait_dma2 semaphore(%run_scoped3A : memref<!tpu.dma_semaphore, #tpu.memory_space<semaphore_mem>>) src(%arg11 : memref<256x64xf32, #tpu.memory_space<vmem>>) dst(%dma_wait3A_146 : memref<256x64xf32, #tpu.memory_space<hbm>>)
        tpu.yield
      }) : () -> ()
    }
    %scan3A_62 = arith.constant 20 : i32
    return
  }
}

#map = affine_map<(d0, d1) -> (0, 0)>
#map1 = affine_map<(d0, d1) -> (0, 0, 0, 0)>
module attributes {stable_mosaic.version = 14 : i64} {
  func.func @body(%arg0: i32, %arg1: i32, %arg2: memref<327680x64xf32, #tpu.memory_space<hbm>>, %arg3: memref<2560x128xi32, #tpu.memory_space<hbm>>, %arg4: memref<2560x128xi32, #tpu.memory_space<hbm>>, %arg5: memref<10000x64xf32, #tpu.memory_space<hbm>>, %arg6: memref<2x2x10000x64xf32, #tpu.memory_space<hbm>>, %arg7: memref<10000x64xf32, #tpu.memory_space<vmem_shared>>, %arg8: memref<10000x64xf32, #tpu.memory_space<vmem_shared>>, %arg9: memref<80x128xi32, #tpu.memory_space<vmem>>, %arg10: memref<80x128xi32, #tpu.memory_space<vmem>>, %arg11: memref<128x64xf32, #tpu.memory_space<vmem>>) attributes {dimension_semantics = [#tpu.dimension_semantics<core_parallel>, #tpu.dimension_semantics<subcore_parallel>], iteration_bounds = array<i64: 2, 16>, scalar_prefetch = 0 : i64, scratch_operands = 5 : i64, tpu.core_type = #tpu.core_type<sc_vector_subcore>, window_params = [{transform_indices = #map}, {transform_indices = #map}, {transform_indices = #map}, {transform_indices = #map}, {transform_indices = #map1}]} {
    %mul3A = arith.constant 2 : i32
    %mul3A_0 = arith.muli %arg1, %mul3A : i32
    %add3A = arith.addi %mul3A_0, %arg0 : i32
    %mul3A_1 = arith.constant 625 : i32
    %mul3A_2 = arith.muli %arg1, %mul3A_1 : i32
    %mul3A_3 = arith.constant 625 : i32
    %mul3A_4 = arith.muli %arg1, %mul3A_3 : i32
    "tpu.region"() ({
      %run_scoped3A_32 = tpu.sem_alloc : memref<!tpu.dma_semaphore, #tpu.memory_space<semaphore_mem>>
      %dma_start3A = arith.constant 0 : i32
      %dma_start3A_33 = tpu.memref_slice %arg7[%mul3A_4, %dma_start3A] : memref<10000x64xf32, #tpu.memory_space<vmem_shared>> -> memref<625x64xf32, #tpu.memory_space<vmem_shared>>
      %dma_start3A_34 = arith.constant 0 : i32
      %dma_start3A_35 = tpu.memref_slice %arg5[%mul3A_2, %dma_start3A_34] : memref<10000x64xf32, #tpu.memory_space<hbm>> -> memref<625x64xf32, #tpu.memory_space<hbm>>
      tpu.enqueue_dma source(%dma_start3A_35 : memref<625x64xf32, #tpu.memory_space<hbm>>) target(%dma_start3A_33 : memref<625x64xf32, #tpu.memory_space<vmem_shared>>) target_semaphore(%run_scoped3A_32 : memref<!tpu.dma_semaphore, #tpu.memory_space<semaphore_mem>>)
      %dma_wait3A = arith.constant 0 : i32
      %dma_wait3A_36 = tpu.memref_slice %arg7[%mul3A_4, %dma_wait3A] : memref<10000x64xf32, #tpu.memory_space<vmem_shared>> -> memref<625x64xf32, #tpu.memory_space<vmem_shared>>
      %dma_wait3A_37 = arith.constant 0 : i32
      %dma_wait3A_38 = tpu.memref_slice %arg5[%mul3A_2, %dma_wait3A_37] : memref<10000x64xf32, #tpu.memory_space<hbm>> -> memref<625x64xf32, #tpu.memory_space<hbm>>
      tpu.wait_dma2 semaphore(%run_scoped3A_32 : memref<!tpu.dma_semaphore, #tpu.memory_space<semaphore_mem>>) src(%dma_wait3A_38 : memref<625x64xf32, #tpu.memory_space<hbm>>) dst(%dma_wait3A_36 : memref<625x64xf32, #tpu.memory_space<vmem_shared>>)
      tpu.yield
    }) : () -> ()
    %mul3A_5 = arith.constant 625 : i32
    %mul3A_6 = arith.muli %arg1, %mul3A_5 : i32
    %mul3A_7 = arith.constant 625 : i32
    %mul3A_8 = arith.muli %arg1, %mul3A_7 : i32
    "tpu.region"() ({
      %run_scoped3A_32 = tpu.sem_alloc : memref<!tpu.dma_semaphore, #tpu.memory_space<semaphore_mem>>
      %dma_start3A = arith.constant 0 : i32
      %dma_start3A_33 = tpu.memref_slice %arg8[%mul3A_8, %dma_start3A] : memref<10000x64xf32, #tpu.memory_space<vmem_shared>> -> memref<625x64xf32, #tpu.memory_space<vmem_shared>>
      %dma_start3A_34 = arith.constant 0 : i32
      %dma_start3A_35 = tpu.memref_slice %arg5[%mul3A_6, %dma_start3A_34] : memref<10000x64xf32, #tpu.memory_space<hbm>> -> memref<625x64xf32, #tpu.memory_space<hbm>>
      tpu.enqueue_dma source(%dma_start3A_35 : memref<625x64xf32, #tpu.memory_space<hbm>>) target(%dma_start3A_33 : memref<625x64xf32, #tpu.memory_space<vmem_shared>>) target_semaphore(%run_scoped3A_32 : memref<!tpu.dma_semaphore, #tpu.memory_space<semaphore_mem>>)
      %dma_wait3A = arith.constant 0 : i32
      %dma_wait3A_36 = tpu.memref_slice %arg8[%mul3A_8, %dma_wait3A] : memref<10000x64xf32, #tpu.memory_space<vmem_shared>> -> memref<625x64xf32, #tpu.memory_space<vmem_shared>>
      %dma_wait3A_37 = arith.constant 0 : i32
      %dma_wait3A_38 = tpu.memref_slice %arg5[%mul3A_6, %dma_wait3A_37] : memref<10000x64xf32, #tpu.memory_space<hbm>> -> memref<625x64xf32, #tpu.memory_space<hbm>>
      tpu.wait_dma2 semaphore(%run_scoped3A_32 : memref<!tpu.dma_semaphore, #tpu.memory_space<semaphore_mem>>) src(%dma_wait3A_38 : memref<625x64xf32, #tpu.memory_space<hbm>>) dst(%dma_wait3A_36 : memref<625x64xf32, #tpu.memory_space<vmem_shared>>)
      tpu.yield
    }) : () -> ()
    %mul3A_9 = arith.constant 80 : i32
    %mul3A_10 = arith.muli %add3A, %mul3A_9 : i32
    "tpu.region"() ({
      %run_scoped3A_32 = tpu.sem_alloc : memref<!tpu.dma_semaphore, #tpu.memory_space<semaphore_mem>>
      %dma_start3A = arith.constant 0 : i32
      %dma_start3A_33 = tpu.memref_slice %arg3[%mul3A_10, %dma_start3A] : memref<2560x128xi32, #tpu.memory_space<hbm>> -> memref<80x128xi32, #tpu.memory_space<hbm>>
      %dma_start3A_34 = arith.constant 0 : i32
      %dma_start3A_35 = tpu.memref_slice %arg3[%mul3A_10, %dma_start3A_34] : memref<2560x128xi32, #tpu.memory_space<hbm>> -> memref<80x128xi32, #tpu.memory_space<hbm>>
      tpu.enqueue_dma source(%dma_start3A_35 : memref<80x128xi32, #tpu.memory_space<hbm>>) target(%arg9 : memref<80x128xi32, #tpu.memory_space<vmem>>) target_semaphore(%run_scoped3A_32 : memref<!tpu.dma_semaphore, #tpu.memory_space<semaphore_mem>>)
      %dma_wait3A = arith.constant 0 : i32
      %dma_wait3A_36 = tpu.memref_slice %arg3[%mul3A_10, %dma_wait3A] : memref<2560x128xi32, #tpu.memory_space<hbm>> -> memref<80x128xi32, #tpu.memory_space<hbm>>
      %dma_wait3A_37 = arith.constant 0 : i32
      %dma_wait3A_38 = tpu.memref_slice %arg3[%mul3A_10, %dma_wait3A_37] : memref<2560x128xi32, #tpu.memory_space<hbm>> -> memref<80x128xi32, #tpu.memory_space<hbm>>
      tpu.wait_dma2 semaphore(%run_scoped3A_32 : memref<!tpu.dma_semaphore, #tpu.memory_space<semaphore_mem>>) src(%dma_wait3A_38 : memref<80x128xi32, #tpu.memory_space<hbm>>) dst(%arg9 : memref<80x128xi32, #tpu.memory_space<vmem>>)
      tpu.yield
    }) : () -> ()
    %mul3A_11 = arith.constant 80 : i32
    %mul3A_12 = arith.muli %add3A, %mul3A_11 : i32
    "tpu.region"() ({
      %run_scoped3A_32 = tpu.sem_alloc : memref<!tpu.dma_semaphore, #tpu.memory_space<semaphore_mem>>
      %dma_start3A = arith.constant 0 : i32
      %dma_start3A_33 = tpu.memref_slice %arg4[%mul3A_12, %dma_start3A] : memref<2560x128xi32, #tpu.memory_space<hbm>> -> memref<80x128xi32, #tpu.memory_space<hbm>>
      %dma_start3A_34 = arith.constant 0 : i32
      %dma_start3A_35 = tpu.memref_slice %arg4[%mul3A_12, %dma_start3A_34] : memref<2560x128xi32, #tpu.memory_space<hbm>> -> memref<80x128xi32, #tpu.memory_space<hbm>>
      tpu.enqueue_dma source(%dma_start3A_35 : memref<80x128xi32, #tpu.memory_space<hbm>>) target(%arg10 : memref<80x128xi32, #tpu.memory_space<vmem>>) target_semaphore(%run_scoped3A_32 : memref<!tpu.dma_semaphore, #tpu.memory_space<semaphore_mem>>)
      %dma_wait3A = arith.constant 0 : i32
      %dma_wait3A_36 = tpu.memref_slice %arg4[%mul3A_12, %dma_wait3A] : memref<2560x128xi32, #tpu.memory_space<hbm>> -> memref<80x128xi32, #tpu.memory_space<hbm>>
      %dma_wait3A_37 = arith.constant 0 : i32
      %dma_wait3A_38 = tpu.memref_slice %arg4[%mul3A_12, %dma_wait3A_37] : memref<2560x128xi32, #tpu.memory_space<hbm>> -> memref<80x128xi32, #tpu.memory_space<hbm>>
      tpu.wait_dma2 semaphore(%run_scoped3A_32 : memref<!tpu.dma_semaphore, #tpu.memory_space<semaphore_mem>>) src(%dma_wait3A_38 : memref<80x128xi32, #tpu.memory_space<hbm>>) dst(%arg10 : memref<80x128xi32, #tpu.memory_space<vmem>>)
      tpu.yield
    }) : () -> ()
    %barrier3A = arith.constant 0 : index
    tpu.barrier barrier_id(%barrier3A)
    %mul3A_13 = arith.constant 80 : i32
    %mul3A_14 = arith.muli %add3A, %mul3A_13 : i32
    %mul3A_15 = arith.constant 128 : i32
    %mul3A_16 = arith.muli %mul3A_14, %mul3A_15 : i32
    %scan3A = arith.constant 0 : i32
    %scan3A_17 = arith.constant 0 : i32
    %scan3A_18 = arith.constant 80 : i32
    %scan3A_19 = arith.addi %scan3A_17, %scan3A_18 : i32
    %scan3A_20 = arith.constant 1 : i32
    scf.for %scan3A_32 = %scan3A_17 to %scan3A_19 step %scan3A_20  : i32 {
      %mul3A_33 = arith.constant 128 : i32
      %mul3A_34 = arith.muli %scan3A_32, %mul3A_33 : i32
      %add3A_35 = arith.addi %mul3A_16, %mul3A_34 : i32
      "tpu.region"() ({
        %run_scoped3A_36 = tpu.sem_alloc : memref<!tpu.dma_semaphore, #tpu.memory_space<semaphore_mem>>
        %dma_start3A = arith.constant 0 : i32
        %dma_start3A_37 = tpu.memref_slice %arg2[%add3A_35, %dma_start3A] : memref<327680x64xf32, #tpu.memory_space<hbm>> -> memref<128x64xf32, #tpu.memory_space<hbm>>
        %dma_start3A_38 = arith.constant 0 : i32
        %dma_start3A_39 = tpu.memref_slice %arg2[%add3A_35, %dma_start3A_38] : memref<327680x64xf32, #tpu.memory_space<hbm>> -> memref<128x64xf32, #tpu.memory_space<hbm>>
        tpu.enqueue_dma source(%dma_start3A_39 : memref<128x64xf32, #tpu.memory_space<hbm>>) target(%arg11 : memref<128x64xf32, #tpu.memory_space<vmem>>) target_semaphore(%run_scoped3A_36 : memref<!tpu.dma_semaphore, #tpu.memory_space<semaphore_mem>>)
        %dma_wait3A = arith.constant 0 : i32
        %dma_wait3A_40 = tpu.memref_slice %arg2[%add3A_35, %dma_wait3A] : memref<327680x64xf32, #tpu.memory_space<hbm>> -> memref<128x64xf32, #tpu.memory_space<hbm>>
        %dma_wait3A_41 = arith.constant 0 : i32
        %dma_wait3A_42 = tpu.memref_slice %arg2[%add3A_35, %dma_wait3A_41] : memref<327680x64xf32, #tpu.memory_space<hbm>> -> memref<128x64xf32, #tpu.memory_space<hbm>>
        tpu.wait_dma2 semaphore(%run_scoped3A_36 : memref<!tpu.dma_semaphore, #tpu.memory_space<semaphore_mem>>) src(%dma_wait3A_42 : memref<128x64xf32, #tpu.memory_space<hbm>>) dst(%arg11 : memref<128x64xf32, #tpu.memory_space<vmem>>)
        tpu.yield
      }) : () -> ()
      "tpu.region"() ({
        %run_scoped3A_36 = tpu.sem_alloc : memref<!tpu.dma_semaphore, #tpu.memory_space<semaphore_mem>>
        %dma_start3A = arith.constant 0 : i32
        %dma_start3A_37 = tpu.memref_slice %arg9[%scan3A_32, %dma_start3A] : memref<80x128xi32, #tpu.memory_space<vmem>> -> memref<1x128xi32, #tpu.memory_space<vmem>>
        %dma_start3A_38 = tpu.memref_squeeze %dma_start3A_37 : memref<1x128xi32, #tpu.memory_space<vmem>> -> memref<128xi32, #tpu.memory_space<vmem>>
        %dma_start3A_39 = arith.constant 0 : i32
        %dma_start3A_40 = arith.constant 0 : i32
        %dma_start3A_41 = tpu.memref_slice %arg7[%dma_start3A_39, %dma_start3A_40] : memref<10000x64xf32, #tpu.memory_space<vmem_shared>> -> memref<10000x64xf32, #tpu.memory_space<vmem_shared>>
        tpu.enqueue_indirect_dma source(%arg11 : memref<128x64xf32, #tpu.memory_space<vmem>>) target(%dma_start3A_41 : memref<10000x64xf32, #tpu.memory_space<vmem_shared>>) offsets(%dma_start3A_38 : memref<128xi32, #tpu.memory_space<vmem>>) semaphore(%run_scoped3A_36 : memref<!tpu.dma_semaphore, #tpu.memory_space<semaphore_mem>>) {add = true}
        %dma_wait3A = arith.constant 0 : i32
        %dma_wait3A_42 = tpu.memref_slice %arg9[%scan3A_32, %dma_wait3A] : memref<80x128xi32, #tpu.memory_space<vmem>> -> memref<1x128xi32, #tpu.memory_space<vmem>>
        %dma_wait3A_43 = tpu.memref_squeeze %dma_wait3A_42 : memref<1x128xi32, #tpu.memory_space<vmem>> -> memref<128xi32, #tpu.memory_space<vmem>>
        %dma_wait3A_44 = arith.constant 0 : i32
        %dma_wait3A_45 = arith.constant 0 : i32
        %dma_wait3A_46 = tpu.memref_slice %arg7[%dma_wait3A_44, %dma_wait3A_45] : memref<10000x64xf32, #tpu.memory_space<vmem_shared>> -> memref<10000x64xf32, #tpu.memory_space<vmem_shared>>
        tpu.wait_indirect_dma semaphore(%run_scoped3A_36 : memref<!tpu.dma_semaphore, #tpu.memory_space<semaphore_mem>>) src(%arg11 : memref<128x64xf32, #tpu.memory_space<vmem>>) dst(%dma_wait3A_46 : memref<10000x64xf32, #tpu.memory_space<vmem_shared>>)
        tpu.yield
      }) : () -> ()
      "tpu.region"() ({
        %run_scoped3A_36 = tpu.sem_alloc : memref<!tpu.dma_semaphore, #tpu.memory_space<semaphore_mem>>
        %dma_start3A = arith.constant 0 : i32
        %dma_start3A_37 = tpu.memref_slice %arg10[%scan3A_32, %dma_start3A] : memref<80x128xi32, #tpu.memory_space<vmem>> -> memref<1x128xi32, #tpu.memory_space<vmem>>
        %dma_start3A_38 = tpu.memref_squeeze %dma_start3A_37 : memref<1x128xi32, #tpu.memory_space<vmem>> -> memref<128xi32, #tpu.memory_space<vmem>>
        %dma_start3A_39 = arith.constant 0 : i32
        %dma_start3A_40 = arith.constant 0 : i32
        %dma_start3A_41 = tpu.memref_slice %arg8[%dma_start3A_39, %dma_start3A_40] : memref<10000x64xf32, #tpu.memory_space<vmem_shared>> -> memref<10000x64xf32, #tpu.memory_space<vmem_shared>>
        tpu.enqueue_indirect_dma source(%arg11 : memref<128x64xf32, #tpu.memory_space<vmem>>) target(%dma_start3A_41 : memref<10000x64xf32, #tpu.memory_space<vmem_shared>>) offsets(%dma_start3A_38 : memref<128xi32, #tpu.memory_space<vmem>>) semaphore(%run_scoped3A_36 : memref<!tpu.dma_semaphore, #tpu.memory_space<semaphore_mem>>) {add = true}
        %dma_wait3A = arith.constant 0 : i32
        %dma_wait3A_42 = tpu.memref_slice %arg10[%scan3A_32, %dma_wait3A] : memref<80x128xi32, #tpu.memory_space<vmem>> -> memref<1x128xi32, #tpu.memory_space<vmem>>
        %dma_wait3A_43 = tpu.memref_squeeze %dma_wait3A_42 : memref<1x128xi32, #tpu.memory_space<vmem>> -> memref<128xi32, #tpu.memory_space<vmem>>
        %dma_wait3A_44 = arith.constant 0 : i32
        %dma_wait3A_45 = arith.constant 0 : i32
        %dma_wait3A_46 = tpu.memref_slice %arg8[%dma_wait3A_44, %dma_wait3A_45] : memref<10000x64xf32, #tpu.memory_space<vmem_shared>> -> memref<10000x64xf32, #tpu.memory_space<vmem_shared>>
        tpu.wait_indirect_dma semaphore(%run_scoped3A_36 : memref<!tpu.dma_semaphore, #tpu.memory_space<semaphore_mem>>) src(%arg11 : memref<128x64xf32, #tpu.memory_space<vmem>>) dst(%dma_wait3A_46 : memref<10000x64xf32, #tpu.memory_space<vmem_shared>>)
        tpu.yield
      }) : () -> ()
    }
    %scan3A_21 = arith.constant 80 : i32
    %barrier3A_22 = arith.constant 0 : index
    tpu.barrier barrier_id(%barrier3A_22)
    %mul3A_23 = arith.constant 625 : i32
    %mul3A_24 = arith.muli %arg1, %mul3A_23 : i32
    %mul3A_25 = arith.constant 625 : i32
    %mul3A_26 = arith.muli %arg1, %mul3A_25 : i32
    %run_scoped3A = arith.constant 0 : i32
    "tpu.region"() ({
      %run_scoped3A_32 = tpu.sem_alloc : memref<!tpu.dma_semaphore, #tpu.memory_space<semaphore_mem>>
      %dma_start3A = arith.constant 0 : i32
      %dma_start3A_33 = tpu.memref_slice %arg6[%run_scoped3A, %arg0, %mul3A_26, %dma_start3A] : memref<2x2x10000x64xf32, #tpu.memory_space<hbm>> -> memref<1x1x625x64xf32, #tpu.memory_space<hbm>>
      %dma_start3A_34 = tpu.memref_squeeze %dma_start3A_33 : memref<1x1x625x64xf32, #tpu.memory_space<hbm>> -> memref<625x64xf32, #tpu.memory_space<hbm>>
      %dma_start3A_35 = arith.constant 0 : i32
      %dma_start3A_36 = tpu.memref_slice %arg7[%mul3A_24, %dma_start3A_35] : memref<10000x64xf32, #tpu.memory_space<vmem_shared>> -> memref<625x64xf32, #tpu.memory_space<vmem_shared>>
      tpu.enqueue_dma source(%dma_start3A_36 : memref<625x64xf32, #tpu.memory_space<vmem_shared>>) target(%dma_start3A_34 : memref<625x64xf32, #tpu.memory_space<hbm>>) target_semaphore(%run_scoped3A_32 : memref<!tpu.dma_semaphore, #tpu.memory_space<semaphore_mem>>)
      %dma_wait3A = arith.constant 0 : i32
      %dma_wait3A_37 = tpu.memref_slice %arg6[%run_scoped3A, %arg0, %mul3A_26, %dma_wait3A] : memref<2x2x10000x64xf32, #tpu.memory_space<hbm>> -> memref<1x1x625x64xf32, #tpu.memory_space<hbm>>
      %dma_wait3A_38 = tpu.memref_squeeze %dma_wait3A_37 : memref<1x1x625x64xf32, #tpu.memory_space<hbm>> -> memref<625x64xf32, #tpu.memory_space<hbm>>
      %dma_wait3A_39 = arith.constant 0 : i32
      %dma_wait3A_40 = tpu.memref_slice %arg7[%mul3A_24, %dma_wait3A_39] : memref<10000x64xf32, #tpu.memory_space<vmem_shared>> -> memref<625x64xf32, #tpu.memory_space<vmem_shared>>
      tpu.wait_dma2 semaphore(%run_scoped3A_32 : memref<!tpu.dma_semaphore, #tpu.memory_space<semaphore_mem>>) src(%dma_wait3A_40 : memref<625x64xf32, #tpu.memory_space<vmem_shared>>) dst(%dma_wait3A_38 : memref<625x64xf32, #tpu.memory_space<hbm>>)
      tpu.yield
    }) : () -> ()
    %mul3A_27 = arith.constant 625 : i32
    %mul3A_28 = arith.muli %arg1, %mul3A_27 : i32
    %mul3A_29 = arith.constant 625 : i32
    %mul3A_30 = arith.muli %arg1, %mul3A_29 : i32
    %run_scoped3A_31 = arith.constant 1 : i32
    "tpu.region"() ({
      %run_scoped3A_32 = tpu.sem_alloc : memref<!tpu.dma_semaphore, #tpu.memory_space<semaphore_mem>>
      %dma_start3A = arith.constant 0 : i32
      %dma_start3A_33 = tpu.memref_slice %arg6[%run_scoped3A_31, %arg0, %mul3A_30, %dma_start3A] : memref<2x2x10000x64xf32, #tpu.memory_space<hbm>> -> memref<1x1x625x64xf32, #tpu.memory_space<hbm>>
      %dma_start3A_34 = tpu.memref_squeeze %dma_start3A_33 : memref<1x1x625x64xf32, #tpu.memory_space<hbm>> -> memref<625x64xf32, #tpu.memory_space<hbm>>
      %dma_start3A_35 = arith.constant 0 : i32
      %dma_start3A_36 = tpu.memref_slice %arg8[%mul3A_28, %dma_start3A_35] : memref<10000x64xf32, #tpu.memory_space<vmem_shared>> -> memref<625x64xf32, #tpu.memory_space<vmem_shared>>
      tpu.enqueue_dma source(%dma_start3A_36 : memref<625x64xf32, #tpu.memory_space<vmem_shared>>) target(%dma_start3A_34 : memref<625x64xf32, #tpu.memory_space<hbm>>) target_semaphore(%run_scoped3A_32 : memref<!tpu.dma_semaphore, #tpu.memory_space<semaphore_mem>>)
      %dma_wait3A = arith.constant 0 : i32
      %dma_wait3A_37 = tpu.memref_slice %arg6[%run_scoped3A_31, %arg0, %mul3A_30, %dma_wait3A] : memref<2x2x10000x64xf32, #tpu.memory_space<hbm>> -> memref<1x1x625x64xf32, #tpu.memory_space<hbm>>
      %dma_wait3A_38 = tpu.memref_squeeze %dma_wait3A_37 : memref<1x1x625x64xf32, #tpu.memory_space<hbm>> -> memref<625x64xf32, #tpu.memory_space<hbm>>
      %dma_wait3A_39 = arith.constant 0 : i32
      %dma_wait3A_40 = tpu.memref_slice %arg8[%mul3A_28, %dma_wait3A_39] : memref<10000x64xf32, #tpu.memory_space<vmem_shared>> -> memref<625x64xf32, #tpu.memory_space<vmem_shared>>
      tpu.wait_dma2 semaphore(%run_scoped3A_32 : memref<!tpu.dma_semaphore, #tpu.memory_space<semaphore_mem>>) src(%dma_wait3A_40 : memref<625x64xf32, #tpu.memory_space<vmem_shared>>) dst(%dma_wait3A_38 : memref<625x64xf32, #tpu.memory_space<hbm>>)
      tpu.yield
    }) : () -> ()
    return
  }
}

#map = affine_map<(d0, d1) -> (0, 0)>
module attributes {stable_mosaic.version = 14 : i64} {
  func.func @body(%arg0: i32, %arg1: i32, %arg2: memref<10000x64xf32, #tpu.memory_space<hbm>>, %arg3: memref<2560x128xi32, #tpu.memory_space<hbm>>, %arg4: memref<2560x128xi32, #tpu.memory_space<hbm>>, %arg5: memref<327680x64xf32, #tpu.memory_space<hbm>>, %arg6: memref<327680x64xf32, #tpu.memory_space<hbm>>, %arg7: memref<10000x64xf32, #tpu.memory_space<vmem_shared>>, %arg8: memref<80x128xi32, #tpu.memory_space<vmem>>, %arg9: memref<80x128xi32, #tpu.memory_space<vmem>>, %arg10: memref<256x64xf32, #tpu.memory_space<vmem>>, %arg11: memref<256x64xf32, #tpu.memory_space<vmem>>, %arg12: memref<!tpu.dma_semaphore, #tpu.memory_space<semaphore_mem>>, %arg13: memref<!tpu.dma_semaphore, #tpu.memory_space<semaphore_mem>>) attributes {dimension_semantics = [#tpu.dimension_semantics<core_parallel>, #tpu.dimension_semantics<subcore_parallel>], iteration_bounds = array<i64: 2, 16>, scalar_prefetch = 0 : i64, scratch_operands = 7 : i64, tpu.core_type = #tpu.core_type<sc_vector_subcore>, window_params = [{transform_indices = #map}, {transform_indices = #map}, {transform_indices = #map}, {transform_indices = #map}, {transform_indices = #map}]} {
    %mul3A = arith.constant 2 : i32
    %mul3A_0 = arith.muli %arg1, %mul3A : i32
    %add3A = arith.addi %mul3A_0, %arg0 : i32
    %mul3A_1 = arith.constant 625 : i32
    %mul3A_2 = arith.muli %arg1, %mul3A_1 : i32
    %mul3A_3 = arith.constant 625 : i32
    %mul3A_4 = arith.muli %arg1, %mul3A_3 : i32
    "tpu.region"() ({
      %run_scoped3A = tpu.sem_alloc : memref<!tpu.dma_semaphore, #tpu.memory_space<semaphore_mem>>
      %dma_start3A_63 = arith.constant 0 : i32
      %dma_start3A_64 = tpu.memref_slice %arg7[%mul3A_4, %dma_start3A_63] : memref<10000x64xf32, #tpu.memory_space<vmem_shared>> -> memref<625x64xf32, #tpu.memory_space<vmem_shared>>
      %dma_start3A_65 = arith.constant 0 : i32
      %dma_start3A_66 = tpu.memref_slice %arg2[%mul3A_2, %dma_start3A_65] : memref<10000x64xf32, #tpu.memory_space<hbm>> -> memref<625x64xf32, #tpu.memory_space<hbm>>
      tpu.enqueue_dma source(%dma_start3A_66 : memref<625x64xf32, #tpu.memory_space<hbm>>) target(%dma_start3A_64 : memref<625x64xf32, #tpu.memory_space<vmem_shared>>) target_semaphore(%run_scoped3A : memref<!tpu.dma_semaphore, #tpu.memory_space<semaphore_mem>>)
      %dma_wait3A = arith.constant 0 : i32
      %dma_wait3A_67 = tpu.memref_slice %arg7[%mul3A_4, %dma_wait3A] : memref<10000x64xf32, #tpu.memory_space<vmem_shared>> -> memref<625x64xf32, #tpu.memory_space<vmem_shared>>
      %dma_wait3A_68 = arith.constant 0 : i32
      %dma_wait3A_69 = tpu.memref_slice %arg2[%mul3A_2, %dma_wait3A_68] : memref<10000x64xf32, #tpu.memory_space<hbm>> -> memref<625x64xf32, #tpu.memory_space<hbm>>
      tpu.wait_dma2 semaphore(%run_scoped3A : memref<!tpu.dma_semaphore, #tpu.memory_space<semaphore_mem>>) src(%dma_wait3A_69 : memref<625x64xf32, #tpu.memory_space<hbm>>) dst(%dma_wait3A_67 : memref<625x64xf32, #tpu.memory_space<vmem_shared>>)
      tpu.yield
    }) : () -> ()
    %mul3A_5 = arith.constant 80 : i32
    %mul3A_6 = arith.muli %add3A, %mul3A_5 : i32
    "tpu.region"() ({
      %run_scoped3A = tpu.sem_alloc : memref<!tpu.dma_semaphore, #tpu.memory_space<semaphore_mem>>
      %dma_start3A_63 = arith.constant 0 : i32
      %dma_start3A_64 = tpu.memref_slice %arg3[%mul3A_6, %dma_start3A_63] : memref<2560x128xi32, #tpu.memory_space<hbm>> -> memref<80x128xi32, #tpu.memory_space<hbm>>
      %dma_start3A_65 = arith.constant 0 : i32
      %dma_start3A_66 = tpu.memref_slice %arg3[%mul3A_6, %dma_start3A_65] : memref<2560x128xi32, #tpu.memory_space<hbm>> -> memref<80x128xi32, #tpu.memory_space<hbm>>
      tpu.enqueue_dma source(%dma_start3A_66 : memref<80x128xi32, #tpu.memory_space<hbm>>) target(%arg8 : memref<80x128xi32, #tpu.memory_space<vmem>>) target_semaphore(%run_scoped3A : memref<!tpu.dma_semaphore, #tpu.memory_space<semaphore_mem>>)
      %dma_wait3A = arith.constant 0 : i32
      %dma_wait3A_67 = tpu.memref_slice %arg3[%mul3A_6, %dma_wait3A] : memref<2560x128xi32, #tpu.memory_space<hbm>> -> memref<80x128xi32, #tpu.memory_space<hbm>>
      %dma_wait3A_68 = arith.constant 0 : i32
      %dma_wait3A_69 = tpu.memref_slice %arg3[%mul3A_6, %dma_wait3A_68] : memref<2560x128xi32, #tpu.memory_space<hbm>> -> memref<80x128xi32, #tpu.memory_space<hbm>>
      tpu.wait_dma2 semaphore(%run_scoped3A : memref<!tpu.dma_semaphore, #tpu.memory_space<semaphore_mem>>) src(%dma_wait3A_69 : memref<80x128xi32, #tpu.memory_space<hbm>>) dst(%arg8 : memref<80x128xi32, #tpu.memory_space<vmem>>)
      tpu.yield
    }) : () -> ()
    %mul3A_7 = arith.constant 80 : i32
    %mul3A_8 = arith.muli %add3A, %mul3A_7 : i32
    "tpu.region"() ({
      %run_scoped3A = tpu.sem_alloc : memref<!tpu.dma_semaphore, #tpu.memory_space<semaphore_mem>>
      %dma_start3A_63 = arith.constant 0 : i32
      %dma_start3A_64 = tpu.memref_slice %arg4[%mul3A_8, %dma_start3A_63] : memref<2560x128xi32, #tpu.memory_space<hbm>> -> memref<80x128xi32, #tpu.memory_space<hbm>>
      %dma_start3A_65 = arith.constant 0 : i32
      %dma_start3A_66 = tpu.memref_slice %arg4[%mul3A_8, %dma_start3A_65] : memref<2560x128xi32, #tpu.memory_space<hbm>> -> memref<80x128xi32, #tpu.memory_space<hbm>>
      tpu.enqueue_dma source(%dma_start3A_66 : memref<80x128xi32, #tpu.memory_space<hbm>>) target(%arg9 : memref<80x128xi32, #tpu.memory_space<vmem>>) target_semaphore(%run_scoped3A : memref<!tpu.dma_semaphore, #tpu.memory_space<semaphore_mem>>)
      %dma_wait3A = arith.constant 0 : i32
      %dma_wait3A_67 = tpu.memref_slice %arg4[%mul3A_8, %dma_wait3A] : memref<2560x128xi32, #tpu.memory_space<hbm>> -> memref<80x128xi32, #tpu.memory_space<hbm>>
      %dma_wait3A_68 = arith.constant 0 : i32
      %dma_wait3A_69 = tpu.memref_slice %arg4[%mul3A_8, %dma_wait3A_68] : memref<2560x128xi32, #tpu.memory_space<hbm>> -> memref<80x128xi32, #tpu.memory_space<hbm>>
      tpu.wait_dma2 semaphore(%run_scoped3A : memref<!tpu.dma_semaphore, #tpu.memory_space<semaphore_mem>>) src(%dma_wait3A_69 : memref<80x128xi32, #tpu.memory_space<hbm>>) dst(%arg9 : memref<80x128xi32, #tpu.memory_space<vmem>>)
      tpu.yield
    }) : () -> ()
    %barrier3A = arith.constant 0 : index
    tpu.barrier barrier_id(%barrier3A)
    %mul3A_9 = arith.constant 80 : i32
    %mul3A_10 = arith.muli %add3A, %mul3A_9 : i32
    %mul3A_11 = arith.constant 128 : i32
    %mul3A_12 = arith.muli %mul3A_10, %mul3A_11 : i32
    %dma_start3A = arith.constant 0 : i32
    %dma_start3A_13 = arith.constant 0 : i32
    %dma_start3A_14 = arith.constant 0 : i32
    %dma_start3A_15 = tpu.memref_slice %arg10[%dma_start3A_13, %dma_start3A_14] : memref<256x64xf32, #tpu.memory_space<vmem>> -> memref<128x64xf32, #tpu.memory_space<vmem>>
    %dma_start3A_16 = arith.constant 0 : i32
    %dma_start3A_17 = tpu.memref_slice %arg8[%dma_start3A, %dma_start3A_16] : memref<80x128xi32, #tpu.memory_space<vmem>> -> memref<1x128xi32, #tpu.memory_space<vmem>>
    %dma_start3A_18 = tpu.memref_squeeze %dma_start3A_17 : memref<1x128xi32, #tpu.memory_space<vmem>> -> memref<128xi32, #tpu.memory_space<vmem>>
    %dma_start3A_19 = arith.constant 0 : i32
    %dma_start3A_20 = arith.constant 0 : i32
    %dma_start3A_21 = tpu.memref_slice %arg7[%dma_start3A_19, %dma_start3A_20] : memref<10000x64xf32, #tpu.memory_space<vmem_shared>> -> memref<10000x64xf32, #tpu.memory_space<vmem_shared>>
    tpu.enqueue_indirect_dma source(%dma_start3A_21 : memref<10000x64xf32, #tpu.memory_space<vmem_shared>>) target(%dma_start3A_15 : memref<128x64xf32, #tpu.memory_space<vmem>>) offsets(%dma_start3A_18 : memref<128xi32, #tpu.memory_space<vmem>>) semaphore(%arg12 : memref<!tpu.dma_semaphore, #tpu.memory_space<semaphore_mem>>)
    %dma_start3A_22 = arith.constant 1 : i32
    %dma_start3A_23 = arith.constant 128 : i32
    %dma_start3A_24 = arith.constant 0 : i32
    %dma_start3A_25 = tpu.memref_slice %arg10[%dma_start3A_23, %dma_start3A_24] : memref<256x64xf32, #tpu.memory_space<vmem>> -> memref<128x64xf32, #tpu.memory_space<vmem>>
    %dma_start3A_26 = arith.constant 0 : i32
    %dma_start3A_27 = tpu.memref_slice %arg8[%dma_start3A_22, %dma_start3A_26] : memref<80x128xi32, #tpu.memory_space<vmem>> -> memref<1x128xi32, #tpu.memory_space<vmem>>
    %dma_start3A_28 = tpu.memref_squeeze %dma_start3A_27 : memref<1x128xi32, #tpu.memory_space<vmem>> -> memref<128xi32, #tpu.memory_space<vmem>>
    %dma_start3A_29 = arith.constant 0 : i32
    %dma_start3A_30 = arith.constant 0 : i32
    %dma_start3A_31 = tpu.memref_slice %arg7[%dma_start3A_29, %dma_start3A_30] : memref<10000x64xf32, #tpu.memory_space<vmem_shared>> -> memref<10000x64xf32, #tpu.memory_space<vmem_shared>>
    tpu.enqueue_indirect_dma source(%dma_start3A_31 : memref<10000x64xf32, #tpu.memory_space<vmem_shared>>) target(%dma_start3A_25 : memref<128x64xf32, #tpu.memory_space<vmem>>) offsets(%dma_start3A_28 : memref<128xi32, #tpu.memory_space<vmem>>) semaphore(%arg12 : memref<!tpu.dma_semaphore, #tpu.memory_space<semaphore_mem>>)
    %scan3A = arith.constant 0 : i32
    %scan3A_32 = arith.constant 0 : i32
    %scan3A_33 = arith.constant 20 : i32
    %scan3A_34 = arith.addi %scan3A_32, %scan3A_33 : i32
    %scan3A_35 = arith.constant 1 : i32
    scf.for %scan3A_63 = %scan3A_32 to %scan3A_34 step %scan3A_35  : i32 {
      %mul3A_64 = arith.constant 4 : i32
      %mul3A_65 = arith.muli %scan3A_63, %mul3A_64 : i32
      %add3A_66 = arith.constant 2 : i32
      %add3A_67 = arith.addi %mul3A_65, %add3A_66 : i32
      %add3A_68 = arith.constant 0 : i32
      %add3A_69 = arith.addi %add3A_67, %add3A_68 : i32
      %dma_start3A_70 = arith.constant 0 : i32
      %dma_start3A_71 = arith.constant 0 : i32
      %dma_start3A_72 = tpu.memref_slice %arg11[%dma_start3A_70, %dma_start3A_71] : memref<256x64xf32, #tpu.memory_space<vmem>> -> memref<128x64xf32, #tpu.memory_space<vmem>>
      %dma_start3A_73 = arith.constant 0 : i32
      %dma_start3A_74 = tpu.memref_slice %arg8[%add3A_69, %dma_start3A_73] : memref<80x128xi32, #tpu.memory_space<vmem>> -> memref<1x128xi32, #tpu.memory_space<vmem>>
      %dma_start3A_75 = tpu.memref_squeeze %dma_start3A_74 : memref<1x128xi32, #tpu.memory_space<vmem>> -> memref<128xi32, #tpu.memory_space<vmem>>
      %dma_start3A_76 = arith.constant 0 : i32
      %dma_start3A_77 = arith.constant 0 : i32
      %dma_start3A_78 = tpu.memref_slice %arg7[%dma_start3A_76, %dma_start3A_77] : memref<10000x64xf32, #tpu.memory_space<vmem_shared>> -> memref<10000x64xf32, #tpu.memory_space<vmem_shared>>
      tpu.enqueue_indirect_dma source(%dma_start3A_78 : memref<10000x64xf32, #tpu.memory_space<vmem_shared>>) target(%dma_start3A_72 : memref<128x64xf32, #tpu.memory_space<vmem>>) offsets(%dma_start3A_75 : memref<128xi32, #tpu.memory_space<vmem>>) semaphore(%arg13 : memref<!tpu.dma_semaphore, #tpu.memory_space<semaphore_mem>>)
      %add3A_79 = arith.constant 1 : i32
      %add3A_80 = arith.addi %add3A_67, %add3A_79 : i32
      %dma_start3A_81 = arith.constant 128 : i32
      %dma_start3A_82 = arith.constant 0 : i32
      %dma_start3A_83 = tpu.memref_slice %arg11[%dma_start3A_81, %dma_start3A_82] : memref<256x64xf32, #tpu.memory_space<vmem>> -> memref<128x64xf32, #tpu.memory_space<vmem>>
      %dma_start3A_84 = arith.constant 0 : i32
      %dma_start3A_85 = tpu.memref_slice %arg8[%add3A_80, %dma_start3A_84] : memref<80x128xi32, #tpu.memory_space<vmem>> -> memref<1x128xi32, #tpu.memory_space<vmem>>
      %dma_start3A_86 = tpu.memref_squeeze %dma_start3A_85 : memref<1x128xi32, #tpu.memory_space<vmem>> -> memref<128xi32, #tpu.memory_space<vmem>>
      %dma_start3A_87 = arith.constant 0 : i32
      %dma_start3A_88 = arith.constant 0 : i32
      %dma_start3A_89 = tpu.memref_slice %arg7[%dma_start3A_87, %dma_start3A_88] : memref<10000x64xf32, #tpu.memory_space<vmem_shared>> -> memref<10000x64xf32, #tpu.memory_space<vmem_shared>>
      tpu.enqueue_indirect_dma source(%dma_start3A_89 : memref<10000x64xf32, #tpu.memory_space<vmem_shared>>) target(%dma_start3A_83 : memref<128x64xf32, #tpu.memory_space<vmem>>) offsets(%dma_start3A_86 : memref<128xi32, #tpu.memory_space<vmem>>) semaphore(%arg13 : memref<!tpu.dma_semaphore, #tpu.memory_space<semaphore_mem>>)
      %dma_wait3A = arith.constant 0 : i32
      %dma_wait3A_90 = arith.constant 0 : i32
      %dma_wait3A_91 = arith.constant 0 : i32
      %dma_wait3A_92 = tpu.memref_slice %arg10[%dma_wait3A_90, %dma_wait3A_91] : memref<256x64xf32, #tpu.memory_space<vmem>> -> memref<128x64xf32, #tpu.memory_space<vmem>>
      %dma_wait3A_93 = arith.constant 0 : i32
      %dma_wait3A_94 = tpu.memref_slice %arg8[%dma_wait3A, %dma_wait3A_93] : memref<80x128xi32, #tpu.memory_space<vmem>> -> memref<1x128xi32, #tpu.memory_space<vmem>>
      %dma_wait3A_95 = tpu.memref_squeeze %dma_wait3A_94 : memref<1x128xi32, #tpu.memory_space<vmem>> -> memref<128xi32, #tpu.memory_space<vmem>>
      %dma_wait3A_96 = arith.constant 0 : i32
      %dma_wait3A_97 = arith.constant 0 : i32
      %dma_wait3A_98 = tpu.memref_slice %arg7[%dma_wait3A_96, %dma_wait3A_97] : memref<10000x64xf32, #tpu.memory_space<vmem_shared>> -> memref<10000x64xf32, #tpu.memory_space<vmem_shared>>
      tpu.wait_indirect_dma semaphore(%arg12 : memref<!tpu.dma_semaphore, #tpu.memory_space<semaphore_mem>>) src(%dma_wait3A_98 : memref<10000x64xf32, #tpu.memory_space<vmem_shared>>) dst(%dma_wait3A_92 : memref<128x64xf32, #tpu.memory_space<vmem>>)
      %dma_wait3A_99 = arith.constant 0 : i32
      %dma_wait3A_100 = arith.constant 128 : i32
      %dma_wait3A_101 = arith.constant 0 : i32
      %dma_wait3A_102 = tpu.memref_slice %arg10[%dma_wait3A_100, %dma_wait3A_101] : memref<256x64xf32, #tpu.memory_space<vmem>> -> memref<128x64xf32, #tpu.memory_space<vmem>>
      %dma_wait3A_103 = arith.constant 0 : i32
      %dma_wait3A_104 = tpu.memref_slice %arg8[%dma_wait3A_99, %dma_wait3A_103] : memref<80x128xi32, #tpu.memory_space<vmem>> -> memref<1x128xi32, #tpu.memory_space<vmem>>
      %dma_wait3A_105 = tpu.memref_squeeze %dma_wait3A_104 : memref<1x128xi32, #tpu.memory_space<vmem>> -> memref<128xi32, #tpu.memory_space<vmem>>
      %dma_wait3A_106 = arith.constant 0 : i32
      %dma_wait3A_107 = arith.constant 0 : i32
      %dma_wait3A_108 = tpu.memref_slice %arg7[%dma_wait3A_106, %dma_wait3A_107] : memref<10000x64xf32, #tpu.memory_space<vmem_shared>> -> memref<10000x64xf32, #tpu.memory_space<vmem_shared>>
      tpu.wait_indirect_dma semaphore(%arg12 : memref<!tpu.dma_semaphore, #tpu.memory_space<semaphore_mem>>) src(%dma_wait3A_108 : memref<10000x64xf32, #tpu.memory_space<vmem_shared>>) dst(%dma_wait3A_102 : memref<128x64xf32, #tpu.memory_space<vmem>>)
      %mul3A_109 = arith.constant 128 : i32
      %mul3A_110 = arith.muli %mul3A_65, %mul3A_109 : i32
      %add3A_111 = arith.addi %mul3A_12, %mul3A_110 : i32
      "tpu.region"() ({
        %run_scoped3A = tpu.sem_alloc : memref<!tpu.dma_semaphore, #tpu.memory_space<semaphore_mem>>
        %dma_start3A_139 = arith.constant 0 : i32
        %dma_start3A_140 = tpu.memref_slice %arg5[%add3A_111, %dma_start3A_139] : memref<327680x64xf32, #tpu.memory_space<hbm>> -> memref<256x64xf32, #tpu.memory_space<hbm>>
        %dma_start3A_141 = arith.constant 0 : i32
        %dma_start3A_142 = tpu.memref_slice %arg5[%add3A_111, %dma_start3A_141] : memref<327680x64xf32, #tpu.memory_space<hbm>> -> memref<256x64xf32, #tpu.memory_space<hbm>>
        tpu.enqueue_dma source(%arg10 : memref<256x64xf32, #tpu.memory_space<vmem>>) target(%dma_start3A_142 : memref<256x64xf32, #tpu.memory_space<hbm>>) target_semaphore(%run_scoped3A : memref<!tpu.dma_semaphore, #tpu.memory_space<semaphore_mem>>)
        %dma_wait3A_143 = arith.constant 0 : i32
        %dma_wait3A_144 = tpu.memref_slice %arg5[%add3A_111, %dma_wait3A_143] : memref<327680x64xf32, #tpu.memory_space<hbm>> -> memref<256x64xf32, #tpu.memory_space<hbm>>
        %dma_wait3A_145 = arith.constant 0 : i32
        %dma_wait3A_146 = tpu.memref_slice %arg5[%add3A_111, %dma_wait3A_145] : memref<327680x64xf32, #tpu.memory_space<hbm>> -> memref<256x64xf32, #tpu.memory_space<hbm>>
        tpu.wait_dma2 semaphore(%run_scoped3A : memref<!tpu.dma_semaphore, #tpu.memory_space<semaphore_mem>>) src(%arg10 : memref<256x64xf32, #tpu.memory_space<vmem>>) dst(%dma_wait3A_146 : memref<256x64xf32, #tpu.memory_space<hbm>>)
        tpu.yield
      }) : () -> ()
      %lt3A = arith.constant 19 : i32
      %lt3A_112 = arith.cmpi slt, %scan3A_63, %lt3A : i32
      %convert_element_type3A = arith.extui %lt3A_112 : i1 to i32
      %cond3A = arith.constant 0 : i32
      %cond3A_113 = arith.cmpi ne, %convert_element_type3A, %cond3A : i32
      scf.if %cond3A_113 {
        %add3A_139 = arith.constant 4 : i32
        %add3A_140 = arith.addi %mul3A_65, %add3A_139 : i32
        %add3A_141 = arith.constant 0 : i32
        %add3A_142 = arith.addi %add3A_140, %add3A_141 : i32
        %dma_start3A_143 = arith.constant 0 : i32
        %dma_start3A_144 = arith.constant 0 : i32
        %dma_start3A_145 = tpu.memref_slice %arg10[%dma_start3A_143, %dma_start3A_144] : memref<256x64xf32, #tpu.memory_space<vmem>> -> memref<128x64xf32, #tpu.memory_space<vmem>>
        %dma_start3A_146 = arith.constant 0 : i32
        %dma_start3A_147 = tpu.memref_slice %arg8[%add3A_142, %dma_start3A_146] : memref<80x128xi32, #tpu.memory_space<vmem>> -> memref<1x128xi32, #tpu.memory_space<vmem>>
        %dma_start3A_148 = tpu.memref_squeeze %dma_start3A_147 : memref<1x128xi32, #tpu.memory_space<vmem>> -> memref<128xi32, #tpu.memory_space<vmem>>
        %dma_start3A_149 = arith.constant 0 : i32
        %dma_start3A_150 = arith.constant 0 : i32
        %dma_start3A_151 = tpu.memref_slice %arg7[%dma_start3A_149, %dma_start3A_150] : memref<10000x64xf32, #tpu.memory_space<vmem_shared>> -> memref<10000x64xf32, #tpu.memory_space<vmem_shared>>
        tpu.enqueue_indirect_dma source(%dma_start3A_151 : memref<10000x64xf32, #tpu.memory_space<vmem_shared>>) target(%dma_start3A_145 : memref<128x64xf32, #tpu.memory_space<vmem>>) offsets(%dma_start3A_148 : memref<128xi32, #tpu.memory_space<vmem>>) semaphore(%arg12 : memref<!tpu.dma_semaphore, #tpu.memory_space<semaphore_mem>>)
        %add3A_152 = arith.constant 1 : i32
        %add3A_153 = arith.addi %add3A_140, %add3A_152 : i32
        %dma_start3A_154 = arith.constant 128 : i32
        %dma_start3A_155 = arith.constant 0 : i32
        %dma_start3A_156 = tpu.memref_slice %arg10[%dma_start3A_154, %dma_start3A_155] : memref<256x64xf32, #tpu.memory_space<vmem>> -> memref<128x64xf32, #tpu.memory_space<vmem>>
        %dma_start3A_157 = arith.constant 0 : i32
        %dma_start3A_158 = tpu.memref_slice %arg8[%add3A_153, %dma_start3A_157] : memref<80x128xi32, #tpu.memory_space<vmem>> -> memref<1x128xi32, #tpu.memory_space<vmem>>
        %dma_start3A_159 = tpu.memref_squeeze %dma_start3A_158 : memref<1x128xi32, #tpu.memory_space<vmem>> -> memref<128xi32, #tpu.memory_space<vmem>>
        %dma_start3A_160 = arith.constant 0 : i32
        %dma_start3A_161 = arith.constant 0 : i32
        %dma_start3A_162 = tpu.memref_slice %arg7[%dma_start3A_160, %dma_start3A_161] : memref<10000x64xf32, #tpu.memory_space<vmem_shared>> -> memref<10000x64xf32, #tpu.memory_space<vmem_shared>>
        tpu.enqueue_indirect_dma source(%dma_start3A_162 : memref<10000x64xf32, #tpu.memory_space<vmem_shared>>) target(%dma_start3A_156 : memref<128x64xf32, #tpu.memory_space<vmem>>) offsets(%dma_start3A_159 : memref<128xi32, #tpu.memory_space<vmem>>) semaphore(%arg12 : memref<!tpu.dma_semaphore, #tpu.memory_space<semaphore_mem>>)
      } else {
      }
      %add3A_114 = arith.constant 2 : i32
      %add3A_115 = arith.addi %mul3A_65, %add3A_114 : i32
      %dma_wait3A_116 = arith.constant 0 : i32
      %dma_wait3A_117 = arith.constant 0 : i32
      %dma_wait3A_118 = arith.constant 0 : i32
      %dma_wait3A_119 = tpu.memref_slice %arg11[%dma_wait3A_117, %dma_wait3A_118] : memref<256x64xf32, #tpu.memory_space<vmem>> -> memref<128x64xf32, #tpu.memory_space<vmem>>
      %dma_wait3A_120 = arith.constant 0 : i32
      %dma_wait3A_121 = tpu.memref_slice %arg8[%dma_wait3A_116, %dma_wait3A_120] : memref<80x128xi32, #tpu.memory_space<vmem>> -> memref<1x128xi32, #tpu.memory_space<vmem>>
      %dma_wait3A_122 = tpu.memref_squeeze %dma_wait3A_121 : memref<1x128xi32, #tpu.memory_space<vmem>> -> memref<128xi32, #tpu.memory_space<vmem>>
      %dma_wait3A_123 = arith.constant 0 : i32
      %dma_wait3A_124 = arith.constant 0 : i32
      %dma_wait3A_125 = tpu.memref_slice %arg7[%dma_wait3A_123, %dma_wait3A_124] : memref<10000x64xf32, #tpu.memory_space<vmem_shared>> -> memref<10000x64xf32, #tpu.memory_space<vmem_shared>>
      tpu.wait_indirect_dma semaphore(%arg13 : memref<!tpu.dma_semaphore, #tpu.memory_space<semaphore_mem>>) src(%dma_wait3A_125 : memref<10000x64xf32, #tpu.memory_space<vmem_shared>>) dst(%dma_wait3A_119 : memref<128x64xf32, #tpu.memory_space<vmem>>)
      %dma_wait3A_126 = arith.constant 0 : i32
      %dma_wait3A_127 = arith.constant 128 : i32
      %dma_wait3A_128 = arith.constant 0 : i32
      %dma_wait3A_129 = tpu.memref_slice %arg11[%dma_wait3A_127, %dma_wait3A_128] : memref<256x64xf32, #tpu.memory_space<vmem>> -> memref<128x64xf32, #tpu.memory_space<vmem>>
      %dma_wait3A_130 = arith.constant 0 : i32
      %dma_wait3A_131 = tpu.memref_slice %arg8[%dma_wait3A_126, %dma_wait3A_130] : memref<80x128xi32, #tpu.memory_space<vmem>> -> memref<1x128xi32, #tpu.memory_space<vmem>>
      %dma_wait3A_132 = tpu.memref_squeeze %dma_wait3A_131 : memref<1x128xi32, #tpu.memory_space<vmem>> -> memref<128xi32, #tpu.memory_space<vmem>>
      %dma_wait3A_133 = arith.constant 0 : i32
      %dma_wait3A_134 = arith.constant 0 : i32
      %dma_wait3A_135 = tpu.memref_slice %arg7[%dma_wait3A_133, %dma_wait3A_134] : memref<10000x64xf32, #tpu.memory_space<vmem_shared>> -> memref<10000x64xf32, #tpu.memory_space<vmem_shared>>
      tpu.wait_indirect_dma semaphore(%arg13 : memref<!tpu.dma_semaphore, #tpu.memory_space<semaphore_mem>>) src(%dma_wait3A_135 : memref<10000x64xf32, #tpu.memory_space<vmem_shared>>) dst(%dma_wait3A_129 : memref<128x64xf32, #tpu.memory_space<vmem>>)
      %mul3A_136 = arith.constant 128 : i32
      %mul3A_137 = arith.muli %add3A_115, %mul3A_136 : i32
      %add3A_138 = arith.addi %mul3A_12, %mul3A_137 : i32
      "tpu.region"() ({
        %run_scoped3A = tpu.sem_alloc : memref<!tpu.dma_semaphore, #tpu.memory_space<semaphore_mem>>
        %dma_start3A_139 = arith.constant 0 : i32
        %dma_start3A_140 = tpu.memref_slice %arg5[%add3A_138, %dma_start3A_139] : memref<327680x64xf32, #tpu.memory_space<hbm>> -> memref<256x64xf32, #tpu.memory_space<hbm>>
        %dma_start3A_141 = arith.constant 0 : i32
        %dma_start3A_142 = tpu.memref_slice %arg5[%add3A_138, %dma_start3A_141] : memref<327680x64xf32, #tpu.memory_space<hbm>> -> memref<256x64xf32, #tpu.memory_space<hbm>>
        tpu.enqueue_dma source(%arg11 : memref<256x64xf32, #tpu.memory_space<vmem>>) target(%dma_start3A_142 : memref<256x64xf32, #tpu.memory_space<hbm>>) target_semaphore(%run_scoped3A : memref<!tpu.dma_semaphore, #tpu.memory_space<semaphore_mem>>)
        %dma_wait3A_143 = arith.constant 0 : i32
        %dma_wait3A_144 = tpu.memref_slice %arg5[%add3A_138, %dma_wait3A_143] : memref<327680x64xf32, #tpu.memory_space<hbm>> -> memref<256x64xf32, #tpu.memory_space<hbm>>
        %dma_wait3A_145 = arith.constant 0 : i32
        %dma_wait3A_146 = tpu.memref_slice %arg5[%add3A_138, %dma_wait3A_145] : memref<327680x64xf32, #tpu.memory_space<hbm>> -> memref<256x64xf32, #tpu.memory_space<hbm>>
        tpu.wait_dma2 semaphore(%run_scoped3A : memref<!tpu.dma_semaphore, #tpu.memory_space<semaphore_mem>>) src(%arg11 : memref<256x64xf32, #tpu.memory_space<vmem>>) dst(%dma_wait3A_146 : memref<256x64xf32, #tpu.memory_space<hbm>>)
        tpu.yield
      }) : () -> ()
    }
    %scan3A_36 = arith.constant 20 : i32
    %dma_start3A_37 = arith.constant 0 : i32
    %dma_start3A_38 = arith.constant 0 : i32
    %dma_start3A_39 = arith.constant 0 : i32
    %dma_start3A_40 = tpu.memref_slice %arg10[%dma_start3A_38, %dma_start3A_39] : memref<256x64xf32, #tpu.memory_space<vmem>> -> memref<128x64xf32, #tpu.memory_space<vmem>>
    %dma_start3A_41 = arith.constant 0 : i32
    %dma_start3A_42 = tpu.memref_slice %arg9[%dma_start3A_37, %dma_start3A_41] : memref<80x128xi32, #tpu.memory_space<vmem>> -> memref<1x128xi32, #tpu.memory_space<vmem>>
    %dma_start3A_43 = tpu.memref_squeeze %dma_start3A_42 : memref<1x128xi32, #tpu.memory_space<vmem>> -> memref<128xi32, #tpu.memory_space<vmem>>
    %dma_start3A_44 = arith.constant 0 : i32
    %dma_start3A_45 = arith.constant 0 : i32
    %dma_start3A_46 = tpu.memref_slice %arg7[%dma_start3A_44, %dma_start3A_45] : memref<10000x64xf32, #tpu.memory_space<vmem_shared>> -> memref<10000x64xf32, #tpu.memory_space<vmem_shared>>
    tpu.enqueue_indirect_dma source(%dma_start3A_46 : memref<10000x64xf32, #tpu.memory_space<vmem_shared>>) target(%dma_start3A_40 : memref<128x64xf32, #tpu.memory_space<vmem>>) offsets(%dma_start3A_43 : memref<128xi32, #tpu.memory_space<vmem>>) semaphore(%arg12 : memref<!tpu.dma_semaphore, #tpu.memory_space<semaphore_mem>>)
    %dma_start3A_47 = arith.constant 1 : i32
    %dma_start3A_48 = arith.constant 128 : i32
    %dma_start3A_49 = arith.constant 0 : i32
    %dma_start3A_50 = tpu.memref_slice %arg10[%dma_start3A_48, %dma_start3A_49] : memref<256x64xf32, #tpu.memory_space<vmem>> -> memref<128x64xf32, #tpu.memory_space<vmem>>
    %dma_start3A_51 = arith.constant 0 : i32
    %dma_start3A_52 = tpu.memref_slice %arg9[%dma_start3A_47, %dma_start3A_51] : memref<80x128xi32, #tpu.memory_space<vmem>> -> memref<1x128xi32, #tpu.memory_space<vmem>>
    %dma_start3A_53 = tpu.memref_squeeze %dma_start3A_52 : memref<1x128xi32, #tpu.memory_space<vmem>> -> memref<128xi32, #tpu.memory_space<vmem>>
    %dma_start3A_54 = arith.constant 0 : i32
    %dma_start3A_55 = arith.constant 0 : i32
    %dma_start3A_56 = tpu.memref_slice %arg7[%dma_start3A_54, %dma_start3A_55] : memref<10000x64xf32, #tpu.memory_space<vmem_shared>> -> memref<10000x64xf32, #tpu.memory_space<vmem_shared>>
    tpu.enqueue_indirect_dma source(%dma_start3A_56 : memref<10000x64xf32, #tpu.memory_space<vmem_shared>>) target(%dma_start3A_50 : memref<128x64xf32, #tpu.memory_space<vmem>>) offsets(%dma_start3A_53 : memref<128xi32, #tpu.memory_space<vmem>>) semaphore(%arg12 : memref<!tpu.dma_semaphore, #tpu.memory_space<semaphore_mem>>)
    %scan3A_57 = arith.constant 0 : i32
    %scan3A_58 = arith.constant 0 : i32
    %scan3A_59 = arith.constant 20 : i32
    %scan3A_60 = arith.addi %scan3A_58, %scan3A_59 : i32
    %scan3A_61 = arith.constant 1 : i32
    scf.for %scan3A_63 = %scan3A_58 to %scan3A_60 step %scan3A_61  : i32 {
      %mul3A_64 = arith.constant 4 : i32
      %mul3A_65 = arith.muli %scan3A_63, %mul3A_64 : i32
      %add3A_66 = arith.constant 2 : i32
      %add3A_67 = arith.addi %mul3A_65, %add3A_66 : i32
      %add3A_68 = arith.constant 0 : i32
      %add3A_69 = arith.addi %add3A_67, %add3A_68 : i32
      %dma_start3A_70 = arith.constant 0 : i32
      %dma_start3A_71 = arith.constant 0 : i32
      %dma_start3A_72 = tpu.memref_slice %arg11[%dma_start3A_70, %dma_start3A_71] : memref<256x64xf32, #tpu.memory_space<vmem>> -> memref<128x64xf32, #tpu.memory_space<vmem>>
      %dma_start3A_73 = arith.constant 0 : i32
      %dma_start3A_74 = tpu.memref_slice %arg9[%add3A_69, %dma_start3A_73] : memref<80x128xi32, #tpu.memory_space<vmem>> -> memref<1x128xi32, #tpu.memory_space<vmem>>
      %dma_start3A_75 = tpu.memref_squeeze %dma_start3A_74 : memref<1x128xi32, #tpu.memory_space<vmem>> -> memref<128xi32, #tpu.memory_space<vmem>>
      %dma_start3A_76 = arith.constant 0 : i32
      %dma_start3A_77 = arith.constant 0 : i32
      %dma_start3A_78 = tpu.memref_slice %arg7[%dma_start3A_76, %dma_start3A_77] : memref<10000x64xf32, #tpu.memory_space<vmem_shared>> -> memref<10000x64xf32, #tpu.memory_space<vmem_shared>>
      tpu.enqueue_indirect_dma source(%dma_start3A_78 : memref<10000x64xf32, #tpu.memory_space<vmem_shared>>) target(%dma_start3A_72 : memref<128x64xf32, #tpu.memory_space<vmem>>) offsets(%dma_start3A_75 : memref<128xi32, #tpu.memory_space<vmem>>) semaphore(%arg13 : memref<!tpu.dma_semaphore, #tpu.memory_space<semaphore_mem>>)
      %add3A_79 = arith.constant 1 : i32
      %add3A_80 = arith.addi %add3A_67, %add3A_79 : i32
      %dma_start3A_81 = arith.constant 128 : i32
      %dma_start3A_82 = arith.constant 0 : i32
      %dma_start3A_83 = tpu.memref_slice %arg11[%dma_start3A_81, %dma_start3A_82] : memref<256x64xf32, #tpu.memory_space<vmem>> -> memref<128x64xf32, #tpu.memory_space<vmem>>
      %dma_start3A_84 = arith.constant 0 : i32
      %dma_start3A_85 = tpu.memref_slice %arg9[%add3A_80, %dma_start3A_84] : memref<80x128xi32, #tpu.memory_space<vmem>> -> memref<1x128xi32, #tpu.memory_space<vmem>>
      %dma_start3A_86 = tpu.memref_squeeze %dma_start3A_85 : memref<1x128xi32, #tpu.memory_space<vmem>> -> memref<128xi32, #tpu.memory_space<vmem>>
      %dma_start3A_87 = arith.constant 0 : i32
      %dma_start3A_88 = arith.constant 0 : i32
      %dma_start3A_89 = tpu.memref_slice %arg7[%dma_start3A_87, %dma_start3A_88] : memref<10000x64xf32, #tpu.memory_space<vmem_shared>> -> memref<10000x64xf32, #tpu.memory_space<vmem_shared>>
      tpu.enqueue_indirect_dma source(%dma_start3A_89 : memref<10000x64xf32, #tpu.memory_space<vmem_shared>>) target(%dma_start3A_83 : memref<128x64xf32, #tpu.memory_space<vmem>>) offsets(%dma_start3A_86 : memref<128xi32, #tpu.memory_space<vmem>>) semaphore(%arg13 : memref<!tpu.dma_semaphore, #tpu.memory_space<semaphore_mem>>)
      %dma_wait3A = arith.constant 0 : i32
      %dma_wait3A_90 = arith.constant 0 : i32
      %dma_wait3A_91 = arith.constant 0 : i32
      %dma_wait3A_92 = tpu.memref_slice %arg10[%dma_wait3A_90, %dma_wait3A_91] : memref<256x64xf32, #tpu.memory_space<vmem>> -> memref<128x64xf32, #tpu.memory_space<vmem>>
      %dma_wait3A_93 = arith.constant 0 : i32
      %dma_wait3A_94 = tpu.memref_slice %arg9[%dma_wait3A, %dma_wait3A_93] : memref<80x128xi32, #tpu.memory_space<vmem>> -> memref<1x128xi32, #tpu.memory_space<vmem>>
      %dma_wait3A_95 = tpu.memref_squeeze %dma_wait3A_94 : memref<1x128xi32, #tpu.memory_space<vmem>> -> memref<128xi32, #tpu.memory_space<vmem>>
      %dma_wait3A_96 = arith.constant 0 : i32
      %dma_wait3A_97 = arith.constant 0 : i32
      %dma_wait3A_98 = tpu.memref_slice %arg7[%dma_wait3A_96, %dma_wait3A_97] : memref<10000x64xf32, #tpu.memory_space<vmem_shared>> -> memref<10000x64xf32, #tpu.memory_space<vmem_shared>>
      tpu.wait_indirect_dma semaphore(%arg12 : memref<!tpu.dma_semaphore, #tpu.memory_space<semaphore_mem>>) src(%dma_wait3A_98 : memref<10000x64xf32, #tpu.memory_space<vmem_shared>>) dst(%dma_wait3A_92 : memref<128x64xf32, #tpu.memory_space<vmem>>)
      %dma_wait3A_99 = arith.constant 0 : i32
      %dma_wait3A_100 = arith.constant 128 : i32
      %dma_wait3A_101 = arith.constant 0 : i32
      %dma_wait3A_102 = tpu.memref_slice %arg10[%dma_wait3A_100, %dma_wait3A_101] : memref<256x64xf32, #tpu.memory_space<vmem>> -> memref<128x64xf32, #tpu.memory_space<vmem>>
      %dma_wait3A_103 = arith.constant 0 : i32
      %dma_wait3A_104 = tpu.memref_slice %arg9[%dma_wait3A_99, %dma_wait3A_103] : memref<80x128xi32, #tpu.memory_space<vmem>> -> memref<1x128xi32, #tpu.memory_space<vmem>>
      %dma_wait3A_105 = tpu.memref_squeeze %dma_wait3A_104 : memref<1x128xi32, #tpu.memory_space<vmem>> -> memref<128xi32, #tpu.memory_space<vmem>>
      %dma_wait3A_106 = arith.constant 0 : i32
      %dma_wait3A_107 = arith.constant 0 : i32
      %dma_wait3A_108 = tpu.memref_slice %arg7[%dma_wait3A_106, %dma_wait3A_107] : memref<10000x64xf32, #tpu.memory_space<vmem_shared>> -> memref<10000x64xf32, #tpu.memory_space<vmem_shared>>
      tpu.wait_indirect_dma semaphore(%arg12 : memref<!tpu.dma_semaphore, #tpu.memory_space<semaphore_mem>>) src(%dma_wait3A_108 : memref<10000x64xf32, #tpu.memory_space<vmem_shared>>) dst(%dma_wait3A_102 : memref<128x64xf32, #tpu.memory_space<vmem>>)
      %mul3A_109 = arith.constant 128 : i32
      %mul3A_110 = arith.muli %mul3A_65, %mul3A_109 : i32
      %add3A_111 = arith.addi %mul3A_12, %mul3A_110 : i32
      "tpu.region"() ({
        %run_scoped3A = tpu.sem_alloc : memref<!tpu.dma_semaphore, #tpu.memory_space<semaphore_mem>>
        %dma_start3A_139 = arith.constant 0 : i32
        %dma_start3A_140 = tpu.memref_slice %arg6[%add3A_111, %dma_start3A_139] : memref<327680x64xf32, #tpu.memory_space<hbm>> -> memref<256x64xf32, #tpu.memory_space<hbm>>
        %dma_start3A_141 = arith.constant 0 : i32
        %dma_start3A_142 = tpu.memref_slice %arg6[%add3A_111, %dma_start3A_141] : memref<327680x64xf32, #tpu.memory_space<hbm>> -> memref<256x64xf32, #tpu.memory_space<hbm>>
        tpu.enqueue_dma source(%arg10 : memref<256x64xf32, #tpu.memory_space<vmem>>) target(%dma_start3A_142 : memref<256x64xf32, #tpu.memory_space<hbm>>) target_semaphore(%run_scoped3A : memref<!tpu.dma_semaphore, #tpu.memory_space<semaphore_mem>>)
        %dma_wait3A_143 = arith.constant 0 : i32
        %dma_wait3A_144 = tpu.memref_slice %arg6[%add3A_111, %dma_wait3A_143] : memref<327680x64xf32, #tpu.memory_space<hbm>> -> memref<256x64xf32, #tpu.memory_space<hbm>>
        %dma_wait3A_145 = arith.constant 0 : i32
        %dma_wait3A_146 = tpu.memref_slice %arg6[%add3A_111, %dma_wait3A_145] : memref<327680x64xf32, #tpu.memory_space<hbm>> -> memref<256x64xf32, #tpu.memory_space<hbm>>
        tpu.wait_dma2 semaphore(%run_scoped3A : memref<!tpu.dma_semaphore, #tpu.memory_space<semaphore_mem>>) src(%arg10 : memref<256x64xf32, #tpu.memory_space<vmem>>) dst(%dma_wait3A_146 : memref<256x64xf32, #tpu.memory_space<hbm>>)
        tpu.yield
      }) : () -> ()
      %lt3A = arith.constant 19 : i32
      %lt3A_112 = arith.cmpi slt, %scan3A_63, %lt3A : i32
      %convert_element_type3A = arith.extui %lt3A_112 : i1 to i32
      %cond3A = arith.constant 0 : i32
      %cond3A_113 = arith.cmpi ne, %convert_element_type3A, %cond3A : i32
      scf.if %cond3A_113 {
        %add3A_139 = arith.constant 4 : i32
        %add3A_140 = arith.addi %mul3A_65, %add3A_139 : i32
        %add3A_141 = arith.constant 0 : i32
        %add3A_142 = arith.addi %add3A_140, %add3A_141 : i32
        %dma_start3A_143 = arith.constant 0 : i32
        %dma_start3A_144 = arith.constant 0 : i32
        %dma_start3A_145 = tpu.memref_slice %arg10[%dma_start3A_143, %dma_start3A_144] : memref<256x64xf32, #tpu.memory_space<vmem>> -> memref<128x64xf32, #tpu.memory_space<vmem>>
        %dma_start3A_146 = arith.constant 0 : i32
        %dma_start3A_147 = tpu.memref_slice %arg9[%add3A_142, %dma_start3A_146] : memref<80x128xi32, #tpu.memory_space<vmem>> -> memref<1x128xi32, #tpu.memory_space<vmem>>
        %dma_start3A_148 = tpu.memref_squeeze %dma_start3A_147 : memref<1x128xi32, #tpu.memory_space<vmem>> -> memref<128xi32, #tpu.memory_space<vmem>>
        %dma_start3A_149 = arith.constant 0 : i32
        %dma_start3A_150 = arith.constant 0 : i32
        %dma_start3A_151 = tpu.memref_slice %arg7[%dma_start3A_149, %dma_start3A_150] : memref<10000x64xf32, #tpu.memory_space<vmem_shared>> -> memref<10000x64xf32, #tpu.memory_space<vmem_shared>>
        tpu.enqueue_indirect_dma source(%dma_start3A_151 : memref<10000x64xf32, #tpu.memory_space<vmem_shared>>) target(%dma_start3A_145 : memref<128x64xf32, #tpu.memory_space<vmem>>) offsets(%dma_start3A_148 : memref<128xi32, #tpu.memory_space<vmem>>) semaphore(%arg12 : memref<!tpu.dma_semaphore, #tpu.memory_space<semaphore_mem>>)
        %add3A_152 = arith.constant 1 : i32
        %add3A_153 = arith.addi %add3A_140, %add3A_152 : i32
        %dma_start3A_154 = arith.constant 128 : i32
        %dma_start3A_155 = arith.constant 0 : i32
        %dma_start3A_156 = tpu.memref_slice %arg10[%dma_start3A_154, %dma_start3A_155] : memref<256x64xf32, #tpu.memory_space<vmem>> -> memref<128x64xf32, #tpu.memory_space<vmem>>
        %dma_start3A_157 = arith.constant 0 : i32
        %dma_start3A_158 = tpu.memref_slice %arg9[%add3A_153, %dma_start3A_157] : memref<80x128xi32, #tpu.memory_space<vmem>> -> memref<1x128xi32, #tpu.memory_space<vmem>>
        %dma_start3A_159 = tpu.memref_squeeze %dma_start3A_158 : memref<1x128xi32, #tpu.memory_space<vmem>> -> memref<128xi32, #tpu.memory_space<vmem>>
        %dma_start3A_160 = arith.constant 0 : i32
        %dma_start3A_161 = arith.constant 0 : i32
        %dma_start3A_162 = tpu.memref_slice %arg7[%dma_start3A_160, %dma_start3A_161] : memref<10000x64xf32, #tpu.memory_space<vmem_shared>> -> memref<10000x64xf32, #tpu.memory_space<vmem_shared>>
        tpu.enqueue_indirect_dma source(%dma_start3A_162 : memref<10000x64xf32, #tpu.memory_space<vmem_shared>>) target(%dma_start3A_156 : memref<128x64xf32, #tpu.memory_space<vmem>>) offsets(%dma_start3A_159 : memref<128xi32, #tpu.memory_space<vmem>>) semaphore(%arg12 : memref<!tpu.dma_semaphore, #tpu.memory_space<semaphore_mem>>)
      } else {
      }
      %add3A_114 = arith.constant 2 : i32
      %add3A_115 = arith.addi %mul3A_65, %add3A_114 : i32
      %dma_wait3A_116 = arith.constant 0 : i32
      %dma_wait3A_117 = arith.constant 0 : i32
      %dma_wait3A_118 = arith.constant 0 : i32
      %dma_wait3A_119 = tpu.memref_slice %arg11[%dma_wait3A_117, %dma_wait3A_118] : memref<256x64xf32, #tpu.memory_space<vmem>> -> memref<128x64xf32, #tpu.memory_space<vmem>>
      %dma_wait3A_120 = arith.constant 0 : i32
      %dma_wait3A_121 = tpu.memref_slice %arg9[%dma_wait3A_116, %dma_wait3A_120] : memref<80x128xi32, #tpu.memory_space<vmem>> -> memref<1x128xi32, #tpu.memory_space<vmem>>
      %dma_wait3A_122 = tpu.memref_squeeze %dma_wait3A_121 : memref<1x128xi32, #tpu.memory_space<vmem>> -> memref<128xi32, #tpu.memory_space<vmem>>
      %dma_wait3A_123 = arith.constant 0 : i32
      %dma_wait3A_124 = arith.constant 0 : i32
      %dma_wait3A_125 = tpu.memref_slice %arg7[%dma_wait3A_123, %dma_wait3A_124] : memref<10000x64xf32, #tpu.memory_space<vmem_shared>> -> memref<10000x64xf32, #tpu.memory_space<vmem_shared>>
      tpu.wait_indirect_dma semaphore(%arg13 : memref<!tpu.dma_semaphore, #tpu.memory_space<semaphore_mem>>) src(%dma_wait3A_125 : memref<10000x64xf32, #tpu.memory_space<vmem_shared>>) dst(%dma_wait3A_119 : memref<128x64xf32, #tpu.memory_space<vmem>>)
      %dma_wait3A_126 = arith.constant 0 : i32
      %dma_wait3A_127 = arith.constant 128 : i32
      %dma_wait3A_128 = arith.constant 0 : i32
      %dma_wait3A_129 = tpu.memref_slice %arg11[%dma_wait3A_127, %dma_wait3A_128] : memref<256x64xf32, #tpu.memory_space<vmem>> -> memref<128x64xf32, #tpu.memory_space<vmem>>
      %dma_wait3A_130 = arith.constant 0 : i32
      %dma_wait3A_131 = tpu.memref_slice %arg9[%dma_wait3A_126, %dma_wait3A_130] : memref<80x128xi32, #tpu.memory_space<vmem>> -> memref<1x128xi32, #tpu.memory_space<vmem>>
      %dma_wait3A_132 = tpu.memref_squeeze %dma_wait3A_131 : memref<1x128xi32, #tpu.memory_space<vmem>> -> memref<128xi32, #tpu.memory_space<vmem>>
      %dma_wait3A_133 = arith.constant 0 : i32
      %dma_wait3A_134 = arith.constant 0 : i32
      %dma_wait3A_135 = tpu.memref_slice %arg7[%dma_wait3A_133, %dma_wait3A_134] : memref<10000x64xf32, #tpu.memory_space<vmem_shared>> -> memref<10000x64xf32, #tpu.memory_space<vmem_shared>>
      tpu.wait_indirect_dma semaphore(%arg13 : memref<!tpu.dma_semaphore, #tpu.memory_space<semaphore_mem>>) src(%dma_wait3A_135 : memref<10000x64xf32, #tpu.memory_space<vmem_shared>>) dst(%dma_wait3A_129 : memref<128x64xf32, #tpu.memory_space<vmem>>)
      %mul3A_136 = arith.constant 128 : i32
      %mul3A_137 = arith.muli %add3A_115, %mul3A_136 : i32
      %add3A_138 = arith.addi %mul3A_12, %mul3A_137 : i32
      "tpu.region"() ({
        %run_scoped3A = tpu.sem_alloc : memref<!tpu.dma_semaphore, #tpu.memory_space<semaphore_mem>>
        %dma_start3A_139 = arith.constant 0 : i32
        %dma_start3A_140 = tpu.memref_slice %arg6[%add3A_138, %dma_start3A_139] : memref<327680x64xf32, #tpu.memory_space<hbm>> -> memref<256x64xf32, #tpu.memory_space<hbm>>
        %dma_start3A_141 = arith.constant 0 : i32
        %dma_start3A_142 = tpu.memref_slice %arg6[%add3A_138, %dma_start3A_141] : memref<327680x64xf32, #tpu.memory_space<hbm>> -> memref<256x64xf32, #tpu.memory_space<hbm>>
        tpu.enqueue_dma source(%arg11 : memref<256x64xf32, #tpu.memory_space<vmem>>) target(%dma_start3A_142 : memref<256x64xf32, #tpu.memory_space<hbm>>) target_semaphore(%run_scoped3A : memref<!tpu.dma_semaphore, #tpu.memory_space<semaphore_mem>>)
        %dma_wait3A_143 = arith.constant 0 : i32
        %dma_wait3A_144 = tpu.memref_slice %arg6[%add3A_138, %dma_wait3A_143] : memref<327680x64xf32, #tpu.memory_space<hbm>> -> memref<256x64xf32, #tpu.memory_space<hbm>>
        %dma_wait3A_145 = arith.constant 0 : i32
        %dma_wait3A_146 = tpu.memref_slice %arg6[%add3A_138, %dma_wait3A_145] : memref<327680x64xf32, #tpu.memory_space<hbm>> -> memref<256x64xf32, #tpu.memory_space<hbm>>
        tpu.wait_dma2 semaphore(%run_scoped3A : memref<!tpu.dma_semaphore, #tpu.memory_space<semaphore_mem>>) src(%arg11 : memref<256x64xf32, #tpu.memory_space<vmem>>) dst(%dma_wait3A_146 : memref<256x64xf32, #tpu.memory_space<hbm>>)
        tpu.yield
      }) : () -> ()
    }
    %scan3A_62 = arith.constant 20 : i32
    return
  }
}

#map = affine_map<(d0, d1) -> (0, 0)>
#map1 = affine_map<(d0, d1) -> (0, 0, 0, 0)>
module attributes {stable_mosaic.version = 14 : i64} {
  func.func @body(%arg0: i32, %arg1: i32, %arg2: memref<327680x64xf32, #tpu.memory_space<hbm>>, %arg3: memref<2560x128xi32, #tpu.memory_space<hbm>>, %arg4: memref<2560x128xi32, #tpu.memory_space<hbm>>, %arg5: memref<10000x64xf32, #tpu.memory_space<hbm>>, %arg6: memref<2x2x10000x64xf32, #tpu.memory_space<hbm>>, %arg7: memref<10000x64xf32, #tpu.memory_space<vmem_shared>>, %arg8: memref<10000x64xf32, #tpu.memory_space<vmem_shared>>, %arg9: memref<80x128xi32, #tpu.memory_space<vmem>>, %arg10: memref<80x128xi32, #tpu.memory_space<vmem>>, %arg11: memref<128x64xf32, #tpu.memory_space<vmem>>) attributes {dimension_semantics = [#tpu.dimension_semantics<core_parallel>, #tpu.dimension_semantics<subcore_parallel>], iteration_bounds = array<i64: 2, 16>, scalar_prefetch = 0 : i64, scratch_operands = 5 : i64, tpu.core_type = #tpu.core_type<sc_vector_subcore>, window_params = [{transform_indices = #map}, {transform_indices = #map}, {transform_indices = #map}, {transform_indices = #map}, {transform_indices = #map1}]} {
    %mul3A = arith.constant 2 : i32
    %mul3A_0 = arith.muli %arg1, %mul3A : i32
    %add3A = arith.addi %mul3A_0, %arg0 : i32
    %mul3A_1 = arith.constant 625 : i32
    %mul3A_2 = arith.muli %arg1, %mul3A_1 : i32
    %mul3A_3 = arith.constant 625 : i32
    %mul3A_4 = arith.muli %arg1, %mul3A_3 : i32
    "tpu.region"() ({
      %run_scoped3A_32 = tpu.sem_alloc : memref<!tpu.dma_semaphore, #tpu.memory_space<semaphore_mem>>
      %dma_start3A = arith.constant 0 : i32
      %dma_start3A_33 = tpu.memref_slice %arg7[%mul3A_4, %dma_start3A] : memref<10000x64xf32, #tpu.memory_space<vmem_shared>> -> memref<625x64xf32, #tpu.memory_space<vmem_shared>>
      %dma_start3A_34 = arith.constant 0 : i32
      %dma_start3A_35 = tpu.memref_slice %arg5[%mul3A_2, %dma_start3A_34] : memref<10000x64xf32, #tpu.memory_space<hbm>> -> memref<625x64xf32, #tpu.memory_space<hbm>>
      tpu.enqueue_dma source(%dma_start3A_35 : memref<625x64xf32, #tpu.memory_space<hbm>>) target(%dma_start3A_33 : memref<625x64xf32, #tpu.memory_space<vmem_shared>>) target_semaphore(%run_scoped3A_32 : memref<!tpu.dma_semaphore, #tpu.memory_space<semaphore_mem>>)
      %dma_wait3A = arith.constant 0 : i32
      %dma_wait3A_36 = tpu.memref_slice %arg7[%mul3A_4, %dma_wait3A] : memref<10000x64xf32, #tpu.memory_space<vmem_shared>> -> memref<625x64xf32, #tpu.memory_space<vmem_shared>>
      %dma_wait3A_37 = arith.constant 0 : i32
      %dma_wait3A_38 = tpu.memref_slice %arg5[%mul3A_2, %dma_wait3A_37] : memref<10000x64xf32, #tpu.memory_space<hbm>> -> memref<625x64xf32, #tpu.memory_space<hbm>>
      tpu.wait_dma2 semaphore(%run_scoped3A_32 : memref<!tpu.dma_semaphore, #tpu.memory_space<semaphore_mem>>) src(%dma_wait3A_38 : memref<625x64xf32, #tpu.memory_space<hbm>>) dst(%dma_wait3A_36 : memref<625x64xf32, #tpu.memory_space<vmem_shared>>)
      tpu.yield
    }) : () -> ()
    %mul3A_5 = arith.constant 625 : i32
    %mul3A_6 = arith.muli %arg1, %mul3A_5 : i32
    %mul3A_7 = arith.constant 625 : i32
    %mul3A_8 = arith.muli %arg1, %mul3A_7 : i32
    "tpu.region"() ({
      %run_scoped3A_32 = tpu.sem_alloc : memref<!tpu.dma_semaphore, #tpu.memory_space<semaphore_mem>>
      %dma_start3A = arith.constant 0 : i32
      %dma_start3A_33 = tpu.memref_slice %arg8[%mul3A_8, %dma_start3A] : memref<10000x64xf32, #tpu.memory_space<vmem_shared>> -> memref<625x64xf32, #tpu.memory_space<vmem_shared>>
      %dma_start3A_34 = arith.constant 0 : i32
      %dma_start3A_35 = tpu.memref_slice %arg5[%mul3A_6, %dma_start3A_34] : memref<10000x64xf32, #tpu.memory_space<hbm>> -> memref<625x64xf32, #tpu.memory_space<hbm>>
      tpu.enqueue_dma source(%dma_start3A_35 : memref<625x64xf32, #tpu.memory_space<hbm>>) target(%dma_start3A_33 : memref<625x64xf32, #tpu.memory_space<vmem_shared>>) target_semaphore(%run_scoped3A_32 : memref<!tpu.dma_semaphore, #tpu.memory_space<semaphore_mem>>)
      %dma_wait3A = arith.constant 0 : i32
      %dma_wait3A_36 = tpu.memref_slice %arg8[%mul3A_8, %dma_wait3A] : memref<10000x64xf32, #tpu.memory_space<vmem_shared>> -> memref<625x64xf32, #tpu.memory_space<vmem_shared>>
      %dma_wait3A_37 = arith.constant 0 : i32
      %dma_wait3A_38 = tpu.memref_slice %arg5[%mul3A_6, %dma_wait3A_37] : memref<10000x64xf32, #tpu.memory_space<hbm>> -> memref<625x64xf32, #tpu.memory_space<hbm>>
      tpu.wait_dma2 semaphore(%run_scoped3A_32 : memref<!tpu.dma_semaphore, #tpu.memory_space<semaphore_mem>>) src(%dma_wait3A_38 : memref<625x64xf32, #tpu.memory_space<hbm>>) dst(%dma_wait3A_36 : memref<625x64xf32, #tpu.memory_space<vmem_shared>>)
      tpu.yield
    }) : () -> ()
    %mul3A_9 = arith.constant 80 : i32
    %mul3A_10 = arith.muli %add3A, %mul3A_9 : i32
    "tpu.region"() ({
      %run_scoped3A_32 = tpu.sem_alloc : memref<!tpu.dma_semaphore, #tpu.memory_space<semaphore_mem>>
      %dma_start3A = arith.constant 0 : i32
      %dma_start3A_33 = tpu.memref_slice %arg3[%mul3A_10, %dma_start3A] : memref<2560x128xi32, #tpu.memory_space<hbm>> -> memref<80x128xi32, #tpu.memory_space<hbm>>
      %dma_start3A_34 = arith.constant 0 : i32
      %dma_start3A_35 = tpu.memref_slice %arg3[%mul3A_10, %dma_start3A_34] : memref<2560x128xi32, #tpu.memory_space<hbm>> -> memref<80x128xi32, #tpu.memory_space<hbm>>
      tpu.enqueue_dma source(%dma_start3A_35 : memref<80x128xi32, #tpu.memory_space<hbm>>) target(%arg9 : memref<80x128xi32, #tpu.memory_space<vmem>>) target_semaphore(%run_scoped3A_32 : memref<!tpu.dma_semaphore, #tpu.memory_space<semaphore_mem>>)
      %dma_wait3A = arith.constant 0 : i32
      %dma_wait3A_36 = tpu.memref_slice %arg3[%mul3A_10, %dma_wait3A] : memref<2560x128xi32, #tpu.memory_space<hbm>> -> memref<80x128xi32, #tpu.memory_space<hbm>>
      %dma_wait3A_37 = arith.constant 0 : i32
      %dma_wait3A_38 = tpu.memref_slice %arg3[%mul3A_10, %dma_wait3A_37] : memref<2560x128xi32, #tpu.memory_space<hbm>> -> memref<80x128xi32, #tpu.memory_space<hbm>>
      tpu.wait_dma2 semaphore(%run_scoped3A_32 : memref<!tpu.dma_semaphore, #tpu.memory_space<semaphore_mem>>) src(%dma_wait3A_38 : memref<80x128xi32, #tpu.memory_space<hbm>>) dst(%arg9 : memref<80x128xi32, #tpu.memory_space<vmem>>)
      tpu.yield
    }) : () -> ()
    %mul3A_11 = arith.constant 80 : i32
    %mul3A_12 = arith.muli %add3A, %mul3A_11 : i32
    "tpu.region"() ({
      %run_scoped3A_32 = tpu.sem_alloc : memref<!tpu.dma_semaphore, #tpu.memory_space<semaphore_mem>>
      %dma_start3A = arith.constant 0 : i32
      %dma_start3A_33 = tpu.memref_slice %arg4[%mul3A_12, %dma_start3A] : memref<2560x128xi32, #tpu.memory_space<hbm>> -> memref<80x128xi32, #tpu.memory_space<hbm>>
      %dma_start3A_34 = arith.constant 0 : i32
      %dma_start3A_35 = tpu.memref_slice %arg4[%mul3A_12, %dma_start3A_34] : memref<2560x128xi32, #tpu.memory_space<hbm>> -> memref<80x128xi32, #tpu.memory_space<hbm>>
      tpu.enqueue_dma source(%dma_start3A_35 : memref<80x128xi32, #tpu.memory_space<hbm>>) target(%arg10 : memref<80x128xi32, #tpu.memory_space<vmem>>) target_semaphore(%run_scoped3A_32 : memref<!tpu.dma_semaphore, #tpu.memory_space<semaphore_mem>>)
      %dma_wait3A = arith.constant 0 : i32
      %dma_wait3A_36 = tpu.memref_slice %arg4[%mul3A_12, %dma_wait3A] : memref<2560x128xi32, #tpu.memory_space<hbm>> -> memref<80x128xi32, #tpu.memory_space<hbm>>
      %dma_wait3A_37 = arith.constant 0 : i32
      %dma_wait3A_38 = tpu.memref_slice %arg4[%mul3A_12, %dma_wait3A_37] : memref<2560x128xi32, #tpu.memory_space<hbm>> -> memref<80x128xi32, #tpu.memory_space<hbm>>
      tpu.wait_dma2 semaphore(%run_scoped3A_32 : memref<!tpu.dma_semaphore, #tpu.memory_space<semaphore_mem>>) src(%dma_wait3A_38 : memref<80x128xi32, #tpu.memory_space<hbm>>) dst(%arg10 : memref<80x128xi32, #tpu.memory_space<vmem>>)
      tpu.yield
    }) : () -> ()
    %barrier3A = arith.constant 0 : index
    tpu.barrier barrier_id(%barrier3A)
    %mul3A_13 = arith.constant 80 : i32
    %mul3A_14 = arith.muli %add3A, %mul3A_13 : i32
    %mul3A_15 = arith.constant 128 : i32
    %mul3A_16 = arith.muli %mul3A_14, %mul3A_15 : i32
    %scan3A = arith.constant 0 : i32
    %scan3A_17 = arith.constant 0 : i32
    %scan3A_18 = arith.constant 80 : i32
    %scan3A_19 = arith.addi %scan3A_17, %scan3A_18 : i32
    %scan3A_20 = arith.constant 1 : i32
    scf.for %scan3A_32 = %scan3A_17 to %scan3A_19 step %scan3A_20  : i32 {
      %mul3A_33 = arith.constant 128 : i32
      %mul3A_34 = arith.muli %scan3A_32, %mul3A_33 : i32
      %add3A_35 = arith.addi %mul3A_16, %mul3A_34 : i32
      "tpu.region"() ({
        %run_scoped3A_36 = tpu.sem_alloc : memref<!tpu.dma_semaphore, #tpu.memory_space<semaphore_mem>>
        %dma_start3A = arith.constant 0 : i32
        %dma_start3A_37 = tpu.memref_slice %arg2[%add3A_35, %dma_start3A] : memref<327680x64xf32, #tpu.memory_space<hbm>> -> memref<128x64xf32, #tpu.memory_space<hbm>>
        %dma_start3A_38 = arith.constant 0 : i32
        %dma_start3A_39 = tpu.memref_slice %arg2[%add3A_35, %dma_start3A_38] : memref<327680x64xf32, #tpu.memory_space<hbm>> -> memref<128x64xf32, #tpu.memory_space<hbm>>
        tpu.enqueue_dma source(%dma_start3A_39 : memref<128x64xf32, #tpu.memory_space<hbm>>) target(%arg11 : memref<128x64xf32, #tpu.memory_space<vmem>>) target_semaphore(%run_scoped3A_36 : memref<!tpu.dma_semaphore, #tpu.memory_space<semaphore_mem>>)
        %dma_wait3A = arith.constant 0 : i32
        %dma_wait3A_40 = tpu.memref_slice %arg2[%add3A_35, %dma_wait3A] : memref<327680x64xf32, #tpu.memory_space<hbm>> -> memref<128x64xf32, #tpu.memory_space<hbm>>
        %dma_wait3A_41 = arith.constant 0 : i32
        %dma_wait3A_42 = tpu.memref_slice %arg2[%add3A_35, %dma_wait3A_41] : memref<327680x64xf32, #tpu.memory_space<hbm>> -> memref<128x64xf32, #tpu.memory_space<hbm>>
        tpu.wait_dma2 semaphore(%run_scoped3A_36 : memref<!tpu.dma_semaphore, #tpu.memory_space<semaphore_mem>>) src(%dma_wait3A_42 : memref<128x64xf32, #tpu.memory_space<hbm>>) dst(%arg11 : memref<128x64xf32, #tpu.memory_space<vmem>>)
        tpu.yield
      }) : () -> ()
      "tpu.region"() ({
        %run_scoped3A_36 = tpu.sem_alloc : memref<!tpu.dma_semaphore, #tpu.memory_space<semaphore_mem>>
        %dma_start3A = arith.constant 0 : i32
        %dma_start3A_37 = tpu.memref_slice %arg9[%scan3A_32, %dma_start3A] : memref<80x128xi32, #tpu.memory_space<vmem>> -> memref<1x128xi32, #tpu.memory_space<vmem>>
        %dma_start3A_38 = tpu.memref_squeeze %dma_start3A_37 : memref<1x128xi32, #tpu.memory_space<vmem>> -> memref<128xi32, #tpu.memory_space<vmem>>
        %dma_start3A_39 = arith.constant 0 : i32
        %dma_start3A_40 = arith.constant 0 : i32
        %dma_start3A_41 = tpu.memref_slice %arg7[%dma_start3A_39, %dma_start3A_40] : memref<10000x64xf32, #tpu.memory_space<vmem_shared>> -> memref<10000x64xf32, #tpu.memory_space<vmem_shared>>
        tpu.enqueue_indirect_dma source(%arg11 : memref<128x64xf32, #tpu.memory_space<vmem>>) target(%dma_start3A_41 : memref<10000x64xf32, #tpu.memory_space<vmem_shared>>) offsets(%dma_start3A_38 : memref<128xi32, #tpu.memory_space<vmem>>) semaphore(%run_scoped3A_36 : memref<!tpu.dma_semaphore, #tpu.memory_space<semaphore_mem>>) {add = true}
        %dma_wait3A = arith.constant 0 : i32
        %dma_wait3A_42 = tpu.memref_slice %arg9[%scan3A_32, %dma_wait3A] : memref<80x128xi32, #tpu.memory_space<vmem>> -> memref<1x128xi32, #tpu.memory_space<vmem>>
        %dma_wait3A_43 = tpu.memref_squeeze %dma_wait3A_42 : memref<1x128xi32, #tpu.memory_space<vmem>> -> memref<128xi32, #tpu.memory_space<vmem>>
        %dma_wait3A_44 = arith.constant 0 : i32
        %dma_wait3A_45 = arith.constant 0 : i32
        %dma_wait3A_46 = tpu.memref_slice %arg7[%dma_wait3A_44, %dma_wait3A_45] : memref<10000x64xf32, #tpu.memory_space<vmem_shared>> -> memref<10000x64xf32, #tpu.memory_space<vmem_shared>>
        tpu.wait_indirect_dma semaphore(%run_scoped3A_36 : memref<!tpu.dma_semaphore, #tpu.memory_space<semaphore_mem>>) src(%arg11 : memref<128x64xf32, #tpu.memory_space<vmem>>) dst(%dma_wait3A_46 : memref<10000x64xf32, #tpu.memory_space<vmem_shared>>)
        tpu.yield
      }) : () -> ()
      "tpu.region"() ({
        %run_scoped3A_36 = tpu.sem_alloc : memref<!tpu.dma_semaphore, #tpu.memory_space<semaphore_mem>>
        %dma_start3A = arith.constant 0 : i32
        %dma_start3A_37 = tpu.memref_slice %arg10[%scan3A_32, %dma_start3A] : memref<80x128xi32, #tpu.memory_space<vmem>> -> memref<1x128xi32, #tpu.memory_space<vmem>>
        %dma_start3A_38 = tpu.memref_squeeze %dma_start3A_37 : memref<1x128xi32, #tpu.memory_space<vmem>> -> memref<128xi32, #tpu.memory_space<vmem>>
        %dma_start3A_39 = arith.constant 0 : i32
        %dma_start3A_40 = arith.constant 0 : i32
        %dma_start3A_41 = tpu.memref_slice %arg8[%dma_start3A_39, %dma_start3A_40] : memref<10000x64xf32, #tpu.memory_space<vmem_shared>> -> memref<10000x64xf32, #tpu.memory_space<vmem_shared>>
        tpu.enqueue_indirect_dma source(%arg11 : memref<128x64xf32, #tpu.memory_space<vmem>>) target(%dma_start3A_41 : memref<10000x64xf32, #tpu.memory_space<vmem_shared>>) offsets(%dma_start3A_38 : memref<128xi32, #tpu.memory_space<vmem>>) semaphore(%run_scoped3A_36 : memref<!tpu.dma_semaphore, #tpu.memory_space<semaphore_mem>>) {add = true}
        %dma_wait3A = arith.constant 0 : i32
        %dma_wait3A_42 = tpu.memref_slice %arg10[%scan3A_32, %dma_wait3A] : memref<80x128xi32, #tpu.memory_space<vmem>> -> memref<1x128xi32, #tpu.memory_space<vmem>>
        %dma_wait3A_43 = tpu.memref_squeeze %dma_wait3A_42 : memref<1x128xi32, #tpu.memory_space<vmem>> -> memref<128xi32, #tpu.memory_space<vmem>>
        %dma_wait3A_44 = arith.constant 0 : i32
        %dma_wait3A_45 = arith.constant 0 : i32
        %dma_wait3A_46 = tpu.memref_slice %arg8[%dma_wait3A_44, %dma_wait3A_45] : memref<10000x64xf32, #tpu.memory_space<vmem_shared>> -> memref<10000x64xf32, #tpu.memory_space<vmem_shared>>
        tpu.wait_indirect_dma semaphore(%run_scoped3A_36 : memref<!tpu.dma_semaphore, #tpu.memory_space<semaphore_mem>>) src(%arg11 : memref<128x64xf32, #tpu.memory_space<vmem>>) dst(%dma_wait3A_46 : memref<10000x64xf32, #tpu.memory_space<vmem_shared>>)
        tpu.yield
      }) : () -> ()
    }
    %scan3A_21 = arith.constant 80 : i32
    %barrier3A_22 = arith.constant 0 : index
    tpu.barrier barrier_id(%barrier3A_22)
    %mul3A_23 = arith.constant 625 : i32
    %mul3A_24 = arith.muli %arg1, %mul3A_23 : i32
    %mul3A_25 = arith.constant 625 : i32
    %mul3A_26 = arith.muli %arg1, %mul3A_25 : i32
    %run_scoped3A = arith.constant 0 : i32
    "tpu.region"() ({
      %run_scoped3A_32 = tpu.sem_alloc : memref<!tpu.dma_semaphore, #tpu.memory_space<semaphore_mem>>
      %dma_start3A = arith.constant 0 : i32
      %dma_start3A_33 = tpu.memref_slice %arg6[%run_scoped3A, %arg0, %mul3A_26, %dma_start3A] : memref<2x2x10000x64xf32, #tpu.memory_space<hbm>> -> memref<1x1x625x64xf32, #tpu.memory_space<hbm>>
      %dma_start3A_34 = tpu.memref_squeeze %dma_start3A_33 : memref<1x1x625x64xf32, #tpu.memory_space<hbm>> -> memref<625x64xf32, #tpu.memory_space<hbm>>
      %dma_start3A_35 = arith.constant 0 : i32
      %dma_start3A_36 = tpu.memref_slice %arg7[%mul3A_24, %dma_start3A_35] : memref<10000x64xf32, #tpu.memory_space<vmem_shared>> -> memref<625x64xf32, #tpu.memory_space<vmem_shared>>
      tpu.enqueue_dma source(%dma_start3A_36 : memref<625x64xf32, #tpu.memory_space<vmem_shared>>) target(%dma_start3A_34 : memref<625x64xf32, #tpu.memory_space<hbm>>) target_semaphore(%run_scoped3A_32 : memref<!tpu.dma_semaphore, #tpu.memory_space<semaphore_mem>>)
      %dma_wait3A = arith.constant 0 : i32
      %dma_wait3A_37 = tpu.memref_slice %arg6[%run_scoped3A, %arg0, %mul3A_26, %dma_wait3A] : memref<2x2x10000x64xf32, #tpu.memory_space<hbm>> -> memref<1x1x625x64xf32, #tpu.memory_space<hbm>>
      %dma_wait3A_38 = tpu.memref_squeeze %dma_wait3A_37 : memref<1x1x625x64xf32, #tpu.memory_space<hbm>> -> memref<625x64xf32, #tpu.memory_space<hbm>>
      %dma_wait3A_39 = arith.constant 0 : i32
      %dma_wait3A_40 = tpu.memref_slice %arg7[%mul3A_24, %dma_wait3A_39] : memref<10000x64xf32, #tpu.memory_space<vmem_shared>> -> memref<625x64xf32, #tpu.memory_space<vmem_shared>>
      tpu.wait_dma2 semaphore(%run_scoped3A_32 : memref<!tpu.dma_semaphore, #tpu.memory_space<semaphore_mem>>) src(%dma_wait3A_40 : memref<625x64xf32, #tpu.memory_space<vmem_shared>>) dst(%dma_wait3A_38 : memref<625x64xf32, #tpu.memory_space<hbm>>)
      tpu.yield
    }) : () -> ()
    %mul3A_27 = arith.constant 625 : i32
    %mul3A_28 = arith.muli %arg1, %mul3A_27 : i32
    %mul3A_29 = arith.constant 625 : i32
    %mul3A_30 = arith.muli %arg1, %mul3A_29 : i32
    %run_scoped3A_31 = arith.constant 1 : i32
    "tpu.region"() ({
      %run_scoped3A_32 = tpu.sem_alloc : memref<!tpu.dma_semaphore, #tpu.memory_space<semaphore_mem>>
      %dma_start3A = arith.constant 0 : i32
      %dma_start3A_33 = tpu.memref_slice %arg6[%run_scoped3A_31, %arg0, %mul3A_30, %dma_start3A] : memref<2x2x10000x64xf32, #tpu.memory_space<hbm>> -> memref<1x1x625x64xf32, #tpu.memory_space<hbm>>
      %dma_start3A_34 = tpu.memref_squeeze %dma_start3A_33 : memref<1x1x625x64xf32, #tpu.memory_space<hbm>> -> memref<625x64xf32, #tpu.memory_space<hbm>>
      %dma_start3A_35 = arith.constant 0 : i32
      %dma_start3A_36 = tpu.memref_slice %arg8[%mul3A_28, %dma_start3A_35] : memref<10000x64xf32, #tpu.memory_space<vmem_shared>> -> memref<625x64xf32, #tpu.memory_space<vmem_shared>>
      tpu.enqueue_dma source(%dma_start3A_36 : memref<625x64xf32, #tpu.memory_space<vmem_shared>>) target(%dma_start3A_34 : memref<625x64xf32, #tpu.memory_space<hbm>>) target_semaphore(%run_scoped3A_32 : memref<!tpu.dma_semaphore, #tpu.memory_space<semaphore_mem>>)
      %dma_wait3A = arith.constant 0 : i32
      %dma_wait3A_37 = tpu.memref_slice %arg6[%run_scoped3A_31, %arg0, %mul3A_30, %dma_wait3A] : memref<2x2x10000x64xf32, #tpu.memory_space<hbm>> -> memref<1x1x625x64xf32, #tpu.memory_space<hbm>>
      %dma_wait3A_38 = tpu.memref_squeeze %dma_wait3A_37 : memref<1x1x625x64xf32, #tpu.memory_space<hbm>> -> memref<625x64xf32, #tpu.memory_space<hbm>>
      %dma_wait3A_39 = arith.constant 0 : i32
      %dma_wait3A_40 = tpu.memref_slice %arg8[%mul3A_28, %dma_wait3A_39] : memref<10000x64xf32, #tpu.memory_space<vmem_shared>> -> memref<625x64xf32, #tpu.memory_space<vmem_shared>>
      tpu.wait_dma2 semaphore(%run_scoped3A_32 : memref<!tpu.dma_semaphore, #tpu.memory_space<semaphore_mem>>) src(%dma_wait3A_40 : memref<625x64xf32, #tpu.memory_space<vmem_shared>>) dst(%dma_wait3A_38 : memref<625x64xf32, #tpu.memory_space<hbm>>)
      tpu.yield
    }) : () -> ()
    return
  }
}

module attributes {stable_mosaic.version = 14 : i64} {
  func.func @_embed_body(%arg0: memref<10000x128xf32, #tpu.memory_space<vmem>>, %arg1: memref<128x64xf32, #tpu.memory_space<vmem>>, %arg2: memref<1x64xf32, #tpu.memory_space<vmem>>, %arg3: memref<10000x16xf32, #tpu.memory_space<vmem>>, %arg4: memref<1x64xf32, #tpu.memory_space<vmem>>, %arg5: memref<1x64xf32, #tpu.memory_space<vmem>>, %arg6: memref<10000x80xf32, #tpu.memory_space<vmem>>, %arg7: memref<1x64xf32, #tpu.memory_space<vmem>>) attributes {dimension_semantics = [], scalar_prefetch = 0 : i64, scratch_operands = 0 : i64, tpu.core_type = #tpu.core_type<tc>} {
    %get3A = arith.constant 0 : index
    %get3A_0 = arith.constant 0 : index
    %get3A_1 = vector.load %arg0[%get3A, %get3A_0] : memref<10000x128xf32, #tpu.memory_space<vmem>>, vector<10000x128xf32>
    %get3A_2 = arith.constant 0 : index
    %get3A_3 = arith.constant 0 : index
    %get3A_4 = vector.load %arg1[%get3A_2, %get3A_3] : memref<128x64xf32, #tpu.memory_space<vmem>>, vector<128x64xf32>
    %dot_general3A = arith.constant dense<0.000000e+00> : vector<10000x64xf32>
    %dot_general3A_5 = tpu.matmul %get3A_1, %get3A_4, %dot_general3A {dimension_numbers = #tpu.dot_dimension_numbers<[1], [0], [0], [1], [0, 0, 1, 1], [], []>, precision = #tpu.contract_precision<fp32>, transpose_lhs_hint = false} : vector<10000x128xf32>, vector<128x64xf32>, vector<10000x64xf32> -> vector<10000x64xf32>
    %get3A_6 = arith.constant 0 : index
    %get3A_7 = arith.constant 0 : index
    %get3A_8 = vector.load %arg2[%get3A_6, %get3A_7] : memref<1x64xf32, #tpu.memory_space<vmem>>, vector<1x64xf32>
    %add3A = vector.broadcast %get3A_8 : vector<1x64xf32> to vector<10000x64xf32>
    %add3A_9 = arith.addf %dot_general3A_5, %add3A : vector<10000x64xf32>
    %get3A_10 = arith.constant 0 : index
    %get3A_11 = arith.constant 0 : index
    %get3A_12 = vector.load %arg3[%get3A_10, %get3A_11] : memref<10000x16xf32, #tpu.memory_space<vmem>>, vector<10000x16xf32>
    %concatenate3A = tpu.concatenate %add3A_9, %get3A_12 in 1 : vector<10000x64xf32>, vector<10000x16xf32> -> vector<10000x80xf32>
    %swap3A = arith.constant 0 : index
    %swap3A_13 = arith.constant 0 : index
    %swap3A_14 = vector.load %arg6[%swap3A, %swap3A_13] : memref<10000x80xf32, #tpu.memory_space<vmem>>, vector<10000x80xf32>
    tpu.vector_store %arg6[%swap3A, %swap3A_13], %concatenate3A {strides = array<i32>} : memref<10000x80xf32, #tpu.memory_space<vmem>>, vector<10000x80xf32>,
    %get3A_15 = arith.constant 0 : index
    %get3A_16 = arith.constant 0 : index
    %get3A_17 = vector.load %arg4[%get3A_15, %get3A_16] : memref<1x64xf32, #tpu.memory_space<vmem>>, vector<1x64xf32>
    %mul3A = arith.constant 0.000000e+00 : f32
    %mul3A_18 = vector.broadcast %mul3A : f32 to vector<1x64xf32>
    %mul3A_19 = arith.mulf %mul3A_18, %get3A_17 : vector<1x64xf32>
    %get3A_20 = arith.constant 0 : index
    %get3A_21 = arith.constant 0 : index
    %get3A_22 = vector.load %arg5[%get3A_20, %get3A_21] : memref<1x64xf32, #tpu.memory_space<vmem>>, vector<1x64xf32>
    %add3A_23 = arith.addf %mul3A_19, %get3A_22 : vector<1x64xf32>
    %swap3A_24 = arith.constant 0 : index
    %swap3A_25 = arith.constant 0 : index
    %swap3A_26 = vector.load %arg7[%swap3A_24, %swap3A_25] : memref<1x64xf32, #tpu.memory_space<vmem>>, vector<1x64xf32>
    tpu.vector_store %arg7[%swap3A_24, %swap3A_25], %add3A_23 {strides = array<i32>} : memref<1x64xf32, #tpu.memory_space<vmem>>, vector<1x64xf32>,
    return
  }
}

module attributes {stable_mosaic.version = 14 : i64} {
  func.func @_edge_first_body(%arg0: i32, %arg1: memref<2048x80xf32, #tpu.memory_space<vmem>>, %arg2: memref<2048x80xf32, #tpu.memory_space<vmem>>, %arg3: memref<2048x16xf32, #tpu.memory_space<vmem>>, %arg4: memref<16x16xf32, #tpu.memory_space<vmem>>, %arg5: memref<32x64xf32, #tpu.memory_space<vmem>>, %arg6: memref<1x64xf32, #tpu.memory_space<vmem>>, %arg7: memref<1x64xf32, #tpu.memory_space<vmem>>, %arg8: memref<64x64xf32, #tpu.memory_space<vmem>>, %arg9: memref<64x64xf32, #tpu.memory_space<vmem>>, %arg10: memref<64x64xf32, #tpu.memory_space<vmem>>, %arg11: memref<64x64xf32, #tpu.memory_space<vmem>>, %arg12: memref<1x64xf32, #tpu.memory_space<vmem>>, %arg13: memref<64x64xf32, #tpu.memory_space<vmem>>, %arg14: memref<1x64xf32, #tpu.memory_space<vmem>>, %arg15: memref<2048x64xf32, #tpu.memory_space<vmem>>, %arg16: memref<1x64xf32, #tpu.memory_space<vmem>>) attributes {dimension_semantics = [#tpu.dimension_semantics<arbitrary>], iteration_bounds = array<i64: 160>, scalar_prefetch = 0 : i64, scratch_operands = 0 : i64, tpu.core_type = #tpu.core_type<tc>, window_params = [{transform_indices = @transform_0, window_bounds = array<i64: 2048, 80>}, {transform_indices = @transform_1, window_bounds = array<i64: 2048, 80>}, {transform_indices = @transform_2, window_bounds = array<i64: 2048, 16>}, {pipeline_mode = #tpu.pipeline_mode<synchronous>, transform_indices = @transform_3, window_bounds = array<i64: 16, 16>}, {pipeline_mode = #tpu.pipeline_mode<synchronous>, transform_indices = @transform_4, window_bounds = array<i64: 32, 64>}, {pipeline_mode = #tpu.pipeline_mode<synchronous>, transform_indices = @transform_5, window_bounds = array<i64: 1, 64>}, {pipeline_mode = #tpu.pipeline_mode<synchronous>, transform_indices = @transform_6, window_bounds = array<i64: 1, 64>}, {pipeline_mode = #tpu.pipeline_mode<synchronous>, transform_indices = @transform_7, window_bounds = array<i64: 64, 64>}, {pipeline_mode = #tpu.pipeline_mode<synchronous>, transform_indices = @transform_8, window_bounds = array<i64: 64, 64>}, {pipeline_mode = #tpu.pipeline_mode<synchronous>, transform_indices = @transform_9, window_bounds = array<i64: 64, 64>}, {pipeline_mode = #tpu.pipeline_mode<synchronous>, transform_indices = @transform_10, window_bounds = array<i64: 64, 64>}, {pipeline_mode = #tpu.pipeline_mode<synchronous>, transform_indices = @transform_11, window_bounds = array<i64: 1, 64>}, {pipeline_mode = #tpu.pipeline_mode<synchronous>, transform_indices = @transform_12, window_bounds = array<i64: 64, 64>}, {pipeline_mode = #tpu.pipeline_mode<synchronous>, transform_indices = @transform_13, window_bounds = array<i64: 1, 64>}, {transform_indices = @transform_14, window_bounds = array<i64: 2048, 64>}, {pipeline_mode = #tpu.pipeline_mode<synchronous>, transform_indices = @transform_15, window_bounds = array<i64: 1, 64>}]} {
    %get3A = arith.constant 0 : index
    %get3A_0 = arith.constant 0 : index
    %get3A_1 = vector.load %arg1[%get3A, %get3A_0] : memref<2048x80xf32, #tpu.memory_space<vmem>>, vector<2048x80xf32>
    %get3A_2 = arith.constant 0 : index
    %get3A_3 = arith.constant 0 : index
    %get3A_4 = vector.load %arg2[%get3A_2, %get3A_3] : memref<2048x80xf32, #tpu.memory_space<vmem>>, vector<2048x80xf32>
    %slice3A = vector.extract_strided_slice %get3A_4 {offsets = [0, 64], sizes = [2048, 16], strides = [1, 1]} : vector<2048x80xf32> to vector<2048x16xf32>
    %slice3A_5 = vector.extract_strided_slice %get3A_1 {offsets = [0, 64], sizes = [2048, 16], strides = [1, 1]} : vector<2048x80xf32> to vector<2048x16xf32>
    %sub3A = arith.subf %slice3A, %slice3A_5 : vector<2048x16xf32>
    %get3A_6 = arith.constant 0 : index
    %get3A_7 = arith.constant 0 : index
    %get3A_8 = vector.load %arg3[%get3A_6, %get3A_7] : memref<2048x16xf32, #tpu.memory_space<vmem>>, vector<2048x16xf32>
    %sub3A_9 = arith.subf %sub3A, %get3A_8 : vector<2048x16xf32>
    %get3A_10 = arith.constant 0 : index
    %get3A_11 = arith.constant 0 : index
    %get3A_12 = vector.load %arg4[%get3A_10, %get3A_11] : memref<16x16xf32, #tpu.memory_space<vmem>>, vector<16x16xf32>
    %dot_general3A = arith.constant dense<0.000000e+00> : vector<2048x16xf32>
    %dot_general3A_13 = tpu.matmul %sub3A_9, %get3A_12, %dot_general3A {dimension_numbers = #tpu.dot_dimension_numbers<[1], [0], [0], [1], [0, 0, 1, 1], [], []>, transpose_lhs_hint = false} : vector<2048x16xf32>, vector<16x16xf32>, vector<2048x16xf32> -> vector<2048x16xf32>
    %mul3A = arith.mulf %dot_general3A_13, %dot_general3A_13 : vector<2048x16xf32>
    %reduce_sum3A = arith.constant dense<0.000000e+00> : vector<2048xf32>
    %reduce_sum3A_14 = vector.multi_reduction <add>, %mul3A, %reduce_sum3A [1] : vector<2048x16xf32> to vector<2048xf32>
    %broadcast_in_dim3A = vector.shape_cast %reduce_sum3A_14 : vector<2048xf32> to vector<2048x1xf32>
    %add3A = arith.constant 9.99999996E-13 : f32
    %add3A_15 = vector.broadcast %add3A : f32 to vector<2048x1xf32>
    %add3A_16 = arith.addf %broadcast_in_dim3A, %add3A_15 : vector<2048x1xf32>
    %sqrt3A = math.sqrt %add3A_16 : vector<2048x1xf32>
    %iota3A = tpu.iota {dimensions = array<i32: 1>} : vector<1x32xi32>
    %convert_element_type3A = arith.sitofp %iota3A : vector<1x32xi32> to vector<1x32xf32>
    %mul3A_17 = arith.constant 0.136206895 : f32
    %mul3A_18 = vector.broadcast %mul3A_17 : f32 to vector<1x32xf32>
    %mul3A_19 = arith.mulf %convert_element_type3A, %mul3A_18 : vector<1x32xf32>
    %add3A_20 = arith.constant 5.000000e-02 : f32
    %add3A_21 = vector.broadcast %add3A_20 : f32 to vector<1x32xf32>
    %add3A_22 = arith.addf %add3A_21, %mul3A_19 : vector<1x32xf32>
    %sub3A_23 = vector.broadcast %sqrt3A : vector<2048x1xf32> to vector<2048x32xf32>
    %sub3A_24 = vector.broadcast %add3A_22 : vector<1x32xf32> to vector<2048x32xf32>
    %sub3A_25 = arith.subf %sub3A_23, %sub3A_24 : vector<2048x32xf32>
    %mul3A_26 = arith.mulf %sub3A_25, %sub3A_25 : vector<2048x32xf32>
    %neg3A = arith.constant 0.000000e+00 : f32
    %neg3A_27 = vector.broadcast %neg3A : f32 to vector<2048x32xf32>
    %neg3A_28 = arith.subf %neg3A_27, %mul3A_26 : vector<2048x32xf32>
    %mul3A_29 = arith.constant 4.000000e+00 : f32
    %mul3A_30 = vector.broadcast %mul3A_29 : f32 to vector<2048x32xf32>
    %mul3A_31 = arith.mulf %neg3A_28, %mul3A_30 : vector<2048x32xf32>
    %exp3A = math.exp %mul3A_31 : vector<2048x32xf32>
    %get3A_32 = arith.constant 0 : index
    %get3A_33 = arith.constant 0 : index
    %get3A_34 = vector.load %arg5[%get3A_32, %get3A_33] : memref<32x64xf32, #tpu.memory_space<vmem>>, vector<32x64xf32>
    %dot_general3A_35 = arith.constant dense<0.000000e+00> : vector<2048x64xf32>
    %dot_general3A_36 = tpu.matmul %exp3A, %get3A_34, %dot_general3A_35 {dimension_numbers = #tpu.dot_dimension_numbers<[1], [0], [0], [1], [0, 0, 1, 1], [], []>, transpose_lhs_hint = false} : vector<2048x32xf32>, vector<32x64xf32>, vector<2048x64xf32> -> vector<2048x64xf32>
    %get3A_37 = arith.constant 0 : index
    %get3A_38 = arith.constant 0 : index
    %get3A_39 = vector.load %arg6[%get3A_37, %get3A_38] : memref<1x64xf32, #tpu.memory_space<vmem>>, vector<1x64xf32>
    %add3A_40 = vector.broadcast %get3A_39 : vector<1x64xf32> to vector<2048x64xf32>
    %add3A_41 = arith.addf %dot_general3A_36, %add3A_40 : vector<2048x64xf32>
    %get3A_42 = arith.constant 0 : index
    %get3A_43 = arith.constant 0 : index
    %get3A_44 = vector.load %arg7[%get3A_42, %get3A_43] : memref<1x64xf32, #tpu.memory_space<vmem>>, vector<1x64xf32>
    %get3A_45 = arith.constant 0 : index
    %get3A_46 = arith.constant 0 : index
    %get3A_47 = vector.load %arg11[%get3A_45, %get3A_46] : memref<64x64xf32, #tpu.memory_space<vmem>>, vector<64x64xf32>
    %dot_general3A_48 = arith.constant dense<0.000000e+00> : vector<1x64xf32>
    %dot_general3A_49 = tpu.matmul %get3A_44, %get3A_47, %dot_general3A_48 {dimension_numbers = #tpu.dot_dimension_numbers<[1], [0], [0], [1], [0, 0, 1, 1], [], []>, transpose_lhs_hint = false} : vector<1x64xf32>, vector<64x64xf32>, vector<1x64xf32> -> vector<1x64xf32>
    %get3A_50 = arith.constant 0 : index
    %get3A_51 = arith.constant 0 : index
    %get3A_52 = vector.load %arg12[%get3A_50, %get3A_51] : memref<1x64xf32, #tpu.memory_space<vmem>>, vector<1x64xf32>
    %add3A_53 = arith.addf %dot_general3A_49, %get3A_52 : vector<1x64xf32>
    %slice3A_54 = vector.extract_strided_slice %get3A_1 {offsets = [0, 0], sizes = [2048, 64], strides = [1, 1]} : vector<2048x80xf32> to vector<2048x64xf32>
    %slice3A_55 = vector.extract_strided_slice %get3A_4 {offsets = [0, 0], sizes = [2048, 64], strides = [1, 1]} : vector<2048x80xf32> to vector<2048x64xf32>
    %get3A_56 = arith.constant 0 : index
    %get3A_57 = arith.constant 0 : index
    %get3A_58 = vector.load %arg8[%get3A_56, %get3A_57] : memref<64x64xf32, #tpu.memory_space<vmem>>, vector<64x64xf32>
    %get3A_59 = arith.constant 0 : index
    %get3A_60 = arith.constant 0 : index
    %get3A_61 = vector.load %arg9[%get3A_59, %get3A_60] : memref<64x64xf32, #tpu.memory_space<vmem>>, vector<64x64xf32>
    %get3A_62 = arith.constant 0 : index
    %get3A_63 = arith.constant 0 : index
    %get3A_64 = vector.load %arg10[%get3A_62, %get3A_63] : memref<64x64xf32, #tpu.memory_space<vmem>>, vector<64x64xf32>
    %get3A_65 = arith.constant 0 : index
    %get3A_66 = arith.constant 0 : index
    %get3A_67 = vector.load %arg13[%get3A_65, %get3A_66] : memref<64x64xf32, #tpu.memory_space<vmem>>, vector<64x64xf32>
    %get3A_68 = arith.constant 0 : index
    %get3A_69 = arith.constant 0 : index
    %get3A_70 = vector.load %arg14[%get3A_68, %get3A_69] : memref<1x64xf32, #tpu.memory_space<vmem>>, vector<1x64xf32>
    %dot_general3A_71 = arith.constant dense<0.000000e+00> : vector<2048x64xf32>
    %dot_general3A_72 = tpu.matmul %add3A_41, %get3A_58, %dot_general3A_71 {dimension_numbers = #tpu.dot_dimension_numbers<[1], [0], [0], [1], [0, 0, 1, 1], [], []>, transpose_lhs_hint = false} : vector<2048x64xf32>, vector<64x64xf32>, vector<2048x64xf32> -> vector<2048x64xf32>
    %dot_general3A_73 = arith.constant dense<0.000000e+00> : vector<2048x64xf32>
    %dot_general3A_74 = tpu.matmul %slice3A_54, %get3A_61, %dot_general3A_73 {dimension_numbers = #tpu.dot_dimension_numbers<[1], [0], [0], [1], [0, 0, 1, 1], [], []>, transpose_lhs_hint = false} : vector<2048x64xf32>, vector<64x64xf32>, vector<2048x64xf32> -> vector<2048x64xf32>
    %add3A_75 = arith.addf %dot_general3A_72, %dot_general3A_74 : vector<2048x64xf32>
    %dot_general3A_76 = arith.constant dense<0.000000e+00> : vector<2048x64xf32>
    %dot_general3A_77 = tpu.matmul %slice3A_55, %get3A_64, %dot_general3A_76 {dimension_numbers = #tpu.dot_dimension_numbers<[1], [0], [0], [1], [0, 0, 1, 1], [], []>, transpose_lhs_hint = false} : vector<2048x64xf32>, vector<64x64xf32>, vector<2048x64xf32> -> vector<2048x64xf32>
    %add3A_78 = arith.addf %add3A_75, %dot_general3A_77 : vector<2048x64xf32>
    %add3A_79 = vector.broadcast %add3A_53 : vector<1x64xf32> to vector<2048x64xf32>
    %add3A_80 = arith.addf %add3A_78, %add3A_79 : vector<2048x64xf32>
    %max3A = arith.constant 0.000000e+00 : f32
    %max3A_81 = vector.broadcast %max3A : f32 to vector<2048x64xf32>
    %max3A_82 = arith.maximumf %add3A_80, %max3A_81 : vector<2048x64xf32>
    %dot_general3A_83 = arith.constant dense<0.000000e+00> : vector<2048x64xf32>
    %dot_general3A_84 = tpu.matmul %max3A_82, %get3A_67, %dot_general3A_83 {dimension_numbers = #tpu.dot_dimension_numbers<[1], [0], [0], [1], [0, 0, 1, 1], [], []>, transpose_lhs_hint = false} : vector<2048x64xf32>, vector<64x64xf32>, vector<2048x64xf32> -> vector<2048x64xf32>
    %add3A_85 = vector.broadcast %get3A_70 : vector<1x64xf32> to vector<2048x64xf32>
    %add3A_86 = arith.addf %dot_general3A_84, %add3A_85 : vector<2048x64xf32>
    %mul3A_87 = arith.constant 2048 : i32
    %mul3A_88 = arith.muli %arg0, %mul3A_87 : i32
    %iota3A_89 = tpu.iota {dimensions = array<i32: 0>} : vector<2048x1xi32>
    %add3A_90 = vector.broadcast %mul3A_88 : i32 to vector<2048x1xi32>
    %add3A_91 = arith.addi %add3A_90, %iota3A_89 : vector<2048x1xi32>
    %lt3A = arith.constant 320000 : i32
    %lt3A_92 = vector.broadcast %lt3A : i32 to vector<2048x1xi32>
    %lt3A_93 = arith.cmpi slt, %add3A_91, %lt3A_92 : vector<2048x1xi32>
    %jit3A = arith.constant 0.000000e+00 : f32
    %broadcast_in_dim3A_94 = vector.shape_cast %lt3A_93 : vector<2048x1xi1> to vector<2048x1xi1>
    %broadcast_in_dim3A_95 = vector.broadcast %broadcast_in_dim3A_94 : vector<2048x1xi1> to vector<2048x64xi1>
    %broadcast_in_dim3A_96 = vector.broadcast %jit3A : f32 to vector<2048x64xf32>
    %select_n3A = arith.select %broadcast_in_dim3A_95, %add3A_86, %broadcast_in_dim3A_96 : vector<2048x64xi1>, vector<2048x64xf32>
    %swap3A = arith.constant 0 : index
    %swap3A_97 = arith.constant 0 : index
    %swap3A_98 = vector.load %arg15[%swap3A, %swap3A_97] : memref<2048x64xf32, #tpu.memory_space<vmem>>, vector<2048x64xf32>
    tpu.vector_store %arg15[%swap3A, %swap3A_97], %select_n3A {strides = array<i32>} : memref<2048x64xf32, #tpu.memory_space<vmem>>, vector<2048x64xf32>,
    %eq3A = arith.constant 0 : i32
    %eq3A_99 = arith.cmpi eq, %arg0, %eq3A : i32
    %convert_element_type3A_100 = arith.extui %eq3A_99 : i1 to i32
    %cond3A = arith.constant 0 : i32
    %cond3A_101 = arith.cmpi ne, %convert_element_type3A_100, %cond3A : i32
    scf.if %cond3A_101 {
      %broadcast_in_dim3A_112 = arith.constant 0.000000e+00 : f32
      %broadcast_in_dim3A_113 = vector.broadcast %broadcast_in_dim3A_112 : f32 to vector<1x64xf32>
      %swap3A_114 = arith.constant 0 : index
      %swap3A_115 = arith.constant 0 : index
      %swap3A_116 = vector.load %arg16[%swap3A_114, %swap3A_115] : memref<1x64xf32, #tpu.memory_space<vmem>>, vector<1x64xf32>
      tpu.vector_store %arg16[%swap3A_114, %swap3A_115], %broadcast_in_dim3A_113 {strides = array<i32>} : memref<1x64xf32, #tpu.memory_space<vmem>>, vector<1x64xf32>,
    } else {
    }
    %get3A_102 = arith.constant 0 : index
    %get3A_103 = arith.constant 0 : index
    %get3A_104 = vector.load %arg16[%get3A_102, %get3A_103] : memref<1x64xf32, #tpu.memory_space<vmem>>, vector<1x64xf32>
    %reduce_sum3A_105 = arith.constant dense<0.000000e+00> : vector<64xf32>
    %reduce_sum3A_106 = vector.multi_reduction <add>, %select_n3A, %reduce_sum3A_105 [0] : vector<2048x64xf32> to vector<64xf32>
    %broadcast_in_dim3A_107 = vector.shape_cast %reduce_sum3A_106 : vector<64xf32> to vector<1x64xf32>
    %add3A_108 = arith.addf %get3A_104, %broadcast_in_dim3A_107 : vector<1x64xf32>
    %swap3A_109 = arith.constant 0 : index
    %swap3A_110 = arith.constant 0 : index
    %swap3A_111 = vector.load %arg16[%swap3A_109, %swap3A_110] : memref<1x64xf32, #tpu.memory_space<vmem>>, vector<1x64xf32>
    tpu.vector_store %arg16[%swap3A_109, %swap3A_110], %add3A_108 {strides = array<i32>} : memref<1x64xf32, #tpu.memory_space<vmem>>, vector<1x64xf32>,
    return
  }
  func.func @transform_0(%arg0: i32) -> (i32, i32) {
    %c0_i32 = arith.constant 0 : i32
    %c0_i32_0 = arith.constant 0 : i32
    return %arg0, %c0_i32 : i32, i32
  }
  func.func @transform_1(%arg0: i32) -> (i32, i32) {
    %c0_i32 = arith.constant 0 : i32
    %c0_i32_0 = arith.constant 0 : i32
    return %arg0, %c0_i32 : i32, i32
  }
  func.func @transform_2(%arg0: i32) -> (i32, i32) {
    %c0_i32 = arith.constant 0 : i32
    %c0_i32_0 = arith.constant 0 : i32
    return %arg0, %c0_i32 : i32, i32
  }
  func.func @transform_3(%arg0: i32) -> (i32, i32) {
    %c0_i32 = arith.constant 0 : i32
    %c0_i32_0 = arith.constant 0 : i32
    %c0_i32_1 = arith.constant 0 : i32
    return %c0_i32, %c0_i32_0 : i32, i32
  }
  func.func @transform_4(%arg0: i32) -> (i32, i32) {
    %c0_i32 = arith.constant 0 : i32
    %c0_i32_0 = arith.constant 0 : i32
    %c0_i32_1 = arith.constant 0 : i32
    return %c0_i32, %c0_i32_0 : i32, i32
  }
  func.func @transform_5(%arg0: i32) -> (i32, i32) {
    %c0_i32 = arith.constant 0 : i32
    %c0_i32_0 = arith.constant 0 : i32
    %c0_i32_1 = arith.constant 0 : i32
    return %c0_i32, %c0_i32_0 : i32, i32
  }
  func.func @transform_6(%arg0: i32) -> (i32, i32) {
    %c0_i32 = arith.constant 0 : i32
    %c0_i32_0 = arith.constant 0 : i32
    %c0_i32_1 = arith.constant 0 : i32
    return %c0_i32, %c0_i32_0 : i32, i32
  }
  func.func @transform_7(%arg0: i32) -> (i32, i32) {
    %c0_i32 = arith.constant 0 : i32
    %c0_i32_0 = arith.constant 0 : i32
    %c0_i32_1 = arith.constant 0 : i32
    return %c0_i32, %c0_i32_0 : i32, i32
  }
  func.func @transform_8(%arg0: i32) -> (i32, i32) {
    %c0_i32 = arith.constant 0 : i32
    %c0_i32_0 = arith.constant 0 : i32
    %c0_i32_1 = arith.constant 0 : i32
    return %c0_i32, %c0_i32_0 : i32, i32
  }
  func.func @transform_9(%arg0: i32) -> (i32, i32) {
    %c0_i32 = arith.constant 0 : i32
    %c0_i32_0 = arith.constant 0 : i32
    %c0_i32_1 = arith.constant 0 : i32
    return %c0_i32, %c0_i32_0 : i32, i32
  }
  func.func @transform_10(%arg0: i32) -> (i32, i32) {
    %c0_i32 = arith.constant 0 : i32
    %c0_i32_0 = arith.constant 0 : i32
    %c0_i32_1 = arith.constant 0 : i32
    return %c0_i32, %c0_i32_0 : i32, i32
  }
  func.func @transform_11(%arg0: i32) -> (i32, i32) {
    %c0_i32 = arith.constant 0 : i32
    %c0_i32_0 = arith.constant 0 : i32
    %c0_i32_1 = arith.constant 0 : i32
    return %c0_i32, %c0_i32_0 : i32, i32
  }
  func.func @transform_12(%arg0: i32) -> (i32, i32) {
    %c0_i32 = arith.constant 0 : i32
    %c0_i32_0 = arith.constant 0 : i32
    %c0_i32_1 = arith.constant 0 : i32
    return %c0_i32, %c0_i32_0 : i32, i32
  }
  func.func @transform_13(%arg0: i32) -> (i32, i32) {
    %c0_i32 = arith.constant 0 : i32
    %c0_i32_0 = arith.constant 0 : i32
    %c0_i32_1 = arith.constant 0 : i32
    return %c0_i32, %c0_i32_0 : i32, i32
  }
  func.func @transform_14(%arg0: i32) -> (i32, i32) {
    %c0_i32 = arith.constant 0 : i32
    %c0_i32_0 = arith.constant 0 : i32
    return %arg0, %c0_i32 : i32, i32
  }
  func.func @transform_15(%arg0: i32) -> (i32, i32) {
    %c0_i32 = arith.constant 0 : i32
    %c0_i32_0 = arith.constant 0 : i32
    %c0_i32_1 = arith.constant 0 : i32
    return %c0_i32, %c0_i32_0 : i32, i32
  }
}

module attributes {stable_mosaic.version = 14 : i64} {
  func.func @_node_body(%arg0: i32, %arg1: memref<2000x64xf32, #tpu.memory_space<vmem>>, %arg2: memref<2000x64xf32, #tpu.memory_space<vmem>>, %arg3: memref<2000x64xf32, #tpu.memory_space<vmem>>, %arg4: memref<2000x64xf32, #tpu.memory_space<vmem>>, %arg5: memref<2000x64xf32, #tpu.memory_space<vmem>>, %arg6: memref<1x64xf32, #tpu.memory_space<vmem>>, %arg7: memref<1x64xf32, #tpu.memory_space<vmem>>, %arg8: memref<64x64xf32, #tpu.memory_space<vmem>>, %arg9: memref<64x64xf32, #tpu.memory_space<vmem>>, %arg10: memref<64x64xf32, #tpu.memory_space<vmem>>, %arg11: memref<64x64xf32, #tpu.memory_space<vmem>>, %arg12: memref<1x64xf32, #tpu.memory_space<vmem>>, %arg13: memref<64x64xf32, #tpu.memory_space<vmem>>, %arg14: memref<1x64xf32, #tpu.memory_space<vmem>>, %arg15: memref<64x64xf32, #tpu.memory_space<vmem>>, %arg16: memref<64x64xf32, #tpu.memory_space<vmem>>, %arg17: memref<64x64xf32, #tpu.memory_space<vmem>>, %arg18: memref<1x64xf32, #tpu.memory_space<vmem>>, %arg19: memref<64x64xf32, #tpu.memory_space<vmem>>, %arg20: memref<1x64xf32, #tpu.memory_space<vmem>>, %arg21: memref<2000x64xf32, #tpu.memory_space<vmem>>, %arg22: memref<1x64xf32, #tpu.memory_space<vmem>>, %arg23: memref<1x64xf32, #tpu.memory_space<vmem>>) attributes {dimension_semantics = [#tpu.dimension_semantics<arbitrary>], iteration_bounds = array<i64: 5>, scalar_prefetch = 0 : i64, scratch_operands = 0 : i64, tpu.core_type = #tpu.core_type<tc>, window_params = [{transform_indices = @transform_0, window_bounds = array<i64: 2000, 64>}, {transform_indices = @transform_1, window_bounds = array<i64: 2000, 64>}, {transform_indices = @transform_2, window_bounds = array<i64: 2000, 64>}, {transform_indices = @transform_3, window_bounds = array<i64: 2000, 64>}, {transform_indices = @transform_4, window_bounds = array<i64: 2000, 64>}, {pipeline_mode = #tpu.pipeline_mode<synchronous>, transform_indices = @transform_5, window_bounds = array<i64: 1, 64>}, {pipeline_mode = #tpu.pipeline_mode<synchronous>, transform_indices = @transform_6, window_bounds = array<i64: 1, 64>}, {pipeline_mode = #tpu.pipeline_mode<synchronous>, transform_indices = @transform_7, window_bounds = array<i64: 64, 64>}, {pipeline_mode = #tpu.pipeline_mode<synchronous>, transform_indices = @transform_8, window_bounds = array<i64: 64, 64>}, {pipeline_mode = #tpu.pipeline_mode<synchronous>, transform_indices = @transform_9, window_bounds = array<i64: 64, 64>}, {pipeline_mode = #tpu.pipeline_mode<synchronous>, transform_indices = @transform_10, window_bounds = array<i64: 64, 64>}, {pipeline_mode = #tpu.pipeline_mode<synchronous>, transform_indices = @transform_11, window_bounds = array<i64: 1, 64>}, {pipeline_mode = #tpu.pipeline_mode<synchronous>, transform_indices = @transform_12, window_bounds = array<i64: 64, 64>}, {pipeline_mode = #tpu.pipeline_mode<synchronous>, transform_indices = @transform_13, window_bounds = array<i64: 1, 64>}, {pipeline_mode = #tpu.pipeline_mode<synchronous>, transform_indices = @transform_14, window_bounds = array<i64: 64, 64>}, {pipeline_mode = #tpu.pipeline_mode<synchronous>, transform_indices = @transform_15, window_bounds = array<i64: 64, 64>}, {pipeline_mode = #tpu.pipeline_mode<synchronous>, transform_indices = @transform_16, window_bounds = array<i64: 64, 64>}, {pipeline_mode = #tpu.pipeline_mode<synchronous>, transform_indices = @transform_17, window_bounds = array<i64: 1, 64>}, {pipeline_mode = #tpu.pipeline_mode<synchronous>, transform_indices = @transform_18, window_bounds = array<i64: 64, 64>}, {pipeline_mode = #tpu.pipeline_mode<synchronous>, transform_indices = @transform_19, window_bounds = array<i64: 1, 64>}, {transform_indices = @transform_20, window_bounds = array<i64: 2000, 64>}, {pipeline_mode = #tpu.pipeline_mode<synchronous>, transform_indices = @transform_21, window_bounds = array<i64: 1, 64>}, {pipeline_mode = #tpu.pipeline_mode<synchronous>, transform_indices = @transform_22, window_bounds = array<i64: 1, 64>}]} {
    %get3A = arith.constant 0 : index
    %get3A_0 = arith.constant 0 : index
    %get3A_1 = vector.load %arg2[%get3A, %get3A_0] : memref<2000x64xf32, #tpu.memory_space<vmem>>, vector<2000x64xf32>
    %get3A_2 = arith.constant 0 : index
    %get3A_3 = arith.constant 0 : index
    %get3A_4 = vector.load %arg3[%get3A_2, %get3A_3] : memref<2000x64xf32, #tpu.memory_space<vmem>>, vector<2000x64xf32>
    %add3A = arith.addf %get3A_1, %get3A_4 : vector<2000x64xf32>
    %get3A_5 = arith.constant 0 : index
    %get3A_6 = arith.constant 0 : index
    %get3A_7 = vector.load %arg4[%get3A_5, %get3A_6] : memref<2000x64xf32, #tpu.memory_space<vmem>>, vector<2000x64xf32>
    %get3A_8 = arith.constant 0 : index
    %get3A_9 = arith.constant 0 : index
    %get3A_10 = vector.load %arg5[%get3A_8, %get3A_9] : memref<2000x64xf32, #tpu.memory_space<vmem>>, vector<2000x64xf32>
    %add3A_11 = arith.addf %get3A_7, %get3A_10 : vector<2000x64xf32>
    %get3A_12 = arith.constant 0 : index
    %get3A_13 = arith.constant 0 : index
    %get3A_14 = vector.load %arg7[%get3A_12, %get3A_13] : memref<1x64xf32, #tpu.memory_space<vmem>>, vector<1x64xf32>
    %get3A_15 = arith.constant 0 : index
    %get3A_16 = arith.constant 0 : index
    %get3A_17 = vector.load %arg1[%get3A_15, %get3A_16] : memref<2000x64xf32, #tpu.memory_space<vmem>>, vector<2000x64xf32>
    %get3A_18 = arith.constant 0 : index
    %get3A_19 = arith.constant 0 : index
    %get3A_20 = vector.load %arg8[%get3A_18, %get3A_19] : memref<64x64xf32, #tpu.memory_space<vmem>>, vector<64x64xf32>
    %dot_general3A = arith.constant dense<0.000000e+00> : vector<2000x64xf32>
    %dot_general3A_21 = tpu.matmul %get3A_17, %get3A_20, %dot_general3A {dimension_numbers = #tpu.dot_dimension_numbers<[1], [0], [0], [1], [0, 0, 1, 1], [], []>, precision = #tpu.contract_precision<fp32>, transpose_lhs_hint = false} : vector<2000x64xf32>, vector<64x64xf32>, vector<2000x64xf32> -> vector<2000x64xf32>
    %get3A_22 = arith.constant 0 : index
    %get3A_23 = arith.constant 0 : index
    %get3A_24 = vector.load %arg9[%get3A_22, %get3A_23] : memref<64x64xf32, #tpu.memory_space<vmem>>, vector<64x64xf32>
    %dot_general3A_25 = arith.constant dense<0.000000e+00> : vector<2000x64xf32>
    %dot_general3A_26 = tpu.matmul %add3A, %get3A_24, %dot_general3A_25 {dimension_numbers = #tpu.dot_dimension_numbers<[1], [0], [0], [1], [0, 0, 1, 1], [], []>, precision = #tpu.contract_precision<fp32>, transpose_lhs_hint = false} : vector<2000x64xf32>, vector<64x64xf32>, vector<2000x64xf32> -> vector<2000x64xf32>
    %add3A_27 = arith.addf %dot_general3A_21, %dot_general3A_26 : vector<2000x64xf32>
    %get3A_28 = arith.constant 0 : index
    %get3A_29 = arith.constant 0 : index
    %get3A_30 = vector.load %arg10[%get3A_28, %get3A_29] : memref<64x64xf32, #tpu.memory_space<vmem>>, vector<64x64xf32>
    %dot_general3A_31 = arith.constant dense<0.000000e+00> : vector<2000x64xf32>
    %dot_general3A_32 = tpu.matmul %add3A_11, %get3A_30, %dot_general3A_31 {dimension_numbers = #tpu.dot_dimension_numbers<[1], [0], [0], [1], [0, 0, 1, 1], [], []>, precision = #tpu.contract_precision<fp32>, transpose_lhs_hint = false} : vector<2000x64xf32>, vector<64x64xf32>, vector<2000x64xf32> -> vector<2000x64xf32>
    %add3A_33 = arith.addf %add3A_27, %dot_general3A_32 : vector<2000x64xf32>
    %get3A_34 = arith.constant 0 : index
    %get3A_35 = arith.constant 0 : index
    %get3A_36 = vector.load %arg11[%get3A_34, %get3A_35] : memref<64x64xf32, #tpu.memory_space<vmem>>, vector<64x64xf32>
    %dot_general3A_37 = arith.constant dense<0.000000e+00> : vector<1x64xf32>
    %dot_general3A_38 = tpu.matmul %get3A_14, %get3A_36, %dot_general3A_37 {dimension_numbers = #tpu.dot_dimension_numbers<[1], [0], [0], [1], [0, 0, 1, 1], [], []>, precision = #tpu.contract_precision<fp32>, transpose_lhs_hint = false} : vector<1x64xf32>, vector<64x64xf32>, vector<1x64xf32> -> vector<1x64xf32>
    %add3A_39 = vector.broadcast %dot_general3A_38 : vector<1x64xf32> to vector<2000x64xf32>
    %add3A_40 = arith.addf %add3A_33, %add3A_39 : vector<2000x64xf32>
    %get3A_41 = arith.constant 0 : index
    %get3A_42 = arith.constant 0 : index
    %get3A_43 = vector.load %arg12[%get3A_41, %get3A_42] : memref<1x64xf32, #tpu.memory_space<vmem>>, vector<1x64xf32>
    %add3A_44 = vector.broadcast %get3A_43 : vector<1x64xf32> to vector<2000x64xf32>
    %add3A_45 = arith.addf %add3A_40, %add3A_44 : vector<2000x64xf32>
    %max3A = arith.constant 0.000000e+00 : f32
    %max3A_46 = vector.broadcast %max3A : f32 to vector<2000x64xf32>
    %max3A_47 = arith.maximumf %add3A_45, %max3A_46 : vector<2000x64xf32>
    %get3A_48 = arith.constant 0 : index
    %get3A_49 = arith.constant 0 : index
    %get3A_50 = vector.load %arg13[%get3A_48, %get3A_49] : memref<64x64xf32, #tpu.memory_space<vmem>>, vector<64x64xf32>
    %dot_general3A_51 = arith.constant dense<0.000000e+00> : vector<2000x64xf32>
    %dot_general3A_52 = tpu.matmul %max3A_47, %get3A_50, %dot_general3A_51 {dimension_numbers = #tpu.dot_dimension_numbers<[1], [0], [0], [1], [0, 0, 1, 1], [], []>, precision = #tpu.contract_precision<fp32>, transpose_lhs_hint = false} : vector<2000x64xf32>, vector<64x64xf32>, vector<2000x64xf32> -> vector<2000x64xf32>
    %get3A_53 = arith.constant 0 : index
    %get3A_54 = arith.constant 0 : index
    %get3A_55 = vector.load %arg14[%get3A_53, %get3A_54] : memref<1x64xf32, #tpu.memory_space<vmem>>, vector<1x64xf32>
    %add3A_56 = vector.broadcast %get3A_55 : vector<1x64xf32> to vector<2000x64xf32>
    %add3A_57 = arith.addf %dot_general3A_52, %add3A_56 : vector<2000x64xf32>
    %swap3A = arith.constant 0 : index
    %swap3A_58 = arith.constant 0 : index
    %swap3A_59 = vector.load %arg21[%swap3A, %swap3A_58] : memref<2000x64xf32, #tpu.memory_space<vmem>>, vector<2000x64xf32>
    tpu.vector_store %arg21[%swap3A, %swap3A_58], %add3A_57 {strides = array<i32>} : memref<2000x64xf32, #tpu.memory_space<vmem>>, vector<2000x64xf32>,
    %eq3A = arith.constant 0 : i32
    %eq3A_60 = arith.cmpi eq, %arg0, %eq3A : i32
    %convert_element_type3A = arith.extui %eq3A_60 : i1 to i32
    %cond3A = arith.constant 0 : i32
    %cond3A_61 = arith.cmpi ne, %convert_element_type3A, %cond3A : i32
    scf.if %cond3A_61 {
      %broadcast_in_dim3A_75 = arith.constant 0.000000e+00 : f32
      %broadcast_in_dim3A_76 = vector.broadcast %broadcast_in_dim3A_75 : f32 to vector<1x64xf32>
      %swap3A_77 = arith.constant 0 : index
      %swap3A_78 = arith.constant 0 : index
      %swap3A_79 = vector.load %arg23[%swap3A_77, %swap3A_78] : memref<1x64xf32, #tpu.memory_space<vmem>>, vector<1x64xf32>
      tpu.vector_store %arg23[%swap3A_77, %swap3A_78], %broadcast_in_dim3A_76 {strides = array<i32>} : memref<1x64xf32, #tpu.memory_space<vmem>>, vector<1x64xf32>,
    } else {
    }
    %get3A_62 = arith.constant 0 : index
    %get3A_63 = arith.constant 0 : index
    %get3A_64 = vector.load %arg23[%get3A_62, %get3A_63] : memref<1x64xf32, #tpu.memory_space<vmem>>, vector<1x64xf32>
    %reduce_sum3A = arith.constant dense<0.000000e+00> : vector<64xf32>
    %reduce_sum3A_65 = vector.multi_reduction <add>, %add3A_57, %reduce_sum3A [0] : vector<2000x64xf32> to vector<64xf32>
    %broadcast_in_dim3A = vector.shape_cast %reduce_sum3A_65 : vector<64xf32> to vector<1x64xf32>
    %add3A_66 = arith.addf %get3A_64, %broadcast_in_dim3A : vector<1x64xf32>
    %swap3A_67 = arith.constant 0 : index
    %swap3A_68 = arith.constant 0 : index
    %swap3A_69 = vector.load %arg23[%swap3A_67, %swap3A_68] : memref<1x64xf32, #tpu.memory_space<vmem>>, vector<1x64xf32>
    tpu.vector_store %arg23[%swap3A_67, %swap3A_68], %add3A_66 {strides = array<i32>} : memref<1x64xf32, #tpu.memory_space<vmem>>, vector<1x64xf32>,
    %eq3A_70 = arith.constant 4 : i32
    %eq3A_71 = arith.cmpi eq, %arg0, %eq3A_70 : i32
    %convert_element_type3A_72 = arith.extui %eq3A_71 : i1 to i32
    %cond3A_73 = arith.constant 0 : i32
    %cond3A_74 = arith.cmpi ne, %convert_element_type3A_72, %cond3A_73 : i32
    scf.if %cond3A_74 {
      %get3A_75 = arith.constant 0 : index
      %get3A_76 = arith.constant 0 : index
      %get3A_77 = vector.load %arg23[%get3A_75, %get3A_76] : memref<1x64xf32, #tpu.memory_space<vmem>>, vector<1x64xf32>
      %mul3A = arith.constant 9.99999974E-5 : f32
      %mul3A_78 = vector.broadcast %mul3A : f32 to vector<1x64xf32>
      %mul3A_79 = arith.mulf %get3A_77, %mul3A_78 : vector<1x64xf32>
      %get3A_80 = arith.constant 0 : index
      %get3A_81 = arith.constant 0 : index
      %get3A_82 = vector.load %arg6[%get3A_80, %get3A_81] : memref<1x64xf32, #tpu.memory_space<vmem>>, vector<1x64xf32>
      %mul3A_83 = arith.constant 3.125000e-06 : f32
      %mul3A_84 = vector.broadcast %mul3A_83 : f32 to vector<1x64xf32>
      %mul3A_85 = arith.mulf %get3A_82, %mul3A_84 : vector<1x64xf32>
      %get3A_86 = arith.constant 0 : index
      %get3A_87 = arith.constant 0 : index
      %get3A_88 = vector.load %arg15[%get3A_86, %get3A_87] : memref<64x64xf32, #tpu.memory_space<vmem>>, vector<64x64xf32>
      %dot_general3A_89 = arith.constant dense<0.000000e+00> : vector<1x64xf32>
      %dot_general3A_90 = tpu.matmul %mul3A_79, %get3A_88, %dot_general3A_89 {dimension_numbers = #tpu.dot_dimension_numbers<[1], [0], [0], [1], [0, 0, 1, 1], [], []>, precision = #tpu.contract_precision<fp32>, transpose_lhs_hint = false} : vector<1x64xf32>, vector<64x64xf32>, vector<1x64xf32> -> vector<1x64xf32>
      %get3A_91 = arith.constant 0 : index
      %get3A_92 = arith.constant 0 : index
      %get3A_93 = vector.load %arg16[%get3A_91, %get3A_92] : memref<64x64xf32, #tpu.memory_space<vmem>>, vector<64x64xf32>
      %dot_general3A_94 = arith.constant dense<0.000000e+00> : vector<1x64xf32>
      %dot_general3A_95 = tpu.matmul %mul3A_85, %get3A_93, %dot_general3A_94 {dimension_numbers = #tpu.dot_dimension_numbers<[1], [0], [0], [1], [0, 0, 1, 1], [], []>, precision = #tpu.contract_precision<fp32>, transpose_lhs_hint = false} : vector<1x64xf32>, vector<64x64xf32>, vector<1x64xf32> -> vector<1x64xf32>
      %add3A_96 = arith.addf %dot_general3A_90, %dot_general3A_95 : vector<1x64xf32>
      %get3A_97 = arith.constant 0 : index
      %get3A_98 = arith.constant 0 : index
      %get3A_99 = vector.load %arg17[%get3A_97, %get3A_98] : memref<64x64xf32, #tpu.memory_space<vmem>>, vector<64x64xf32>
      %dot_general3A_100 = arith.constant dense<0.000000e+00> : vector<1x64xf32>
      %dot_general3A_101 = tpu.matmul %get3A_14, %get3A_99, %dot_general3A_100 {dimension_numbers = #tpu.dot_dimension_numbers<[1], [0], [0], [1], [0, 0, 1, 1], [], []>, precision = #tpu.contract_precision<fp32>, transpose_lhs_hint = false} : vector<1x64xf32>, vector<64x64xf32>, vector<1x64xf32> -> vector<1x64xf32>
      %add3A_102 = arith.addf %add3A_96, %dot_general3A_101 : vector<1x64xf32>
      %get3A_103 = arith.constant 0 : index
      %get3A_104 = arith.constant 0 : index
      %get3A_105 = vector.load %arg18[%get3A_103, %get3A_104] : memref<1x64xf32, #tpu.memory_space<vmem>>, vector<1x64xf32>
      %add3A_106 = arith.addf %add3A_102, %get3A_105 : vector<1x64xf32>
      %max3A_107 = arith.constant 0.000000e+00 : f32
      %max3A_108 = vector.broadcast %max3A_107 : f32 to vector<1x64xf32>
      %max3A_109 = arith.maximumf %add3A_106, %max3A_108 : vector<1x64xf32>
      %get3A_110 = arith.constant 0 : index
      %get3A_111 = arith.constant 0 : index
      %get3A_112 = vector.load %arg19[%get3A_110, %get3A_111] : memref<64x64xf32, #tpu.memory_space<vmem>>, vector<64x64xf32>
      %dot_general3A_113 = arith.constant dense<0.000000e+00> : vector<1x64xf32>
      %dot_general3A_114 = tpu.matmul %max3A_109, %get3A_112, %dot_general3A_113 {dimension_numbers = #tpu.dot_dimension_numbers<[1], [0], [0], [1], [0, 0, 1, 1], [], []>, precision = #tpu.contract_precision<fp32>, transpose_lhs_hint = false} : vector<1x64xf32>, vector<64x64xf32>, vector<1x64xf32> -> vector<1x64xf32>
      %get3A_115 = arith.constant 0 : index
      %get3A_116 = arith.constant 0 : index
      %get3A_117 = vector.load %arg20[%get3A_115, %get3A_116] : memref<1x64xf32, #tpu.memory_space<vmem>>, vector<1x64xf32>
      %add3A_118 = arith.addf %dot_general3A_114, %get3A_117 : vector<1x64xf32>
      %mul3A_119 = arith.constant 1.000000e+00 : f32
      %mul3A_120 = vector.broadcast %mul3A_119 : f32 to vector<1x64xf32>
      %mul3A_121 = arith.mulf %mul3A_120, %add3A_118 : vector<1x64xf32>
      %swap3A_122 = arith.constant 0 : index
      %swap3A_123 = arith.constant 0 : index
      %swap3A_124 = vector.load %arg22[%swap3A_122, %swap3A_123] : memref<1x64xf32, #tpu.memory_space<vmem>>, vector<1x64xf32>
      tpu.vector_store %arg22[%swap3A_122, %swap3A_123], %mul3A_121 {strides = array<i32>} : memref<1x64xf32, #tpu.memory_space<vmem>>, vector<1x64xf32>,
    } else {
    }
    return
  }
  func.func @transform_0(%arg0: i32) -> (i32, i32) {
    %c0_i32 = arith.constant 0 : i32
    %c0_i32_0 = arith.constant 0 : i32
    return %arg0, %c0_i32 : i32, i32
  }
  func.func @transform_1(%arg0: i32) -> (i32, i32) {
    %c0_i32 = arith.constant 0 : i32
    %c0_i32_0 = arith.constant 0 : i32
    return %arg0, %c0_i32 : i32, i32
  }
  func.func @transform_2(%arg0: i32) -> (i32, i32) {
    %c0_i32 = arith.constant 0 : i32
    %c0_i32_0 = arith.constant 0 : i32
    return %arg0, %c0_i32 : i32, i32
  }
  func.func @transform_3(%arg0: i32) -> (i32, i32) {
    %c0_i32 = arith.constant 0 : i32
    %c0_i32_0 = arith.constant 0 : i32
    return %arg0, %c0_i32 : i32, i32
  }
  func.func @transform_4(%arg0: i32) -> (i32, i32) {
    %c0_i32 = arith.constant 0 : i32
    %c0_i32_0 = arith.constant 0 : i32
    return %arg0, %c0_i32 : i32, i32
  }
  func.func @transform_5(%arg0: i32) -> (i32, i32) {
    %c0_i32 = arith.constant 0 : i32
    %c0_i32_0 = arith.constant 0 : i32
    %c0_i32_1 = arith.constant 0 : i32
    return %c0_i32, %c0_i32_0 : i32, i32
  }
  func.func @transform_6(%arg0: i32) -> (i32, i32) {
    %c0_i32 = arith.constant 0 : i32
    %c0_i32_0 = arith.constant 0 : i32
    %c0_i32_1 = arith.constant 0 : i32
    return %c0_i32, %c0_i32_0 : i32, i32
  }
  func.func @transform_7(%arg0: i32) -> (i32, i32) {
    %c0_i32 = arith.constant 0 : i32
    %c0_i32_0 = arith.constant 0 : i32
    %c0_i32_1 = arith.constant 0 : i32
    return %c0_i32, %c0_i32_0 : i32, i32
  }
  func.func @transform_8(%arg0: i32) -> (i32, i32) {
    %c0_i32 = arith.constant 0 : i32
    %c0_i32_0 = arith.constant 0 : i32
    %c0_i32_1 = arith.constant 0 : i32
    return %c0_i32, %c0_i32_0 : i32, i32
  }
  func.func @transform_9(%arg0: i32) -> (i32, i32) {
    %c0_i32 = arith.constant 0 : i32
    %c0_i32_0 = arith.constant 0 : i32
    %c0_i32_1 = arith.constant 0 : i32
    return %c0_i32, %c0_i32_0 : i32, i32
  }
  func.func @transform_10(%arg0: i32) -> (i32, i32) {
    %c0_i32 = arith.constant 0 : i32
    %c0_i32_0 = arith.constant 0 : i32
    %c0_i32_1 = arith.constant 0 : i32
    return %c0_i32, %c0_i32_0 : i32, i32
  }
  func.func @transform_11(%arg0: i32) -> (i32, i32) {
    %c0_i32 = arith.constant 0 : i32
    %c0_i32_0 = arith.constant 0 : i32
    %c0_i32_1 = arith.constant 0 : i32
    return %c0_i32, %c0_i32_0 : i32, i32
  }
  func.func @transform_12(%arg0: i32) -> (i32, i32) {
    %c0_i32 = arith.constant 0 : i32
    %c0_i32_0 = arith.constant 0 : i32
    %c0_i32_1 = arith.constant 0 : i32
    return %c0_i32, %c0_i32_0 : i32, i32
  }
  func.func @transform_13(%arg0: i32) -> (i32, i32) {
    %c0_i32 = arith.constant 0 : i32
    %c0_i32_0 = arith.constant 0 : i32
    %c0_i32_1 = arith.constant 0 : i32
    return %c0_i32, %c0_i32_0 : i32, i32
  }
  func.func @transform_14(%arg0: i32) -> (i32, i32) {
    %c0_i32 = arith.constant 0 : i32
    %c0_i32_0 = arith.constant 0 : i32
    %c0_i32_1 = arith.constant 0 : i32
    return %c0_i32, %c0_i32_0 : i32, i32
  }
  func.func @transform_15(%arg0: i32) -> (i32, i32) {
    %c0_i32 = arith.constant 0 : i32
    %c0_i32_0 = arith.constant 0 : i32
    %c0_i32_1 = arith.constant 0 : i32
    return %c0_i32, %c0_i32_0 : i32, i32
  }
  func.func @transform_16(%arg0: i32) -> (i32, i32) {
    %c0_i32 = arith.constant 0 : i32
    %c0_i32_0 = arith.constant 0 : i32
    %c0_i32_1 = arith.constant 0 : i32
    return %c0_i32, %c0_i32_0 : i32, i32
  }
  func.func @transform_17(%arg0: i32) -> (i32, i32) {
    %c0_i32 = arith.constant 0 : i32
    %c0_i32_0 = arith.constant 0 : i32
    %c0_i32_1 = arith.constant 0 : i32
    return %c0_i32, %c0_i32_0 : i32, i32
  }
  func.func @transform_18(%arg0: i32) -> (i32, i32) {
    %c0_i32 = arith.constant 0 : i32
    %c0_i32_0 = arith.constant 0 : i32
    %c0_i32_1 = arith.constant 0 : i32
    return %c0_i32, %c0_i32_0 : i32, i32
  }
  func.func @transform_19(%arg0: i32) -> (i32, i32) {
    %c0_i32 = arith.constant 0 : i32
    %c0_i32_0 = arith.constant 0 : i32
    %c0_i32_1 = arith.constant 0 : i32
    return %c0_i32, %c0_i32_0 : i32, i32
  }
  func.func @transform_20(%arg0: i32) -> (i32, i32) {
    %c0_i32 = arith.constant 0 : i32
    %c0_i32_0 = arith.constant 0 : i32
    return %arg0, %c0_i32 : i32, i32
  }
  func.func @transform_21(%arg0: i32) -> (i32, i32) {
    %c0_i32 = arith.constant 0 : i32
    %c0_i32_0 = arith.constant 0 : i32
    %c0_i32_1 = arith.constant 0 : i32
    return %c0_i32, %c0_i32_0 : i32, i32
  }
  func.func @transform_22(%arg0: i32) -> (i32, i32) {
    %c0_i32 = arith.constant 0 : i32
    %c0_i32_0 = arith.constant 0 : i32
    %c0_i32_1 = arith.constant 0 : i32
    return %c0_i32, %c0_i32_0 : i32, i32
  }
}

module attributes {stable_mosaic.version = 14 : i64} {
  func.func @_edge_block_body(%arg0: i32, %arg1: memref<2048x64xf32, #tpu.memory_space<vmem>>, %arg2: memref<2048x64xf32, #tpu.memory_space<vmem>>, %arg3: memref<2048x64xf32, #tpu.memory_space<vmem>>, %arg4: memref<1x64xf32, #tpu.memory_space<vmem>>, %arg5: memref<64x64xf32, #tpu.memory_space<vmem>>, %arg6: memref<64x64xf32, #tpu.memory_space<vmem>>, %arg7: memref<64x64xf32, #tpu.memory_space<vmem>>, %arg8: memref<64x64xf32, #tpu.memory_space<vmem>>, %arg9: memref<1x64xf32, #tpu.memory_space<vmem>>, %arg10: memref<64x64xf32, #tpu.memory_space<vmem>>, %arg11: memref<1x64xf32, #tpu.memory_space<vmem>>, %arg12: memref<2048x64xf32, #tpu.memory_space<vmem>>, %arg13: memref<1x64xf32, #tpu.memory_space<vmem>>) attributes {dimension_semantics = [#tpu.dimension_semantics<arbitrary>], iteration_bounds = array<i64: 160>, scalar_prefetch = 0 : i64, scratch_operands = 0 : i64, tpu.core_type = #tpu.core_type<tc>, window_params = [{transform_indices = @transform_0, window_bounds = array<i64: 2048, 64>}, {transform_indices = @transform_1, window_bounds = array<i64: 2048, 64>}, {transform_indices = @transform_2, window_bounds = array<i64: 2048, 64>}, {pipeline_mode = #tpu.pipeline_mode<synchronous>, transform_indices = @transform_3, window_bounds = array<i64: 1, 64>}, {pipeline_mode = #tpu.pipeline_mode<synchronous>, transform_indices = @transform_4, window_bounds = array<i64: 64, 64>}, {pipeline_mode = #tpu.pipeline_mode<synchronous>, transform_indices = @transform_5, window_bounds = array<i64: 64, 64>}, {pipeline_mode = #tpu.pipeline_mode<synchronous>, transform_indices = @transform_6, window_bounds = array<i64: 64, 64>}, {pipeline_mode = #tpu.pipeline_mode<synchronous>, transform_indices = @transform_7, window_bounds = array<i64: 64, 64>}, {pipeline_mode = #tpu.pipeline_mode<synchronous>, transform_indices = @transform_8, window_bounds = array<i64: 1, 64>}, {pipeline_mode = #tpu.pipeline_mode<synchronous>, transform_indices = @transform_9, window_bounds = array<i64: 64, 64>}, {pipeline_mode = #tpu.pipeline_mode<synchronous>, transform_indices = @transform_10, window_bounds = array<i64: 1, 64>}, {transform_indices = @transform_11, window_bounds = array<i64: 2048, 64>}, {pipeline_mode = #tpu.pipeline_mode<synchronous>, transform_indices = @transform_12, window_bounds = array<i64: 1, 64>}]} {
    %get3A = arith.constant 0 : index
    %get3A_0 = arith.constant 0 : index
    %get3A_1 = vector.load %arg4[%get3A, %get3A_0] : memref<1x64xf32, #tpu.memory_space<vmem>>, vector<1x64xf32>
    %get3A_2 = arith.constant 0 : index
    %get3A_3 = arith.constant 0 : index
    %get3A_4 = vector.load %arg8[%get3A_2, %get3A_3] : memref<64x64xf32, #tpu.memory_space<vmem>>, vector<64x64xf32>
    %dot_general3A = arith.constant dense<0.000000e+00> : vector<1x64xf32>
    %dot_general3A_5 = tpu.matmul %get3A_1, %get3A_4, %dot_general3A {dimension_numbers = #tpu.dot_dimension_numbers<[1], [0], [0], [1], [0, 0, 1, 1], [], []>, transpose_lhs_hint = false} : vector<1x64xf32>, vector<64x64xf32>, vector<1x64xf32> -> vector<1x64xf32>
    %get3A_6 = arith.constant 0 : index
    %get3A_7 = arith.constant 0 : index
    %get3A_8 = vector.load %arg9[%get3A_6, %get3A_7] : memref<1x64xf32, #tpu.memory_space<vmem>>, vector<1x64xf32>
    %add3A = arith.addf %dot_general3A_5, %get3A_8 : vector<1x64xf32>
    %get3A_9 = arith.constant 0 : index
    %get3A_10 = arith.constant 0 : index
    %get3A_11 = vector.load %arg1[%get3A_9, %get3A_10] : memref<2048x64xf32, #tpu.memory_space<vmem>>, vector<2048x64xf32>
    %get3A_12 = arith.constant 0 : index
    %get3A_13 = arith.constant 0 : index
    %get3A_14 = vector.load %arg2[%get3A_12, %get3A_13] : memref<2048x64xf32, #tpu.memory_space<vmem>>, vector<2048x64xf32>
    %get3A_15 = arith.constant 0 : index
    %get3A_16 = arith.constant 0 : index
    %get3A_17 = vector.load %arg3[%get3A_15, %get3A_16] : memref<2048x64xf32, #tpu.memory_space<vmem>>, vector<2048x64xf32>
    %get3A_18 = arith.constant 0 : index
    %get3A_19 = arith.constant 0 : index
    %get3A_20 = vector.load %arg5[%get3A_18, %get3A_19] : memref<64x64xf32, #tpu.memory_space<vmem>>, vector<64x64xf32>
    %get3A_21 = arith.constant 0 : index
    %get3A_22 = arith.constant 0 : index
    %get3A_23 = vector.load %arg6[%get3A_21, %get3A_22] : memref<64x64xf32, #tpu.memory_space<vmem>>, vector<64x64xf32>
    %get3A_24 = arith.constant 0 : index
    %get3A_25 = arith.constant 0 : index
    %get3A_26 = vector.load %arg7[%get3A_24, %get3A_25] : memref<64x64xf32, #tpu.memory_space<vmem>>, vector<64x64xf32>
    %get3A_27 = arith.constant 0 : index
    %get3A_28 = arith.constant 0 : index
    %get3A_29 = vector.load %arg10[%get3A_27, %get3A_28] : memref<64x64xf32, #tpu.memory_space<vmem>>, vector<64x64xf32>
    %get3A_30 = arith.constant 0 : index
    %get3A_31 = arith.constant 0 : index
    %get3A_32 = vector.load %arg11[%get3A_30, %get3A_31] : memref<1x64xf32, #tpu.memory_space<vmem>>, vector<1x64xf32>
    %dot_general3A_33 = arith.constant dense<0.000000e+00> : vector<2048x64xf32>
    %dot_general3A_34 = tpu.matmul %get3A_11, %get3A_20, %dot_general3A_33 {dimension_numbers = #tpu.dot_dimension_numbers<[1], [0], [0], [1], [0, 0, 1, 1], [], []>, transpose_lhs_hint = false} : vector<2048x64xf32>, vector<64x64xf32>, vector<2048x64xf32> -> vector<2048x64xf32>
    %dot_general3A_35 = arith.constant dense<0.000000e+00> : vector<2048x64xf32>
    %dot_general3A_36 = tpu.matmul %get3A_14, %get3A_23, %dot_general3A_35 {dimension_numbers = #tpu.dot_dimension_numbers<[1], [0], [0], [1], [0, 0, 1, 1], [], []>, transpose_lhs_hint = false} : vector<2048x64xf32>, vector<64x64xf32>, vector<2048x64xf32> -> vector<2048x64xf32>
    %add3A_37 = arith.addf %dot_general3A_34, %dot_general3A_36 : vector<2048x64xf32>
    %dot_general3A_38 = arith.constant dense<0.000000e+00> : vector<2048x64xf32>
    %dot_general3A_39 = tpu.matmul %get3A_17, %get3A_26, %dot_general3A_38 {dimension_numbers = #tpu.dot_dimension_numbers<[1], [0], [0], [1], [0, 0, 1, 1], [], []>, transpose_lhs_hint = false} : vector<2048x64xf32>, vector<64x64xf32>, vector<2048x64xf32> -> vector<2048x64xf32>
    %add3A_40 = arith.addf %add3A_37, %dot_general3A_39 : vector<2048x64xf32>
    %add3A_41 = vector.broadcast %add3A : vector<1x64xf32> to vector<2048x64xf32>
    %add3A_42 = arith.addf %add3A_40, %add3A_41 : vector<2048x64xf32>
    %max3A = arith.constant 0.000000e+00 : f32
    %max3A_43 = vector.broadcast %max3A : f32 to vector<2048x64xf32>
    %max3A_44 = arith.maximumf %add3A_42, %max3A_43 : vector<2048x64xf32>
    %dot_general3A_45 = arith.constant dense<0.000000e+00> : vector<2048x64xf32>
    %dot_general3A_46 = tpu.matmul %max3A_44, %get3A_29, %dot_general3A_45 {dimension_numbers = #tpu.dot_dimension_numbers<[1], [0], [0], [1], [0, 0, 1, 1], [], []>, transpose_lhs_hint = false} : vector<2048x64xf32>, vector<64x64xf32>, vector<2048x64xf32> -> vector<2048x64xf32>
    %add3A_47 = vector.broadcast %get3A_32 : vector<1x64xf32> to vector<2048x64xf32>
    %add3A_48 = arith.addf %dot_general3A_46, %add3A_47 : vector<2048x64xf32>
    %mul3A = arith.constant 2048 : i32
    %mul3A_49 = arith.muli %arg0, %mul3A : i32
    %iota3A = tpu.iota {dimensions = array<i32: 0>} : vector<2048x1xi32>
    %add3A_50 = vector.broadcast %mul3A_49 : i32 to vector<2048x1xi32>
    %add3A_51 = arith.addi %add3A_50, %iota3A : vector<2048x1xi32>
    %lt3A = arith.constant 320000 : i32
    %lt3A_52 = vector.broadcast %lt3A : i32 to vector<2048x1xi32>
    %lt3A_53 = arith.cmpi slt, %add3A_51, %lt3A_52 : vector<2048x1xi32>
    %jit3A = arith.constant 0.000000e+00 : f32
    %broadcast_in_dim3A = vector.shape_cast %lt3A_53 : vector<2048x1xi1> to vector<2048x1xi1>
    %broadcast_in_dim3A_54 = vector.broadcast %broadcast_in_dim3A : vector<2048x1xi1> to vector<2048x64xi1>
    %broadcast_in_dim3A_55 = vector.broadcast %jit3A : f32 to vector<2048x64xf32>
    %select_n3A = arith.select %broadcast_in_dim3A_54, %add3A_48, %broadcast_in_dim3A_55 : vector<2048x64xi1>, vector<2048x64xf32>
    %swap3A = arith.constant 0 : index
    %swap3A_56 = arith.constant 0 : index
    %swap3A_57 = vector.load %arg12[%swap3A, %swap3A_56] : memref<2048x64xf32, #tpu.memory_space<vmem>>, vector<2048x64xf32>
    tpu.vector_store %arg12[%swap3A, %swap3A_56], %select_n3A {strides = array<i32>} : memref<2048x64xf32, #tpu.memory_space<vmem>>, vector<2048x64xf32>,
    %eq3A = arith.constant 0 : i32
    %eq3A_58 = arith.cmpi eq, %arg0, %eq3A : i32
    %convert_element_type3A = arith.extui %eq3A_58 : i1 to i32
    %cond3A = arith.constant 0 : i32
    %cond3A_59 = arith.cmpi ne, %convert_element_type3A, %cond3A : i32
    scf.if %cond3A_59 {
      %broadcast_in_dim3A_69 = arith.constant 0.000000e+00 : f32
      %broadcast_in_dim3A_70 = vector.broadcast %broadcast_in_dim3A_69 : f32 to vector<1x64xf32>
      %swap3A_71 = arith.constant 0 : index
      %swap3A_72 = arith.constant 0 : index
      %swap3A_73 = vector.load %arg13[%swap3A_71, %swap3A_72] : memref<1x64xf32, #tpu.memory_space<vmem>>, vector<1x64xf32>
      tpu.vector_store %arg13[%swap3A_71, %swap3A_72], %broadcast_in_dim3A_70 {strides = array<i32>} : memref<1x64xf32, #tpu.memory_space<vmem>>, vector<1x64xf32>,
    } else {
    }
    %get3A_60 = arith.constant 0 : index
    %get3A_61 = arith.constant 0 : index
    %get3A_62 = vector.load %arg13[%get3A_60, %get3A_61] : memref<1x64xf32, #tpu.memory_space<vmem>>, vector<1x64xf32>
    %reduce_sum3A = arith.constant dense<0.000000e+00> : vector<64xf32>
    %reduce_sum3A_63 = vector.multi_reduction <add>, %select_n3A, %reduce_sum3A [0] : vector<2048x64xf32> to vector<64xf32>
    %broadcast_in_dim3A_64 = vector.shape_cast %reduce_sum3A_63 : vector<64xf32> to vector<1x64xf32>
    %add3A_65 = arith.addf %get3A_62, %broadcast_in_dim3A_64 : vector<1x64xf32>
    %swap3A_66 = arith.constant 0 : index
    %swap3A_67 = arith.constant 0 : index
    %swap3A_68 = vector.load %arg13[%swap3A_66, %swap3A_67] : memref<1x64xf32, #tpu.memory_space<vmem>>, vector<1x64xf32>
    tpu.vector_store %arg13[%swap3A_66, %swap3A_67], %add3A_65 {strides = array<i32>} : memref<1x64xf32, #tpu.memory_space<vmem>>, vector<1x64xf32>,
    return
  }
  func.func @transform_0(%arg0: i32) -> (i32, i32) {
    %c0_i32 = arith.constant 0 : i32
    %c0_i32_0 = arith.constant 0 : i32
    return %arg0, %c0_i32 : i32, i32
  }
  func.func @transform_1(%arg0: i32) -> (i32, i32) {
    %c0_i32 = arith.constant 0 : i32
    %c0_i32_0 = arith.constant 0 : i32
    return %arg0, %c0_i32 : i32, i32
  }
  func.func @transform_2(%arg0: i32) -> (i32, i32) {
    %c0_i32 = arith.constant 0 : i32
    %c0_i32_0 = arith.constant 0 : i32
    return %arg0, %c0_i32 : i32, i32
  }
  func.func @transform_3(%arg0: i32) -> (i32, i32) {
    %c0_i32 = arith.constant 0 : i32
    %c0_i32_0 = arith.constant 0 : i32
    %c0_i32_1 = arith.constant 0 : i32
    return %c0_i32, %c0_i32_0 : i32, i32
  }
  func.func @transform_4(%arg0: i32) -> (i32, i32) {
    %c0_i32 = arith.constant 0 : i32
    %c0_i32_0 = arith.constant 0 : i32
    %c0_i32_1 = arith.constant 0 : i32
    return %c0_i32, %c0_i32_0 : i32, i32
  }
  func.func @transform_5(%arg0: i32) -> (i32, i32) {
    %c0_i32 = arith.constant 0 : i32
    %c0_i32_0 = arith.constant 0 : i32
    %c0_i32_1 = arith.constant 0 : i32
    return %c0_i32, %c0_i32_0 : i32, i32
  }
  func.func @transform_6(%arg0: i32) -> (i32, i32) {
    %c0_i32 = arith.constant 0 : i32
    %c0_i32_0 = arith.constant 0 : i32
    %c0_i32_1 = arith.constant 0 : i32
    return %c0_i32, %c0_i32_0 : i32, i32
  }
  func.func @transform_7(%arg0: i32) -> (i32, i32) {
    %c0_i32 = arith.constant 0 : i32
    %c0_i32_0 = arith.constant 0 : i32
    %c0_i32_1 = arith.constant 0 : i32
    return %c0_i32, %c0_i32_0 : i32, i32
  }
  func.func @transform_8(%arg0: i32) -> (i32, i32) {
    %c0_i32 = arith.constant 0 : i32
    %c0_i32_0 = arith.constant 0 : i32
    %c0_i32_1 = arith.constant 0 : i32
    return %c0_i32, %c0_i32_0 : i32, i32
  }
  func.func @transform_9(%arg0: i32) -> (i32, i32) {
    %c0_i32 = arith.constant 0 : i32
    %c0_i32_0 = arith.constant 0 : i32
    %c0_i32_1 = arith.constant 0 : i32
    return %c0_i32, %c0_i32_0 : i32, i32
  }
  func.func @transform_10(%arg0: i32) -> (i32, i32) {
    %c0_i32 = arith.constant 0 : i32
    %c0_i32_0 = arith.constant 0 : i32
    %c0_i32_1 = arith.constant 0 : i32
    return %c0_i32, %c0_i32_0 : i32, i32
  }
  func.func @transform_11(%arg0: i32) -> (i32, i32) {
    %c0_i32 = arith.constant 0 : i32
    %c0_i32_0 = arith.constant 0 : i32
    return %arg0, %c0_i32 : i32, i32
  }
  func.func @transform_12(%arg0: i32) -> (i32, i32) {
    %c0_i32 = arith.constant 0 : i32
    %c0_i32_0 = arith.constant 0 : i32
    %c0_i32_1 = arith.constant 0 : i32
    return %c0_i32, %c0_i32_0 : i32, i32
  }
}

module attributes {stable_mosaic.version = 14 : i64} {
  func.func @_node_body(%arg0: i32, %arg1: memref<2000x64xf32, #tpu.memory_space<vmem>>, %arg2: memref<2000x64xf32, #tpu.memory_space<vmem>>, %arg3: memref<2000x64xf32, #tpu.memory_space<vmem>>, %arg4: memref<2000x64xf32, #tpu.memory_space<vmem>>, %arg5: memref<2000x64xf32, #tpu.memory_space<vmem>>, %arg6: memref<1x64xf32, #tpu.memory_space<vmem>>, %arg7: memref<1x64xf32, #tpu.memory_space<vmem>>, %arg8: memref<64x64xf32, #tpu.memory_space<vmem>>, %arg9: memref<64x64xf32, #tpu.memory_space<vmem>>, %arg10: memref<64x64xf32, #tpu.memory_space<vmem>>, %arg11: memref<64x64xf32, #tpu.memory_space<vmem>>, %arg12: memref<1x64xf32, #tpu.memory_space<vmem>>, %arg13: memref<64x64xf32, #tpu.memory_space<vmem>>, %arg14: memref<1x64xf32, #tpu.memory_space<vmem>>, %arg15: memref<64x64xf32, #tpu.memory_space<vmem>>, %arg16: memref<64x64xf32, #tpu.memory_space<vmem>>, %arg17: memref<64x64xf32, #tpu.memory_space<vmem>>, %arg18: memref<1x64xf32, #tpu.memory_space<vmem>>, %arg19: memref<64x64xf32, #tpu.memory_space<vmem>>, %arg20: memref<1x64xf32, #tpu.memory_space<vmem>>, %arg21: memref<2000x64xf32, #tpu.memory_space<vmem>>, %arg22: memref<1x64xf32, #tpu.memory_space<vmem>>, %arg23: memref<1x64xf32, #tpu.memory_space<vmem>>) attributes {dimension_semantics = [#tpu.dimension_semantics<arbitrary>], iteration_bounds = array<i64: 5>, scalar_prefetch = 0 : i64, scratch_operands = 0 : i64, tpu.core_type = #tpu.core_type<tc>, window_params = [{transform_indices = @transform_0, window_bounds = array<i64: 2000, 64>}, {transform_indices = @transform_1, window_bounds = array<i64: 2000, 64>}, {transform_indices = @transform_2, window_bounds = array<i64: 2000, 64>}, {transform_indices = @transform_3, window_bounds = array<i64: 2000, 64>}, {transform_indices = @transform_4, window_bounds = array<i64: 2000, 64>}, {pipeline_mode = #tpu.pipeline_mode<synchronous>, transform_indices = @transform_5, window_bounds = array<i64: 1, 64>}, {pipeline_mode = #tpu.pipeline_mode<synchronous>, transform_indices = @transform_6, window_bounds = array<i64: 1, 64>}, {pipeline_mode = #tpu.pipeline_mode<synchronous>, transform_indices = @transform_7, window_bounds = array<i64: 64, 64>}, {pipeline_mode = #tpu.pipeline_mode<synchronous>, transform_indices = @transform_8, window_bounds = array<i64: 64, 64>}, {pipeline_mode = #tpu.pipeline_mode<synchronous>, transform_indices = @transform_9, window_bounds = array<i64: 64, 64>}, {pipeline_mode = #tpu.pipeline_mode<synchronous>, transform_indices = @transform_10, window_bounds = array<i64: 64, 64>}, {pipeline_mode = #tpu.pipeline_mode<synchronous>, transform_indices = @transform_11, window_bounds = array<i64: 1, 64>}, {pipeline_mode = #tpu.pipeline_mode<synchronous>, transform_indices = @transform_12, window_bounds = array<i64: 64, 64>}, {pipeline_mode = #tpu.pipeline_mode<synchronous>, transform_indices = @transform_13, window_bounds = array<i64: 1, 64>}, {pipeline_mode = #tpu.pipeline_mode<synchronous>, transform_indices = @transform_14, window_bounds = array<i64: 64, 64>}, {pipeline_mode = #tpu.pipeline_mode<synchronous>, transform_indices = @transform_15, window_bounds = array<i64: 64, 64>}, {pipeline_mode = #tpu.pipeline_mode<synchronous>, transform_indices = @transform_16, window_bounds = array<i64: 64, 64>}, {pipeline_mode = #tpu.pipeline_mode<synchronous>, transform_indices = @transform_17, window_bounds = array<i64: 1, 64>}, {pipeline_mode = #tpu.pipeline_mode<synchronous>, transform_indices = @transform_18, window_bounds = array<i64: 64, 64>}, {pipeline_mode = #tpu.pipeline_mode<synchronous>, transform_indices = @transform_19, window_bounds = array<i64: 1, 64>}, {transform_indices = @transform_20, window_bounds = array<i64: 2000, 64>}, {pipeline_mode = #tpu.pipeline_mode<synchronous>, transform_indices = @transform_21, window_bounds = array<i64: 1, 64>}, {pipeline_mode = #tpu.pipeline_mode<synchronous>, transform_indices = @transform_22, window_bounds = array<i64: 1, 64>}]} {
    %get3A = arith.constant 0 : index
    %get3A_0 = arith.constant 0 : index
    %get3A_1 = vector.load %arg2[%get3A, %get3A_0] : memref<2000x64xf32, #tpu.memory_space<vmem>>, vector<2000x64xf32>
    %get3A_2 = arith.constant 0 : index
    %get3A_3 = arith.constant 0 : index
    %get3A_4 = vector.load %arg3[%get3A_2, %get3A_3] : memref<2000x64xf32, #tpu.memory_space<vmem>>, vector<2000x64xf32>
    %add3A = arith.addf %get3A_1, %get3A_4 : vector<2000x64xf32>
    %get3A_5 = arith.constant 0 : index
    %get3A_6 = arith.constant 0 : index
    %get3A_7 = vector.load %arg4[%get3A_5, %get3A_6] : memref<2000x64xf32, #tpu.memory_space<vmem>>, vector<2000x64xf32>
    %get3A_8 = arith.constant 0 : index
    %get3A_9 = arith.constant 0 : index
    %get3A_10 = vector.load %arg5[%get3A_8, %get3A_9] : memref<2000x64xf32, #tpu.memory_space<vmem>>, vector<2000x64xf32>
    %add3A_11 = arith.addf %get3A_7, %get3A_10 : vector<2000x64xf32>
    %get3A_12 = arith.constant 0 : index
    %get3A_13 = arith.constant 0 : index
    %get3A_14 = vector.load %arg7[%get3A_12, %get3A_13] : memref<1x64xf32, #tpu.memory_space<vmem>>, vector<1x64xf32>
    %get3A_15 = arith.constant 0 : index
    %get3A_16 = arith.constant 0 : index
    %get3A_17 = vector.load %arg1[%get3A_15, %get3A_16] : memref<2000x64xf32, #tpu.memory_space<vmem>>, vector<2000x64xf32>
    %get3A_18 = arith.constant 0 : index
    %get3A_19 = arith.constant 0 : index
    %get3A_20 = vector.load %arg8[%get3A_18, %get3A_19] : memref<64x64xf32, #tpu.memory_space<vmem>>, vector<64x64xf32>
    %dot_general3A = arith.constant dense<0.000000e+00> : vector<2000x64xf32>
    %dot_general3A_21 = tpu.matmul %get3A_17, %get3A_20, %dot_general3A {dimension_numbers = #tpu.dot_dimension_numbers<[1], [0], [0], [1], [0, 0, 1, 1], [], []>, precision = #tpu.contract_precision<fp32>, transpose_lhs_hint = false} : vector<2000x64xf32>, vector<64x64xf32>, vector<2000x64xf32> -> vector<2000x64xf32>
    %get3A_22 = arith.constant 0 : index
    %get3A_23 = arith.constant 0 : index
    %get3A_24 = vector.load %arg9[%get3A_22, %get3A_23] : memref<64x64xf32, #tpu.memory_space<vmem>>, vector<64x64xf32>
    %dot_general3A_25 = arith.constant dense<0.000000e+00> : vector<2000x64xf32>
    %dot_general3A_26 = tpu.matmul %add3A, %get3A_24, %dot_general3A_25 {dimension_numbers = #tpu.dot_dimension_numbers<[1], [0], [0], [1], [0, 0, 1, 1], [], []>, precision = #tpu.contract_precision<fp32>, transpose_lhs_hint = false} : vector<2000x64xf32>, vector<64x64xf32>, vector<2000x64xf32> -> vector<2000x64xf32>
    %add3A_27 = arith.addf %dot_general3A_21, %dot_general3A_26 : vector<2000x64xf32>
    %get3A_28 = arith.constant 0 : index
    %get3A_29 = arith.constant 0 : index
    %get3A_30 = vector.load %arg10[%get3A_28, %get3A_29] : memref<64x64xf32, #tpu.memory_space<vmem>>, vector<64x64xf32>
    %dot_general3A_31 = arith.constant dense<0.000000e+00> : vector<2000x64xf32>
    %dot_general3A_32 = tpu.matmul %add3A_11, %get3A_30, %dot_general3A_31 {dimension_numbers = #tpu.dot_dimension_numbers<[1], [0], [0], [1], [0, 0, 1, 1], [], []>, precision = #tpu.contract_precision<fp32>, transpose_lhs_hint = false} : vector<2000x64xf32>, vector<64x64xf32>, vector<2000x64xf32> -> vector<2000x64xf32>
    %add3A_33 = arith.addf %add3A_27, %dot_general3A_32 : vector<2000x64xf32>
    %get3A_34 = arith.constant 0 : index
    %get3A_35 = arith.constant 0 : index
    %get3A_36 = vector.load %arg11[%get3A_34, %get3A_35] : memref<64x64xf32, #tpu.memory_space<vmem>>, vector<64x64xf32>
    %dot_general3A_37 = arith.constant dense<0.000000e+00> : vector<1x64xf32>
    %dot_general3A_38 = tpu.matmul %get3A_14, %get3A_36, %dot_general3A_37 {dimension_numbers = #tpu.dot_dimension_numbers<[1], [0], [0], [1], [0, 0, 1, 1], [], []>, precision = #tpu.contract_precision<fp32>, transpose_lhs_hint = false} : vector<1x64xf32>, vector<64x64xf32>, vector<1x64xf32> -> vector<1x64xf32>
    %add3A_39 = vector.broadcast %dot_general3A_38 : vector<1x64xf32> to vector<2000x64xf32>
    %add3A_40 = arith.addf %add3A_33, %add3A_39 : vector<2000x64xf32>
    %get3A_41 = arith.constant 0 : index
    %get3A_42 = arith.constant 0 : index
    %get3A_43 = vector.load %arg12[%get3A_41, %get3A_42] : memref<1x64xf32, #tpu.memory_space<vmem>>, vector<1x64xf32>
    %add3A_44 = vector.broadcast %get3A_43 : vector<1x64xf32> to vector<2000x64xf32>
    %add3A_45 = arith.addf %add3A_40, %add3A_44 : vector<2000x64xf32>
    %max3A = arith.constant 0.000000e+00 : f32
    %max3A_46 = vector.broadcast %max3A : f32 to vector<2000x64xf32>
    %max3A_47 = arith.maximumf %add3A_45, %max3A_46 : vector<2000x64xf32>
    %get3A_48 = arith.constant 0 : index
    %get3A_49 = arith.constant 0 : index
    %get3A_50 = vector.load %arg13[%get3A_48, %get3A_49] : memref<64x64xf32, #tpu.memory_space<vmem>>, vector<64x64xf32>
    %dot_general3A_51 = arith.constant dense<0.000000e+00> : vector<2000x64xf32>
    %dot_general3A_52 = tpu.matmul %max3A_47, %get3A_50, %dot_general3A_51 {dimension_numbers = #tpu.dot_dimension_numbers<[1], [0], [0], [1], [0, 0, 1, 1], [], []>, precision = #tpu.contract_precision<fp32>, transpose_lhs_hint = false} : vector<2000x64xf32>, vector<64x64xf32>, vector<2000x64xf32> -> vector<2000x64xf32>
    %get3A_53 = arith.constant 0 : index
    %get3A_54 = arith.constant 0 : index
    %get3A_55 = vector.load %arg14[%get3A_53, %get3A_54] : memref<1x64xf32, #tpu.memory_space<vmem>>, vector<1x64xf32>
    %add3A_56 = vector.broadcast %get3A_55 : vector<1x64xf32> to vector<2000x64xf32>
    %add3A_57 = arith.addf %dot_general3A_52, %add3A_56 : vector<2000x64xf32>
    %swap3A = arith.constant 0 : index
    %swap3A_58 = arith.constant 0 : index
    %swap3A_59 = vector.load %arg21[%swap3A, %swap3A_58] : memref<2000x64xf32, #tpu.memory_space<vmem>>, vector<2000x64xf32>
    tpu.vector_store %arg21[%swap3A, %swap3A_58], %add3A_57 {strides = array<i32>} : memref<2000x64xf32, #tpu.memory_space<vmem>>, vector<2000x64xf32>,
    %eq3A = arith.constant 0 : i32
    %eq3A_60 = arith.cmpi eq, %arg0, %eq3A : i32
    %convert_element_type3A = arith.extui %eq3A_60 : i1 to i32
    %cond3A = arith.constant 0 : i32
    %cond3A_61 = arith.cmpi ne, %convert_element_type3A, %cond3A : i32
    scf.if %cond3A_61 {
      %broadcast_in_dim3A_75 = arith.constant 0.000000e+00 : f32
      %broadcast_in_dim3A_76 = vector.broadcast %broadcast_in_dim3A_75 : f32 to vector<1x64xf32>
      %swap3A_77 = arith.constant 0 : index
      %swap3A_78 = arith.constant 0 : index
      %swap3A_79 = vector.load %arg23[%swap3A_77, %swap3A_78] : memref<1x64xf32, #tpu.memory_space<vmem>>, vector<1x64xf32>
      tpu.vector_store %arg23[%swap3A_77, %swap3A_78], %broadcast_in_dim3A_76 {strides = array<i32>} : memref<1x64xf32, #tpu.memory_space<vmem>>, vector<1x64xf32>,
    } else {
    }
    %get3A_62 = arith.constant 0 : index
    %get3A_63 = arith.constant 0 : index
    %get3A_64 = vector.load %arg23[%get3A_62, %get3A_63] : memref<1x64xf32, #tpu.memory_space<vmem>>, vector<1x64xf32>
    %reduce_sum3A = arith.constant dense<0.000000e+00> : vector<64xf32>
    %reduce_sum3A_65 = vector.multi_reduction <add>, %add3A_57, %reduce_sum3A [0] : vector<2000x64xf32> to vector<64xf32>
    %broadcast_in_dim3A = vector.shape_cast %reduce_sum3A_65 : vector<64xf32> to vector<1x64xf32>
    %add3A_66 = arith.addf %get3A_64, %broadcast_in_dim3A : vector<1x64xf32>
    %swap3A_67 = arith.constant 0 : index
    %swap3A_68 = arith.constant 0 : index
    %swap3A_69 = vector.load %arg23[%swap3A_67, %swap3A_68] : memref<1x64xf32, #tpu.memory_space<vmem>>, vector<1x64xf32>
    tpu.vector_store %arg23[%swap3A_67, %swap3A_68], %add3A_66 {strides = array<i32>} : memref<1x64xf32, #tpu.memory_space<vmem>>, vector<1x64xf32>,
    %eq3A_70 = arith.constant 4 : i32
    %eq3A_71 = arith.cmpi eq, %arg0, %eq3A_70 : i32
    %convert_element_type3A_72 = arith.extui %eq3A_71 : i1 to i32
    %cond3A_73 = arith.constant 0 : i32
    %cond3A_74 = arith.cmpi ne, %convert_element_type3A_72, %cond3A_73 : i32
    scf.if %cond3A_74 {
      %get3A_75 = arith.constant 0 : index
      %get3A_76 = arith.constant 0 : index
      %get3A_77 = vector.load %arg23[%get3A_75, %get3A_76] : memref<1x64xf32, #tpu.memory_space<vmem>>, vector<1x64xf32>
      %mul3A = arith.constant 9.99999974E-5 : f32
      %mul3A_78 = vector.broadcast %mul3A : f32 to vector<1x64xf32>
      %mul3A_79 = arith.mulf %get3A_77, %mul3A_78 : vector<1x64xf32>
      %get3A_80 = arith.constant 0 : index
      %get3A_81 = arith.constant 0 : index
      %get3A_82 = vector.load %arg6[%get3A_80, %get3A_81] : memref<1x64xf32, #tpu.memory_space<vmem>>, vector<1x64xf32>
      %mul3A_83 = arith.constant 3.125000e-06 : f32
      %mul3A_84 = vector.broadcast %mul3A_83 : f32 to vector<1x64xf32>
      %mul3A_85 = arith.mulf %get3A_82, %mul3A_84 : vector<1x64xf32>
      %get3A_86 = arith.constant 0 : index
      %get3A_87 = arith.constant 0 : index
      %get3A_88 = vector.load %arg15[%get3A_86, %get3A_87] : memref<64x64xf32, #tpu.memory_space<vmem>>, vector<64x64xf32>
      %dot_general3A_89 = arith.constant dense<0.000000e+00> : vector<1x64xf32>
      %dot_general3A_90 = tpu.matmul %mul3A_79, %get3A_88, %dot_general3A_89 {dimension_numbers = #tpu.dot_dimension_numbers<[1], [0], [0], [1], [0, 0, 1, 1], [], []>, precision = #tpu.contract_precision<fp32>, transpose_lhs_hint = false} : vector<1x64xf32>, vector<64x64xf32>, vector<1x64xf32> -> vector<1x64xf32>
      %get3A_91 = arith.constant 0 : index
      %get3A_92 = arith.constant 0 : index
      %get3A_93 = vector.load %arg16[%get3A_91, %get3A_92] : memref<64x64xf32, #tpu.memory_space<vmem>>, vector<64x64xf32>
      %dot_general3A_94 = arith.constant dense<0.000000e+00> : vector<1x64xf32>
      %dot_general3A_95 = tpu.matmul %mul3A_85, %get3A_93, %dot_general3A_94 {dimension_numbers = #tpu.dot_dimension_numbers<[1], [0], [0], [1], [0, 0, 1, 1], [], []>, precision = #tpu.contract_precision<fp32>, transpose_lhs_hint = false} : vector<1x64xf32>, vector<64x64xf32>, vector<1x64xf32> -> vector<1x64xf32>
      %add3A_96 = arith.addf %dot_general3A_90, %dot_general3A_95 : vector<1x64xf32>
      %get3A_97 = arith.constant 0 : index
      %get3A_98 = arith.constant 0 : index
      %get3A_99 = vector.load %arg17[%get3A_97, %get3A_98] : memref<64x64xf32, #tpu.memory_space<vmem>>, vector<64x64xf32>
      %dot_general3A_100 = arith.constant dense<0.000000e+00> : vector<1x64xf32>
      %dot_general3A_101 = tpu.matmul %get3A_14, %get3A_99, %dot_general3A_100 {dimension_numbers = #tpu.dot_dimension_numbers<[1], [0], [0], [1], [0, 0, 1, 1], [], []>, precision = #tpu.contract_precision<fp32>, transpose_lhs_hint = false} : vector<1x64xf32>, vector<64x64xf32>, vector<1x64xf32> -> vector<1x64xf32>
      %add3A_102 = arith.addf %add3A_96, %dot_general3A_101 : vector<1x64xf32>
      %get3A_103 = arith.constant 0 : index
      %get3A_104 = arith.constant 0 : index
      %get3A_105 = vector.load %arg18[%get3A_103, %get3A_104] : memref<1x64xf32, #tpu.memory_space<vmem>>, vector<1x64xf32>
      %add3A_106 = arith.addf %add3A_102, %get3A_105 : vector<1x64xf32>
      %max3A_107 = arith.constant 0.000000e+00 : f32
      %max3A_108 = vector.broadcast %max3A_107 : f32 to vector<1x64xf32>
      %max3A_109 = arith.maximumf %add3A_106, %max3A_108 : vector<1x64xf32>
      %get3A_110 = arith.constant 0 : index
      %get3A_111 = arith.constant 0 : index
      %get3A_112 = vector.load %arg19[%get3A_110, %get3A_111] : memref<64x64xf32, #tpu.memory_space<vmem>>, vector<64x64xf32>
      %dot_general3A_113 = arith.constant dense<0.000000e+00> : vector<1x64xf32>
      %dot_general3A_114 = tpu.matmul %max3A_109, %get3A_112, %dot_general3A_113 {dimension_numbers = #tpu.dot_dimension_numbers<[1], [0], [0], [1], [0, 0, 1, 1], [], []>, precision = #tpu.contract_precision<fp32>, transpose_lhs_hint = false} : vector<1x64xf32>, vector<64x64xf32>, vector<1x64xf32> -> vector<1x64xf32>
      %get3A_115 = arith.constant 0 : index
      %get3A_116 = arith.constant 0 : index
      %get3A_117 = vector.load %arg20[%get3A_115, %get3A_116] : memref<1x64xf32, #tpu.memory_space<vmem>>, vector<1x64xf32>
      %add3A_118 = arith.addf %dot_general3A_114, %get3A_117 : vector<1x64xf32>
      %mul3A_119 = arith.constant 1.000000e+04 : f32
      %mul3A_120 = vector.broadcast %mul3A_119 : f32 to vector<1x64xf32>
      %mul3A_121 = arith.mulf %mul3A_120, %add3A_118 : vector<1x64xf32>
      %swap3A_122 = arith.constant 0 : index
      %swap3A_123 = arith.constant 0 : index
      %swap3A_124 = vector.load %arg22[%swap3A_122, %swap3A_123] : memref<1x64xf32, #tpu.memory_space<vmem>>, vector<1x64xf32>
      tpu.vector_store %arg22[%swap3A_122, %swap3A_123], %mul3A_121 {strides = array<i32>} : memref<1x64xf32, #tpu.memory_space<vmem>>, vector<1x64xf32>,
    } else {
    }
    return
  }
  func.func @transform_0(%arg0: i32) -> (i32, i32) {
    %c0_i32 = arith.constant 0 : i32
    %c0_i32_0 = arith.constant 0 : i32
    return %arg0, %c0_i32 : i32, i32
  }
  func.func @transform_1(%arg0: i32) -> (i32, i32) {
    %c0_i32 = arith.constant 0 : i32
    %c0_i32_0 = arith.constant 0 : i32
    return %arg0, %c0_i32 : i32, i32
  }
  func.func @transform_2(%arg0: i32) -> (i32, i32) {
    %c0_i32 = arith.constant 0 : i32
    %c0_i32_0 = arith.constant 0 : i32
    return %arg0, %c0_i32 : i32, i32
  }
  func.func @transform_3(%arg0: i32) -> (i32, i32) {
    %c0_i32 = arith.constant 0 : i32
    %c0_i32_0 = arith.constant 0 : i32
    return %arg0, %c0_i32 : i32, i32
  }
  func.func @transform_4(%arg0: i32) -> (i32, i32) {
    %c0_i32 = arith.constant 0 : i32
    %c0_i32_0 = arith.constant 0 : i32
    return %arg0, %c0_i32 : i32, i32
  }
  func.func @transform_5(%arg0: i32) -> (i32, i32) {
    %c0_i32 = arith.constant 0 : i32
    %c0_i32_0 = arith.constant 0 : i32
    %c0_i32_1 = arith.constant 0 : i32
    return %c0_i32, %c0_i32_0 : i32, i32
  }
  func.func @transform_6(%arg0: i32) -> (i32, i32) {
    %c0_i32 = arith.constant 0 : i32
    %c0_i32_0 = arith.constant 0 : i32
    %c0_i32_1 = arith.constant 0 : i32
    return %c0_i32, %c0_i32_0 : i32, i32
  }
  func.func @transform_7(%arg0: i32) -> (i32, i32) {
    %c0_i32 = arith.constant 0 : i32
    %c0_i32_0 = arith.constant 0 : i32
    %c0_i32_1 = arith.constant 0 : i32
    return %c0_i32, %c0_i32_0 : i32, i32
  }
  func.func @transform_8(%arg0: i32) -> (i32, i32) {
    %c0_i32 = arith.constant 0 : i32
    %c0_i32_0 = arith.constant 0 : i32
    %c0_i32_1 = arith.constant 0 : i32
    return %c0_i32, %c0_i32_0 : i32, i32
  }
  func.func @transform_9(%arg0: i32) -> (i32, i32) {
    %c0_i32 = arith.constant 0 : i32
    %c0_i32_0 = arith.constant 0 : i32
    %c0_i32_1 = arith.constant 0 : i32
    return %c0_i32, %c0_i32_0 : i32, i32
  }
  func.func @transform_10(%arg0: i32) -> (i32, i32) {
    %c0_i32 = arith.constant 0 : i32
    %c0_i32_0 = arith.constant 0 : i32
    %c0_i32_1 = arith.constant 0 : i32
    return %c0_i32, %c0_i32_0 : i32, i32
  }
  func.func @transform_11(%arg0: i32) -> (i32, i32) {
    %c0_i32 = arith.constant 0 : i32
    %c0_i32_0 = arith.constant 0 : i32
    %c0_i32_1 = arith.constant 0 : i32
    return %c0_i32, %c0_i32_0 : i32, i32
  }
  func.func @transform_12(%arg0: i32) -> (i32, i32) {
    %c0_i32 = arith.constant 0 : i32
    %c0_i32_0 = arith.constant 0 : i32
    %c0_i32_1 = arith.constant 0 : i32
    return %c0_i32, %c0_i32_0 : i32, i32
  }
  func.func @transform_13(%arg0: i32) -> (i32, i32) {
    %c0_i32 = arith.constant 0 : i32
    %c0_i32_0 = arith.constant 0 : i32
    %c0_i32_1 = arith.constant 0 : i32
    return %c0_i32, %c0_i32_0 : i32, i32
  }
  func.func @transform_14(%arg0: i32) -> (i32, i32) {
    %c0_i32 = arith.constant 0 : i32
    %c0_i32_0 = arith.constant 0 : i32
    %c0_i32_1 = arith.constant 0 : i32
    return %c0_i32, %c0_i32_0 : i32, i32
  }
  func.func @transform_15(%arg0: i32) -> (i32, i32) {
    %c0_i32 = arith.constant 0 : i32
    %c0_i32_0 = arith.constant 0 : i32
    %c0_i32_1 = arith.constant 0 : i32
    return %c0_i32, %c0_i32_0 : i32, i32
  }
  func.func @transform_16(%arg0: i32) -> (i32, i32) {
    %c0_i32 = arith.constant 0 : i32
    %c0_i32_0 = arith.constant 0 : i32
    %c0_i32_1 = arith.constant 0 : i32
    return %c0_i32, %c0_i32_0 : i32, i32
  }
  func.func @transform_17(%arg0: i32) -> (i32, i32) {
    %c0_i32 = arith.constant 0 : i32
    %c0_i32_0 = arith.constant 0 : i32
    %c0_i32_1 = arith.constant 0 : i32
    return %c0_i32, %c0_i32_0 : i32, i32
  }
  func.func @transform_18(%arg0: i32) -> (i32, i32) {
    %c0_i32 = arith.constant 0 : i32
    %c0_i32_0 = arith.constant 0 : i32
    %c0_i32_1 = arith.constant 0 : i32
    return %c0_i32, %c0_i32_0 : i32, i32
  }
  func.func @transform_19(%arg0: i32) -> (i32, i32) {
    %c0_i32 = arith.constant 0 : i32
    %c0_i32_0 = arith.constant 0 : i32
    %c0_i32_1 = arith.constant 0 : i32
    return %c0_i32, %c0_i32_0 : i32, i32
  }
  func.func @transform_20(%arg0: i32) -> (i32, i32) {
    %c0_i32 = arith.constant 0 : i32
    %c0_i32_0 = arith.constant 0 : i32
    return %arg0, %c0_i32 : i32, i32
  }
  func.func @transform_21(%arg0: i32) -> (i32, i32) {
    %c0_i32 = arith.constant 0 : i32
    %c0_i32_0 = arith.constant 0 : i32
    %c0_i32_1 = arith.constant 0 : i32
    return %c0_i32, %c0_i32_0 : i32, i32
  }
  func.func @transform_22(%arg0: i32) -> (i32, i32) {
    %c0_i32 = arith.constant 0 : i32
    %c0_i32_0 = arith.constant 0 : i32
    %c0_i32_1 = arith.constant 0 : i32
    return %c0_i32, %c0_i32_0 : i32, i32
  }
}

</mosaic_0001>

<sc_bundles>
// kernel: kernel.15.cloned.1.call-start
scs
__scs_entry_jumppad:
0x0: {  	(pc) =	sbr.rel $0x88, $3  }
0x1: {  	(tag) =	ssettag $0x0;
	lr =	simm.s32 $0x1  }
0x2: {  	[smem:$0x3F71] =	sst lr;
	_ =	strace $0xD0000000  }
0x3: {  	_ = 	snop  }
0x4: {  	_ = 	snop  }
0x5: {  	_ = 	snop  }
0x6: {  	_ = 	snop  }
0x7: {  	_ = 	snop  }
__scs_overlays_trampoline_lowered:
0x8: {  	[smem:$0x3F80] =	sst s0  }
0x9: {  	[smem:$0x3F81] =	sst s1  }
0xa: {  	[smem:$0x3F82] =	sst s2  }
0xb: {  	[smem:$0x3F83] =	sst s3  }
0xc: {  	[smem:$0x3F84] =	sst s4  }
0xd: {  	[smem:$0x3F85] =	sst s5  }
0xe: {  	[smem:$0x3F86] =	sst s6  }
0xf: {  	[smem:$0x3F87] =	sst s7  }
0x10: {  	[smem:$0x3F88] =	sst s8  }
0x11: {  	[smem:$0x3F89] =	sst s9;
	s0 =	simm.s32 @!p0 $0x0  }
0x12: {  	s1 =	sld [smem:$0x3F6F];
	s0 =	simm.s32 @p0 $0x1  }
0x13: {  	[smem:$0x3F8A] =	sst s0;
	s0 =	simm.s32 @!p1 $0x0  }
0x14: {  	s2 =	sld [smem:$0x3F6E];
	s0 =	simm.s32 @p1 $0x1  }
0x15: {  	[smem:$0x3F8B] =	sst s0;
	s0 =	simm.s32 @!p2 $0x0  }
0x16: {  	s3 =	sld [smem:$0x3FDB];
	s0 =	simm.s32 @p2 $0x1  }
0x17: {  	s4 =	simm.s32 $0x1BF5;
	[smem:$0x3F8D] =	sst s0  }
0x18: {  	s0 =	sld [smem:$0x3F70];
	_ =	swait.ge [sflag:s4], $0x0  }
0x19: {  	s7 =	sld [smem:$0x3F71]  }
0x1a: {  	s8 =	sadd.s32 $0xFFFFE003, lr  }
0x1b: {  	s9 =	sadd.s32 $0xFFFFFEF7, lr;
	s5 =	simm.s32 $0xFFFFFFFF;
	p2 =	slt.u32 s8, $0xFFFFF086  }
0x1c: {  	p1 =	slt.u32 s9, $0xF7A;
	s5 =	simm.s32 @!p2 $0x0  }
0x1d: {  	s5 =	simm.s32 @p1 $0x1;
	p0 =	seq.s32 s7, s2  }
0x1e: {  	s7 =	smul.u32 @!p0 $0xF7A, s2;
	p2 =	seq.s32 @!p0 s5, $0x0  }
0x1f: {  	s9 =	smul.u32 $0xF7A, s1;
	s8 =	simm.s32 @!p0 $0x1BF5;
	p2 =	por !p2, p0  }
0x20: {  	[sflag:s8] =	ssyncset.s32 @!p0 $0xFFFFF086;
	s6 =	sadd.s32 @!p0 s3, s7;
	s7 =	simm.s32 @!p0 $0x108  }
0x21: {  	s3 =	sadd.s32 s3, s9;
	s6 =	sadd.s32 @!p0 $0x88, s6;
	s7 =	simm.s32 @p2 $0x1082  }
0x22: {  	[simem:s7], [sflag:s8] =	dma.local @!p0 [hbm:s6], $0xF7A  }
0x23: {  	s9 =	sor.u32 $0xD0000000, s2;
	s6 =	simm.s32 $0x108;
	_ =	swait.ge @!p0 [sflag:s8], $0x0  }
0x24: {  	s3 =	sadd.s32 $0x88, s3;
	s6 =	simm.s32 @!p1 $0x1082;
	[sflag:s4] =	ssyncset.s32 $0xFFFFF086  }
0x25: {  	[simem:s6], [sflag:s4] =	dma.local [hbm:s3], $0xF7A  }
0x26: {  	[smem:$0x3F71] =	sst s1;
	(tag) =	ssettag s2;
	_ =	strace s9  }
0x27: {  	s1 =	sld [smem:$0x3F81]  }
0x28: {  	s2 =	sld [smem:$0x3F82]  }
0x29: {  	s4 =	sld [smem:$0x3F84]  }
0x2a: {  	p0 =	seq.s32 s5, $0x0;
	s5 =	sld [smem:$0x3F85]  }
0x2b: {  	s6 =	sld [smem:$0x3F86]  }
0x2c: {  	s7 =	sld [smem:$0x3F87]  }
0x2d: {  	s3 =	simm.s32 $0x108;
	s8 =	sld [smem:$0x3F88]  }
0x2e: {  	s3 =	simm.s32 @!p0 $0x1082;
	s9 =	sld [smem:$0x3F89]  }
0x2f: {  	lr =	sadd.s32 s0, s3;
	s0 =	sld [smem:$0x3F80]  }
0x30: {  	s3 =	sld [smem:$0x3F83]  }
0x31: {  	[smem:$0x3F8C] =	sst s10  }
0x32: {  	s10 =	sld [smem:$0x3F8A];
	_ =	sdelay $0x3  }
0x33: {  	p0 =	seq.s32 s10, $0x1;
	s10 =	sld [smem:$0x3F8C];
	_ =	sdelay $0x3  }
0x34: {  	[smem:$0x3F8C] =	sst s10  }
0x35: {  	s10 =	sld [smem:$0x3F8B];
	_ =	sdelay $0x3  }
0x36: {  	p1 =	seq.s32 s10, $0x1;
	s10 =	sld [smem:$0x3F8C];
	_ =	sdelay $0x3  }
0x37: {  	[smem:$0x3F8C] =	sst s10  }
0x38: {  	s10 =	sld [smem:$0x3F8D]  }
0x39: {  	_ = 	snop;
	(pc) =	sbr.ind lr, $3  }
0x3a: {  	_ = 	snop  }
0x3b: {  	_ = 	snop  }
0x3c: {  	p2 =	seq.s32 s10, $0x1;
	s10 =	sld [smem:$0x3F8C]  }
0x3d: {  	_ =	shalt  }
0x3e: {  	_ =	shalt  }
0x3f: {  	_ =	shalt  }
0x40: {  	_ =	shalt  }
0x41: {  	_ =	shalt  }
0x42: {  	_ =	shalt  }
0x43: {  	_ =	shalt  }
0x44: {  	_ =	shalt  }
0x45: {  	_ =	shalt  }
0x46: {  	_ =	shalt  }
0x47: {  	_ =	shalt  }
0x48: {  	_ =	shalt  }
0x49: {  	_ =	shalt  }
0x4a: {  	_ =	shalt  }
0x4b: {  	_ =	shalt  }
0x4c: {  	_ =	shalt  }
0x4d: {  	_ =	shalt  }
0x4e: {  	_ =	shalt  }
0x4f: {  	_ =	shalt  }
0x50: {  	_ =	shalt  }
0x51: {  	_ =	shalt  }
0x52: {  	_ =	shalt  }
0x53: {  	_ =	shalt  }
0x54: {  	_ =	shalt  }
0x55: {  	_ =	shalt  }
0x56: {  	_ =	shalt  }
0x57: {  	_ =	shalt  }
0x58: {  	_ =	shalt  }
0x59: {  	_ =	shalt  }
0x5a: {  	_ =	shalt  }
0x5b: {  	_ =	shalt  }
0x5c: {  	_ =	shalt  }
0x5d: {  	_ =	shalt  }
0x5e: {  	_ =	shalt  }
0x5f: {  	_ =	shalt  }
0x60: {  	_ =	shalt  }
0x61: {  	_ =	shalt  }
0x62: {  	_ =	shalt  }
0x63: {  	_ =	shalt  }
0x64: {  	_ =	shalt  }
0x65: {  	_ =	shalt  }
0x66: {  	_ =	shalt  }
0x67: {  	_ =	shalt  }
0x68: {  	_ =	shalt  }
0x69: {  	_ =	shalt  }
0x6a: {  	_ =	shalt  }
0x6b: {  	_ =	shalt  }
0x6c: {  	_ =	shalt  }
0x6d: {  	_ =	shalt  }
0x6e: {  	_ =	shalt  }
0x6f: {  	_ =	shalt  }
0x70: {  	_ =	shalt  }
0x71: {  	_ =	shalt  }
0x72: {  	_ =	shalt  }
0x73: {  	_ =	shalt  }
0x74: {  	_ =	shalt  }
0x75: {  	_ =	shalt  }
0x76: {  	_ =	shalt  }
0x77: {  	_ =	shalt  }
0x78: {  	_ =	shalt  }
0x79: {  	_ =	shalt  }
0x7a: {  	_ =	shalt  }
0x7b: {  	_ =	shalt  }
0x7c: {  	_ =	shalt  }
0x7d: {  	_ =	shalt  }
0x7e: {  	_ =	shalt  }
0x7f: {  	_ =	shalt  }
0x80: {  	_ =	shalt  }
0x81: {  	_ =	shalt  }
0x82: {  	_ =	shalt  }
0x83: {  	_ =	shalt  }
0x84: {  	_ =	shalt  }
0x85: {  	_ =	shalt  }
0x86: {  	_ =	shalt  }
0x87: {  	_ =	shalt  }
.Lfunc_end0:
.L_simem_size_0:
called_computation_lowered:
.L_overlay_start_0:
0x88: {  	s2 =	sld [smem:$0x3FD9]  }
0x89: {  	s3 =	sld [smem:$0x3FFE];
	_ =	sdelay $0x1  }
0x8a: {  	s1 =	srdreg.scid  }
0x8b: {  	s0 =	sand.u32 $0x1, s1  }
0x8c: {  	s16 =	sshll.u32 s0, $0xA;
	s2 =	sadd.s32 s3, s2  }
0x8d: {  	s2 =	sadd.s32 s2, s16  }
0x8e: {  	[smem:$0x3F98] =	sst s2  }
0x8f: {  	_ = 	snop  }
0x90: {  	(tm) =	ssettm $0x1  }
0x91: {  	s17 =	sld [smem:$0x3FFB];
	_ =	sdelay $0x3  }
0x92: {  	_ =	strace s17  }
0x93: {  	s2 =	sld [smem:$0x3FFC];
	_ =	sdelay $0x3  }
0x94: {  	_ =	strace s2  }
0x95: {  	s2 =	sld [smem:$0x3FFD];
	_ =	sdelay $0x3  }
0x96: {  	_ =	strace s2  }
0x97: {  	_ =	strace $0x8FFFFFFF  }
0x98: {  	s18 =	sld [smem:$0x3FDB];
	_ =	sdelay $0x1  }
0x99: {  	s19 =	simm.s32 $_scs_section_size  }
0x9a: {  	s4 =	simm.s32 $_size__tile_overlayer_lowered;
	s5 =	simm.s32 $_tile_overlayer_lowered  }
0x9b: {  	s22 =	simm.s32 $0x1BFF;
	s21 =	sshll.u32 s5, $0x1;
	s2 =	sadd.s32 s19, s18  }
0x9c: {  	s6 =	simm.s32 $0x0;
	s20 =	sshll.u32 s4, $0x1;
	s4 =	sadd.s32 s21, s2  }
0x9d: {  	[timem:s6], [sflag:s22] =	dma.local [hbm:s4], s20  }
0x9e: {  	_ =	swait.ge [sflag:s22], s20  }
0x9f: {  	s3 =	ssub.s32 $0x0, s20;
	[sflag:s22] =	ssyncset.done $0x0  }
0xa0: {  	[sflag:s22] =	ssyncadd.s32 s3;
	_ =	sdelay $0x1  }
0xa1: {  	s23 =	simm.s32 $0x1B8B  }
0xa2: {  	_ =	swait.ge [sflag:s23], $0x1  }
0xa3: {  	[sflag:s23] =	ssyncset.done $0x0  }
0xa4: {  	s25 =	simm.s32 $0x1B8E;
	s24 =	sld [smem:$0x3FFE];
	[sflag:s23] =	ssyncadd.s32 $0xFFFFFFFF  }
0xa5: {  	s26 =	simm.s32 $execute0_lowered;
	[smem:$0x3FD2] =	sst s25  }
0xa6: {  	s4 =	sshll.u32 s26, $0x1;
	_ =	strace $0x80000046;
	[dreg:$0x1] =	wrdreg $0xFFFFFFFF  }
0xa7: {  	s28 =	simm.s32 $_size_execute0_lowered;
	s2 =	sadd.s32 s2, s4;
	[dreg:$0x0] =	wrdreg $0x0  }
0xa8: {  	s4 =	sshll.u32 s28, $0x1;
	[dreg:$0x2] =	wrdreg s2  }
0xa9: {  	[dreg:$0x3] =	wrdreg s4  }
0xaa: {  	[dreg:$0x4] =	wrdreg $0xC0  }
0xab: {  	_ =	task [dreg:s6], $0x5FFFF  }
0xac: {  	[dreg:$0x1] =	wrdreg $0xFFFFFFFF  }
0xad: {  	[dreg:$0x0] =	wrdreg $0x60  }
0xae: {  	[dreg:$0x2] =	wrdreg s24  }
0xaf: {  	[dreg:$0x3] =	wrdreg $0x0  }
0xb0: {  	[dreg:$0x4] =	wrdreg $0x9  }
0xb1: {  	_ =	task.clear_ibuf [dreg:s6], $0x5FFFF;
	_ =	strace $0x90000046  }
0xb2: {  	s29 =	simm.s32 $0x9;
	_ =	strace $0x80000048  }
0xb3: {  	_ =	swait.ge [sflag:s29], $0x1  }
0xb4: {  	[sflag:s29] =	ssyncadd.s32 $0xFFFFFFFF  }
0xb5: {  	_ =	strace $0x90000048  }
0xb6: {  	_ =	sfence  }
0xb7: {  	s30 =	sld [smem:$0x0];
	_ =	sdelay $0x2  }
0xb8: {  	s31 =	sshll.u32 s1, $0xD;
	s1 =	sshrl.u32 s1, $0x2  }
0xb9: {  	s3 =	sand.u32 $0x4000, s31;
	s1 =	sadd.s32 s1, s30  }
0xba: {  	s0 =	sor.u32 s3, s0;
	s1 =	sshll.u32 s1, $0x11  }
0xbb: {  	s0 =	sor.u32 s1, s0  }
0xbc: {  	s0 =	sadd.s32 $0x8F2B, s0  }
0xbd: {  	[sflag:s0] =	ssyncadd.remote.s32 $0x1  }
0xbe: {  	_ =	sfence.sel $0xFFFF  }
0xbf: {  	[dreg:$0x0] =	wrdreg $0xFFFFFFFF;
	(pc) =	sbr.abs _section_cstart, $3  }
0xc0: {  	[dreg:$0x1] =	wrdreg $0xFFFFFFFF  }
0xc1: {  	_ =	task.clear_ibuf [dreg:s6], $0x2FFFF;
	_ =	strace $0x9FFFFFFF  }
0xc2: {  	(tm) =	ssettm $0x7FFFFFFF  }
0xc3: {  	_ =	shalt  }
tec
execute0_lowered:
.L_overlay_start_1:
0x0: {  	(tag) =	ssettag $0x1  }
0x1: {  	s0 =	rddreg [dreg:$0x0]  }
0x2: {  	s2 =	rddreg [dreg:$0x1]  }
0x3: {  	s14 =	stileid.u32;
	s1 =	srdreg.scid  }
0x4: {  	s3 =	simm.s32 $0x0;
	s17 =	simm.s32 $0xC350;
	s18 =	simm.s32 $0xEB50  }
0x5: {  	s19 =	simm.s32 $0x80;
	s20 =	simm.s32 $0x11350;
	s22 =	simm.s32 $0x13B50  }
0x6: {  	s23 =	simm.s32 $0x16350;
	s24 =	simm.s32 $0x18B50;
	s25 =	simm.s32 $0x1  }
0x7: {  	s26 =	simm.s32 $0x2;
	s1 =	sand.u32 $0x1, s1;
	s4 =	sshll.u32 s14, $0x1  }
0x8: {  	s5 =	smul.u32 $0xC350, s14;
	[smem:$0x7FF] =	sst s3;
	s12 =	sadd.s32 $0x382E00, s0  }
0x9: {  	s31 =	sshll.u32 s14, $0x6;
	s14 =	smul.u32 $0x32000, s14;
	s6 =	sor.u32 s1, s4  }
0xa: {  	_ =	strace $0x80000047;
	s30 =	ssub.s32 $0x2, s1;
	s1 =	smul.u32 $0x19000, s1  }
0xb: {  	s4 =	smul.u32 $0x500, s6;
	s7 =	sshrl.u32 s5, $0x3;
	s9 =	sshrl.u32 s30, $0x1  }
0xc: {  	s15 =	sadd.s32 s5, s2;
	s5 =	sor.u32 $0x1C03, s31;
	s10 =	smul.u32 $0x19000, s6  }
0xd: {  	s16 =	sadd.s32 s14, s12;
	s7 =	sadd.s32 s7, s0;
	s9 =	ssub.s32 s30, s9  }
0xe: {  	s15 =	sshrl.u32 s15, $0x3;
	s8 =	sadd.s32 s4, s0;
	s0 =	sadd.s32 $0x62E00, s0  }
0xf: {  	s4 =	sadd.s32 $0x4A600, s7;
	s11 =	sadd.s32 $0x17C00, s10;
	s13 =	sadd.s32 $0x18600, s10  }
0x10: {  	s6 =	sadd.s32 $0x19400, s8;
	s7 =	sadd.s32 $0xF400, s8;
	s8 =	smax.u32 s9, $0x1  }
0x11: {  	s9 =	sadd.s32 s12, s11;
	s10 =	sadd.s32 s12, s13;
	s11 =	sadd.s32 s0, s11  }
0x12: {  	s14 =	sadd.s32 s14, s0;
	s12 =	sadd.s32 s0, s13;
	s13 =	sadd.s32 s1, s16  }
0x13: {  	s16 =	simm.s32 $0x3;
	s14 =	sadd.s32 s1, s14;
	s1 =	simm.s32 $0x0  }
.LBB2_1:
0x14: {  	[spmem:s15], [sflag:s5] =	dma.local [hbm:s4], $0x186A  }
0x15: {  	_ =	swait.ge [sflag:s16], $0x186A  }
0x16: {  	[sflag:s16] =	ssyncset.done $0x0  }
0x17: {  	[sflag:s16] =	ssyncadd.s32 $0xFFFFE796  }
0x18: {  	[tilespmem:s17], [sflag:$0x3] =	stream.linear.gather [hbm4b:s6+s3], $0x2800, $0x38;
	[tilespmem:$0x1B350] =	vst v63  }
0x19: {  	_ =	swait.ge [sflag:s16], $0x2800  }
0x1a: {  	[sflag:s16] =	ssyncset.done $0x0  }
0x1b: {  	[sflag:s16] =	ssyncadd.s32 $0xFFFFD800  }
0x1c: {  	[tilespmem:s18], [sflag:$0x3] =	stream.linear.gather [hbm4b:s7+s3], $0x2800, $0x38;
	[tilespmem:$0x1B350] =	vst v63  }
0x1d: {  	_ =	swait.ge [sflag:s16], $0x2800  }
0x1e: {  	[sflag:s16] =	ssyncset.done $0x0  }
0x1f: {  	[sflag:s16] =	ssyncadd.s32 $0xFFFFD800  }
0x20: {  	[bflag:$0x0] =	sbarrier.arrive $0xFFFF  }
0x21: {  	[tilespmem:s20], [sflag:$0x1] =	stream.indirect.gather [spmem:s2], $0x50, s17, s19, $0xb8;
	[tilespmem:$0x1B350] =	vst v63  }
0x22: {  	s0 =	simm.s32 $0xC3D0  }
0x23: {  	[tilespmem:s22], [sflag:$0x1] =	stream.indirect.gather [spmem:s2], $0x50, s0, s19, $0xb8;
	[tilespmem:$0x1B350] =	vst v63  }
0x24: {  	s21 =	simm.s32 $0xC450  }
0x25: {  	[tilespmem:s23], [sflag:$0x2] =	stream.indirect.gather [spmem:s2], $0x50, s21, s19, $0xb8;
	[tilespmem:$0x1B350] =	vst v63  }
0x26: {  	s31 =	simm.s32 $0xC4D0  }
0x27: {  	[tilespmem:s24], [sflag:$0x2] =	stream.indirect.gather [spmem:s2], $0x50, s31, s19, $0xb8;
	[tilespmem:$0x1B350] =	vst v63  }
0x28: {  	_ =	swait.ge [sflag:s25], $0x2800  }
0x29: {  	[sflag:s25] =	ssyncset.done $0x0  }
0x2a: {  	[sflag:s25] =	ssyncadd.s32 $0xFFFFD800  }
0x2b: {  	_ =	swait.ge [sflag:s25], $0x2800  }
0x2c: {  	[sflag:s25] =	ssyncset.done $0x0  }
0x2d: {  	[sflag:s25] =	ssyncadd.s32 $0xFFFFD800  }
0x2e: {  	[hbm4b:s13+s3] =	stream.linear.scatter [tilespmem:s20], [sflag:$0x3], $0x5000, $0x38;
	[tilespmem:$0x1B350] =	vst v63  }
0x2f: {  	_ =	swait.ge [sflag:s16], $0x5000  }
0x30: {  	[sflag:s16] =	ssyncset.done $0x0  }
0x31: {  	s0 =	simm.s32 $0xC550;
	[sflag:s16] =	ssyncadd.s32 $0xFFFFB000  }
0x32: {  	[tilespmem:s20], [sflag:$0x1] =	stream.indirect.gather [spmem:s2], $0x50, s0, s19, $0xb8;
	[tilespmem:$0x1B350] =	vst v63  }
0x33: {  	s30 =	simm.s32 $0xC5D0  }
0x34: {  	[tilespmem:s22], [sflag:$0x1] =	stream.indirect.gather [spmem:s2], $0x50, s30, s19, $0xb8;
	[tilespmem:$0x1B350] =	vst v63  }
0x35: {  	_ =	swait.ge [sflag:s26], $0x2800  }
0x36: {  	[sflag:s26] =	ssyncset.done $0x0  }
0x37: {  	[sflag:s26] =	ssyncadd.s32 $0xFFFFD800  }
0x38: {  	_ =	swait.ge [sflag:s26], $0x2800  }
0x39: {  	[sflag:s26] =	ssyncset.done $0x0  }
0x3a: {  	s31 =	sadd.s32 $0xA00, s13;
	[sflag:s26] =	ssyncadd.s32 $0xFFFFD800  }
0x3b: {  	[hbm4b:s31+s3] =	stream.linear.scatter [tilespmem:s23], [sflag:$0x3], $0x5000, $0x38;
	[tilespmem:$0x1B350] =	vst v63  }
0x3c: {  	s29 =	simm.s32 $0x1000;
	_ =	swait.ge [sflag:s16], $0x5000  }
0x3d: {  	s28 =	simm.s32 $0x200;
	s21 =	sadd.s32 $0x1400, s13;
	[sflag:s16] =	ssyncset.done $0x0  }
.LBB2_2:
0x3e: {  	s30 =	sadd.s32 $0xC450, s28  }
0x3f: {  	[sflag:s16] =	ssyncadd.s32 $0xFFFFB000;
	s31 =	smov.u32 s29;
	s0 =	sadd.s32 $0x800, s29  }
0x40: {  	[tilespmem:s23], [sflag:$0x2] =	stream.indirect.gather [spmem:s2], $0x50, s30, s19, $0xb8;
	[tilespmem:$0x1B350] =	vst v63  }
0x41: {  	p0 =	sne.s32 s29, $0x9000;
	s29 =	sadd.s32 $0xC4D0, s28  }
0x42: {  	[tilespmem:s24], [sflag:$0x2] =	stream.indirect.gather [spmem:s2], $0x50, s29, s19, $0xb8;
	[tilespmem:$0x1B350] =	vst v63  }
0x43: {  	_ =	swait.ge [sflag:s25], $0x2800  }
0x44: {  	[sflag:s25] =	ssyncset.done $0x0  }
0x45: {  	[sflag:s25] =	ssyncadd.s32 $0xFFFFD800  }
0x46: {  	_ =	swait.ge [sflag:s25], $0x2800  }
0x47: {  	[sflag:s25] =	ssyncset.done $0x0  }
0x48: {  	[sflag:s25] =	ssyncadd.s32 $0xFFFFD800  }
0x49: {  	[hbm4b:s21+s3] =	stream.linear.scatter [tilespmem:s20], [sflag:$0x3], $0x5000, $0x38;
	[tilespmem:$0x1B350] =	vst v63  }
0x4a: {  	_ =	swait.ge [sflag:s16], $0x5000  }
0x4b: {  	[sflag:s16] =	ssyncset.done $0x0  }
0x4c: {  	s29 =	sadd.s32 $0xC550, s28;
	[sflag:s16] =	ssyncadd.s32 $0xFFFFB000  }
0x4d: {  	[tilespmem:s20], [sflag:$0x1] =	stream.indirect.gather [spmem:s2], $0x50, s29, s19, $0xb8;
	[tilespmem:$0x1B350] =	vst v63  }
0x4e: {  	s28 =	sadd.s32 $0xC5D0, s28  }
0x4f: {  	[tilespmem:s22], [sflag:$0x1] =	stream.indirect.gather [spmem:s2], $0x50, s28, s19, $0xb8;
	[tilespmem:$0x1B350] =	vst v63  }
0x50: {  	_ =	swait.ge [sflag:s26], $0x2800  }
0x51: {  	[sflag:s26] =	ssyncset.done $0x0  }
0x52: {  	[sflag:s26] =	ssyncadd.s32 $0xFFFFD800  }
0x53: {  	_ =	swait.ge [sflag:s26], $0x2800  }
.Ltmp0:
0x54: {  	[sflag:s26] =	ssyncset.done $0x0;
	(pc) =	sbr.rel @p0 .LBB2_2-.Ltmp0, $4  }
0x55: {  	s28 =	sadd.s32 $0xA00, s21;
	[sflag:s26] =	ssyncadd.s32 $0xFFFFD800  }
0x56: {  	[hbm4b:s28+s3] =	stream.linear.scatter [tilespmem:s23], [sflag:$0x3], $0x5000, $0x38;
	[tilespmem:$0x1B350] =	vst v63  }
0x57: {  	s29 =	smov.u32 s0;
	_ =	swait.ge [sflag:s16], $0x5000  }
0x58: {  	s21 =	sadd.s32 $0x1400, s21;
	s28 =	sshra.s32 s31, $0x2;
	[sflag:s16] =	ssyncset.done $0x0  }
0x59: {  	s0 =	sadd.s32 $0xC450, s28;
	[sflag:s16] =	ssyncadd.s32 $0xFFFFB000  }
0x5a: {  	[tilespmem:s23], [sflag:$0x2] =	stream.indirect.gather [spmem:s2], $0x50, s0, s19, $0xb8;
	[tilespmem:$0x1B350] =	vst v63  }
0x5b: {  	s30 =	sadd.s32 $0xC4D0, s28  }
0x5c: {  	[tilespmem:s24], [sflag:$0x2] =	stream.indirect.gather [spmem:s2], $0x50, s30, s19, $0xb8;
	[tilespmem:$0x1B350] =	vst v63  }
0x5d: {  	_ =	swait.ge [sflag:s25], $0x2800  }
0x5e: {  	[sflag:s25] =	ssyncset.done $0x0  }
0x5f: {  	[sflag:s25] =	ssyncadd.s32 $0xFFFFD800  }
0x60: {  	_ =	swait.ge [sflag:s25], $0x2800  }
0x61: {  	[sflag:s25] =	ssyncset.done $0x0  }
0x62: {  	[sflag:s25] =	ssyncadd.s32 $0xFFFFD800  }
0x63: {  	[hbm4b:s21+s3] =	stream.linear.scatter [tilespmem:s20], [sflag:$0x3], $0x5000, $0x38;
	[tilespmem:$0x1B350] =	vst v63  }
0x64: {  	_ =	swait.ge [sflag:s16], $0x5000  }
0x65: {  	[sflag:s16] =	ssyncset.done $0x0  }
0x66: {  	s31 =	sadd.s32 $0xC550, s28;
	[sflag:s16] =	ssyncadd.s32 $0xFFFFB000  }
0x67: {  	[tilespmem:s20], [sflag:$0x1] =	stream.indirect.gather [spmem:s2], $0x50, s31, s19, $0xb8;
	[tilespmem:$0x1B350] =	vst v63  }
0x68: {  	s30 =	sadd.s32 $0xC5D0, s28  }
0x69: {  	[tilespmem:s22], [sflag:$0x1] =	stream.indirect.gather [spmem:s2], $0x50, s30, s19, $0xb8;
	[tilespmem:$0x1B350] =	vst v63  }
0x6a: {  	_ =	swait.ge [sflag:s26], $0x2800  }
0x6b: {  	[sflag:s26] =	ssyncset.done $0x0  }
0x6c: {  	[sflag:s26] =	ssyncadd.s32 $0xFFFFD800  }
0x6d: {  	_ =	swait.ge [sflag:s26], $0x2800  }
0x6e: {  	[sflag:s26] =	ssyncset.done $0x0  }
0x6f: {  	s31 =	sadd.s32 $0xA00, s21;
	[sflag:s26] =	ssyncadd.s32 $0xFFFFD800  }
0x70: {  	[hbm4b:s31+s3] =	stream.linear.scatter [tilespmem:s23], [sflag:$0x3], $0x5000, $0x38;
	[tilespmem:$0x1B350] =	vst v63  }
0x71: {  	_ =	swait.ge [sflag:s16], $0x5000  }
0x72: {  	[sflag:s16] =	ssyncset.done $0x0  }
0x73: {  	s21 =	simm.s32 $0xEA50;
	[sflag:s16] =	ssyncadd.s32 $0xFFFFB000  }
0x74: {  	[tilespmem:s23], [sflag:$0x2] =	stream.indirect.gather [spmem:s2], $0x50, s21, s19, $0xb8;
	[tilespmem:$0x1B350] =	vst v63  }
0x75: {  	s30 =	simm.s32 $0xEAD0  }
0x76: {  	[tilespmem:s24], [sflag:$0x2] =	stream.indirect.gather [spmem:s2], $0x50, s30, s19, $0xb8;
	[tilespmem:$0x1B350] =	vst v63  }
0x77: {  	_ =	swait.ge [sflag:s25], $0x2800  }
0x78: {  	[sflag:s25] =	ssyncset.done $0x0  }
0x79: {  	[sflag:s25] =	ssyncadd.s32 $0xFFFFD800  }
0x7a: {  	_ =	swait.ge [sflag:s25], $0x2800  }
0x7b: {  	[sflag:s25] =	ssyncset.done $0x0  }
0x7c: {  	s31 =	simm.s32 $0x0;
	[sflag:s25] =	ssyncadd.s32 $0xFFFFD800  }
0x7d: {  	[hbm4b:s9+s31] =	stream.linear.scatter [tilespmem:s20], [sflag:$0x3], $0x5000, $0x38;
	[tilespmem:$0x1B350] =	vst v63  }
0x7e: {  	_ =	swait.ge [sflag:s16], $0x5000  }
0x7f: {  	[sflag:s16] =	ssyncset.done $0x0  }
0x80: {  	[sflag:s16] =	ssyncadd.s32 $0xFFFFB000  }
0x81: {  	_ =	swait.ge [sflag:s26], $0x2800  }
0x82: {  	[sflag:s26] =	ssyncset.done $0x0  }
0x83: {  	[sflag:s26] =	ssyncadd.s32 $0xFFFFD800  }
0x84: {  	_ =	swait.ge [sflag:s26], $0x2800  }
0x85: {  	[sflag:s26] =	ssyncset.done $0x0  }
0x86: {  	[sflag:s26] =	ssyncadd.s32 $0xFFFFD800  }
0x87: {  	[hbm4b:s10+s31] =	stream.linear.scatter [tilespmem:s23], [sflag:$0x3], $0x5000, $0x38;
	[tilespmem:$0x1B350] =	vst v63  }
0x88: {  	_ =	swait.ge [sflag:s16], $0x5000  }
0x89: {  	[sflag:s16] =	ssyncset.done $0x0  }
0x8a: {  	[sflag:s16] =	ssyncadd.s32 $0xFFFFB000  }
0x8b: {  	[tilespmem:s20], [sflag:$0x1] =	stream.indirect.gather [spmem:s2], $0x50, s18, s19, $0xb8;
	[tilespmem:$0x1B350] =	vst v63  }
0x8c: {  	s21 =	simm.s32 $0xEBD0  }
0x8d: {  	[tilespmem:s22], [sflag:$0x1] =	stream.indirect.gather [spmem:s2], $0x50, s21, s19, $0xb8;
	[tilespmem:$0x1B350] =	vst v63  }
0x8e: {  	s30 =	simm.s32 $0xEC50  }
0x8f: {  	[tilespmem:s23], [sflag:$0x2] =	stream.indirect.gather [spmem:s2], $0x50, s30, s19, $0xb8;
	[tilespmem:$0x1B350] =	vst v63  }
0x90: {  	s31 =	simm.s32 $0xECD0  }
0x91: {  	[tilespmem:s24], [sflag:$0x2] =	stream.indirect.gather [spmem:s2], $0x50, s31, s19, $0xb8;
	[tilespmem:$0x1B350] =	vst v63  }
0x92: {  	_ =	swait.ge [sflag:s25], $0x2800  }
0x93: {  	[sflag:s25] =	ssyncset.done $0x0  }
0x94: {  	[sflag:s25] =	ssyncadd.s32 $0xFFFFD800  }
0x95: {  	_ =	swait.ge [sflag:s25], $0x2800  }
0x96: {  	[sflag:s25] =	ssyncset.done $0x0  }
0x97: {  	[sflag:s25] =	ssyncadd.s32 $0xFFFFD800  }
0x98: {  	[hbm4b:s14+s3] =	stream.linear.scatter [tilespmem:s20], [sflag:$0x3], $0x5000, $0x38;
	[tilespmem:$0x1B350] =	vst v63  }
0x99: {  	_ =	swait.ge [sflag:s16], $0x5000  }
0x9a: {  	[sflag:s16] =	ssyncset.done $0x0  }
0x9b: {  	s21 =	simm.s32 $0xED50;
	[sflag:s16] =	ssyncadd.s32 $0xFFFFB000  }
0x9c: {  	[tilespmem:s20], [sflag:$0x1] =	stream.indirect.gather [spmem:s2], $0x50, s21, s19, $0xb8;
	[tilespmem:$0x1B350] =	vst v63  }
0x9d: {  	s30 =	simm.s32 $0xEDD0  }
0x9e: {  	[tilespmem:s22], [sflag:$0x1] =	stream.indirect.gather [spmem:s2], $0x50, s30, s19, $0xb8;
	[tilespmem:$0x1B350] =	vst v63  }
0x9f: {  	_ =	swait.ge [sflag:s26], $0x2800  }
0xa0: {  	[sflag:s26] =	ssyncset.done $0x0  }
0xa1: {  	[sflag:s26] =	ssyncadd.s32 $0xFFFFD800  }
0xa2: {  	_ =	swait.ge [sflag:s26], $0x2800  }
0xa3: {  	[sflag:s26] =	ssyncset.done $0x0  }
0xa4: {  	s31 =	sadd.s32 $0xA00, s14;
	[sflag:s26] =	ssyncadd.s32 $0xFFFFD800  }
0xa5: {  	[hbm4b:s31+s3] =	stream.linear.scatter [tilespmem:s23], [sflag:$0x3], $0x5000, $0x38;
	[tilespmem:$0x1B350] =	vst v63  }
0xa6: {  	s29 =	simm.s32 $0x1000;
	_ =	swait.ge [sflag:s16], $0x5000  }
0xa7: {  	s28 =	simm.s32 $0x200;
	s21 =	sadd.s32 $0x1400, s14;
	[sflag:s16] =	ssyncset.done $0x0  }
.LBB2_4:
0xa8: {  	s0 =	sadd.s32 $0xEC50, s28  }
0xa9: {  	[sflag:s16] =	ssyncadd.s32 $0xFFFFB000;
	s30 =	smov.u32 s29;
	s31 =	sadd.s32 $0x800, s29  }
0xaa: {  	[tilespmem:s23], [sflag:$0x2] =	stream.indirect.gather [spmem:s2], $0x50, s0, s19, $0xb8;
	[tilespmem:$0x1B350] =	vst v63  }
0xab: {  	p0 =	sne.s32 s29, $0x9000;
	s0 =	sadd.s32 $0xECD0, s28  }
0xac: {  	[tilespmem:s24], [sflag:$0x2] =	stream.indirect.gather [spmem:s2], $0x50, s0, s19, $0xb8;
	[tilespmem:$0x1B350] =	vst v63  }
0xad: {  	_ =	swait.ge [sflag:s25], $0x2800  }
0xae: {  	[sflag:s25] =	ssyncset.done $0x0  }
0xaf: {  	[sflag:s25] =	ssyncadd.s32 $0xFFFFD800  }
0xb0: {  	_ =	swait.ge [sflag:s25], $0x2800  }
0xb1: {  	[sflag:s25] =	ssyncset.done $0x0  }
0xb2: {  	[sflag:s25] =	ssyncadd.s32 $0xFFFFD800  }
0xb3: {  	[hbm4b:s21+s3] =	stream.linear.scatter [tilespmem:s20], [sflag:$0x3], $0x5000, $0x38;
	[tilespmem:$0x1B350] =	vst v63  }
0xb4: {  	_ =	swait.ge [sflag:s16], $0x5000  }
0xb5: {  	[sflag:s16] =	ssyncset.done $0x0  }
0xb6: {  	s0 =	sadd.s32 $0xED50, s28;
	[sflag:s16] =	ssyncadd.s32 $0xFFFFB000  }
0xb7: {  	[tilespmem:s20], [sflag:$0x1] =	stream.indirect.gather [spmem:s2], $0x50, s0, s19, $0xb8;
	[tilespmem:$0x1B350] =	vst v63  }
0xb8: {  	s0 =	sadd.s32 $0xEDD0, s28  }
0xb9: {  	[tilespmem:s22], [sflag:$0x1] =	stream.indirect.gather [spmem:s2], $0x50, s0, s19, $0xb8;
	[tilespmem:$0x1B350] =	vst v63  }
0xba: {  	_ =	swait.ge [sflag:s26], $0x2800  }
0xbb: {  	[sflag:s26] =	ssyncset.done $0x0  }
0xbc: {  	[sflag:s26] =	ssyncadd.s32 $0xFFFFD800  }
0xbd: {  	_ =	swait.ge [sflag:s26], $0x2800  }
.Ltmp1:
0xbe: {  	[sflag:s26] =	ssyncset.done $0x0;
	(pc) =	sbr.rel @p0 .LBB2_4-.Ltmp1, $4  }
0xbf: {  	s0 =	sadd.s32 $0xA00, s21;
	[sflag:s26] =	ssyncadd.s32 $0xFFFFD800  }
0xc0: {  	[hbm4b:s0+s3] =	stream.linear.scatter [tilespmem:s23], [sflag:$0x3], $0x5000, $0x38;
	[tilespmem:$0x1B350] =	vst v63  }
0xc1: {  	s29 =	smov.u32 s31;
	_ =	swait.ge [sflag:s16], $0x5000  }
0xc2: {  	s28 =	sshra.s32 s30, $0x2;
	s21 =	sadd.s32 $0x1400, s21;
	[sflag:s16] =	ssyncset.done $0x0  }
0xc3: {  	s0 =	sadd.s32 $0xEC50, s28;
	[sflag:s16] =	ssyncadd.s32 $0xFFFFB000  }
0xc4: {  	[tilespmem:s23], [sflag:$0x2] =	stream.indirect.gather [spmem:s2], $0x50, s0, s19, $0xb8;
	[tilespmem:$0x1B350] =	vst v63  }
0xc5: {  	s30 =	sadd.s32 $0xECD0, s28  }
0xc6: {  	[tilespmem:s24], [sflag:$0x2] =	stream.indirect.gather [spmem:s2], $0x50, s30, s19, $0xb8;
	[tilespmem:$0x1B350] =	vst v63  }
0xc7: {  	_ =	swait.ge [sflag:s25], $0x2800  }
0xc8: {  	[sflag:s25] =	ssyncset.done $0x0  }
0xc9: {  	[sflag:s25] =	ssyncadd.s32 $0xFFFFD800  }
0xca: {  	_ =	swait.ge [sflag:s25], $0x2800  }
0xcb: {  	[sflag:s25] =	ssyncset.done $0x0  }
0xcc: {  	[sflag:s25] =	ssyncadd.s32 $0xFFFFD800  }
0xcd: {  	[hbm4b:s21+s3] =	stream.linear.scatter [tilespmem:s20], [sflag:$0x3], $0x5000, $0x38;
	[tilespmem:$0x1B350] =	vst v63  }
0xce: {  	_ =	swait.ge [sflag:s16], $0x5000  }
0xcf: {  	[sflag:s16] =	ssyncset.done $0x0  }
0xd0: {  	s31 =	sadd.s32 $0xED50, s28;
	[sflag:s16] =	ssyncadd.s32 $0xFFFFB000  }
0xd1: {  	[tilespmem:s20], [sflag:$0x1] =	stream.indirect.gather [spmem:s2], $0x50, s31, s19, $0xb8;
	[tilespmem:$0x1B350] =	vst v63  }
0xd2: {  	s28 =	sadd.s32 $0xEDD0, s28  }
0xd3: {  	[tilespmem:s22], [sflag:$0x1] =	stream.indirect.gather [spmem:s2], $0x50, s28, s19, $0xb8;
	[tilespmem:$0x1B350] =	vst v63  }
0xd4: {  	_ =	swait.ge [sflag:s26], $0x2800  }
0xd5: {  	[sflag:s26] =	ssyncset.done $0x0  }
0xd6: {  	[sflag:s26] =	ssyncadd.s32 $0xFFFFD800  }
0xd7: {  	_ =	swait.ge [sflag:s26], $0x2800  }
0xd8: {  	[sflag:s26] =	ssyncset.done $0x0  }
0xd9: {  	s29 =	sadd.s32 $0xA00, s21;
	[sflag:s26] =	ssyncadd.s32 $0xFFFFD800  }
0xda: {  	[hbm4b:s29+s3] =	stream.linear.scatter [tilespmem:s23], [sflag:$0x3], $0x5000, $0x38;
	[tilespmem:$0x1B350] =	vst v63  }
0xdb: {  	_ =	swait.ge [sflag:s16], $0x5000  }
0xdc: {  	[sflag:s16] =	ssyncset.done $0x0  }
0xdd: {  	s30 =	simm.s32 $0x11250;
	[sflag:s16] =	ssyncadd.s32 $0xFFFFB000  }
0xde: {  	[tilespmem:s23], [sflag:$0x2] =	stream.indirect.gather [spmem:s2], $0x50, s30, s19, $0xb8;
	[tilespmem:$0x1B350] =	vst v63  }
0xdf: {  	s31 =	simm.s32 $0x112D0  }
0xe0: {  	[tilespmem:s24], [sflag:$0x2] =	stream.indirect.gather [spmem:s2], $0x50, s31, s19, $0xb8;
	[tilespmem:$0x1B350] =	vst v63  }
0xe1: {  	_ =	swait.ge [sflag:s25], $0x2800  }
0xe2: {  	[sflag:s25] =	ssyncset.done $0x0  }
0xe3: {  	[sflag:s25] =	ssyncadd.s32 $0xFFFFD800  }
0xe4: {  	_ =	swait.ge [sflag:s25], $0x2800  }
0xe5: {  	[sflag:s25] =	ssyncset.done $0x0  }
0xe6: {  	[sflag:s25] =	ssyncadd.s32 $0xFFFFD800  }
0xe7: {  	[hbm4b:s11+s3] =	stream.linear.scatter [tilespmem:s20], [sflag:$0x3], $0x5000, $0x38;
	[tilespmem:$0x1B350] =	vst v63  }
0xe8: {  	_ =	swait.ge [sflag:s16], $0x5000  }
0xe9: {  	[sflag:s16] =	ssyncset.done $0x0  }
0xea: {  	[sflag:s16] =	ssyncadd.s32 $0xFFFFB000  }
0xeb: {  	_ =	swait.ge [sflag:s26], $0x2800  }
0xec: {  	[sflag:s26] =	ssyncset.done $0x0  }
0xed: {  	[sflag:s26] =	ssyncadd.s32 $0xFFFFD800  }
0xee: {  	s1 =	sadd.s32 $0x1, s1;
	_ =	swait.ge [sflag:s26], $0x2800  }
0xef: {  	p0 =	sne.s32 s1, s8;
	[sflag:s26] =	ssyncset.done $0x0  }
.Ltmp2:
0xf0: {  	[sflag:s26] =	ssyncadd.s32 $0xFFFFD800;
	(pc) =	sbr.rel @p0 .LBB2_1-.Ltmp2, $4  }
0xf1: {  	[hbm4b:s12+s3] =	stream.linear.scatter [tilespmem:s23], [sflag:$0x3], $0x5000, $0x38;
	[tilespmem:$0x1B350] =	vst v63  }
0xf2: {  	_ =	swait.ge [sflag:s16], $0x5000  }
0xf3: {  	[sflag:s16] =	ssyncset.done $0x0  }
0xf4: {  	[sflag:s16] =	ssyncadd.s32 $0xFFFFB000  }
0xf5: {  	_ =	sfence.sel $0x180000  }
0xf6: {  	[bflag:$0x0] =	sbarrier.arrive $0xFFFF  }
0xf7: {  	_ =	strace $0x90000047  }
0xf8: {  	s0 =	stileid.u32;
	[bflag:$0x2] =	sbarrier.arrive $0xFFFF  }
0xf9: {  	p0 =	sne.s32 s0, $0x0;
	s0 =	rddreg [dreg:$0x2]  }
0xfa: {  	s0 =	sadd.s32 @!p0 $0x100000, s0  }
0xfb: {  	[sflag:s0] =	ssyncadd.tile.s32 @!p0 $0x1;
	_ =	shalt  }
.Lfunc_end2:
_tile_overlayer_lowered:
.L_overlay_start_2:
0xfc: {  	(tag) =	ssettag $0x2  }
0xfd: {  	s0 =	rddreg [dreg:$0x0];
	s2 =	stileid.u32  }
0xfe: {  	s1 =	rddreg [dreg:$0x1];
	p0 =	sne.s32 s2, $0x0  }
0xff: {  	s3 =	rddreg [dreg:$0x2];
	[bflag:$0x3] =	sbarrier.arrive $0xFFFF;
	s2 =	simm.s32 @!p0 $0x1C03  }
0x100: {  	[timem:s3], [sflag:s2] =	dma.local @!p0 [hbm:s0], s1  }
0x101: {  	s0 =	simm.s32 @!p0 $0x3  }
0x102: {  	_ =	swait.ge @!p0 [sflag:s0], s1  }
0x103: {  	s1 =	ssub.s32 @!p0 $0x0, s1;
	[sflag:s0] =	ssyncset.done @!p0 $0x0  }
0x104: {  	[sflag:s0] =	ssyncadd.s32 @!p0 s1  }
0x105: {  	[bflag:$0x3] =	sbarrier.arrive $0xFFFF  }
0x106: {  	_ =	shalt  }

// kernel: kernel.18.cloned.1.call-start
scs
__scs_entry_jumppad:
0x0: {  	(pc) =	sbr.rel $0x88, $3  }
0x1: {  	(tag) =	ssettag $0x0;
	lr =	simm.s32 $0x1  }
0x2: {  	[smem:$0x3F71] =	sst lr;
	_ =	strace $0xD0000000  }
0x3: {  	_ = 	snop  }
0x4: {  	_ = 	snop  }
0x5: {  	_ = 	snop  }
0x6: {  	_ = 	snop  }
0x7: {  	_ = 	snop  }
__scs_overlays_trampoline_lowered:
0x8: {  	[smem:$0x3F80] =	sst s0  }
0x9: {  	[smem:$0x3F81] =	sst s1  }
0xa: {  	[smem:$0x3F82] =	sst s2  }
0xb: {  	[smem:$0x3F83] =	sst s3  }
0xc: {  	[smem:$0x3F84] =	sst s4  }
0xd: {  	[smem:$0x3F85] =	sst s5  }
0xe: {  	[smem:$0x3F86] =	sst s6  }
0xf: {  	[smem:$0x3F87] =	sst s7  }
0x10: {  	[smem:$0x3F88] =	sst s8  }
0x11: {  	[smem:$0x3F89] =	sst s9;
	s0 =	simm.s32 @!p0 $0x0  }
0x12: {  	s1 =	sld [smem:$0x3F6F];
	s0 =	simm.s32 @p0 $0x1  }
0x13: {  	[smem:$0x3F8A] =	sst s0;
	s0 =	simm.s32 @!p1 $0x0  }
0x14: {  	s2 =	sld [smem:$0x3F6E];
	s0 =	simm.s32 @p1 $0x1  }
0x15: {  	[smem:$0x3F8B] =	sst s0;
	s0 =	simm.s32 @!p2 $0x0  }
0x16: {  	s3 =	sld [smem:$0x3FDB];
	s0 =	simm.s32 @p2 $0x1  }
0x17: {  	s4 =	simm.s32 $0x1BF5;
	[smem:$0x3F8D] =	sst s0  }
0x18: {  	s0 =	sld [smem:$0x3F70];
	_ =	swait.ge [sflag:s4], $0x0  }
0x19: {  	s7 =	sld [smem:$0x3F71]  }
0x1a: {  	s8 =	sadd.s32 $0xFFFFE003, lr  }
0x1b: {  	s9 =	sadd.s32 $0xFFFFFEF7, lr;
	s5 =	simm.s32 $0xFFFFFFFF;
	p2 =	slt.u32 s8, $0xFFFFF086  }
0x1c: {  	p1 =	slt.u32 s9, $0xF7A;
	s5 =	simm.s32 @!p2 $0x0  }
0x1d: {  	s5 =	simm.s32 @p1 $0x1;
	p0 =	seq.s32 s7, s2  }
0x1e: {  	s7 =	smul.u32 @!p0 $0xF7A, s2;
	p2 =	seq.s32 @!p0 s5, $0x0  }
0x1f: {  	s9 =	smul.u32 $0xF7A, s1;
	s8 =	simm.s32 @!p0 $0x1BF5;
	p2 =	por !p2, p0  }
0x20: {  	[sflag:s8] =	ssyncset.s32 @!p0 $0xFFFFF086;
	s6 =	sadd.s32 @!p0 s3, s7;
	s7 =	simm.s32 @!p0 $0x108  }
0x21: {  	s3 =	sadd.s32 s3, s9;
	s6 =	sadd.s32 @!p0 $0x88, s6;
	s7 =	simm.s32 @p2 $0x1082  }
0x22: {  	[simem:s7], [sflag:s8] =	dma.local @!p0 [hbm:s6], $0xF7A  }
0x23: {  	s9 =	sor.u32 $0xD0000000, s2;
	s6 =	simm.s32 $0x108;
	_ =	swait.ge @!p0 [sflag:s8], $0x0  }
0x24: {  	s3 =	sadd.s32 $0x88, s3;
	s6 =	simm.s32 @!p1 $0x1082;
	[sflag:s4] =	ssyncset.s32 $0xFFFFF086  }
0x25: {  	[simem:s6], [sflag:s4] =	dma.local [hbm:s3], $0xF7A  }
0x26: {  	[smem:$0x3F71] =	sst s1;
	(tag) =	ssettag s2;
	_ =	strace s9  }
0x27: {  	s1 =	sld [smem:$0x3F81]  }
0x28: {  	s2 =	sld [smem:$0x3F82]  }
0x29: {  	s4 =	sld [smem:$0x3F84]  }
0x2a: {  	p0 =	seq.s32 s5, $0x0;
	s5 =	sld [smem:$0x3F85]  }
0x2b: {  	s6 =	sld [smem:$0x3F86]  }
0x2c: {  	s7 =	sld [smem:$0x3F87]  }
0x2d: {  	s3 =	simm.s32 $0x108;
	s8 =	sld [smem:$0x3F88]  }
0x2e: {  	s3 =	simm.s32 @!p0 $0x1082;
	s9 =	sld [smem:$0x3F89]  }
0x2f: {  	lr =	sadd.s32 s0, s3;
	s0 =	sld [smem:$0x3F80]  }
0x30: {  	s3 =	sld [smem:$0x3F83]  }
0x31: {  	[smem:$0x3F8C] =	sst s10  }
0x32: {  	s10 =	sld [smem:$0x3F8A];
	_ =	sdelay $0x3  }
0x33: {  	p0 =	seq.s32 s10, $0x1;
	s10 =	sld [smem:$0x3F8C];
	_ =	sdelay $0x3  }
0x34: {  	[smem:$0x3F8C] =	sst s10  }
0x35: {  	s10 =	sld [smem:$0x3F8B];
	_ =	sdelay $0x3  }
0x36: {  	p1 =	seq.s32 s10, $0x1;
	s10 =	sld [smem:$0x3F8C];
	_ =	sdelay $0x3  }
0x37: {  	[smem:$0x3F8C] =	sst s10  }
0x38: {  	s10 =	sld [smem:$0x3F8D]  }
0x39: {  	_ = 	snop;
	(pc) =	sbr.ind lr, $3  }
0x3a: {  	_ = 	snop  }
0x3b: {  	_ = 	snop  }
0x3c: {  	p2 =	seq.s32 s10, $0x1;
	s10 =	sld [smem:$0x3F8C]  }
0x3d: {  	_ =	shalt  }
0x3e: {  	_ =	shalt  }
0x3f: {  	_ =	shalt  }
0x40: {  	_ =	shalt  }
0x41: {  	_ =	shalt  }
0x42: {  	_ =	shalt  }
0x43: {  	_ =	shalt  }
0x44: {  	_ =	shalt  }
0x45: {  	_ =	shalt  }
0x46: {  	_ =	shalt  }
0x47: {  	_ =	shalt  }
0x48: {  	_ =	shalt  }
0x49: {  	_ =	shalt  }
0x4a: {  	_ =	shalt  }
0x4b: {  	_ =	shalt  }
0x4c: {  	_ =	shalt  }
0x4d: {  	_ =	shalt  }
0x4e: {  	_ =	shalt  }
0x4f: {  	_ =	shalt  }
0x50: {  	_ =	shalt  }
0x51: {  	_ =	shalt  }
0x52: {  	_ =	shalt  }
0x53: {  	_ =	shalt  }
0x54: {  	_ =	shalt  }
0x55: {  	_ =	shalt  }
0x56: {  	_ =	shalt  }
0x57: {  	_ =	shalt  }
0x58: {  	_ =	shalt  }
0x59: {  	_ =	shalt  }
0x5a: {  	_ =	shalt  }
0x5b: {  	_ =	shalt  }
0x5c: {  	_ =	shalt  }
0x5d: {  	_ =	shalt  }
0x5e: {  	_ =	shalt  }
0x5f: {  	_ =	shalt  }
0x60: {  	_ =	shalt  }
0x61: {  	_ =	shalt  }
0x62: {  	_ =	shalt  }
0x63: {  	_ =	shalt  }
0x64: {  	_ =	shalt  }
0x65: {  	_ =	shalt  }
0x66: {  	_ =	shalt  }
0x67: {  	_ =	shalt  }
0x68: {  	_ =	shalt  }
0x69: {  	_ =	shalt  }
0x6a: {  	_ =	shalt  }
0x6b: {  	_ =	shalt  }
0x6c: {  	_ =	shalt  }
0x6d: {  	_ =	shalt  }
0x6e: {  	_ =	shalt  }
0x6f: {  	_ =	shalt  }
0x70: {  	_ =	shalt  }
0x71: {  	_ =	shalt  }
0x72: {  	_ =	shalt  }
0x73: {  	_ =	shalt  }
0x74: {  	_ =	shalt  }
0x75: {  	_ =	shalt  }
0x76: {  	_ =	shalt  }
0x77: {  	_ =	shalt  }
0x78: {  	_ =	shalt  }
0x79: {  	_ =	shalt  }
0x7a: {  	_ =	shalt  }
0x7b: {  	_ =	shalt  }
0x7c: {  	_ =	shalt  }
0x7d: {  	_ =	shalt  }
0x7e: {  	_ =	shalt  }
0x7f: {  	_ =	shalt  }
0x80: {  	_ =	shalt  }
0x81: {  	_ =	shalt  }
0x82: {  	_ =	shalt  }
0x83: {  	_ =	shalt  }
0x84: {  	_ =	shalt  }
0x85: {  	_ =	shalt  }
0x86: {  	_ =	shalt  }
0x87: {  	_ =	shalt  }
.Lfunc_end0:
.L_simem_size_0:
called_computation.1_lowered:
.L_overlay_start_0:
0x88: {  	s2 =	sld [smem:$0x3FD9]  }
0x89: {  	s3 =	sld [smem:$0x3FFE];
	_ =	sdelay $0x1  }
0x8a: {  	s1 =	srdreg.scid  }
0x8b: {  	s0 =	sand.u32 $0x1, s1  }
0x8c: {  	s16 =	sshll.u32 s0, $0xA;
	s2 =	sadd.s32 s3, s2  }
0x8d: {  	s2 =	sadd.s32 s2, s16  }
0x8e: {  	[smem:$0x3F98] =	sst s2  }
0x8f: {  	_ = 	snop  }
0x90: {  	(tm) =	ssettm $0x1  }
0x91: {  	s17 =	sld [smem:$0x3FFB];
	_ =	sdelay $0x3  }
0x92: {  	_ =	strace s17  }
0x93: {  	s2 =	sld [smem:$0x3FFC];
	_ =	sdelay $0x3  }
0x94: {  	_ =	strace s2  }
0x95: {  	s2 =	sld [smem:$0x3FFD];
	_ =	sdelay $0x3  }
0x96: {  	_ =	strace s2  }
0x97: {  	_ =	strace $0x8FFFFFFF  }
0x98: {  	s18 =	sld [smem:$0x3FDB];
	_ =	sdelay $0x1  }
0x99: {  	s19 =	simm.s32 $_scs_section_size  }
0x9a: {  	s4 =	simm.s32 $_size__tile_overlayer_lowered;
	s5 =	simm.s32 $_tile_overlayer_lowered  }
0x9b: {  	s22 =	simm.s32 $0x1BFF;
	s21 =	sshll.u32 s5, $0x1;
	s2 =	sadd.s32 s19, s18  }
0x9c: {  	s6 =	simm.s32 $0x0;
	s20 =	sshll.u32 s4, $0x1;
	s4 =	sadd.s32 s21, s2  }
0x9d: {  	[timem:s6], [sflag:s22] =	dma.local [hbm:s4], s20  }
0x9e: {  	_ =	swait.ge [sflag:s22], s20  }
0x9f: {  	s3 =	ssub.s32 $0x0, s20;
	[sflag:s22] =	ssyncset.done $0x0  }
0xa0: {  	[sflag:s22] =	ssyncadd.s32 s3;
	_ =	sdelay $0x1  }
0xa1: {  	s23 =	simm.s32 $0x1B8B  }
0xa2: {  	_ =	swait.ge [sflag:s23], $0x1  }
0xa3: {  	[sflag:s23] =	ssyncset.done $0x0  }
0xa4: {  	s25 =	simm.s32 $0x1B8E;
	s24 =	sld [smem:$0x3FFE];
	[sflag:s23] =	ssyncadd.s32 $0xFFFFFFFF  }
0xa5: {  	s26 =	simm.s32 $execute0_lowered;
	[smem:$0x3FD2] =	sst s25  }
0xa6: {  	s4 =	sshll.u32 s26, $0x1;
	_ =	strace $0x80000049;
	[dreg:$0x1] =	wrdreg $0xFFFFFFFF  }
0xa7: {  	s28 =	simm.s32 $_size_execute0_lowered;
	s2 =	sadd.s32 s2, s4;
	[dreg:$0x0] =	wrdreg $0x0  }
0xa8: {  	s4 =	sshll.u32 s28, $0x1;
	[dreg:$0x2] =	wrdreg s2  }
0xa9: {  	[dreg:$0x3] =	wrdreg s4  }
0xaa: {  	[dreg:$0x4] =	wrdreg $0xC0  }
0xab: {  	_ =	task [dreg:s6], $0x5FFFF  }
0xac: {  	[dreg:$0x1] =	wrdreg $0xFFFFFFFF  }
0xad: {  	[dreg:$0x0] =	wrdreg $0x60  }
0xae: {  	[dreg:$0x2] =	wrdreg s24  }
0xaf: {  	[dreg:$0x3] =	wrdreg $0x0  }
0xb0: {  	[dreg:$0x4] =	wrdreg $0x9C400  }
0xb1: {  	[dreg:$0x5] =	wrdreg $0x9  }
0xb2: {  	_ =	task.clear_ibuf [dreg:s6], $0x6FFFF;
	_ =	strace $0x90000049  }
0xb3: {  	s29 =	simm.s32 $0x9;
	_ =	strace $0x8000004B  }
0xb4: {  	_ =	swait.ge [sflag:s29], $0x1  }
0xb5: {  	[sflag:s29] =	ssyncadd.s32 $0xFFFFFFFF  }
0xb6: {  	_ =	strace $0x9000004B  }
0xb7: {  	_ =	sfence  }
0xb8: {  	s30 =	sld [smem:$0x0];
	_ =	sdelay $0x2  }
0xb9: {  	s31 =	sshll.u32 s1, $0xD;
	s1 =	sshrl.u32 s1, $0x2  }
0xba: {  	s3 =	sand.u32 $0x4000, s31;
	s1 =	sadd.s32 s1, s30  }
0xbb: {  	s0 =	sor.u32 s3, s0;
	s1 =	sshll.u32 s1, $0x11  }
0xbc: {  	s0 =	sor.u32 s1, s0  }
0xbd: {  	s0 =	sadd.s32 $0x8F2B, s0  }
0xbe: {  	[sflag:s0] =	ssyncadd.remote.s32 $0x1  }
0xbf: {  	_ =	sfence.sel $0xFFFF  }
0xc0: {  	[dreg:$0x0] =	wrdreg $0xFFFFFFFF;
	(pc) =	sbr.abs _section_cstart, $3  }
0xc1: {  	[dreg:$0x1] =	wrdreg $0xFFFFFFFF  }
0xc2: {  	_ =	task.clear_ibuf [dreg:s6], $0x2FFFF;
	_ =	strace $0x9FFFFFFF  }
0xc3: {  	(tm) =	ssettm $0x7FFFFFFF  }
tec
execute0_lowered:
.L_overlay_start_1:
0x0: {  	(tag) =	ssettag $0x1  }
0x1: {  	s5 =	rddreg [dreg:$0x0]  }
0x2: {  	s0 =	stileid.u32;
	s2 =	rddreg [dreg:$0x1]  }
0x3: {  	s1 =	srdreg.scid;
	s3 =	rddreg [dreg:$0x2]  }
0x4: {  	s4 =	simm.s32 $0x0;
	s18 =	simm.s32 $0x18880;
	s6 =	smul.u32 $0x28000, s0  }
0x5: {  	s19 =	simm.s32 $0x80;
	s7 =	sand.u32 $0x1, s1;
	s9 =	smul.u32 $0x9C40, s0  }
0x6: {  	s20 =	simm.s32 $0x0;
	s28 =	sshll.u32 s0, $0x1;
	s10 =	smul.u32 $0x9C400, s7  }
0x7: {  	[smem:$0x7FF] =	sst s4;
	s1 =	sor.u32 s7, s28;
	s17 =	smul.u32 $0x14000, s7  }
0x8: {  	s31 =	sshll.u32 s0, $0x6;
	s30 =	ssub.s32 $0x2, s7;
	s8 =	smul.u32 $0x500, s1  }
0x9: {  	s1 =	rddreg [dreg:$0x3];
	_ =	strace $0x8000004A;
	s12 =	sadd.s32 s6, s5  }
0xa: {  	s11 =	sshrl.u32 s9, $0x3;
	s13 =	sshrl.u32 s30, $0x1;
	s15 =	sadd.s32 s9, s2  }
0xb: {  	s16 =	sadd.s32 s9, s3;
	s29 =	sadd.s32 s9, s10;
	s11 =	sadd.s32 s11, s5  }
0xc: {  	s13 =	ssub.s32 s30, s13;
	s12 =	sadd.s32 s17, s12;
	s17 =	simm.s32 $0x16080  }
0xd: {  	s8 =	sadd.s32 s8, s5;
	s6 =	sshrl.u32 s29, $0x3;
	s12 =	sadd.s32 $0x54A800, s12  }
0xe: {  	s14 =	sadd.s32 s6, s5;
	s5 =	sadd.s32 $0x7CA800, s11;
	s6 =	sor.u32 $0x1C01, s31  }
0xf: {  	s7 =	sadd.s32 $0x19400, s8;
	s8 =	sadd.s32 $0xF400, s8;
	s11 =	smax.u32 s13, $0x1  }
0x10: {  	s13 =	sshrl.u32 s15, $0x3;
	s15 =	sshrl.u32 s16, $0x3;
	s16 =	simm.s32 $0x13880  }
0x11: {  	s9 =	sadd.s32 $0x7DE200, s14;
	s10 =	sadd.s32 $0x805300, s14;
	s14 =	simm.s32 $0x1  }
.LBB2_1:
0x12: {  	[spmem:s13], [sflag:s6] =	dma.local [hbm:s5], $0x1388  }
0x13: {  	_ =	swait.ge [sflag:s14], $0x1388  }
0x14: {  	[sflag:s14] =	ssyncset.done $0x0  }
0x15: {  	[sflag:s14] =	ssyncadd.s32 $0xFFFFEC78  }
0x16: {  	[spmem:s15], [sflag:s6] =	dma.local [hbm:s5], $0x1388  }
0x17: {  	_ =	swait.ge [sflag:s14], $0x1388  }
0x18: {  	[sflag:s14] =	ssyncset.done $0x0  }
0x19: {  	[sflag:s14] =	ssyncadd.s32 $0xFFFFEC78  }
0x1a: {  	[tilespmem:s16], [sflag:$0x1] =	stream.linear.gather [hbm4b:s7+s4], $0x2800, $0x38;
	[tilespmem:$0x1A880] =	vst v63  }
0x1b: {  	_ =	swait.ge [sflag:s14], $0x2800  }
0x1c: {  	[sflag:s14] =	ssyncset.done $0x0  }
0x1d: {  	[sflag:s14] =	ssyncadd.s32 $0xFFFFD800  }
0x1e: {  	[tilespmem:s17], [sflag:$0x1] =	stream.linear.gather [hbm4b:s8+s4], $0x2800, $0x38;
	[tilespmem:$0x1A880] =	vst v63  }
0x1f: {  	_ =	swait.ge [sflag:s14], $0x2800  }
0x20: {  	[sflag:s14] =	ssyncset.done $0x0  }
0x21: {  	[sflag:s14] =	ssyncadd.s32 $0xFFFFD800  }
0x22: {  	[bflag:$0x0] =	sbarrier.arrive $0xFFFF  }
0x23: {  	[tilespmem:s18], [sflag:$0x1] =	stream.linear.gather [hbm4b:s12+s4], $0x2000, $0x38;
	[tilespmem:$0x1A880] =	vst v63  }
0x24: {  	_ =	swait.ge [sflag:s14], $0x2000  }
0x25: {  	[sflag:s14] =	ssyncset.done $0x0  }
0x26: {  	s21 =	simm.s32 $0x13880;
	[sflag:s14] =	ssyncadd.s32 $0xFFFFE000  }
0x27: {  	[spmem:s2] =	stream.indirect.scatter.add.f32 [tilespmem:s18], [sflag:$0x1], $0x40, s21, s19, $0xb8;
	[tilespmem:$0x1A880] =	vst v63  }
0x28: {  	_ =	swait.ge [sflag:s14], $0x2000  }
0x29: {  	[sflag:s14] =	ssyncset.done $0x0  }
0x2a: {  	s31 =	simm.s32 $0x16080;
	[sflag:s14] =	ssyncadd.s32 $0xFFFFE000  }
0x2b: {  	[spmem:s3] =	stream.indirect.scatter.add.f32 [tilespmem:s18], [sflag:$0x1], $0x40, s31, s19, $0xb8;
	[tilespmem:$0x1A880] =	vst v63  }
0x2c: {  	_ =	swait.ge [sflag:s14], $0x2000  }
0x2d: {  	s22 =	smov.u32 s12;
	s21 =	simm.s32 $0x200;
	[sflag:s14] =	ssyncset.done $0x0  }
.LBB2_2:
0x2e: {  	p0 =	sne.s32 s21, $0x9E00;
	[sflag:s14] =	ssyncadd.s32 $0xFFFFE000;
	s22 =	sadd.s32 $0x400, s22  }
0x2f: {  	[tilespmem:s18], [sflag:$0x1] =	stream.linear.gather [hbm4b:s22+s4], $0x2000, $0x38;
	[tilespmem:$0x1A880] =	vst v63  }
0x30: {  	s23 =	smov.u32 s21;
	s21 =	sadd.s32 $0x200, s21;
	_ =	swait.ge [sflag:s14], $0x2000  }
0x31: {  	s23 =	sshra.s32 s23, $0x2;
	[sflag:s14] =	ssyncset.done $0x0  }
0x32: {  	s24 =	sadd.s32 $0x13880, s23;
	[sflag:s14] =	ssyncadd.s32 $0xFFFFE000  }
0x33: {  	[spmem:s2] =	stream.indirect.scatter.add.f32 [tilespmem:s18], [sflag:$0x1], $0x40, s24, s19, $0xb8;
	[tilespmem:$0x1A880] =	vst v63  }
0x34: {  	_ =	swait.ge [sflag:s14], $0x2000  }
.Ltmp0:
0x35: {  	[sflag:s14] =	ssyncset.done $0x0;
	(pc) =	sbr.rel @p0 .LBB2_2-.Ltmp0, $4  }
0x36: {  	s23 =	sadd.s32 $0x16080, s23;
	[sflag:s14] =	ssyncadd.s32 $0xFFFFE000  }
0x37: {  	[spmem:s3] =	stream.indirect.scatter.add.f32 [tilespmem:s18], [sflag:$0x1], $0x40, s23, s19, $0xb8;
	[tilespmem:$0x1A880] =	vst v63  }
0x38: {  	_ =	swait.ge [sflag:s14], $0x2000  }
0x39: {  	[sflag:s14] =	ssyncset.done $0x0  }
0x3a: {  	[sflag:s14] =	ssyncadd.s32 $0xFFFFE000  }
0x3b: {  	[bflag:$0x0] =	sbarrier.arrive $0xFFFF  }
0x3c: {  	[hbm:s9], [sflag:s6] =	dma.local [spmem:s13], $0x1388  }
0x3d: {  	s20 =	sadd.s32 $0x1, s20;
	_ =	swait.ge [sflag:s14], $0x1388  }
0x3e: {  	p0 =	sne.s32 s20, s11;
	[sflag:s14] =	ssyncset.done $0x0  }
.Ltmp1:
0x3f: {  	[sflag:s14] =	ssyncadd.s32 $0xFFFFEC78;
	(pc) =	sbr.rel @p0 .LBB2_1-.Ltmp1, $4  }
0x40: {  	[hbm:s10], [sflag:s6] =	dma.local [spmem:s15], $0x1388  }
0x41: {  	_ =	swait.ge [sflag:s14], $0x1388  }
0x42: {  	[sflag:s14] =	ssyncset.done $0x0  }
0x43: {  	[sflag:s14] =	ssyncadd.s32 $0xFFFFEC78  }
0x44: {  	_ =	sfence.sel $0x180000  }
0x45: {  	[bflag:$0x0] =	sbarrier.arrive $0xFFFF  }
0x46: {  	p0 =	sne.s32 s0, $0x0;
	_ =	strace $0x9000004A  }
0x47: {  	s0 =	sadd.s32 @!p0 $0x100000, s1;
	[bflag:$0x2] =	sbarrier.arrive $0xFFFF  }
0x48: {  	[sflag:s0] =	ssyncadd.tile.s32 @!p0 $0x1;
	_ =	shalt  }
.Lfunc_end2:
_tile_overlayer_lowered:
.L_overlay_start_2:
0x49: {  	(tag) =	ssettag $0x2  }
0x4a: {  	s0 =	rddreg [dreg:$0x0];
	s2 =	stileid.u32  }
0x4b: {  	s1 =	rddreg [dreg:$0x1];
	p0 =	sne.s32 s2, $0x0  }
0x4c: {  	s3 =	rddreg [dreg:$0x2];
	[bflag:$0x3] =	sbarrier.arrive $0xFFFF;
	s2 =	simm.s32 @!p0 $0x1C01  }
0x4d: {  	[timem:s3], [sflag:s2] =	dma.local @!p0 [hbm:s0], s1  }
0x4e: {  	s0 =	simm.s32 @!p0 $0x1  }
0x4f: {  	_ =	swait.ge @!p0 [sflag:s0], s1  }
0x50: {  	s1 =	ssub.s32 @!p0 $0x0, s1;
	[sflag:s0] =	ssyncset.done @!p0 $0x0  }
0x51: {  	[sflag:s0] =	ssyncadd.s32 @!p0 s1  }
0x52: {  	[bflag:$0x3] =	sbarrier.arrive $0xFFFF  }
0x53: {  	_ =	shalt  }

// kernel: kernel.21.cloned.1.call-start
scs
__scs_entry_jumppad:
0x0: {  	(pc) =	sbr.rel $0x88, $3  }
0x1: {  	(tag) =	ssettag $0x0;
	lr =	simm.s32 $0x1  }
0x2: {  	[smem:$0x3F71] =	sst lr;
	_ =	strace $0xD0000000  }
0x3: {  	_ = 	snop  }
0x4: {  	_ = 	snop  }
0x5: {  	_ = 	snop  }
0x6: {  	_ = 	snop  }
0x7: {  	_ = 	snop  }
__scs_overlays_trampoline_lowered:
0x8: {  	[smem:$0x3F80] =	sst s0  }
0x9: {  	[smem:$0x3F81] =	sst s1  }
0xa: {  	[smem:$0x3F82] =	sst s2  }
0xb: {  	[smem:$0x3F83] =	sst s3  }
0xc: {  	[smem:$0x3F84] =	sst s4  }
0xd: {  	[smem:$0x3F85] =	sst s5  }
0xe: {  	[smem:$0x3F86] =	sst s6  }
0xf: {  	[smem:$0x3F87] =	sst s7  }
0x10: {  	[smem:$0x3F88] =	sst s8  }
0x11: {  	[smem:$0x3F89] =	sst s9;
	s0 =	simm.s32 @!p0 $0x0  }
0x12: {  	s1 =	sld [smem:$0x3F6F];
	s0 =	simm.s32 @p0 $0x1  }
0x13: {  	[smem:$0x3F8A] =	sst s0;
	s0 =	simm.s32 @!p1 $0x0  }
0x14: {  	s2 =	sld [smem:$0x3F6E];
	s0 =	simm.s32 @p1 $0x1  }
0x15: {  	[smem:$0x3F8B] =	sst s0;
	s0 =	simm.s32 @!p2 $0x0  }
0x16: {  	s3 =	sld [smem:$0x3FDB];
	s0 =	simm.s32 @p2 $0x1  }
0x17: {  	s4 =	simm.s32 $0x1BF5;
	[smem:$0x3F8D] =	sst s0  }
0x18: {  	s0 =	sld [smem:$0x3F70];
	_ =	swait.ge [sflag:s4], $0x0  }
0x19: {  	s7 =	sld [smem:$0x3F71]  }
0x1a: {  	s8 =	sadd.s32 $0xFFFFE003, lr  }
0x1b: {  	s9 =	sadd.s32 $0xFFFFFEF7, lr;
	s5 =	simm.s32 $0xFFFFFFFF;
	p2 =	slt.u32 s8, $0xFFFFF086  }
0x1c: {  	p1 =	slt.u32 s9, $0xF7A;
	s5 =	simm.s32 @!p2 $0x0  }
0x1d: {  	s5 =	simm.s32 @p1 $0x1;
	p0 =	seq.s32 s7, s2  }
0x1e: {  	s7 =	smul.u32 @!p0 $0xF7A, s2;
	p2 =	seq.s32 @!p0 s5, $0x0  }
0x1f: {  	s9 =	smul.u32 $0xF7A, s1;
	s8 =	simm.s32 @!p0 $0x1BF5;
	p2 =	por !p2, p0  }
0x20: {  	[sflag:s8] =	ssyncset.s32 @!p0 $0xFFFFF086;
	s6 =	sadd.s32 @!p0 s3, s7;
	s7 =	simm.s32 @!p0 $0x108  }
0x21: {  	s3 =	sadd.s32 s3, s9;
	s6 =	sadd.s32 @!p0 $0x88, s6;
	s7 =	simm.s32 @p2 $0x1082  }
0x22: {  	[simem:s7], [sflag:s8] =	dma.local @!p0 [hbm:s6], $0xF7A  }
0x23: {  	s9 =	sor.u32 $0xD0000000, s2;
	s6 =	simm.s32 $0x108;
	_ =	swait.ge @!p0 [sflag:s8], $0x0  }
0x24: {  	s3 =	sadd.s32 $0x88, s3;
	s6 =	simm.s32 @!p1 $0x1082;
	[sflag:s4] =	ssyncset.s32 $0xFFFFF086  }
0x25: {  	[simem:s6], [sflag:s4] =	dma.local [hbm:s3], $0xF7A  }
0x26: {  	[smem:$0x3F71] =	sst s1;
	(tag) =	ssettag s2;
	_ =	strace s9  }
0x27: {  	s1 =	sld [smem:$0x3F81]  }
0x28: {  	s2 =	sld [smem:$0x3F82]  }
0x29: {  	s4 =	sld [smem:$0x3F84]  }
0x2a: {  	p0 =	seq.s32 s5, $0x0;
	s5 =	sld [smem:$0x3F85]  }
0x2b: {  	s6 =	sld [smem:$0x3F86]  }
0x2c: {  	s7 =	sld [smem:$0x3F87]  }
0x2d: {  	s3 =	simm.s32 $0x108;
	s8 =	sld [smem:$0x3F88]  }
0x2e: {  	s3 =	simm.s32 @!p0 $0x1082;
	s9 =	sld [smem:$0x3F89]  }
0x2f: {  	lr =	sadd.s32 s0, s3;
	s0 =	sld [smem:$0x3F80]  }
0x30: {  	s3 =	sld [smem:$0x3F83]  }
0x31: {  	[smem:$0x3F8C] =	sst s10  }
0x32: {  	s10 =	sld [smem:$0x3F8A];
	_ =	sdelay $0x3  }
0x33: {  	p0 =	seq.s32 s10, $0x1;
	s10 =	sld [smem:$0x3F8C];
	_ =	sdelay $0x3  }
0x34: {  	[smem:$0x3F8C] =	sst s10  }
0x35: {  	s10 =	sld [smem:$0x3F8B];
	_ =	sdelay $0x3  }
0x36: {  	p1 =	seq.s32 s10, $0x1;
	s10 =	sld [smem:$0x3F8C];
	_ =	sdelay $0x3  }
0x37: {  	[smem:$0x3F8C] =	sst s10  }
0x38: {  	s10 =	sld [smem:$0x3F8D]  }
0x39: {  	_ = 	snop;
	(pc) =	sbr.ind lr, $3  }
0x3a: {  	_ = 	snop  }
0x3b: {  	_ = 	snop  }
0x3c: {  	p2 =	seq.s32 s10, $0x1;
	s10 =	sld [smem:$0x3F8C]  }
0x3d: {  	_ =	shalt  }
0x3e: {  	_ =	shalt  }
0x3f: {  	_ =	shalt  }
0x40: {  	_ =	shalt  }
0x41: {  	_ =	shalt  }
0x42: {  	_ =	shalt  }
0x43: {  	_ =	shalt  }
0x44: {  	_ =	shalt  }
0x45: {  	_ =	shalt  }
0x46: {  	_ =	shalt  }
0x47: {  	_ =	shalt  }
0x48: {  	_ =	shalt  }
0x49: {  	_ =	shalt  }
0x4a: {  	_ =	shalt  }
0x4b: {  	_ =	shalt  }
0x4c: {  	_ =	shalt  }
0x4d: {  	_ =	shalt  }
0x4e: {  	_ =	shalt  }
0x4f: {  	_ =	shalt  }
0x50: {  	_ =	shalt  }
0x51: {  	_ =	shalt  }
0x52: {  	_ =	shalt  }
0x53: {  	_ =	shalt  }
0x54: {  	_ =	shalt  }
0x55: {  	_ =	shalt  }
0x56: {  	_ =	shalt  }
0x57: {  	_ =	shalt  }
0x58: {  	_ =	shalt  }
0x59: {  	_ =	shalt  }
0x5a: {  	_ =	shalt  }
0x5b: {  	_ =	shalt  }
0x5c: {  	_ =	shalt  }
0x5d: {  	_ =	shalt  }
0x5e: {  	_ =	shalt  }
0x5f: {  	_ =	shalt  }
0x60: {  	_ =	shalt  }
0x61: {  	_ =	shalt  }
0x62: {  	_ =	shalt  }
0x63: {  	_ =	shalt  }
0x64: {  	_ =	shalt  }
0x65: {  	_ =	shalt  }
0x66: {  	_ =	shalt  }
0x67: {  	_ =	shalt  }
0x68: {  	_ =	shalt  }
0x69: {  	_ =	shalt  }
0x6a: {  	_ =	shalt  }
0x6b: {  	_ =	shalt  }
0x6c: {  	_ =	shalt  }
0x6d: {  	_ =	shalt  }
0x6e: {  	_ =	shalt  }
0x6f: {  	_ =	shalt  }
0x70: {  	_ =	shalt  }
0x71: {  	_ =	shalt  }
0x72: {  	_ =	shalt  }
0x73: {  	_ =	shalt  }
0x74: {  	_ =	shalt  }
0x75: {  	_ =	shalt  }
0x76: {  	_ =	shalt  }
0x77: {  	_ =	shalt  }
0x78: {  	_ =	shalt  }
0x79: {  	_ =	shalt  }
0x7a: {  	_ =	shalt  }
0x7b: {  	_ =	shalt  }
0x7c: {  	_ =	shalt  }
0x7d: {  	_ =	shalt  }
0x7e: {  	_ =	shalt  }
0x7f: {  	_ =	shalt  }
0x80: {  	_ =	shalt  }
0x81: {  	_ =	shalt  }
0x82: {  	_ =	shalt  }
0x83: {  	_ =	shalt  }
0x84: {  	_ =	shalt  }
0x85: {  	_ =	shalt  }
0x86: {  	_ =	shalt  }
0x87: {  	_ =	shalt  }
.Lfunc_end0:
.L_simem_size_0:
called_computation.2_lowered:
.L_overlay_start_0:
0x88: {  	s2 =	sld [smem:$0x3FD9]  }
0x89: {  	s3 =	sld [smem:$0x3FFE];
	_ =	sdelay $0x1  }
0x8a: {  	s1 =	srdreg.scid  }
0x8b: {  	s0 =	sand.u32 $0x1, s1  }
0x8c: {  	s16 =	sshll.u32 s0, $0xA;
	s2 =	sadd.s32 s3, s2  }
0x8d: {  	s2 =	sadd.s32 s2, s16  }
0x8e: {  	[smem:$0x3F98] =	sst s2  }
0x8f: {  	_ = 	snop  }
0x90: {  	(tm) =	ssettm $0x1  }
0x91: {  	s17 =	sld [smem:$0x3FFB];
	_ =	sdelay $0x3  }
0x92: {  	_ =	strace s17  }
0x93: {  	s2 =	sld [smem:$0x3FFC];
	_ =	sdelay $0x3  }
0x94: {  	_ =	strace s2  }
0x95: {  	s2 =	sld [smem:$0x3FFD];
	_ =	sdelay $0x3  }
0x96: {  	_ =	strace s2  }
0x97: {  	_ =	strace $0x8FFFFFFF  }
0x98: {  	s18 =	sld [smem:$0x3FDB];
	_ =	sdelay $0x1  }
0x99: {  	s19 =	simm.s32 $_scs_section_size  }
0x9a: {  	s4 =	simm.s32 $_size__tile_overlayer_lowered;
	s5 =	simm.s32 $_tile_overlayer_lowered  }
0x9b: {  	s22 =	simm.s32 $0x1BFF;
	s21 =	sshll.u32 s5, $0x1;
	s2 =	sadd.s32 s19, s18  }
0x9c: {  	s6 =	simm.s32 $0x0;
	s20 =	sshll.u32 s4, $0x1;
	s4 =	sadd.s32 s21, s2  }
0x9d: {  	[timem:s6], [sflag:s22] =	dma.local [hbm:s4], s20  }
0x9e: {  	_ =	swait.ge [sflag:s22], s20  }
0x9f: {  	s3 =	ssub.s32 $0x0, s20;
	[sflag:s22] =	ssyncset.done $0x0  }
0xa0: {  	[sflag:s22] =	ssyncadd.s32 s3;
	_ =	sdelay $0x1  }
0xa1: {  	s23 =	simm.s32 $0x1B8B  }
0xa2: {  	_ =	swait.ge [sflag:s23], $0x1  }
0xa3: {  	[sflag:s23] =	ssyncset.done $0x0  }
0xa4: {  	s25 =	simm.s32 $0x1B8E;
	s24 =	sld [smem:$0x3FFE];
	[sflag:s23] =	ssyncadd.s32 $0xFFFFFFFF  }
0xa5: {  	s26 =	simm.s32 $execute0_lowered;
	[smem:$0x3FD2] =	sst s25  }
0xa6: {  	s4 =	sshll.u32 s26, $0x1;
	_ =	strace $0x8000004C;
	[dreg:$0x1] =	wrdreg $0xFFFFFFFF  }
0xa7: {  	s28 =	simm.s32 $_size_execute0_lowered;
	s2 =	sadd.s32 s2, s4;
	[dreg:$0x0] =	wrdreg $0x0  }
0xa8: {  	s4 =	sshll.u32 s28, $0x1;
	[dreg:$0x2] =	wrdreg s2  }
0xa9: {  	[dreg:$0x3] =	wrdreg s4  }
0xaa: {  	[dreg:$0x4] =	wrdreg $0xC0  }
0xab: {  	_ =	task [dreg:s6], $0x5FFFF  }
0xac: {  	[dreg:$0x1] =	wrdreg $0xFFFFFFFF  }
0xad: {  	[dreg:$0x0] =	wrdreg $0x60  }
0xae: {  	[dreg:$0x2] =	wrdreg s24  }
0xaf: {  	[dreg:$0x3] =	wrdreg $0x0  }
0xb0: {  	[dreg:$0x4] =	wrdreg $0x9  }
0xb1: {  	_ =	task.clear_ibuf [dreg:s6], $0x5FFFF;
	_ =	strace $0x9000004C  }
0xb2: {  	s29 =	simm.s32 $0x9;
	_ =	strace $0x8000004E  }
0xb3: {  	_ =	swait.ge [sflag:s29], $0x1  }
0xb4: {  	[sflag:s29] =	ssyncadd.s32 $0xFFFFFFFF  }
0xb5: {  	_ =	strace $0x9000004E  }
0xb6: {  	_ =	sfence  }
0xb7: {  	s30 =	sld [smem:$0x0];
	_ =	sdelay $0x2  }
0xb8: {  	s31 =	sshll.u32 s1, $0xD;
	s1 =	sshrl.u32 s1, $0x2  }
0xb9: {  	s3 =	sand.u32 $0x4000, s31;
	s1 =	sadd.s32 s1, s30  }
0xba: {  	s0 =	sor.u32 s3, s0;
	s1 =	sshll.u32 s1, $0x11  }
0xbb: {  	s0 =	sor.u32 s1, s0  }
0xbc: {  	s0 =	sadd.s32 $0x8F2B, s0  }
0xbd: {  	[sflag:s0] =	ssyncadd.remote.s32 $0x1  }
0xbe: {  	_ =	sfence.sel $0xFFFF  }
0xbf: {  	[dreg:$0x0] =	wrdreg $0xFFFFFFFF;
	(pc) =	sbr.abs _section_cstart, $3  }
0xc0: {  	[dreg:$0x1] =	wrdreg $0xFFFFFFFF  }
0xc1: {  	_ =	task.clear_ibuf [dreg:s6], $0x2FFFF;
	_ =	strace $0x9FFFFFFF  }
0xc2: {  	(tm) =	ssettm $0x7FFFFFFF  }
0xc3: {  	_ =	shalt  }
tec
execute0_lowered:
.L_overlay_start_1:
0x0: {  	(tag) =	ssettag $0x1  }
0x1: {  	s0 =	rddreg [dreg:$0x0]  }
0x2: {  	s2 =	rddreg [dreg:$0x1]  }
0x3: {  	s15 =	stileid.u32;
	s1 =	srdreg.scid  }
0x4: {  	s3 =	simm.s32 $0x0;
	s19 =	simm.s32 $0x9C40;
	s20 =	simm.s32 $0xC440  }
0x5: {  	s21 =	simm.s32 $0x80;
	s28 =	simm.s32 $0x1;
	s5 =	smul.u32 $0x9C40, s15  }
0x6: {  	s29 =	simm.s32 $0x2;
	s1 =	sand.u32 $0x1, s1;
	s12 =	smul.u32 $0x140000, s15  }
0x7: {  	s4 =	sshll.u32 s15, $0x1;
	s23 =	sshll.u32 s15, $0x6;
	s15 =	smul.u32 $0x5000, s15  }
0x8: {  	[smem:$0x7FF] =	sst s3;
	s14 =	sadd.s32 $0xA5E200, s0;
	s13 =	smul.u32 $0xA0000, s1  }
0x9: {  	s4 =	sor.u32 s1, s4;
	s22 =	ssub.s32 $0x2, s1;
	s1 =	smul.u32 $0x2800, s1  }
0xa: {  	s30 =	simm.s32 $0x0;
	_ =	strace $0x8000004D;
	s6 =	smul.u32 $0x500, s4  }
0xb: {  	s25 =	sor.u32 $0x1C03, s23;
	s7 =	sshrl.u32 s5, $0x3;
	s10 =	smul.u32 $0xA0000, s4  }
0xc: {  	s9 =	sshrl.u32 s22, $0x1;
	s11 =	smul.u32 $0x14000, s4;
	s17 =	sadd.s32 s5, s2  }
0xd: {  	[dreg:$0x4] =	wrdreg s25;
	s25 =	simm.s32 $0x12C40;
	s7 =	sadd.s32 s7, s0  }
0xe: {  	s9 =	ssub.s32 s22, s9;
	s12 =	sadd.s32 s13, s12;
	s1 =	sadd.s32 s1, s15  }
0xf: {  	s17 =	sshrl.u32 s17, $0x3;
	s22 =	simm.s32 $0xEC40;
	s8 =	sadd.s32 s6, s0  }
0x10: {  	s0 =	sadd.s32 $0x7DE200, s0;
	s24 =	sadd.s32 $0x54A800, s7;
	s10 =	sshrl.u32 s10, $0x3  }
0x11: {  	s18 =	sadd.s32 $0x13800, s11;
	s31 =	sshrl.u32 s12, $0x3;
	s1 =	sshll.u32 s1, $0x3  }
0x12: {  	[dreg:$0x3] =	wrdreg s24;
	s26 =	sadd.s32 $0x19400, s8;
	s7 =	sadd.s32 $0xF400, s8  }
0x13: {  	s16 =	sadd.s32 $0x13000, s10;
	s8 =	smax.u32 s9, $0x1;
	s10 =	sadd.s32 s14, s18  }
0x14: {  	s12 =	sadd.s32 s0, s18;
	s13 =	sadd.s32 s31, s14;
	s1 =	sor.u32 $0x800, s1  }
0x15: {  	s15 =	sadd.s32 s31, s0;
	s18 =	simm.s32 $0x3;
	s24 =	simm.s32 $0x10C40  }
0x16: {  	[dreg:$0x5] =	wrdreg s26;
	s9 =	sadd.s32 s14, s16;
	s11 =	sadd.s32 s0, s16  }
0x17: {  	s14 =	sadd.s32 s1, s14;
	s16 =	sadd.s32 s1, s0;
	s26 =	simm.s32 $0x14C40  }
.LBB2_1:
0x18: {  	s0 =	rddreg [dreg:$0x3]  }
0x19: {  	s1 =	rddreg [dreg:$0x4]  }
0x1a: {  	[spmem:s17], [sflag:s1] =	dma.local [hbm:s0], $0x1388  }
0x1b: {  	_ =	swait.ge [sflag:s18], $0x1388  }
0x1c: {  	[sflag:s18] =	ssyncset.done $0x0  }
0x1d: {  	s23 =	rddreg [dreg:$0x5];
	[sflag:s18] =	ssyncadd.s32 $0xFFFFEC78  }
0x1e: {  	[tilespmem:s19], [sflag:$0x3] =	stream.linear.gather [hbm4b:s23+s3], $0x2800, $0x38;
	[tilespmem:$0x16C40] =	vst v63  }
0x1f: {  	_ =	swait.ge [sflag:s18], $0x2800  }
0x20: {  	[sflag:s18] =	ssyncset.done $0x0  }
0x21: {  	[sflag:s18] =	ssyncadd.s32 $0xFFFFD800  }
0x22: {  	[tilespmem:s20], [sflag:$0x3] =	stream.linear.gather [hbm4b:s7+s3], $0x2800, $0x38;
	[tilespmem:$0x16C40] =	vst v63  }
0x23: {  	_ =	swait.ge [sflag:s18], $0x2800  }
0x24: {  	[sflag:s18] =	ssyncset.done $0x0  }
0x25: {  	[sflag:s18] =	ssyncadd.s32 $0xFFFFD800  }
0x26: {  	[bflag:$0x0] =	sbarrier.arrive $0xFFFF  }
0x27: {  	[tilespmem:s22], [sflag:$0x1] =	stream.indirect.gather [spmem:s2], $0x40, s19, s21, $0xb8;
	[tilespmem:$0x16C40] =	vst v63  }
0x28: {  	s1 =	simm.s32 $0x9CC0  }
0x29: {  	[tilespmem:s24], [sflag:$0x1] =	stream.indirect.gather [spmem:s2], $0x40, s1, s21, $0xb8;
	[tilespmem:$0x16C40] =	vst v63  }
0x2a: {  	s4 =	simm.s32 $0x9D40  }
0x2b: {  	[tilespmem:s25], [sflag:$0x2] =	stream.indirect.gather [spmem:s2], $0x40, s4, s21, $0xb8;
	[tilespmem:$0x16C40] =	vst v63  }
0x2c: {  	s5 =	simm.s32 $0x9DC0  }
0x2d: {  	[tilespmem:s26], [sflag:$0x2] =	stream.indirect.gather [spmem:s2], $0x40, s5, s21, $0xb8;
	[tilespmem:$0x16C40] =	vst v63  }
0x2e: {  	_ =	swait.ge [sflag:s28], $0x2000  }
0x2f: {  	[sflag:s28] =	ssyncset.done $0x0  }
0x30: {  	[sflag:s28] =	ssyncadd.s32 $0xFFFFE000  }
0x31: {  	_ =	swait.ge [sflag:s28], $0x2000  }
0x32: {  	[sflag:s28] =	ssyncset.done $0x0  }
0x33: {  	[sflag:s28] =	ssyncadd.s32 $0xFFFFE000  }
0x34: {  	[hbm4b:s13+s3] =	stream.linear.scatter [tilespmem:s22], [sflag:$0x3], $0x4000, $0x38;
	[tilespmem:$0x16C40] =	vst v63  }
0x35: {  	_ =	swait.ge [sflag:s18], $0x4000  }
0x36: {  	[sflag:s18] =	ssyncset.done $0x0  }
0x37: {  	s6 =	simm.s32 $0x9E40;
	[sflag:s18] =	ssyncadd.s32 $0xFFFFC000  }
0x38: {  	[tilespmem:s22], [sflag:$0x1] =	stream.indirect.gather [spmem:s2], $0x40, s6, s21, $0xb8;
	[tilespmem:$0x16C40] =	vst v63  }
0x39: {  	s23 =	simm.s32 $0x9EC0  }
0x3a: {  	[tilespmem:s24], [sflag:$0x1] =	stream.indirect.gather [spmem:s2], $0x40, s23, s21, $0xb8;
	[tilespmem:$0x16C40] =	vst v63  }
0x3b: {  	_ =	swait.ge [sflag:s29], $0x2000  }
0x3c: {  	[sflag:s29] =	ssyncset.done $0x0  }
0x3d: {  	[sflag:s29] =	ssyncadd.s32 $0xFFFFE000  }
0x3e: {  	_ =	swait.ge [sflag:s29], $0x2000  }
0x3f: {  	[sflag:s29] =	ssyncset.done $0x0  }
0x40: {  	[sflag:s29] =	ssyncadd.s32 $0xFFFFE000  }
0x41: {  	[hbm4b:s14+s3] =	stream.linear.scatter [tilespmem:s25], [sflag:$0x3], $0x4000, $0x38;
	[tilespmem:$0x16C40] =	vst v63  }
0x42: {  	s31 =	sadd.s32 $0x1000, s14;
	s0 =	sadd.s32 $0x1000, s13;
	_ =	swait.ge [sflag:s18], $0x4000  }
0x43: {  	s1 =	simm.s32 $0x200;
	s23 =	simm.s32 $0x1000;
	[sflag:s18] =	ssyncset.done $0x0  }
.LBB2_2:
0x44: {  	s4 =	sadd.s32 $0x9D40, s1  }
0x45: {  	[sflag:s18] =	ssyncadd.s32 $0xFFFFC000;
	s5 =	smov.u32 s23;
	s6 =	sadd.s32 $0x800, s23  }
0x46: {  	[tilespmem:s25], [sflag:$0x2] =	stream.indirect.gather [spmem:s2], $0x40, s4, s21, $0xb8;
	[tilespmem:$0x16C40] =	vst v63  }
0x47: {  	p0 =	sne.s32 s23, $0x9000;
	s4 =	sadd.s32 $0x9DC0, s1  }
0x48: {  	[tilespmem:s26], [sflag:$0x2] =	stream.indirect.gather [spmem:s2], $0x40, s4, s21, $0xb8;
	[tilespmem:$0x16C40] =	vst v63  }
0x49: {  	_ =	swait.ge [sflag:s28], $0x2000  }
0x4a: {  	[sflag:s28] =	ssyncset.done $0x0  }
0x4b: {  	[sflag:s28] =	ssyncadd.s32 $0xFFFFE000  }
0x4c: {  	_ =	swait.ge [sflag:s28], $0x2000  }
0x4d: {  	[sflag:s28] =	ssyncset.done $0x0  }
0x4e: {  	[sflag:s28] =	ssyncadd.s32 $0xFFFFE000  }
0x4f: {  	[hbm4b:s0+s3] =	stream.linear.scatter [tilespmem:s22], [sflag:$0x3], $0x4000, $0x38;
	[tilespmem:$0x16C40] =	vst v63  }
0x50: {  	_ =	swait.ge [sflag:s18], $0x4000  }
0x51: {  	[sflag:s18] =	ssyncset.done $0x0  }
0x52: {  	s4 =	sadd.s32 $0x9E40, s1;
	[sflag:s18] =	ssyncadd.s32 $0xFFFFC000  }
0x53: {  	[tilespmem:s22], [sflag:$0x1] =	stream.indirect.gather [spmem:s2], $0x40, s4, s21, $0xb8;
	[tilespmem:$0x16C40] =	vst v63  }
0x54: {  	s1 =	sadd.s32 $0x9EC0, s1  }
0x55: {  	[tilespmem:s24], [sflag:$0x1] =	stream.indirect.gather [spmem:s2], $0x40, s1, s21, $0xb8;
	[tilespmem:$0x16C40] =	vst v63  }
0x56: {  	_ =	swait.ge [sflag:s29], $0x2000  }
0x57: {  	[sflag:s29] =	ssyncset.done $0x0  }
0x58: {  	[sflag:s29] =	ssyncadd.s32 $0xFFFFE000  }
0x59: {  	_ =	swait.ge [sflag:s29], $0x2000  }
.Ltmp0:
0x5a: {  	[sflag:s29] =	ssyncset.done $0x0;
	(pc) =	sbr.rel @p0 .LBB2_2-.Ltmp0, $4  }
0x5b: {  	[sflag:s29] =	ssyncadd.s32 $0xFFFFE000  }
0x5c: {  	[hbm4b:s31+s3] =	stream.linear.scatter [tilespmem:s25], [sflag:$0x3], $0x4000, $0x38;
	[tilespmem:$0x16C40] =	vst v63  }
0x5d: {  	s23 =	smov.u32 s6;
	s31 =	sadd.s32 $0x1000, s31;
	_ =	swait.ge [sflag:s18], $0x4000  }
0x5e: {  	s0 =	sadd.s32 $0x1000, s0;
	s1 =	sshra.s32 s5, $0x2;
	[sflag:s18] =	ssyncset.done $0x0  }
0x5f: {  	s4 =	sadd.s32 $0x9D40, s1;
	[sflag:s18] =	ssyncadd.s32 $0xFFFFC000  }
0x60: {  	[tilespmem:s25], [sflag:$0x2] =	stream.indirect.gather [spmem:s2], $0x40, s4, s21, $0xb8;
	[tilespmem:$0x16C40] =	vst v63  }
0x61: {  	s6 =	sadd.s32 $0x9DC0, s1  }
0x62: {  	[tilespmem:s26], [sflag:$0x2] =	stream.indirect.gather [spmem:s2], $0x40, s6, s21, $0xb8;
	[tilespmem:$0x16C40] =	vst v63  }
0x63: {  	_ =	swait.ge [sflag:s28], $0x2000  }
0x64: {  	[sflag:s28] =	ssyncset.done $0x0  }
0x65: {  	[sflag:s28] =	ssyncadd.s32 $0xFFFFE000  }
0x66: {  	_ =	swait.ge [sflag:s28], $0x2000  }
0x67: {  	[sflag:s28] =	ssyncset.done $0x0  }
0x68: {  	[sflag:s28] =	ssyncadd.s32 $0xFFFFE000  }
0x69: {  	[hbm4b:s0+s3] =	stream.linear.scatter [tilespmem:s22], [sflag:$0x3], $0x4000, $0x38;
	[tilespmem:$0x16C40] =	vst v63  }
0x6a: {  	_ =	swait.ge [sflag:s18], $0x4000  }
0x6b: {  	[sflag:s18] =	ssyncset.done $0x0  }
0x6c: {  	s23 =	sadd.s32 $0x9E40, s1;
	[sflag:s18] =	ssyncadd.s32 $0xFFFFC000  }
0x6d: {  	[tilespmem:s22], [sflag:$0x1] =	stream.indirect.gather [spmem:s2], $0x40, s23, s21, $0xb8;
	[tilespmem:$0x16C40] =	vst v63  }
0x6e: {  	s4 =	sadd.s32 $0x9EC0, s1  }
0x6f: {  	[tilespmem:s24], [sflag:$0x1] =	stream.indirect.gather [spmem:s2], $0x40, s4, s21, $0xb8;
	[tilespmem:$0x16C40] =	vst v63  }
0x70: {  	_ =	swait.ge [sflag:s29], $0x2000  }
0x71: {  	[sflag:s29] =	ssyncset.done $0x0  }
0x72: {  	[sflag:s29] =	ssyncadd.s32 $0xFFFFE000  }
0x73: {  	_ =	swait.ge [sflag:s29], $0x2000  }
0x74: {  	[sflag:s29] =	ssyncset.done $0x0  }
0x75: {  	[sflag:s29] =	ssyncadd.s32 $0xFFFFE000  }
0x76: {  	[hbm4b:s31+s3] =	stream.linear.scatter [tilespmem:s25], [sflag:$0x3], $0x4000, $0x38;
	[tilespmem:$0x16C40] =	vst v63  }
0x77: {  	_ =	swait.ge [sflag:s18], $0x4000  }
0x78: {  	[sflag:s18] =	ssyncset.done $0x0  }
0x79: {  	s5 =	simm.s32 $0xC340;
	[sflag:s18] =	ssyncadd.s32 $0xFFFFC000  }
0x7a: {  	[tilespmem:s25], [sflag:$0x2] =	stream.indirect.gather [spmem:s2], $0x40, s5, s21, $0xb8;
	[tilespmem:$0x16C40] =	vst v63  }
0x7b: {  	s6 =	simm.s32 $0xC3C0  }
0x7c: {  	[tilespmem:s26], [sflag:$0x2] =	stream.indirect.gather [spmem:s2], $0x40, s6, s21, $0xb8;
	[tilespmem:$0x16C40] =	vst v63  }
0x7d: {  	_ =	swait.ge [sflag:s28], $0x2000  }
0x7e: {  	[sflag:s28] =	ssyncset.done $0x0  }
0x7f: {  	[sflag:s28] =	ssyncadd.s32 $0xFFFFE000  }
0x80: {  	_ =	swait.ge [sflag:s28], $0x2000  }
0x81: {  	[sflag:s28] =	ssyncset.done $0x0  }
0x82: {  	s23 =	simm.s32 $0x0;
	[sflag:s28] =	ssyncadd.s32 $0xFFFFE000  }
0x83: {  	[hbm4b:s9+s23] =	stream.linear.scatter [tilespmem:s22], [sflag:$0x3], $0x4000, $0x38;
	[tilespmem:$0x16C40] =	vst v63  }
0x84: {  	_ =	swait.ge [sflag:s18], $0x4000  }
0x85: {  	[sflag:s18] =	ssyncset.done $0x0  }
0x86: {  	[sflag:s18] =	ssyncadd.s32 $0xFFFFC000  }
0x87: {  	_ =	swait.ge [sflag:s29], $0x2000  }
0x88: {  	[sflag:s29] =	ssyncset.done $0x0  }
0x89: {  	[sflag:s29] =	ssyncadd.s32 $0xFFFFE000  }
0x8a: {  	_ =	swait.ge [sflag:s29], $0x2000  }
0x8b: {  	[sflag:s29] =	ssyncset.done $0x0  }
0x8c: {  	[sflag:s29] =	ssyncadd.s32 $0xFFFFE000  }
0x8d: {  	[hbm4b:s10+s23] =	stream.linear.scatter [tilespmem:s25], [sflag:$0x3], $0x4000, $0x38;
	[tilespmem:$0x16C40] =	vst v63  }
0x8e: {  	_ =	swait.ge [sflag:s18], $0x4000  }
0x8f: {  	[sflag:s18] =	ssyncset.done $0x0  }
0x90: {  	[sflag:s18] =	ssyncadd.s32 $0xFFFFC000  }
0x91: {  	[tilespmem:s22], [sflag:$0x1] =	stream.indirect.gather [spmem:s2], $0x40, s20, s21, $0xb8;
	[tilespmem:$0x16C40] =	vst v63  }
0x92: {  	s1 =	simm.s32 $0xC4C0  }
0x93: {  	[tilespmem:s24], [sflag:$0x1] =	stream.indirect.gather [spmem:s2], $0x40, s1, s21, $0xb8;
	[tilespmem:$0x16C40] =	vst v63  }
0x94: {  	s4 =	simm.s32 $0xC540  }
0x95: {  	[tilespmem:s25], [sflag:$0x2] =	stream.indirect.gather [spmem:s2], $0x40, s4, s21, $0xb8;
	[tilespmem:$0x16C40] =	vst v63  }
0x96: {  	s5 =	simm.s32 $0xC5C0  }
0x97: {  	[tilespmem:s26], [sflag:$0x2] =	stream.indirect.gather [spmem:s2], $0x40, s5, s21, $0xb8;
	[tilespmem:$0x16C40] =	vst v63  }
0x98: {  	_ =	swait.ge [sflag:s28], $0x2000  }
0x99: {  	[sflag:s28] =	ssyncset.done $0x0  }
0x9a: {  	[sflag:s28] =	ssyncadd.s32 $0xFFFFE000  }
0x9b: {  	_ =	swait.ge [sflag:s28], $0x2000  }
0x9c: {  	[sflag:s28] =	ssyncset.done $0x0  }
0x9d: {  	[sflag:s28] =	ssyncadd.s32 $0xFFFFE000  }
0x9e: {  	[hbm4b:s15+s3] =	stream.linear.scatter [tilespmem:s22], [sflag:$0x3], $0x4000, $0x38;
	[tilespmem:$0x16C40] =	vst v63  }
0x9f: {  	_ =	swait.ge [sflag:s18], $0x4000  }
0xa0: {  	[sflag:s18] =	ssyncset.done $0x0  }
0xa1: {  	s6 =	simm.s32 $0xC640;
	[sflag:s18] =	ssyncadd.s32 $0xFFFFC000  }
0xa2: {  	[tilespmem:s22], [sflag:$0x1] =	stream.indirect.gather [spmem:s2], $0x40, s6, s21, $0xb8;
	[tilespmem:$0x16C40] =	vst v63  }
0xa3: {  	s23 =	simm.s32 $0xC6C0  }
0xa4: {  	[tilespmem:s24], [sflag:$0x1] =	stream.indirect.gather [spmem:s2], $0x40, s23, s21, $0xb8;
	[tilespmem:$0x16C40] =	vst v63  }
0xa5: {  	_ =	swait.ge [sflag:s29], $0x2000  }
0xa6: {  	[sflag:s29] =	ssyncset.done $0x0  }
0xa7: {  	[sflag:s29] =	ssyncadd.s32 $0xFFFFE000  }
0xa8: {  	_ =	swait.ge [sflag:s29], $0x2000  }
0xa9: {  	[sflag:s29] =	ssyncset.done $0x0  }
0xaa: {  	[sflag:s29] =	ssyncadd.s32 $0xFFFFE000  }
0xab: {  	[hbm4b:s16+s3] =	stream.linear.scatter [tilespmem:s25], [sflag:$0x3], $0x4000, $0x38;
	[tilespmem:$0x16C40] =	vst v63  }
0xac: {  	s0 =	sadd.s32 $0x1000, s15;
	s31 =	sadd.s32 $0x1000, s16;
	_ =	swait.ge [sflag:s18], $0x4000  }
0xad: {  	s1 =	simm.s32 $0x200;
	s23 =	simm.s32 $0x1000;
	[sflag:s18] =	ssyncset.done $0x0  }
.LBB2_4:
0xae: {  	s4 =	sadd.s32 $0xC540, s1  }
0xaf: {  	[sflag:s18] =	ssyncadd.s32 $0xFFFFC000;
	s5 =	smov.u32 s23;
	s6 =	sadd.s32 $0x800, s23  }
0xb0: {  	[tilespmem:s25], [sflag:$0x2] =	stream.indirect.gather [spmem:s2], $0x40, s4, s21, $0xb8;
	[tilespmem:$0x16C40] =	vst v63  }
0xb1: {  	p0 =	sne.s32 s23, $0x9000;
	s4 =	sadd.s32 $0xC5C0, s1  }
0xb2: {  	[tilespmem:s26], [sflag:$0x2] =	stream.indirect.gather [spmem:s2], $0x40, s4, s21, $0xb8;
	[tilespmem:$0x16C40] =	vst v63  }
0xb3: {  	_ =	swait.ge [sflag:s28], $0x2000  }
0xb4: {  	[sflag:s28] =	ssyncset.done $0x0  }
0xb5: {  	[sflag:s28] =	ssyncadd.s32 $0xFFFFE000  }
0xb6: {  	_ =	swait.ge [sflag:s28], $0x2000  }
0xb7: {  	[sflag:s28] =	ssyncset.done $0x0  }
0xb8: {  	[sflag:s28] =	ssyncadd.s32 $0xFFFFE000  }
0xb9: {  	[hbm4b:s0+s3] =	stream.linear.scatter [tilespmem:s22], [sflag:$0x3], $0x4000, $0x38;
	[tilespmem:$0x16C40] =	vst v63  }
0xba: {  	_ =	swait.ge [sflag:s18], $0x4000  }
0xbb: {  	[sflag:s18] =	ssyncset.done $0x0  }
0xbc: {  	s4 =	sadd.s32 $0xC640, s1;
	[sflag:s18] =	ssyncadd.s32 $0xFFFFC000  }
0xbd: {  	[tilespmem:s22], [sflag:$0x1] =	stream.indirect.gather [spmem:s2], $0x40, s4, s21, $0xb8;
	[tilespmem:$0x16C40] =	vst v63  }
0xbe: {  	s1 =	sadd.s32 $0xC6C0, s1  }
0xbf: {  	[tilespmem:s24], [sflag:$0x1] =	stream.indirect.gather [spmem:s2], $0x40, s1, s21, $0xb8;
	[tilespmem:$0x16C40] =	vst v63  }
0xc0: {  	_ =	swait.ge [sflag:s29], $0x2000  }
0xc1: {  	[sflag:s29] =	ssyncset.done $0x0  }
0xc2: {  	[sflag:s29] =	ssyncadd.s32 $0xFFFFE000  }
0xc3: {  	_ =	swait.ge [sflag:s29], $0x2000  }
.Ltmp1:
0xc4: {  	[sflag:s29] =	ssyncset.done $0x0;
	(pc) =	sbr.rel @p0 .LBB2_4-.Ltmp1, $4  }
0xc5: {  	[sflag:s29] =	ssyncadd.s32 $0xFFFFE000  }
0xc6: {  	[hbm4b:s31+s3] =	stream.linear.scatter [tilespmem:s25], [sflag:$0x3], $0x4000, $0x38;
	[tilespmem:$0x16C40] =	vst v63  }
0xc7: {  	s23 =	smov.u32 s6;
	s31 =	sadd.s32 $0x1000, s31;
	_ =	swait.ge [sflag:s18], $0x4000  }
0xc8: {  	s0 =	sadd.s32 $0x1000, s0;
	s1 =	sshra.s32 s5, $0x2;
	[sflag:s18] =	ssyncset.done $0x0  }
0xc9: {  	s4 =	sadd.s32 $0xC540, s1;
	[sflag:s18] =	ssyncadd.s32 $0xFFFFC000  }
0xca: {  	[tilespmem:s25], [sflag:$0x2] =	stream.indirect.gather [spmem:s2], $0x40, s4, s21, $0xb8;
	[tilespmem:$0x16C40] =	vst v63  }
0xcb: {  	s23 =	sadd.s32 $0xC5C0, s1  }
0xcc: {  	[tilespmem:s26], [sflag:$0x2] =	stream.indirect.gather [spmem:s2], $0x40, s23, s21, $0xb8;
	[tilespmem:$0x16C40] =	vst v63  }
0xcd: {  	_ =	swait.ge [sflag:s28], $0x2000  }
0xce: {  	[sflag:s28] =	ssyncset.done $0x0  }
0xcf: {  	[sflag:s28] =	ssyncadd.s32 $0xFFFFE000  }
0xd0: {  	_ =	swait.ge [sflag:s28], $0x2000  }
0xd1: {  	[sflag:s28] =	ssyncset.done $0x0  }
0xd2: {  	[sflag:s28] =	ssyncadd.s32 $0xFFFFE000  }
0xd3: {  	[hbm4b:s0+s3] =	stream.linear.scatter [tilespmem:s22], [sflag:$0x3], $0x4000, $0x38;
	[tilespmem:$0x16C40] =	vst v63  }
0xd4: {  	_ =	swait.ge [sflag:s18], $0x4000  }
0xd5: {  	[sflag:s18] =	ssyncset.done $0x0  }
0xd6: {  	s5 =	sadd.s32 $0xC640, s1;
	[sflag:s18] =	ssyncadd.s32 $0xFFFFC000  }
0xd7: {  	[tilespmem:s22], [sflag:$0x1] =	stream.indirect.gather [spmem:s2], $0x40, s5, s21, $0xb8;
	[tilespmem:$0x16C40] =	vst v63  }
0xd8: {  	s6 =	sadd.s32 $0xC6C0, s1  }
0xd9: {  	[tilespmem:s24], [sflag:$0x1] =	stream.indirect.gather [spmem:s2], $0x40, s6, s21, $0xb8;
	[tilespmem:$0x16C40] =	vst v63  }
0xda: {  	_ =	swait.ge [sflag:s29], $0x2000  }
0xdb: {  	[sflag:s29] =	ssyncset.done $0x0  }
0xdc: {  	[sflag:s29] =	ssyncadd.s32 $0xFFFFE000  }
0xdd: {  	_ =	swait.ge [sflag:s29], $0x2000  }
0xde: {  	[sflag:s29] =	ssyncset.done $0x0  }
0xdf: {  	[sflag:s29] =	ssyncadd.s32 $0xFFFFE000  }
0xe0: {  	[hbm4b:s31+s3] =	stream.linear.scatter [tilespmem:s25], [sflag:$0x3], $0x4000, $0x38;
	[tilespmem:$0x16C40] =	vst v63  }
0xe1: {  	_ =	swait.ge [sflag:s18], $0x4000  }
0xe2: {  	[sflag:s18] =	ssyncset.done $0x0  }
0xe3: {  	s23 =	simm.s32 $0xEB40;
	[sflag:s18] =	ssyncadd.s32 $0xFFFFC000  }
0xe4: {  	[tilespmem:s25], [sflag:$0x2] =	stream.indirect.gather [spmem:s2], $0x40, s23, s21, $0xb8;
	[tilespmem:$0x16C40] =	vst v63  }
0xe5: {  	s31 =	simm.s32 $0xEBC0  }
0xe6: {  	[tilespmem:s26], [sflag:$0x2] =	stream.indirect.gather [spmem:s2], $0x40, s31, s21, $0xb8;
	[tilespmem:$0x16C40] =	vst v63  }
0xe7: {  	_ =	swait.ge [sflag:s28], $0x2000  }
0xe8: {  	[sflag:s28] =	ssyncset.done $0x0  }
0xe9: {  	[sflag:s28] =	ssyncadd.s32 $0xFFFFE000  }
0xea: {  	_ =	swait.ge [sflag:s28], $0x2000  }
0xeb: {  	[sflag:s28] =	ssyncset.done $0x0  }
0xec: {  	[sflag:s28] =	ssyncadd.s32 $0xFFFFE000  }
0xed: {  	[hbm4b:s11+s3] =	stream.linear.scatter [tilespmem:s22], [sflag:$0x3], $0x4000, $0x38;
	[tilespmem:$0x16C40] =	vst v63  }
0xee: {  	_ =	swait.ge [sflag:s18], $0x4000  }
0xef: {  	[sflag:s18] =	ssyncset.done $0x0  }
0xf0: {  	[sflag:s18] =	ssyncadd.s32 $0xFFFFC000  }
0xf1: {  	_ =	swait.ge [sflag:s29], $0x2000  }
0xf2: {  	[sflag:s29] =	ssyncset.done $0x0  }
0xf3: {  	[sflag:s29] =	ssyncadd.s32 $0xFFFFE000  }
0xf4: {  	s30 =	sadd.s32 $0x1, s30;
	_ =	swait.ge [sflag:s29], $0x2000  }
0xf5: {  	p0 =	sne.s32 s30, s8;
	[sflag:s29] =	ssyncset.done $0x0  }
.Ltmp2:
0xf6: {  	[sflag:s29] =	ssyncadd.s32 $0xFFFFE000;
	(pc) =	sbr.rel @p0 .LBB2_1-.Ltmp2, $4  }
0xf7: {  	[hbm4b:s12+s3] =	stream.linear.scatter [tilespmem:s25], [sflag:$0x3], $0x4000, $0x38;
	[tilespmem:$0x16C40] =	vst v63  }
0xf8: {  	_ =	swait.ge [sflag:s18], $0x4000  }
0xf9: {  	[sflag:s18] =	ssyncset.done $0x0  }
0xfa: {  	[sflag:s18] =	ssyncadd.s32 $0xFFFFC000  }
0xfb: {  	_ =	sfence.sel $0x180000  }
0xfc: {  	[bflag:$0x0] =	sbarrier.arrive $0xFFFF  }
0xfd: {  	_ =	strace $0x9000004D  }
0xfe: {  	s0 =	stileid.u32;
	[bflag:$0x2] =	sbarrier.arrive $0xFFFF  }
0xff: {  	p0 =	sne.s32 s0, $0x0;
	s0 =	rddreg [dreg:$0x2]  }
0x100: {  	s0 =	sadd.s32 @!p0 $0x100000, s0  }
0x101: {  	[sflag:s0] =	ssyncadd.tile.s32 @!p0 $0x1;
	_ =	shalt  }
.Lfunc_end2:
_tile_overlayer_lowered:
.L_overlay_start_2:
0x102: {  	(tag) =	ssettag $0x2  }
0x103: {  	s0 =	rddreg [dreg:$0x0];
	s2 =	stileid.u32  }
0x104: {  	s1 =	rddreg [dreg:$0x1];
	p0 =	sne.s32 s2, $0x0  }
0x105: {  	s3 =	rddreg [dreg:$0x2];
	[bflag:$0x3] =	sbarrier.arrive $0xFFFF;
	s2 =	simm.s32 @!p0 $0x1C03  }
0x106: {  	[timem:s3], [sflag:s2] =	dma.local @!p0 [hbm:s0], s1  }
0x107: {  	s0 =	simm.s32 @!p0 $0x3  }
0x108: {  	_ =	swait.ge @!p0 [sflag:s0], s1  }
0x109: {  	s1 =	ssub.s32 @!p0 $0x0, s1;
	[sflag:s0] =	ssyncset.done @!p0 $0x0  }
0x10a: {  	[sflag:s0] =	ssyncadd.s32 @!p0 s1  }
0x10b: {  	[bflag:$0x3] =	sbarrier.arrive $0xFFFF  }
0x10c: {  	_ =	shalt  }

// kernel: kernel.24.cloned.1.call-start
scs
__scs_entry_jumppad:
0x0: {  	(pc) =	sbr.rel $0x88, $3  }
0x1: {  	(tag) =	ssettag $0x0;
	lr =	simm.s32 $0x1  }
0x2: {  	[smem:$0x3F71] =	sst lr;
	_ =	strace $0xD0000000  }
0x3: {  	_ = 	snop  }
0x4: {  	_ = 	snop  }
0x5: {  	_ = 	snop  }
0x6: {  	_ = 	snop  }
0x7: {  	_ = 	snop  }
__scs_overlays_trampoline_lowered:
0x8: {  	[smem:$0x3F80] =	sst s0  }
0x9: {  	[smem:$0x3F81] =	sst s1  }
0xa: {  	[smem:$0x3F82] =	sst s2  }
0xb: {  	[smem:$0x3F83] =	sst s3  }
0xc: {  	[smem:$0x3F84] =	sst s4  }
0xd: {  	[smem:$0x3F85] =	sst s5  }
0xe: {  	[smem:$0x3F86] =	sst s6  }
0xf: {  	[smem:$0x3F87] =	sst s7  }
0x10: {  	[smem:$0x3F88] =	sst s8  }
0x11: {  	[smem:$0x3F89] =	sst s9;
	s0 =	simm.s32 @!p0 $0x0  }
0x12: {  	s1 =	sld [smem:$0x3F6F];
	s0 =	simm.s32 @p0 $0x1  }
0x13: {  	[smem:$0x3F8A] =	sst s0;
	s0 =	simm.s32 @!p1 $0x0  }
0x14: {  	s2 =	sld [smem:$0x3F6E];
	s0 =	simm.s32 @p1 $0x1  }
0x15: {  	[smem:$0x3F8B] =	sst s0;
	s0 =	simm.s32 @!p2 $0x0  }
0x16: {  	s3 =	sld [smem:$0x3FDB];
	s0 =	simm.s32 @p2 $0x1  }
0x17: {  	s4 =	simm.s32 $0x1BF5;
	[smem:$0x3F8D] =	sst s0  }
0x18: {  	s0 =	sld [smem:$0x3F70];
	_ =	swait.ge [sflag:s4], $0x0  }
0x19: {  	s7 =	sld [smem:$0x3F71]  }
0x1a: {  	s8 =	sadd.s32 $0xFFFFE003, lr  }
0x1b: {  	s9 =	sadd.s32 $0xFFFFFEF7, lr;
	s5 =	simm.s32 $0xFFFFFFFF;
	p2 =	slt.u32 s8, $0xFFFFF086  }
0x1c: {  	p1 =	slt.u32 s9, $0xF7A;
	s5 =	simm.s32 @!p2 $0x0  }
0x1d: {  	s5 =	simm.s32 @p1 $0x1;
	p0 =	seq.s32 s7, s2  }
0x1e: {  	s7 =	smul.u32 @!p0 $0xF7A, s2;
	p2 =	seq.s32 @!p0 s5, $0x0  }
0x1f: {  	s9 =	smul.u32 $0xF7A, s1;
	s8 =	simm.s32 @!p0 $0x1BF5;
	p2 =	por !p2, p0  }
0x20: {  	[sflag:s8] =	ssyncset.s32 @!p0 $0xFFFFF086;
	s6 =	sadd.s32 @!p0 s3, s7;
	s7 =	simm.s32 @!p0 $0x108  }
0x21: {  	s3 =	sadd.s32 s3, s9;
	s6 =	sadd.s32 @!p0 $0x88, s6;
	s7 =	simm.s32 @p2 $0x1082  }
0x22: {  	[simem:s7], [sflag:s8] =	dma.local @!p0 [hbm:s6], $0xF7A  }
0x23: {  	s9 =	sor.u32 $0xD0000000, s2;
	s6 =	simm.s32 $0x108;
	_ =	swait.ge @!p0 [sflag:s8], $0x0  }
0x24: {  	s3 =	sadd.s32 $0x88, s3;
	s6 =	simm.s32 @!p1 $0x1082;
	[sflag:s4] =	ssyncset.s32 $0xFFFFF086  }
0x25: {  	[simem:s6], [sflag:s4] =	dma.local [hbm:s3], $0xF7A  }
0x26: {  	[smem:$0x3F71] =	sst s1;
	(tag) =	ssettag s2;
	_ =	strace s9  }
0x27: {  	s1 =	sld [smem:$0x3F81]  }
0x28: {  	s2 =	sld [smem:$0x3F82]  }
0x29: {  	s4 =	sld [smem:$0x3F84]  }
0x2a: {  	p0 =	seq.s32 s5, $0x0;
	s5 =	sld [smem:$0x3F85]  }
0x2b: {  	s6 =	sld [smem:$0x3F86]  }
0x2c: {  	s7 =	sld [smem:$0x3F87]  }
0x2d: {  	s3 =	simm.s32 $0x108;
	s8 =	sld [smem:$0x3F88]  }
0x2e: {  	s3 =	simm.s32 @!p0 $0x1082;
	s9 =	sld [smem:$0x3F89]  }
0x2f: {  	lr =	sadd.s32 s0, s3;
	s0 =	sld [smem:$0x3F80]  }
0x30: {  	s3 =	sld [smem:$0x3F83]  }
0x31: {  	[smem:$0x3F8C] =	sst s10  }
0x32: {  	s10 =	sld [smem:$0x3F8A];
	_ =	sdelay $0x3  }
0x33: {  	p0 =	seq.s32 s10, $0x1;
	s10 =	sld [smem:$0x3F8C];
	_ =	sdelay $0x3  }
0x34: {  	[smem:$0x3F8C] =	sst s10  }
0x35: {  	s10 =	sld [smem:$0x3F8B];
	_ =	sdelay $0x3  }
0x36: {  	p1 =	seq.s32 s10, $0x1;
	s10 =	sld [smem:$0x3F8C];
	_ =	sdelay $0x3  }
0x37: {  	[smem:$0x3F8C] =	sst s10  }
0x38: {  	s10 =	sld [smem:$0x3F8D]  }
0x39: {  	_ = 	snop;
	(pc) =	sbr.ind lr, $3  }
0x3a: {  	_ = 	snop  }
0x3b: {  	_ = 	snop  }
0x3c: {  	p2 =	seq.s32 s10, $0x1;
	s10 =	sld [smem:$0x3F8C]  }
0x3d: {  	_ =	shalt  }
0x3e: {  	_ =	shalt  }
0x3f: {  	_ =	shalt  }
0x40: {  	_ =	shalt  }
0x41: {  	_ =	shalt  }
0x42: {  	_ =	shalt  }
0x43: {  	_ =	shalt  }
0x44: {  	_ =	shalt  }
0x45: {  	_ =	shalt  }
0x46: {  	_ =	shalt  }
0x47: {  	_ =	shalt  }
0x48: {  	_ =	shalt  }
0x49: {  	_ =	shalt  }
0x4a: {  	_ =	shalt  }
0x4b: {  	_ =	shalt  }
0x4c: {  	_ =	shalt  }
0x4d: {  	_ =	shalt  }
0x4e: {  	_ =	shalt  }
0x4f: {  	_ =	shalt  }
0x50: {  	_ =	shalt  }
0x51: {  	_ =	shalt  }
0x52: {  	_ =	shalt  }
0x53: {  	_ =	shalt  }
0x54: {  	_ =	shalt  }
0x55: {  	_ =	shalt  }
0x56: {  	_ =	shalt  }
0x57: {  	_ =	shalt  }
0x58: {  	_ =	shalt  }
0x59: {  	_ =	shalt  }
0x5a: {  	_ =	shalt  }
0x5b: {  	_ =	shalt  }
0x5c: {  	_ =	shalt  }
0x5d: {  	_ =	shalt  }
0x5e: {  	_ =	shalt  }
0x5f: {  	_ =	shalt  }
0x60: {  	_ =	shalt  }
0x61: {  	_ =	shalt  }
0x62: {  	_ =	shalt  }
0x63: {  	_ =	shalt  }
0x64: {  	_ =	shalt  }
0x65: {  	_ =	shalt  }
0x66: {  	_ =	shalt  }
0x67: {  	_ =	shalt  }
0x68: {  	_ =	shalt  }
0x69: {  	_ =	shalt  }
0x6a: {  	_ =	shalt  }
0x6b: {  	_ =	shalt  }
0x6c: {  	_ =	shalt  }
0x6d: {  	_ =	shalt  }
0x6e: {  	_ =	shalt  }
0x6f: {  	_ =	shalt  }
0x70: {  	_ =	shalt  }
0x71: {  	_ =	shalt  }
0x72: {  	_ =	shalt  }
0x73: {  	_ =	shalt  }
0x74: {  	_ =	shalt  }
0x75: {  	_ =	shalt  }
0x76: {  	_ =	shalt  }
0x77: {  	_ =	shalt  }
0x78: {  	_ =	shalt  }
0x79: {  	_ =	shalt  }
0x7a: {  	_ =	shalt  }
0x7b: {  	_ =	shalt  }
0x7c: {  	_ =	shalt  }
0x7d: {  	_ =	shalt  }
0x7e: {  	_ =	shalt  }
0x7f: {  	_ =	shalt  }
0x80: {  	_ =	shalt  }
0x81: {  	_ =	shalt  }
0x82: {  	_ =	shalt  }
0x83: {  	_ =	shalt  }
0x84: {  	_ =	shalt  }
0x85: {  	_ =	shalt  }
0x86: {  	_ =	shalt  }
0x87: {  	_ =	shalt  }
.Lfunc_end0:
.L_simem_size_0:
called_computation.3_lowered:
.L_overlay_start_0:
0x88: {  	s2 =	sld [smem:$0x3FD9]  }
0x89: {  	s3 =	sld [smem:$0x3FFE];
	_ =	sdelay $0x1  }
0x8a: {  	s1 =	srdreg.scid  }
0x8b: {  	s0 =	sand.u32 $0x1, s1  }
0x8c: {  	s16 =	sshll.u32 s0, $0xA;
	s2 =	sadd.s32 s3, s2  }
0x8d: {  	s2 =	sadd.s32 s2, s16  }
0x8e: {  	[smem:$0x3F98] =	sst s2  }
0x8f: {  	_ = 	snop  }
0x90: {  	(tm) =	ssettm $0x1  }
0x91: {  	s17 =	sld [smem:$0x3FFB];
	_ =	sdelay $0x3  }
0x92: {  	_ =	strace s17  }
0x93: {  	s2 =	sld [smem:$0x3FFC];
	_ =	sdelay $0x3  }
0x94: {  	_ =	strace s2  }
0x95: {  	s2 =	sld [smem:$0x3FFD];
	_ =	sdelay $0x3  }
0x96: {  	_ =	strace s2  }
0x97: {  	_ =	strace $0x8FFFFFFF  }
0x98: {  	s18 =	sld [smem:$0x3FDB];
	_ =	sdelay $0x1  }
0x99: {  	s19 =	simm.s32 $_scs_section_size  }
0x9a: {  	s4 =	simm.s32 $_size__tile_overlayer_lowered;
	s5 =	simm.s32 $_tile_overlayer_lowered  }
0x9b: {  	s22 =	simm.s32 $0x1BFF;
	s21 =	sshll.u32 s5, $0x1;
	s2 =	sadd.s32 s19, s18  }
0x9c: {  	s6 =	simm.s32 $0x0;
	s20 =	sshll.u32 s4, $0x1;
	s4 =	sadd.s32 s21, s2  }
0x9d: {  	[timem:s6], [sflag:s22] =	dma.local [hbm:s4], s20  }
0x9e: {  	_ =	swait.ge [sflag:s22], s20  }
0x9f: {  	s3 =	ssub.s32 $0x0, s20;
	[sflag:s22] =	ssyncset.done $0x0  }
0xa0: {  	[sflag:s22] =	ssyncadd.s32 s3;
	_ =	sdelay $0x1  }
0xa1: {  	s23 =	simm.s32 $0x1B8B  }
0xa2: {  	_ =	swait.ge [sflag:s23], $0x1  }
0xa3: {  	[sflag:s23] =	ssyncset.done $0x0  }
0xa4: {  	s25 =	simm.s32 $0x1B8E;
	s24 =	sld [smem:$0x3FFE];
	[sflag:s23] =	ssyncadd.s32 $0xFFFFFFFF  }
0xa5: {  	s26 =	simm.s32 $execute0_lowered;
	[smem:$0x3FD2] =	sst s25  }
0xa6: {  	s4 =	sshll.u32 s26, $0x1;
	_ =	strace $0x8000004F;
	[dreg:$0x1] =	wrdreg $0xFFFFFFFF  }
0xa7: {  	s28 =	simm.s32 $_size_execute0_lowered;
	s2 =	sadd.s32 s2, s4;
	[dreg:$0x0] =	wrdreg $0x0  }
0xa8: {  	s4 =	sshll.u32 s28, $0x1;
	[dreg:$0x2] =	wrdreg s2  }
0xa9: {  	[dreg:$0x3] =	wrdreg s4  }
0xaa: {  	[dreg:$0x4] =	wrdreg $0xC0  }
0xab: {  	_ =	task [dreg:s6], $0x5FFFF  }
0xac: {  	[dreg:$0x1] =	wrdreg $0xFFFFFFFF  }
0xad: {  	[dreg:$0x0] =	wrdreg $0x60  }
0xae: {  	[dreg:$0x2] =	wrdreg s24  }
0xaf: {  	[dreg:$0x3] =	wrdreg $0x0  }
0xb0: {  	[dreg:$0x4] =	wrdreg $0x9C400  }
0xb1: {  	[dreg:$0x5] =	wrdreg $0x9  }
0xb2: {  	_ =	task.clear_ibuf [dreg:s6], $0x6FFFF;
	_ =	strace $0x9000004F  }
0xb3: {  	s29 =	simm.s32 $0x9;
	_ =	strace $0x80000051  }
0xb4: {  	_ =	swait.ge [sflag:s29], $0x1  }
0xb5: {  	[sflag:s29] =	ssyncadd.s32 $0xFFFFFFFF  }
0xb6: {  	_ =	strace $0x90000051  }
0xb7: {  	_ =	sfence  }
0xb8: {  	s30 =	sld [smem:$0x0];
	_ =	sdelay $0x2  }
0xb9: {  	s31 =	sshll.u32 s1, $0xD;
	s1 =	sshrl.u32 s1, $0x2  }
0xba: {  	s3 =	sand.u32 $0x4000, s31;
	s1 =	sadd.s32 s1, s30  }
0xbb: {  	s0 =	sor.u32 s3, s0;
	s1 =	sshll.u32 s1, $0x11  }
0xbc: {  	s0 =	sor.u32 s1, s0  }
0xbd: {  	s0 =	sadd.s32 $0x8F2B, s0  }
0xbe: {  	[sflag:s0] =	ssyncadd.remote.s32 $0x1  }
0xbf: {  	_ =	sfence.sel $0xFFFF  }
0xc0: {  	[dreg:$0x0] =	wrdreg $0xFFFFFFFF;
	(pc) =	sbr.abs _section_cstart, $3  }
0xc1: {  	[dreg:$0x1] =	wrdreg $0xFFFFFFFF  }
0xc2: {  	_ =	task.clear_ibuf [dreg:s6], $0x2FFFF;
	_ =	strace $0x9FFFFFFF  }
0xc3: {  	(tm) =	ssettm $0x7FFFFFFF  }
tec
execute0_lowered:
.L_overlay_start_1:
0x0: {  	(tag) =	ssettag $0x1  }
0x1: {  	s5 =	rddreg [dreg:$0x0]  }
0x2: {  	s0 =	stileid.u32;
	s2 =	rddreg [dreg:$0x1]  }
0x3: {  	s1 =	srdreg.scid;
	s3 =	rddreg [dreg:$0x2]  }
0x4: {  	s4 =	simm.s32 $0x0;
	s18 =	simm.s32 $0x18880;
	s6 =	smul.u32 $0x28000, s0  }
0x5: {  	s19 =	simm.s32 $0x80;
	s7 =	sand.u32 $0x1, s1;
	s9 =	smul.u32 $0x9C40, s0  }
0x6: {  	s20 =	simm.s32 $0x0;
	s28 =	sshll.u32 s0, $0x1;
	s10 =	smul.u32 $0x9C400, s7  }
0x7: {  	[smem:$0x7FF] =	sst s4;
	s1 =	sor.u32 s7, s28;
	s17 =	smul.u32 $0x14000, s7  }
0x8: {  	s31 =	sshll.u32 s0, $0x6;
	s30 =	ssub.s32 $0x2, s7;
	s8 =	smul.u32 $0x500, s1  }
0x9: {  	s1 =	rddreg [dreg:$0x3];
	_ =	strace $0x80000050;
	s12 =	sadd.s32 s6, s5  }
0xa: {  	s11 =	sshrl.u32 s9, $0x3;
	s13 =	sshrl.u32 s30, $0x1;
	s15 =	sadd.s32 s9, s2  }
0xb: {  	s16 =	sadd.s32 s9, s3;
	s29 =	sadd.s32 s9, s10;
	s11 =	sadd.s32 s11, s5  }
0xc: {  	s13 =	ssub.s32 s30, s13;
	s12 =	sadd.s32 s17, s12;
	s17 =	simm.s32 $0x16080  }
0xd: {  	s8 =	sadd.s32 s8, s5;
	s6 =	sshrl.u32 s29, $0x3;
	s12 =	sadd.s32 $0x54A800, s12  }
0xe: {  	s14 =	sadd.s32 s6, s5;
	s5 =	sadd.s32 $0x7CA800, s11;
	s6 =	sor.u32 $0x1C01, s31  }
0xf: {  	s7 =	sadd.s32 $0x19400, s8;
	s8 =	sadd.s32 $0xF400, s8;
	s11 =	smax.u32 s13, $0x1  }
0x10: {  	s13 =	sshrl.u32 s15, $0x3;
	s15 =	sshrl.u32 s16, $0x3;
	s16 =	simm.s32 $0x13880  }
0x11: {  	s9 =	sadd.s32 $0x4A600, s14;
	s10 =	sadd.s32 $0x71700, s14;
	s14 =	simm.s32 $0x1  }
.LBB2_1:
0x12: {  	[spmem:s13], [sflag:s6] =	dma.local [hbm:s5], $0x1388  }
0x13: {  	_ =	swait.ge [sflag:s14], $0x1388  }
0x14: {  	[sflag:s14] =	ssyncset.done $0x0  }
0x15: {  	[sflag:s14] =	ssyncadd.s32 $0xFFFFEC78  }
0x16: {  	[spmem:s15], [sflag:s6] =	dma.local [hbm:s5], $0x1388  }
0x17: {  	_ =	swait.ge [sflag:s14], $0x1388  }
0x18: {  	[sflag:s14] =	ssyncset.done $0x0  }
0x19: {  	[sflag:s14] =	ssyncadd.s32 $0xFFFFEC78  }
0x1a: {  	[tilespmem:s16], [sflag:$0x1] =	stream.linear.gather [hbm4b:s7+s4], $0x2800, $0x38;
	[tilespmem:$0x1A880] =	vst v63  }
0x1b: {  	_ =	swait.ge [sflag:s14], $0x2800  }
0x1c: {  	[sflag:s14] =	ssyncset.done $0x0  }
0x1d: {  	[sflag:s14] =	ssyncadd.s32 $0xFFFFD800  }
0x1e: {  	[tilespmem:s17], [sflag:$0x1] =	stream.linear.gather [hbm4b:s8+s4], $0x2800, $0x38;
	[tilespmem:$0x1A880] =	vst v63  }
0x1f: {  	_ =	swait.ge [sflag:s14], $0x2800  }
0x20: {  	[sflag:s14] =	ssyncset.done $0x0  }
0x21: {  	[sflag:s14] =	ssyncadd.s32 $0xFFFFD800  }
0x22: {  	[bflag:$0x0] =	sbarrier.arrive $0xFFFF  }
0x23: {  	[tilespmem:s18], [sflag:$0x1] =	stream.linear.gather [hbm4b:s12+s4], $0x2000, $0x38;
	[tilespmem:$0x1A880] =	vst v63  }
0x24: {  	_ =	swait.ge [sflag:s14], $0x2000  }
0x25: {  	[sflag:s14] =	ssyncset.done $0x0  }
0x26: {  	s21 =	simm.s32 $0x13880;
	[sflag:s14] =	ssyncadd.s32 $0xFFFFE000  }
0x27: {  	[spmem:s2] =	stream.indirect.scatter.add.f32 [tilespmem:s18], [sflag:$0x1], $0x40, s21, s19, $0xb8;
	[tilespmem:$0x1A880] =	vst v63  }
0x28: {  	_ =	swait.ge [sflag:s14], $0x2000  }
0x29: {  	[sflag:s14] =	ssyncset.done $0x0  }
0x2a: {  	s31 =	simm.s32 $0x16080;
	[sflag:s14] =	ssyncadd.s32 $0xFFFFE000  }
0x2b: {  	[spmem:s3] =	stream.indirect.scatter.add.f32 [tilespmem:s18], [sflag:$0x1], $0x40, s31, s19, $0xb8;
	[tilespmem:$0x1A880] =	vst v63  }
0x2c: {  	_ =	swait.ge [sflag:s14], $0x2000  }
0x2d: {  	s22 =	smov.u32 s12;
	s21 =	simm.s32 $0x200;
	[sflag:s14] =	ssyncset.done $0x0  }
.LBB2_2:
0x2e: {  	p0 =	sne.s32 s21, $0x9E00;
	[sflag:s14] =	ssyncadd.s32 $0xFFFFE000;
	s22 =	sadd.s32 $0x400, s22  }
0x2f: {  	[tilespmem:s18], [sflag:$0x1] =	stream.linear.gather [hbm4b:s22+s4], $0x2000, $0x38;
	[tilespmem:$0x1A880] =	vst v63  }
0x30: {  	s23 =	smov.u32 s21;
	s21 =	sadd.s32 $0x200, s21;
	_ =	swait.ge [sflag:s14], $0x2000  }
0x31: {  	s23 =	sshra.s32 s23, $0x2;
	[sflag:s14] =	ssyncset.done $0x0  }
0x32: {  	s24 =	sadd.s32 $0x13880, s23;
	[sflag:s14] =	ssyncadd.s32 $0xFFFFE000  }
0x33: {  	[spmem:s2] =	stream.indirect.scatter.add.f32 [tilespmem:s18], [sflag:$0x1], $0x40, s24, s19, $0xb8;
	[tilespmem:$0x1A880] =	vst v63  }
0x34: {  	_ =	swait.ge [sflag:s14], $0x2000  }
.Ltmp0:
0x35: {  	[sflag:s14] =	ssyncset.done $0x0;
	(pc) =	sbr.rel @p0 .LBB2_2-.Ltmp0, $4  }
0x36: {  	s23 =	sadd.s32 $0x16080, s23;
	[sflag:s14] =	ssyncadd.s32 $0xFFFFE000  }
0x37: {  	[spmem:s3] =	stream.indirect.scatter.add.f32 [tilespmem:s18], [sflag:$0x1], $0x40, s23, s19, $0xb8;
	[tilespmem:$0x1A880] =	vst v63  }
0x38: {  	_ =	swait.ge [sflag:s14], $0x2000  }
0x39: {  	[sflag:s14] =	ssyncset.done $0x0  }
0x3a: {  	[sflag:s14] =	ssyncadd.s32 $0xFFFFE000  }
0x3b: {  	[bflag:$0x0] =	sbarrier.arrive $0xFFFF  }
0x3c: {  	[hbm:s9], [sflag:s6] =	dma.local [spmem:s13], $0x1388  }
0x3d: {  	s20 =	sadd.s32 $0x1, s20;
	_ =	swait.ge [sflag:s14], $0x1388  }
0x3e: {  	p0 =	sne.s32 s20, s11;
	[sflag:s14] =	ssyncset.done $0x0  }
.Ltmp1:
0x3f: {  	[sflag:s14] =	ssyncadd.s32 $0xFFFFEC78;
	(pc) =	sbr.rel @p0 .LBB2_1-.Ltmp1, $4  }
0x40: {  	[hbm:s10], [sflag:s6] =	dma.local [spmem:s15], $0x1388  }
0x41: {  	_ =	swait.ge [sflag:s14], $0x1388  }
0x42: {  	[sflag:s14] =	ssyncset.done $0x0  }
0x43: {  	[sflag:s14] =	ssyncadd.s32 $0xFFFFEC78  }
0x44: {  	_ =	sfence.sel $0x180000  }
0x45: {  	[bflag:$0x0] =	sbarrier.arrive $0xFFFF  }
0x46: {  	p0 =	sne.s32 s0, $0x0;
	_ =	strace $0x90000050  }
0x47: {  	s0 =	sadd.s32 @!p0 $0x100000, s1;
	[bflag:$0x2] =	sbarrier.arrive $0xFFFF  }
0x48: {  	[sflag:s0] =	ssyncadd.tile.s32 @!p0 $0x1;
	_ =	shalt  }
.Lfunc_end2:
_tile_overlayer_lowered:
.L_overlay_start_2:
0x49: {  	(tag) =	ssettag $0x2  }
0x4a: {  	s0 =	rddreg [dreg:$0x0];
	s2 =	stileid.u32  }
0x4b: {  	s1 =	rddreg [dreg:$0x1];
	p0 =	sne.s32 s2, $0x0  }
0x4c: {  	s3 =	rddreg [dreg:$0x2];
	[bflag:$0x3] =	sbarrier.arrive $0xFFFF;
	s2 =	simm.s32 @!p0 $0x1C01  }
0x4d: {  	[timem:s3], [sflag:s2] =	dma.local @!p0 [hbm:s0], s1  }
0x4e: {  	s0 =	simm.s32 @!p0 $0x1  }
0x4f: {  	_ =	swait.ge @!p0 [sflag:s0], s1  }
0x50: {  	s1 =	ssub.s32 @!p0 $0x0, s1;
	[sflag:s0] =	ssyncset.done @!p0 $0x0  }
0x51: {  	[sflag:s0] =	ssyncadd.s32 @!p0 s1  }
0x52: {  	[bflag:$0x3] =	sbarrier.arrive $0xFFFF  }
0x53: {  	_ =	shalt  }

// kernel: kernel.27.cloned.1.call-start
scs
__scs_entry_jumppad:
0x0: {  	(pc) =	sbr.rel $0x88, $3  }
0x1: {  	(tag) =	ssettag $0x0;
	lr =	simm.s32 $0x1  }
0x2: {  	[smem:$0x3F71] =	sst lr;
	_ =	strace $0xD0000000  }
0x3: {  	_ = 	snop  }
0x4: {  	_ = 	snop  }
0x5: {  	_ = 	snop  }
0x6: {  	_ = 	snop  }
0x7: {  	_ = 	snop  }
__scs_overlays_trampoline_lowered:
0x8: {  	[smem:$0x3F80] =	sst s0  }
0x9: {  	[smem:$0x3F81] =	sst s1  }
0xa: {  	[smem:$0x3F82] =	sst s2  }
0xb: {  	[smem:$0x3F83] =	sst s3  }
0xc: {  	[smem:$0x3F84] =	sst s4  }
0xd: {  	[smem:$0x3F85] =	sst s5  }
0xe: {  	[smem:$0x3F86] =	sst s6  }
0xf: {  	[smem:$0x3F87] =	sst s7  }
0x10: {  	[smem:$0x3F88] =	sst s8  }
0x11: {  	[smem:$0x3F89] =	sst s9;
	s0 =	simm.s32 @!p0 $0x0  }
0x12: {  	s1 =	sld [smem:$0x3F6F];
	s0 =	simm.s32 @p0 $0x1  }
0x13: {  	[smem:$0x3F8A] =	sst s0;
	s0 =	simm.s32 @!p1 $0x0  }
0x14: {  	s2 =	sld [smem:$0x3F6E];
	s0 =	simm.s32 @p1 $0x1  }
0x15: {  	[smem:$0x3F8B] =	sst s0;
	s0 =	simm.s32 @!p2 $0x0  }
0x16: {  	s3 =	sld [smem:$0x3FDB];
	s0 =	simm.s32 @p2 $0x1  }
0x17: {  	s4 =	simm.s32 $0x1BF5;
	[smem:$0x3F8D] =	sst s0  }
0x18: {  	s0 =	sld [smem:$0x3F70];
	_ =	swait.ge [sflag:s4], $0x0  }
0x19: {  	s7 =	sld [smem:$0x3F71]  }
0x1a: {  	s8 =	sadd.s32 $0xFFFFE003, lr  }
0x1b: {  	s9 =	sadd.s32 $0xFFFFFEF7, lr;
	s5 =	simm.s32 $0xFFFFFFFF;
	p2 =	slt.u32 s8, $0xFFFFF086  }
0x1c: {  	p1 =	slt.u32 s9, $0xF7A;
	s5 =	simm.s32 @!p2 $0x0  }
0x1d: {  	s5 =	simm.s32 @p1 $0x1;
	p0 =	seq.s32 s7, s2  }
0x1e: {  	s7 =	smul.u32 @!p0 $0xF7A, s2;
	p2 =	seq.s32 @!p0 s5, $0x0  }
0x1f: {  	s9 =	smul.u32 $0xF7A, s1;
	s8 =	simm.s32 @!p0 $0x1BF5;
	p2 =	por !p2, p0  }
0x20: {  	[sflag:s8] =	ssyncset.s32 @!p0 $0xFFFFF086;
	s6 =	sadd.s32 @!p0 s3, s7;
	s7 =	simm.s32 @!p0 $0x108  }
0x21: {  	s3 =	sadd.s32 s3, s9;
	s6 =	sadd.s32 @!p0 $0x88, s6;
	s7 =	simm.s32 @p2 $0x1082  }
0x22: {  	[simem:s7], [sflag:s8] =	dma.local @!p0 [hbm:s6], $0xF7A  }
0x23: {  	s9 =	sor.u32 $0xD0000000, s2;
	s6 =	simm.s32 $0x108;
	_ =	swait.ge @!p0 [sflag:s8], $0x0  }
0x24: {  	s3 =	sadd.s32 $0x88, s3;
	s6 =	simm.s32 @!p1 $0x1082;
	[sflag:s4] =	ssyncset.s32 $0xFFFFF086  }
0x25: {  	[simem:s6], [sflag:s4] =	dma.local [hbm:s3], $0xF7A  }
0x26: {  	[smem:$0x3F71] =	sst s1;
	(tag) =	ssettag s2;
	_ =	strace s9  }
0x27: {  	s1 =	sld [smem:$0x3F81]  }
0x28: {  	s2 =	sld [smem:$0x3F82]  }
0x29: {  	s4 =	sld [smem:$0x3F84]  }
0x2a: {  	p0 =	seq.s32 s5, $0x0;
	s5 =	sld [smem:$0x3F85]  }
0x2b: {  	s6 =	sld [smem:$0x3F86]  }
0x2c: {  	s7 =	sld [smem:$0x3F87]  }
0x2d: {  	s3 =	simm.s32 $0x108;
	s8 =	sld [smem:$0x3F88]  }
0x2e: {  	s3 =	simm.s32 @!p0 $0x1082;
	s9 =	sld [smem:$0x3F89]  }
0x2f: {  	lr =	sadd.s32 s0, s3;
	s0 =	sld [smem:$0x3F80]  }
0x30: {  	s3 =	sld [smem:$0x3F83]  }
0x31: {  	[smem:$0x3F8C] =	sst s10  }
0x32: {  	s10 =	sld [smem:$0x3F8A];
	_ =	sdelay $0x3  }
0x33: {  	p0 =	seq.s32 s10, $0x1;
	s10 =	sld [smem:$0x3F8C];
	_ =	sdelay $0x3  }
0x34: {  	[smem:$0x3F8C] =	sst s10  }
0x35: {  	s10 =	sld [smem:$0x3F8B];
	_ =	sdelay $0x3  }
0x36: {  	p1 =	seq.s32 s10, $0x1;
	s10 =	sld [smem:$0x3F8C];
	_ =	sdelay $0x3  }
0x37: {  	[smem:$0x3F8C] =	sst s10  }
0x38: {  	s10 =	sld [smem:$0x3F8D]  }
0x39: {  	_ = 	snop;
	(pc) =	sbr.ind lr, $3  }
0x3a: {  	_ = 	snop  }
0x3b: {  	_ = 	snop  }
0x3c: {  	p2 =	seq.s32 s10, $0x1;
	s10 =	sld [smem:$0x3F8C]  }
0x3d: {  	_ =	shalt  }
0x3e: {  	_ =	shalt  }
0x3f: {  	_ =	shalt  }
0x40: {  	_ =	shalt  }
0x41: {  	_ =	shalt  }
0x42: {  	_ =	shalt  }
0x43: {  	_ =	shalt  }
0x44: {  	_ =	shalt  }
0x45: {  	_ =	shalt  }
0x46: {  	_ =	shalt  }
0x47: {  	_ =	shalt  }
0x48: {  	_ =	shalt  }
0x49: {  	_ =	shalt  }
0x4a: {  	_ =	shalt  }
0x4b: {  	_ =	shalt  }
0x4c: {  	_ =	shalt  }
0x4d: {  	_ =	shalt  }
0x4e: {  	_ =	shalt  }
0x4f: {  	_ =	shalt  }
0x50: {  	_ =	shalt  }
0x51: {  	_ =	shalt  }
0x52: {  	_ =	shalt  }
0x53: {  	_ =	shalt  }
0x54: {  	_ =	shalt  }
0x55: {  	_ =	shalt  }
0x56: {  	_ =	shalt  }
0x57: {  	_ =	shalt  }
0x58: {  	_ =	shalt  }
0x59: {  	_ =	shalt  }
0x5a: {  	_ =	shalt  }
0x5b: {  	_ =	shalt  }
0x5c: {  	_ =	shalt  }
0x5d: {  	_ =	shalt  }
0x5e: {  	_ =	shalt  }
0x5f: {  	_ =	shalt  }
0x60: {  	_ =	shalt  }
0x61: {  	_ =	shalt  }
0x62: {  	_ =	shalt  }
0x63: {  	_ =	shalt  }
0x64: {  	_ =	shalt  }
0x65: {  	_ =	shalt  }
0x66: {  	_ =	shalt  }
0x67: {  	_ =	shalt  }
0x68: {  	_ =	shalt  }
0x69: {  	_ =	shalt  }
0x6a: {  	_ =	shalt  }
0x6b: {  	_ =	shalt  }
0x6c: {  	_ =	shalt  }
0x6d: {  	_ =	shalt  }
0x6e: {  	_ =	shalt  }
0x6f: {  	_ =	shalt  }
0x70: {  	_ =	shalt  }
0x71: {  	_ =	shalt  }
0x72: {  	_ =	shalt  }
0x73: {  	_ =	shalt  }
0x74: {  	_ =	shalt  }
0x75: {  	_ =	shalt  }
0x76: {  	_ =	shalt  }
0x77: {  	_ =	shalt  }
0x78: {  	_ =	shalt  }
0x79: {  	_ =	shalt  }
0x7a: {  	_ =	shalt  }
0x7b: {  	_ =	shalt  }
0x7c: {  	_ =	shalt  }
0x7d: {  	_ =	shalt  }
0x7e: {  	_ =	shalt  }
0x7f: {  	_ =	shalt  }
0x80: {  	_ =	shalt  }
0x81: {  	_ =	shalt  }
0x82: {  	_ =	shalt  }
0x83: {  	_ =	shalt  }
0x84: {  	_ =	shalt  }
0x85: {  	_ =	shalt  }
0x86: {  	_ =	shalt  }
0x87: {  	_ =	shalt  }
.Lfunc_end0:
.L_simem_size_0:
called_computation.4_lowered:
.L_overlay_start_0:
0x88: {  	s2 =	sld [smem:$0x3FD9]  }
0x89: {  	s3 =	sld [smem:$0x3FFE];
	_ =	sdelay $0x1  }
0x8a: {  	s1 =	srdreg.scid  }
0x8b: {  	s0 =	sand.u32 $0x1, s1  }
0x8c: {  	s16 =	sshll.u32 s0, $0xA;
	s2 =	sadd.s32 s3, s2  }
0x8d: {  	s2 =	sadd.s32 s2, s16  }
0x8e: {  	[smem:$0x3F98] =	sst s2  }
0x8f: {  	_ = 	snop  }
0x90: {  	(tm) =	ssettm $0x1  }
0x91: {  	s17 =	sld [smem:$0x3FFB];
	_ =	sdelay $0x3  }
0x92: {  	_ =	strace s17  }
0x93: {  	s2 =	sld [smem:$0x3FFC];
	_ =	sdelay $0x3  }
0x94: {  	_ =	strace s2  }
0x95: {  	s2 =	sld [smem:$0x3FFD];
	_ =	sdelay $0x3  }
0x96: {  	_ =	strace s2  }
0x97: {  	_ =	strace $0x8FFFFFFF  }
0x98: {  	s18 =	sld [smem:$0x3FDB];
	_ =	sdelay $0x1  }
0x99: {  	s19 =	simm.s32 $_scs_section_size  }
0x9a: {  	s4 =	simm.s32 $_size__tile_overlayer_lowered;
	s5 =	simm.s32 $_tile_overlayer_lowered  }
0x9b: {  	s22 =	simm.s32 $0x1BFF;
	s21 =	sshll.u32 s5, $0x1;
	s2 =	sadd.s32 s19, s18  }
0x9c: {  	s6 =	simm.s32 $0x0;
	s20 =	sshll.u32 s4, $0x1;
	s4 =	sadd.s32 s21, s2  }
0x9d: {  	[timem:s6], [sflag:s22] =	dma.local [hbm:s4], s20  }
0x9e: {  	_ =	swait.ge [sflag:s22], s20  }
0x9f: {  	s3 =	ssub.s32 $0x0, s20;
	[sflag:s22] =	ssyncset.done $0x0  }
0xa0: {  	[sflag:s22] =	ssyncadd.s32 s3;
	_ =	sdelay $0x1  }
0xa1: {  	s23 =	simm.s32 $0x1B8B  }
0xa2: {  	_ =	swait.ge [sflag:s23], $0x1  }
0xa3: {  	[sflag:s23] =	ssyncset.done $0x0  }
0xa4: {  	s25 =	simm.s32 $0x1B8E;
	s24 =	sld [smem:$0x3FFE];
	[sflag:s23] =	ssyncadd.s32 $0xFFFFFFFF  }
0xa5: {  	s26 =	simm.s32 $execute0_lowered;
	[smem:$0x3FD2] =	sst s25  }
0xa6: {  	s4 =	sshll.u32 s26, $0x1;
	_ =	strace $0x80000052;
	[dreg:$0x1] =	wrdreg $0xFFFFFFFF  }
0xa7: {  	s28 =	simm.s32 $_size_execute0_lowered;
	s2 =	sadd.s32 s2, s4;
	[dreg:$0x0] =	wrdreg $0x0  }
0xa8: {  	s4 =	sshll.u32 s28, $0x1;
	[dreg:$0x2] =	wrdreg s2  }
0xa9: {  	[dreg:$0x3] =	wrdreg s4  }
0xaa: {  	[dreg:$0x4] =	wrdreg $0xC0  }
0xab: {  	_ =	task [dreg:s6], $0x5FFFF  }
0xac: {  	[dreg:$0x1] =	wrdreg $0xFFFFFFFF  }
0xad: {  	[dreg:$0x0] =	wrdreg $0x60  }
0xae: {  	[dreg:$0x2] =	wrdreg s24  }
0xaf: {  	[dreg:$0x3] =	wrdreg $0x0  }
0xb0: {  	[dreg:$0x4] =	wrdreg $0x9  }
0xb1: {  	_ =	task.clear_ibuf [dreg:s6], $0x5FFFF;
	_ =	strace $0x90000052  }
0xb2: {  	s29 =	simm.s32 $0x9;
	_ =	strace $0x80000054  }
0xb3: {  	_ =	swait.ge [sflag:s29], $0x1  }
0xb4: {  	[sflag:s29] =	ssyncadd.s32 $0xFFFFFFFF  }
0xb5: {  	_ =	strace $0x90000054  }
0xb6: {  	_ =	sfence  }
0xb7: {  	s30 =	sld [smem:$0x0];
	_ =	sdelay $0x2  }
0xb8: {  	s31 =	sshll.u32 s1, $0xD;
	s1 =	sshrl.u32 s1, $0x2  }
0xb9: {  	s3 =	sand.u32 $0x4000, s31;
	s1 =	sadd.s32 s1, s30  }
0xba: {  	s0 =	sor.u32 s3, s0;
	s1 =	sshll.u32 s1, $0x11  }
0xbb: {  	s0 =	sor.u32 s1, s0  }
0xbc: {  	s0 =	sadd.s32 $0x8F2B, s0  }
0xbd: {  	[sflag:s0] =	ssyncadd.remote.s32 $0x1  }
0xbe: {  	_ =	sfence.sel $0xFFFF  }
0xbf: {  	[dreg:$0x0] =	wrdreg $0xFFFFFFFF;
	(pc) =	sbr.abs _section_cstart, $3  }
0xc0: {  	[dreg:$0x1] =	wrdreg $0xFFFFFFFF  }
0xc1: {  	_ =	task.clear_ibuf [dreg:s6], $0x2FFFF;
	_ =	strace $0x9FFFFFFF  }
0xc2: {  	(tm) =	ssettm $0x7FFFFFFF  }
0xc3: {  	_ =	shalt  }
tec
execute0_lowered:
.L_overlay_start_1:
0x0: {  	(tag) =	ssettag $0x1  }
0x1: {  	s0 =	rddreg [dreg:$0x0]  }
0x2: {  	s2 =	rddreg [dreg:$0x1]  }
0x3: {  	s15 =	stileid.u32;
	s1 =	srdreg.scid  }
0x4: {  	s3 =	simm.s32 $0x0;
	s19 =	simm.s32 $0x9C40;
	s20 =	simm.s32 $0xC440  }
0x5: {  	s21 =	simm.s32 $0x80;
	s28 =	simm.s32 $0x1;
	s5 =	smul.u32 $0x9C40, s15  }
0x6: {  	s29 =	simm.s32 $0x2;
	s1 =	sand.u32 $0x1, s1;
	s12 =	smul.u32 $0x140000, s15  }
0x7: {  	s4 =	sshll.u32 s15, $0x1;
	s23 =	sshll.u32 s15, $0x6;
	s15 =	smul.u32 $0x5000, s15  }
0x8: {  	[smem:$0x7FF] =	sst s3;
	s14 =	sadd.s32 $0x2DE200, s0;
	s13 =	smul.u32 $0xA0000, s1  }
0x9: {  	s4 =	sor.u32 s1, s4;
	s22 =	ssub.s32 $0x2, s1;
	s1 =	smul.u32 $0x2800, s1  }
0xa: {  	s30 =	simm.s32 $0x0;
	_ =	strace $0x80000053;
	s6 =	smul.u32 $0x500, s4  }
0xb: {  	s25 =	sor.u32 $0x1C03, s23;
	s7 =	sshrl.u32 s5, $0x3;
	s10 =	smul.u32 $0xA0000, s4  }
0xc: {  	s9 =	sshrl.u32 s22, $0x1;
	s11 =	smul.u32 $0x14000, s4;
	s17 =	sadd.s32 s5, s2  }
0xd: {  	[dreg:$0x4] =	wrdreg s25;
	s25 =	simm.s32 $0x12C40;
	s7 =	sadd.s32 s7, s0  }
0xe: {  	s9 =	ssub.s32 s22, s9;
	s12 =	sadd.s32 s13, s12;
	s1 =	sadd.s32 s1, s15  }
0xf: {  	s17 =	sshrl.u32 s17, $0x3;
	s22 =	simm.s32 $0xEC40;
	s8 =	sadd.s32 s6, s0  }
0x10: {  	s0 =	sadd.s32 $0x5E200, s0;
	s24 =	sadd.s32 $0x4A800, s7;
	s10 =	sshrl.u32 s10, $0x3  }
0x11: {  	s18 =	sadd.s32 $0x13800, s11;
	s31 =	sshrl.u32 s12, $0x3;
	s1 =	sshll.u32 s1, $0x3  }
0x12: {  	[dreg:$0x3] =	wrdreg s24;
	s26 =	sadd.s32 $0x19400, s8;
	s7 =	sadd.s32 $0xF400, s8  }
0x13: {  	s16 =	sadd.s32 $0x13000, s10;
	s8 =	smax.u32 s9, $0x1;
	s10 =	sadd.s32 s14, s18  }
0x14: {  	s12 =	sadd.s32 s0, s18;
	s13 =	sadd.s32 s31, s14;
	s1 =	sor.u32 $0x800, s1  }
0x15: {  	s15 =	sadd.s32 s31, s0;
	s18 =	simm.s32 $0x3;
	s24 =	simm.s32 $0x10C40  }
0x16: {  	[dreg:$0x5] =	wrdreg s26;
	s9 =	sadd.s32 s14, s16;
	s11 =	sadd.s32 s0, s16  }
0x17: {  	s14 =	sadd.s32 s1, s14;
	s16 =	sadd.s32 s1, s0;
	s26 =	simm.s32 $0x14C40  }
.LBB2_1:
0x18: {  	s0 =	rddreg [dreg:$0x3]  }
0x19: {  	s1 =	rddreg [dreg:$0x4]  }
0x1a: {  	[spmem:s17], [sflag:s1] =	dma.local [hbm:s0], $0x1388  }
0x1b: {  	_ =	swait.ge [sflag:s18], $0x1388  }
0x1c: {  	[sflag:s18] =	ssyncset.done $0x0  }
0x1d: {  	s23 =	rddreg [dreg:$0x5];
	[sflag:s18] =	ssyncadd.s32 $0xFFFFEC78  }
0x1e: {  	[tilespmem:s19], [sflag:$0x3] =	stream.linear.gather [hbm4b:s23+s3], $0x2800, $0x38;
	[tilespmem:$0x16C40] =	vst v63  }
0x1f: {  	_ =	swait.ge [sflag:s18], $0x2800  }
0x20: {  	[sflag:s18] =	ssyncset.done $0x0  }
0x21: {  	[sflag:s18] =	ssyncadd.s32 $0xFFFFD800  }
0x22: {  	[tilespmem:s20], [sflag:$0x3] =	stream.linear.gather [hbm4b:s7+s3], $0x2800, $0x38;
	[tilespmem:$0x16C40] =	vst v63  }
0x23: {  	_ =	swait.ge [sflag:s18], $0x2800  }
0x24: {  	[sflag:s18] =	ssyncset.done $0x0  }
0x25: {  	[sflag:s18] =	ssyncadd.s32 $0xFFFFD800  }
0x26: {  	[bflag:$0x0] =	sbarrier.arrive $0xFFFF  }
0x27: {  	[tilespmem:s22], [sflag:$0x1] =	stream.indirect.gather [spmem:s2], $0x40, s19, s21, $0xb8;
	[tilespmem:$0x16C40] =	vst v63  }
0x28: {  	s1 =	simm.s32 $0x9CC0  }
0x29: {  	[tilespmem:s24], [sflag:$0x1] =	stream.indirect.gather [spmem:s2], $0x40, s1, s21, $0xb8;
	[tilespmem:$0x16C40] =	vst v63  }
0x2a: {  	s4 =	simm.s32 $0x9D40  }
0x2b: {  	[tilespmem:s25], [sflag:$0x2] =	stream.indirect.gather [spmem:s2], $0x40, s4, s21, $0xb8;
	[tilespmem:$0x16C40] =	vst v63  }
0x2c: {  	s5 =	simm.s32 $0x9DC0  }
0x2d: {  	[tilespmem:s26], [sflag:$0x2] =	stream.indirect.gather [spmem:s2], $0x40, s5, s21, $0xb8;
	[tilespmem:$0x16C40] =	vst v63  }
0x2e: {  	_ =	swait.ge [sflag:s28], $0x2000  }
0x2f: {  	[sflag:s28] =	ssyncset.done $0x0  }
0x30: {  	[sflag:s28] =	ssyncadd.s32 $0xFFFFE000  }
0x31: {  	_ =	swait.ge [sflag:s28], $0x2000  }
0x32: {  	[sflag:s28] =	ssyncset.done $0x0  }
0x33: {  	[sflag:s28] =	ssyncadd.s32 $0xFFFFE000  }
0x34: {  	[hbm4b:s13+s3] =	stream.linear.scatter [tilespmem:s22], [sflag:$0x3], $0x4000, $0x38;
	[tilespmem:$0x16C40] =	vst v63  }
0x35: {  	_ =	swait.ge [sflag:s18], $0x4000  }
0x36: {  	[sflag:s18] =	ssyncset.done $0x0  }
0x37: {  	s6 =	simm.s32 $0x9E40;
	[sflag:s18] =	ssyncadd.s32 $0xFFFFC000  }
0x38: {  	[tilespmem:s22], [sflag:$0x1] =	stream.indirect.gather [spmem:s2], $0x40, s6, s21, $0xb8;
	[tilespmem:$0x16C40] =	vst v63  }
0x39: {  	s23 =	simm.s32 $0x9EC0  }
0x3a: {  	[tilespmem:s24], [sflag:$0x1] =	stream.indirect.gather [spmem:s2], $0x40, s23, s21, $0xb8;
	[tilespmem:$0x16C40] =	vst v63  }
0x3b: {  	_ =	swait.ge [sflag:s29], $0x2000  }
0x3c: {  	[sflag:s29] =	ssyncset.done $0x0  }
0x3d: {  	[sflag:s29] =	ssyncadd.s32 $0xFFFFE000  }
0x3e: {  	_ =	swait.ge [sflag:s29], $0x2000  }
0x3f: {  	[sflag:s29] =	ssyncset.done $0x0  }
0x40: {  	[sflag:s29] =	ssyncadd.s32 $0xFFFFE000  }
0x41: {  	[hbm4b:s14+s3] =	stream.linear.scatter [tilespmem:s25], [sflag:$0x3], $0x4000, $0x38;
	[tilespmem:$0x16C40] =	vst v63  }
0x42: {  	s31 =	sadd.s32 $0x1000, s14;
	s0 =	sadd.s32 $0x1000, s13;
	_ =	swait.ge [sflag:s18], $0x4000  }
0x43: {  	s1 =	simm.s32 $0x200;
	s23 =	simm.s32 $0x1000;
	[sflag:s18] =	ssyncset.done $0x0  }
.LBB2_2:
0x44: {  	s4 =	sadd.s32 $0x9D40, s1  }
0x45: {  	[sflag:s18] =	ssyncadd.s32 $0xFFFFC000;
	s5 =	smov.u32 s23;
	s6 =	sadd.s32 $0x800, s23  }
0x46: {  	[tilespmem:s25], [sflag:$0x2] =	stream.indirect.gather [spmem:s2], $0x40, s4, s21, $0xb8;
	[tilespmem:$0x16C40] =	vst v63  }
0x47: {  	p0 =	sne.s32 s23, $0x9000;
	s4 =	sadd.s32 $0x9DC0, s1  }
0x48: {  	[tilespmem:s26], [sflag:$0x2] =	stream.indirect.gather [spmem:s2], $0x40, s4, s21, $0xb8;
	[tilespmem:$0x16C40] =	vst v63  }
0x49: {  	_ =	swait.ge [sflag:s28], $0x2000  }
0x4a: {  	[sflag:s28] =	ssyncset.done $0x0  }
0x4b: {  	[sflag:s28] =	ssyncadd.s32 $0xFFFFE000  }
0x4c: {  	_ =	swait.ge [sflag:s28], $0x2000  }
0x4d: {  	[sflag:s28] =	ssyncset.done $0x0  }
0x4e: {  	[sflag:s28] =	ssyncadd.s32 $0xFFFFE000  }
0x4f: {  	[hbm4b:s0+s3] =	stream.linear.scatter [tilespmem:s22], [sflag:$0x3], $0x4000, $0x38;
	[tilespmem:$0x16C40] =	vst v63  }
0x50: {  	_ =	swait.ge [sflag:s18], $0x4000  }
0x51: {  	[sflag:s18] =	ssyncset.done $0x0  }
0x52: {  	s4 =	sadd.s32 $0x9E40, s1;
	[sflag:s18] =	ssyncadd.s32 $0xFFFFC000  }
0x53: {  	[tilespmem:s22], [sflag:$0x1] =	stream.indirect.gather [spmem:s2], $0x40, s4, s21, $0xb8;
	[tilespmem:$0x16C40] =	vst v63  }
0x54: {  	s1 =	sadd.s32 $0x9EC0, s1  }
0x55: {  	[tilespmem:s24], [sflag:$0x1] =	stream.indirect.gather [spmem:s2], $0x40, s1, s21, $0xb8;
	[tilespmem:$0x16C40] =	vst v63  }
0x56: {  	_ =	swait.ge [sflag:s29], $0x2000  }
0x57: {  	[sflag:s29] =	ssyncset.done $0x0  }
0x58: {  	[sflag:s29] =	ssyncadd.s32 $0xFFFFE000  }
0x59: {  	_ =	swait.ge [sflag:s29], $0x2000  }
.Ltmp0:
0x5a: {  	[sflag:s29] =	ssyncset.done $0x0;
	(pc) =	sbr.rel @p0 .LBB2_2-.Ltmp0, $4  }
0x5b: {  	[sflag:s29] =	ssyncadd.s32 $0xFFFFE000  }
0x5c: {  	[hbm4b:s31+s3] =	stream.linear.scatter [tilespmem:s25], [sflag:$0x3], $0x4000, $0x38;
	[tilespmem:$0x16C40] =	vst v63  }
0x5d: {  	s23 =	smov.u32 s6;
	s31 =	sadd.s32 $0x1000, s31;
	_ =	swait.ge [sflag:s18], $0x4000  }
0x5e: {  	s0 =	sadd.s32 $0x1000, s0;
	s1 =	sshra.s32 s5, $0x2;
	[sflag:s18] =	ssyncset.done $0x0  }
0x5f: {  	s4 =	sadd.s32 $0x9D40, s1;
	[sflag:s18] =	ssyncadd.s32 $0xFFFFC000  }
0x60: {  	[tilespmem:s25], [sflag:$0x2] =	stream.indirect.gather [spmem:s2], $0x40, s4, s21, $0xb8;
	[tilespmem:$0x16C40] =	vst v63  }
0x61: {  	s6 =	sadd.s32 $0x9DC0, s1  }
0x62: {  	[tilespmem:s26], [sflag:$0x2] =	stream.indirect.gather [spmem:s2], $0x40, s6, s21, $0xb8;
	[tilespmem:$0x16C40] =	vst v63  }
0x63: {  	_ =	swait.ge [sflag:s28], $0x2000  }
0x64: {  	[sflag:s28] =	ssyncset.done $0x0  }
0x65: {  	[sflag:s28] =	ssyncadd.s32 $0xFFFFE000  }
0x66: {  	_ =	swait.ge [sflag:s28], $0x2000  }
0x67: {  	[sflag:s28] =	ssyncset.done $0x0  }
0x68: {  	[sflag:s28] =	ssyncadd.s32 $0xFFFFE000  }
0x69: {  	[hbm4b:s0+s3] =	stream.linear.scatter [tilespmem:s22], [sflag:$0x3], $0x4000, $0x38;
	[tilespmem:$0x16C40] =	vst v63  }
0x6a: {  	_ =	swait.ge [sflag:s18], $0x4000  }
0x6b: {  	[sflag:s18] =	ssyncset.done $0x0  }
0x6c: {  	s23 =	sadd.s32 $0x9E40, s1;
	[sflag:s18] =	ssyncadd.s32 $0xFFFFC000  }
0x6d: {  	[tilespmem:s22], [sflag:$0x1] =	stream.indirect.gather [spmem:s2], $0x40, s23, s21, $0xb8;
	[tilespmem:$0x16C40] =	vst v63  }
0x6e: {  	s4 =	sadd.s32 $0x9EC0, s1  }
0x6f: {  	[tilespmem:s24], [sflag:$0x1] =	stream.indirect.gather [spmem:s2], $0x40, s4, s21, $0xb8;
	[tilespmem:$0x16C40] =	vst v63  }
0x70: {  	_ =	swait.ge [sflag:s29], $0x2000  }
0x71: {  	[sflag:s29] =	ssyncset.done $0x0  }
0x72: {  	[sflag:s29] =	ssyncadd.s32 $0xFFFFE000  }
0x73: {  	_ =	swait.ge [sflag:s29], $0x2000  }
0x74: {  	[sflag:s29] =	ssyncset.done $0x0  }
0x75: {  	[sflag:s29] =	ssyncadd.s32 $0xFFFFE000  }
0x76: {  	[hbm4b:s31+s3] =	stream.linear.scatter [tilespmem:s25], [sflag:$0x3], $0x4000, $0x38;
	[tilespmem:$0x16C40] =	vst v63  }
0x77: {  	_ =	swait.ge [sflag:s18], $0x4000  }
0x78: {  	[sflag:s18] =	ssyncset.done $0x0  }
0x79: {  	s5 =	simm.s32 $0xC340;
	[sflag:s18] =	ssyncadd.s32 $0xFFFFC000  }
0x7a: {  	[tilespmem:s25], [sflag:$0x2] =	stream.indirect.gather [spmem:s2], $0x40, s5, s21, $0xb8;
	[tilespmem:$0x16C40] =	vst v63  }
0x7b: {  	s6 =	simm.s32 $0xC3C0  }
0x7c: {  	[tilespmem:s26], [sflag:$0x2] =	stream.indirect.gather [spmem:s2], $0x40, s6, s21, $0xb8;
	[tilespmem:$0x16C40] =	vst v63  }
0x7d: {  	_ =	swait.ge [sflag:s28], $0x2000  }
0x7e: {  	[sflag:s28] =	ssyncset.done $0x0  }
0x7f: {  	[sflag:s28] =	ssyncadd.s32 $0xFFFFE000  }
0x80: {  	_ =	swait.ge [sflag:s28], $0x2000  }
0x81: {  	[sflag:s28] =	ssyncset.done $0x0  }
0x82: {  	s23 =	simm.s32 $0x0;
	[sflag:s28] =	ssyncadd.s32 $0xFFFFE000  }
0x83: {  	[hbm4b:s9+s23] =	stream.linear.scatter [tilespmem:s22], [sflag:$0x3], $0x4000, $0x38;
	[tilespmem:$0x16C40] =	vst v63  }
0x84: {  	_ =	swait.ge [sflag:s18], $0x4000  }
0x85: {  	[sflag:s18] =	ssyncset.done $0x0  }
0x86: {  	[sflag:s18] =	ssyncadd.s32 $0xFFFFC000  }
0x87: {  	_ =	swait.ge [sflag:s29], $0x2000  }
0x88: {  	[sflag:s29] =	ssyncset.done $0x0  }
0x89: {  	[sflag:s29] =	ssyncadd.s32 $0xFFFFE000  }
0x8a: {  	_ =	swait.ge [sflag:s29], $0x2000  }
0x8b: {  	[sflag:s29] =	ssyncset.done $0x0  }
0x8c: {  	[sflag:s29] =	ssyncadd.s32 $0xFFFFE000  }
0x8d: {  	[hbm4b:s10+s23] =	stream.linear.scatter [tilespmem:s25], [sflag:$0x3], $0x4000, $0x38;
	[tilespmem:$0x16C40] =	vst v63  }
0x8e: {  	_ =	swait.ge [sflag:s18], $0x4000  }
0x8f: {  	[sflag:s18] =	ssyncset.done $0x0  }
0x90: {  	[sflag:s18] =	ssyncadd.s32 $0xFFFFC000  }
0x91: {  	[tilespmem:s22], [sflag:$0x1] =	stream.indirect.gather [spmem:s2], $0x40, s20, s21, $0xb8;
	[tilespmem:$0x16C40] =	vst v63  }
0x92: {  	s1 =	simm.s32 $0xC4C0  }
0x93: {  	[tilespmem:s24], [sflag:$0x1] =	stream.indirect.gather [spmem:s2], $0x40, s1, s21, $0xb8;
	[tilespmem:$0x16C40] =	vst v63  }
0x94: {  	s4 =	simm.s32 $0xC540  }
0x95: {  	[tilespmem:s25], [sflag:$0x2] =	stream.indirect.gather [spmem:s2], $0x40, s4, s21, $0xb8;
	[tilespmem:$0x16C40] =	vst v63  }
0x96: {  	s5 =	simm.s32 $0xC5C0  }
0x97: {  	[tilespmem:s26], [sflag:$0x2] =	stream.indirect.gather [spmem:s2], $0x40, s5, s21, $0xb8;
	[tilespmem:$0x16C40] =	vst v63  }
0x98: {  	_ =	swait.ge [sflag:s28], $0x2000  }
0x99: {  	[sflag:s28] =	ssyncset.done $0x0  }
0x9a: {  	[sflag:s28] =	ssyncadd.s32 $0xFFFFE000  }
0x9b: {  	_ =	swait.ge [sflag:s28], $0x2000  }
0x9c: {  	[sflag:s28] =	ssyncset.done $0x0  }
0x9d: {  	[sflag:s28] =	ssyncadd.s32 $0xFFFFE000  }
0x9e: {  	[hbm4b:s15+s3] =	stream.linear.scatter [tilespmem:s22], [sflag:$0x3], $0x4000, $0x38;
	[tilespmem:$0x16C40] =	vst v63  }
0x9f: {  	_ =	swait.ge [sflag:s18], $0x4000  }
0xa0: {  	[sflag:s18] =	ssyncset.done $0x0  }
0xa1: {  	s6 =	simm.s32 $0xC640;
	[sflag:s18] =	ssyncadd.s32 $0xFFFFC000  }
0xa2: {  	[tilespmem:s22], [sflag:$0x1] =	stream.indirect.gather [spmem:s2], $0x40, s6, s21, $0xb8;
	[tilespmem:$0x16C40] =	vst v63  }
0xa3: {  	s23 =	simm.s32 $0xC6C0  }
0xa4: {  	[tilespmem:s24], [sflag:$0x1] =	stream.indirect.gather [spmem:s2], $0x40, s23, s21, $0xb8;
	[tilespmem:$0x16C40] =	vst v63  }
0xa5: {  	_ =	swait.ge [sflag:s29], $0x2000  }
0xa6: {  	[sflag:s29] =	ssyncset.done $0x0  }
0xa7: {  	[sflag:s29] =	ssyncadd.s32 $0xFFFFE000  }
0xa8: {  	_ =	swait.ge [sflag:s29], $0x2000  }
0xa9: {  	[sflag:s29] =	ssyncset.done $0x0  }
0xaa: {  	[sflag:s29] =	ssyncadd.s32 $0xFFFFE000  }
0xab: {  	[hbm4b:s16+s3] =	stream.linear.scatter [tilespmem:s25], [sflag:$0x3], $0x4000, $0x38;
	[tilespmem:$0x16C40] =	vst v63  }
0xac: {  	s0 =	sadd.s32 $0x1000, s15;
	s31 =	sadd.s32 $0x1000, s16;
	_ =	swait.ge [sflag:s18], $0x4000  }
0xad: {  	s1 =	simm.s32 $0x200;
	s23 =	simm.s32 $0x1000;
	[sflag:s18] =	ssyncset.done $0x0  }
.LBB2_4:
0xae: {  	s4 =	sadd.s32 $0xC540, s1  }
0xaf: {  	[sflag:s18] =	ssyncadd.s32 $0xFFFFC000;
	s5 =	smov.u32 s23;
	s6 =	sadd.s32 $0x800, s23  }
0xb0: {  	[tilespmem:s25], [sflag:$0x2] =	stream.indirect.gather [spmem:s2], $0x40, s4, s21, $0xb8;
	[tilespmem:$0x16C40] =	vst v63  }
0xb1: {  	p0 =	sne.s32 s23, $0x9000;
	s4 =	sadd.s32 $0xC5C0, s1  }
0xb2: {  	[tilespmem:s26], [sflag:$0x2] =	stream.indirect.gather [spmem:s2], $0x40, s4, s21, $0xb8;
	[tilespmem:$0x16C40] =	vst v63  }
0xb3: {  	_ =	swait.ge [sflag:s28], $0x2000  }
0xb4: {  	[sflag:s28] =	ssyncset.done $0x0  }
0xb5: {  	[sflag:s28] =	ssyncadd.s32 $0xFFFFE000  }
0xb6: {  	_ =	swait.ge [sflag:s28], $0x2000  }
0xb7: {  	[sflag:s28] =	ssyncset.done $0x0  }
0xb8: {  	[sflag:s28] =	ssyncadd.s32 $0xFFFFE000  }
0xb9: {  	[hbm4b:s0+s3] =	stream.linear.scatter [tilespmem:s22], [sflag:$0x3], $0x4000, $0x38;
	[tilespmem:$0x16C40] =	vst v63  }
0xba: {  	_ =	swait.ge [sflag:s18], $0x4000  }
0xbb: {  	[sflag:s18] =	ssyncset.done $0x0  }
0xbc: {  	s4 =	sadd.s32 $0xC640, s1;
	[sflag:s18] =	ssyncadd.s32 $0xFFFFC000  }
0xbd: {  	[tilespmem:s22], [sflag:$0x1] =	stream.indirect.gather [spmem:s2], $0x40, s4, s21, $0xb8;
	[tilespmem:$0x16C40] =	vst v63  }
0xbe: {  	s1 =	sadd.s32 $0xC6C0, s1  }
0xbf: {  	[tilespmem:s24], [sflag:$0x1] =	stream.indirect.gather [spmem:s2], $0x40, s1, s21, $0xb8;
	[tilespmem:$0x16C40] =	vst v63  }
0xc0: {  	_ =	swait.ge [sflag:s29], $0x2000  }
0xc1: {  	[sflag:s29] =	ssyncset.done $0x0  }
0xc2: {  	[sflag:s29] =	ssyncadd.s32 $0xFFFFE000  }
0xc3: {  	_ =	swait.ge [sflag:s29], $0x2000  }
.Ltmp1:
0xc4: {  	[sflag:s29] =	ssyncset.done $0x0;
	(pc) =	sbr.rel @p0 .LBB2_4-.Ltmp1, $4  }
0xc5: {  	[sflag:s29] =	ssyncadd.s32 $0xFFFFE000  }
0xc6: {  	[hbm4b:s31+s3] =	stream.linear.scatter [tilespmem:s25], [sflag:$0x3], $0x4000, $0x38;
	[tilespmem:$0x16C40] =	vst v63  }
0xc7: {  	s23 =	smov.u32 s6;
	s31 =	sadd.s32 $0x1000, s31;
	_ =	swait.ge [sflag:s18], $0x4000  }
0xc8: {  	s0 =	sadd.s32 $0x1000, s0;
	s1 =	sshra.s32 s5, $0x2;
	[sflag:s18] =	ssyncset.done $0x0  }
0xc9: {  	s4 =	sadd.s32 $0xC540, s1;
	[sflag:s18] =	ssyncadd.s32 $0xFFFFC000  }
0xca: {  	[tilespmem:s25], [sflag:$0x2] =	stream.indirect.gather [spmem:s2], $0x40, s4, s21, $0xb8;
	[tilespmem:$0x16C40] =	vst v63  }
0xcb: {  	s23 =	sadd.s32 $0xC5C0, s1  }
0xcc: {  	[tilespmem:s26], [sflag:$0x2] =	stream.indirect.gather [spmem:s2], $0x40, s23, s21, $0xb8;
	[tilespmem:$0x16C40] =	vst v63  }
0xcd: {  	_ =	swait.ge [sflag:s28], $0x2000  }
0xce: {  	[sflag:s28] =	ssyncset.done $0x0  }
0xcf: {  	[sflag:s28] =	ssyncadd.s32 $0xFFFFE000  }
0xd0: {  	_ =	swait.ge [sflag:s28], $0x2000  }
0xd1: {  	[sflag:s28] =	ssyncset.done $0x0  }
0xd2: {  	[sflag:s28] =	ssyncadd.s32 $0xFFFFE000  }
0xd3: {  	[hbm4b:s0+s3] =	stream.linear.scatter [tilespmem:s22], [sflag:$0x3], $0x4000, $0x38;
	[tilespmem:$0x16C40] =	vst v63  }
0xd4: {  	_ =	swait.ge [sflag:s18], $0x4000  }
0xd5: {  	[sflag:s18] =	ssyncset.done $0x0  }
0xd6: {  	s5 =	sadd.s32 $0xC640, s1;
	[sflag:s18] =	ssyncadd.s32 $0xFFFFC000  }
0xd7: {  	[tilespmem:s22], [sflag:$0x1] =	stream.indirect.gather [spmem:s2], $0x40, s5, s21, $0xb8;
	[tilespmem:$0x16C40] =	vst v63  }
0xd8: {  	s6 =	sadd.s32 $0xC6C0, s1  }
0xd9: {  	[tilespmem:s24], [sflag:$0x1] =	stream.indirect.gather [spmem:s2], $0x40, s6, s21, $0xb8;
	[tilespmem:$0x16C40] =	vst v63  }
0xda: {  	_ =	swait.ge [sflag:s29], $0x2000  }
0xdb: {  	[sflag:s29] =	ssyncset.done $0x0  }
0xdc: {  	[sflag:s29] =	ssyncadd.s32 $0xFFFFE000  }
0xdd: {  	_ =	swait.ge [sflag:s29], $0x2000  }
0xde: {  	[sflag:s29] =	ssyncset.done $0x0  }
0xdf: {  	[sflag:s29] =	ssyncadd.s32 $0xFFFFE000  }
0xe0: {  	[hbm4b:s31+s3] =	stream.linear.scatter [tilespmem:s25], [sflag:$0x3], $0x4000, $0x38;
	[tilespmem:$0x16C40] =	vst v63  }
0xe1: {  	_ =	swait.ge [sflag:s18], $0x4000  }
0xe2: {  	[sflag:s18] =	ssyncset.done $0x0  }
0xe3: {  	s23 =	simm.s32 $0xEB40;
	[sflag:s18] =	ssyncadd.s32 $0xFFFFC000  }
0xe4: {  	[tilespmem:s25], [sflag:$0x2] =	stream.indirect.gather [spmem:s2], $0x40, s23, s21, $0xb8;
	[tilespmem:$0x16C40] =	vst v63  }
0xe5: {  	s31 =	simm.s32 $0xEBC0  }
0xe6: {  	[tilespmem:s26], [sflag:$0x2] =	stream.indirect.gather [spmem:s2], $0x40, s31, s21, $0xb8;
	[tilespmem:$0x16C40] =	vst v63  }
0xe7: {  	_ =	swait.ge [sflag:s28], $0x2000  }
0xe8: {  	[sflag:s28] =	ssyncset.done $0x0  }
0xe9: {  	[sflag:s28] =	ssyncadd.s32 $0xFFFFE000  }
0xea: {  	_ =	swait.ge [sflag:s28], $0x2000  }
0xeb: {  	[sflag:s28] =	ssyncset.done $0x0  }
0xec: {  	[sflag:s28] =	ssyncadd.s32 $0xFFFFE000  }
0xed: {  	[hbm4b:s11+s3] =	stream.linear.scatter [tilespmem:s22], [sflag:$0x3], $0x4000, $0x38;
	[tilespmem:$0x16C40] =	vst v63  }
0xee: {  	_ =	swait.ge [sflag:s18], $0x4000  }
0xef: {  	[sflag:s18] =	ssyncset.done $0x0  }
0xf0: {  	[sflag:s18] =	ssyncadd.s32 $0xFFFFC000  }
0xf1: {  	_ =	swait.ge [sflag:s29], $0x2000  }
0xf2: {  	[sflag:s29] =	ssyncset.done $0x0  }
0xf3: {  	[sflag:s29] =	ssyncadd.s32 $0xFFFFE000  }
0xf4: {  	s30 =	sadd.s32 $0x1, s30;
	_ =	swait.ge [sflag:s29], $0x2000  }
0xf5: {  	p0 =	sne.s32 s30, s8;
	[sflag:s29] =	ssyncset.done $0x0  }
.Ltmp2:
0xf6: {  	[sflag:s29] =	ssyncadd.s32 $0xFFFFE000;
	(pc) =	sbr.rel @p0 .LBB2_1-.Ltmp2, $4  }
0xf7: {  	[hbm4b:s12+s3] =	stream.linear.scatter [tilespmem:s25], [sflag:$0x3], $0x4000, $0x38;
	[tilespmem:$0x16C40] =	vst v63  }
0xf8: {  	_ =	swait.ge [sflag:s18], $0x4000  }
0xf9: {  	[sflag:s18] =	ssyncset.done $0x0  }
0xfa: {  	[sflag:s18] =	ssyncadd.s32 $0xFFFFC000  }
0xfb: {  	_ =	sfence.sel $0x180000  }
0xfc: {  	[bflag:$0x0] =	sbarrier.arrive $0xFFFF  }
0xfd: {  	_ =	strace $0x90000053  }
0xfe: {  	s0 =	stileid.u32;
	[bflag:$0x2] =	sbarrier.arrive $0xFFFF  }
0xff: {  	p0 =	sne.s32 s0, $0x0;
	s0 =	rddreg [dreg:$0x2]  }
0x100: {  	s0 =	sadd.s32 @!p0 $0x100000, s0  }
0x101: {  	[sflag:s0] =	ssyncadd.tile.s32 @!p0 $0x1;
	_ =	shalt  }
.Lfunc_end2:
_tile_overlayer_lowered:
.L_overlay_start_2:
0x102: {  	(tag) =	ssettag $0x2  }
0x103: {  	s0 =	rddreg [dreg:$0x0];
	s2 =	stileid.u32  }
0x104: {  	s1 =	rddreg [dreg:$0x1];
	p0 =	sne.s32 s2, $0x0  }
0x105: {  	s3 =	rddreg [dreg:$0x2];
	[bflag:$0x3] =	sbarrier.arrive $0xFFFF;
	s2 =	simm.s32 @!p0 $0x1C03  }
0x106: {  	[timem:s3], [sflag:s2] =	dma.local @!p0 [hbm:s0], s1  }
0x107: {  	s0 =	simm.s32 @!p0 $0x3  }
0x108: {  	_ =	swait.ge @!p0 [sflag:s0], s1  }
0x109: {  	s1 =	ssub.s32 @!p0 $0x0, s1;
	[sflag:s0] =	ssyncset.done @!p0 $0x0  }
0x10a: {  	[sflag:s0] =	ssyncadd.s32 @!p0 s1  }
0x10b: {  	[bflag:$0x3] =	sbarrier.arrive $0xFFFF  }
0x10c: {  	_ =	shalt  }

// kernel: kernel.30.cloned.1.call-start
scs
__scs_entry_jumppad:
0x0: {  	(pc) =	sbr.rel $0x88, $3  }
0x1: {  	(tag) =	ssettag $0x0;
	lr =	simm.s32 $0x1  }
0x2: {  	[smem:$0x3F71] =	sst lr;
	_ =	strace $0xD0000000  }
0x3: {  	_ = 	snop  }
0x4: {  	_ = 	snop  }
0x5: {  	_ = 	snop  }
0x6: {  	_ = 	snop  }
0x7: {  	_ = 	snop  }
__scs_overlays_trampoline_lowered:
0x8: {  	[smem:$0x3F80] =	sst s0  }
0x9: {  	[smem:$0x3F81] =	sst s1  }
0xa: {  	[smem:$0x3F82] =	sst s2  }
0xb: {  	[smem:$0x3F83] =	sst s3  }
0xc: {  	[smem:$0x3F84] =	sst s4  }
0xd: {  	[smem:$0x3F85] =	sst s5  }
0xe: {  	[smem:$0x3F86] =	sst s6  }
0xf: {  	[smem:$0x3F87] =	sst s7  }
0x10: {  	[smem:$0x3F88] =	sst s8  }
0x11: {  	[smem:$0x3F89] =	sst s9;
	s0 =	simm.s32 @!p0 $0x0  }
0x12: {  	s1 =	sld [smem:$0x3F6F];
	s0 =	simm.s32 @p0 $0x1  }
0x13: {  	[smem:$0x3F8A] =	sst s0;
	s0 =	simm.s32 @!p1 $0x0  }
0x14: {  	s2 =	sld [smem:$0x3F6E];
	s0 =	simm.s32 @p1 $0x1  }
0x15: {  	[smem:$0x3F8B] =	sst s0;
	s0 =	simm.s32 @!p2 $0x0  }
0x16: {  	s3 =	sld [smem:$0x3FDB];
	s0 =	simm.s32 @p2 $0x1  }
0x17: {  	s4 =	simm.s32 $0x1BF5;
	[smem:$0x3F8D] =	sst s0  }
0x18: {  	s0 =	sld [smem:$0x3F70];
	_ =	swait.ge [sflag:s4], $0x0  }
0x19: {  	s7 =	sld [smem:$0x3F71]  }
0x1a: {  	s8 =	sadd.s32 $0xFFFFE003, lr  }
0x1b: {  	s9 =	sadd.s32 $0xFFFFFEF7, lr;
	s5 =	simm.s32 $0xFFFFFFFF;
	p2 =	slt.u32 s8, $0xFFFFF086  }
0x1c: {  	p1 =	slt.u32 s9, $0xF7A;
	s5 =	simm.s32 @!p2 $0x0  }
0x1d: {  	s5 =	simm.s32 @p1 $0x1;
	p0 =	seq.s32 s7, s2  }
0x1e: {  	s7 =	smul.u32 @!p0 $0xF7A, s2;
	p2 =	seq.s32 @!p0 s5, $0x0  }
0x1f: {  	s9 =	smul.u32 $0xF7A, s1;
	s8 =	simm.s32 @!p0 $0x1BF5;
	p2 =	por !p2, p0  }
0x20: {  	[sflag:s8] =	ssyncset.s32 @!p0 $0xFFFFF086;
	s6 =	sadd.s32 @!p0 s3, s7;
	s7 =	simm.s32 @!p0 $0x108  }
0x21: {  	s3 =	sadd.s32 s3, s9;
	s6 =	sadd.s32 @!p0 $0x88, s6;
	s7 =	simm.s32 @p2 $0x1082  }
0x22: {  	[simem:s7], [sflag:s8] =	dma.local @!p0 [hbm:s6], $0xF7A  }
0x23: {  	s9 =	sor.u32 $0xD0000000, s2;
	s6 =	simm.s32 $0x108;
	_ =	swait.ge @!p0 [sflag:s8], $0x0  }
0x24: {  	s3 =	sadd.s32 $0x88, s3;
	s6 =	simm.s32 @!p1 $0x1082;
	[sflag:s4] =	ssyncset.s32 $0xFFFFF086  }
0x25: {  	[simem:s6], [sflag:s4] =	dma.local [hbm:s3], $0xF7A  }
0x26: {  	[smem:$0x3F71] =	sst s1;
	(tag) =	ssettag s2;
	_ =	strace s9  }
0x27: {  	s1 =	sld [smem:$0x3F81]  }
0x28: {  	s2 =	sld [smem:$0x3F82]  }
0x29: {  	s4 =	sld [smem:$0x3F84]  }
0x2a: {  	p0 =	seq.s32 s5, $0x0;
	s5 =	sld [smem:$0x3F85]  }
0x2b: {  	s6 =	sld [smem:$0x3F86]  }
0x2c: {  	s7 =	sld [smem:$0x3F87]  }
0x2d: {  	s3 =	simm.s32 $0x108;
	s8 =	sld [smem:$0x3F88]  }
0x2e: {  	s3 =	simm.s32 @!p0 $0x1082;
	s9 =	sld [smem:$0x3F89]  }
0x2f: {  	lr =	sadd.s32 s0, s3;
	s0 =	sld [smem:$0x3F80]  }
0x30: {  	s3 =	sld [smem:$0x3F83]  }
0x31: {  	[smem:$0x3F8C] =	sst s10  }
0x32: {  	s10 =	sld [smem:$0x3F8A];
	_ =	sdelay $0x3  }
0x33: {  	p0 =	seq.s32 s10, $0x1;
	s10 =	sld [smem:$0x3F8C];
	_ =	sdelay $0x3  }
0x34: {  	[smem:$0x3F8C] =	sst s10  }
0x35: {  	s10 =	sld [smem:$0x3F8B];
	_ =	sdelay $0x3  }
0x36: {  	p1 =	seq.s32 s10, $0x1;
	s10 =	sld [smem:$0x3F8C];
	_ =	sdelay $0x3  }
0x37: {  	[smem:$0x3F8C] =	sst s10  }
0x38: {  	s10 =	sld [smem:$0x3F8D]  }
0x39: {  	_ = 	snop;
	(pc) =	sbr.ind lr, $3  }
0x3a: {  	_ = 	snop  }
0x3b: {  	_ = 	snop  }
0x3c: {  	p2 =	seq.s32 s10, $0x1;
	s10 =	sld [smem:$0x3F8C]  }
0x3d: {  	_ =	shalt  }
0x3e: {  	_ =	shalt  }
0x3f: {  	_ =	shalt  }
0x40: {  	_ =	shalt  }
0x41: {  	_ =	shalt  }
0x42: {  	_ =	shalt  }
0x43: {  	_ =	shalt  }
0x44: {  	_ =	shalt  }
0x45: {  	_ =	shalt  }
0x46: {  	_ =	shalt  }
0x47: {  	_ =	shalt  }
0x48: {  	_ =	shalt  }
0x49: {  	_ =	shalt  }
0x4a: {  	_ =	shalt  }
0x4b: {  	_ =	shalt  }
0x4c: {  	_ =	shalt  }
0x4d: {  	_ =	shalt  }
0x4e: {  	_ =	shalt  }
0x4f: {  	_ =	shalt  }
0x50: {  	_ =	shalt  }
0x51: {  	_ =	shalt  }
0x52: {  	_ =	shalt  }
0x53: {  	_ =	shalt  }
0x54: {  	_ =	shalt  }
0x55: {  	_ =	shalt  }
0x56: {  	_ =	shalt  }
0x57: {  	_ =	shalt  }
0x58: {  	_ =	shalt  }
0x59: {  	_ =	shalt  }
0x5a: {  	_ =	shalt  }
0x5b: {  	_ =	shalt  }
0x5c: {  	_ =	shalt  }
0x5d: {  	_ =	shalt  }
0x5e: {  	_ =	shalt  }
0x5f: {  	_ =	shalt  }
0x60: {  	_ =	shalt  }
0x61: {  	_ =	shalt  }
0x62: {  	_ =	shalt  }
0x63: {  	_ =	shalt  }
0x64: {  	_ =	shalt  }
0x65: {  	_ =	shalt  }
0x66: {  	_ =	shalt  }
0x67: {  	_ =	shalt  }
0x68: {  	_ =	shalt  }
0x69: {  	_ =	shalt  }
0x6a: {  	_ =	shalt  }
0x6b: {  	_ =	shalt  }
0x6c: {  	_ =	shalt  }
0x6d: {  	_ =	shalt  }
0x6e: {  	_ =	shalt  }
0x6f: {  	_ =	shalt  }
0x70: {  	_ =	shalt  }
0x71: {  	_ =	shalt  }
0x72: {  	_ =	shalt  }
0x73: {  	_ =	shalt  }
0x74: {  	_ =	shalt  }
0x75: {  	_ =	shalt  }
0x76: {  	_ =	shalt  }
0x77: {  	_ =	shalt  }
0x78: {  	_ =	shalt  }
0x79: {  	_ =	shalt  }
0x7a: {  	_ =	shalt  }
0x7b: {  	_ =	shalt  }
0x7c: {  	_ =	shalt  }
0x7d: {  	_ =	shalt  }
0x7e: {  	_ =	shalt  }
0x7f: {  	_ =	shalt  }
0x80: {  	_ =	shalt  }
0x81: {  	_ =	shalt  }
0x82: {  	_ =	shalt  }
0x83: {  	_ =	shalt  }
0x84: {  	_ =	shalt  }
0x85: {  	_ =	shalt  }
0x86: {  	_ =	shalt  }
0x87: {  	_ =	shalt  }
.Lfunc_end0:
.L_simem_size_0:
called_computation.5_lowered:
.L_overlay_start_0:
0x88: {  	s2 =	sld [smem:$0x3FD9]  }
0x89: {  	s3 =	sld [smem:$0x3FFE];
	_ =	sdelay $0x1  }
0x8a: {  	s1 =	srdreg.scid  }
0x8b: {  	s0 =	sand.u32 $0x1, s1  }
0x8c: {  	s16 =	sshll.u32 s0, $0xA;
	s2 =	sadd.s32 s3, s2  }
0x8d: {  	s2 =	sadd.s32 s2, s16  }
0x8e: {  	[smem:$0x3F98] =	sst s2  }
0x8f: {  	_ = 	snop  }
0x90: {  	(tm) =	ssettm $0x1  }
0x91: {  	s17 =	sld [smem:$0x3FFB];
	_ =	sdelay $0x3  }
0x92: {  	_ =	strace s17  }
0x93: {  	s2 =	sld [smem:$0x3FFC];
	_ =	sdelay $0x3  }
0x94: {  	_ =	strace s2  }
0x95: {  	s2 =	sld [smem:$0x3FFD];
	_ =	sdelay $0x3  }
0x96: {  	_ =	strace s2  }
0x97: {  	_ =	strace $0x8FFFFFFF  }
0x98: {  	s18 =	sld [smem:$0x3FDB];
	_ =	sdelay $0x1  }
0x99: {  	s19 =	simm.s32 $_scs_section_size  }
0x9a: {  	s4 =	simm.s32 $_size__tile_overlayer_lowered;
	s5 =	simm.s32 $_tile_overlayer_lowered  }
0x9b: {  	s22 =	simm.s32 $0x1BFF;
	s21 =	sshll.u32 s5, $0x1;
	s2 =	sadd.s32 s19, s18  }
0x9c: {  	s6 =	simm.s32 $0x0;
	s20 =	sshll.u32 s4, $0x1;
	s4 =	sadd.s32 s21, s2  }
0x9d: {  	[timem:s6], [sflag:s22] =	dma.local [hbm:s4], s20  }
0x9e: {  	_ =	swait.ge [sflag:s22], s20  }
0x9f: {  	s3 =	ssub.s32 $0x0, s20;
	[sflag:s22] =	ssyncset.done $0x0  }
0xa0: {  	[sflag:s22] =	ssyncadd.s32 s3;
	_ =	sdelay $0x1  }
0xa1: {  	s23 =	simm.s32 $0x1B8B  }
0xa2: {  	_ =	swait.ge [sflag:s23], $0x1  }
0xa3: {  	[sflag:s23] =	ssyncset.done $0x0  }
0xa4: {  	s25 =	simm.s32 $0x1B8E;
	s24 =	sld [smem:$0x3FFE];
	[sflag:s23] =	ssyncadd.s32 $0xFFFFFFFF  }
0xa5: {  	s26 =	simm.s32 $execute0_lowered;
	[smem:$0x3FD2] =	sst s25  }
0xa6: {  	s4 =	sshll.u32 s26, $0x1;
	_ =	strace $0x80000055;
	[dreg:$0x1] =	wrdreg $0xFFFFFFFF  }
0xa7: {  	s28 =	simm.s32 $_size_execute0_lowered;
	s2 =	sadd.s32 s2, s4;
	[dreg:$0x0] =	wrdreg $0x0  }
0xa8: {  	s4 =	sshll.u32 s28, $0x1;
	[dreg:$0x2] =	wrdreg s2  }
0xa9: {  	[dreg:$0x3] =	wrdreg s4  }
0xaa: {  	[dreg:$0x4] =	wrdreg $0xC0  }
0xab: {  	_ =	task [dreg:s6], $0x5FFFF  }
0xac: {  	[dreg:$0x1] =	wrdreg $0xFFFFFFFF  }
0xad: {  	[dreg:$0x0] =	wrdreg $0x60  }
0xae: {  	[dreg:$0x2] =	wrdreg s24  }
0xaf: {  	[dreg:$0x3] =	wrdreg $0x0  }
0xb0: {  	[dreg:$0x4] =	wrdreg $0x9C400  }
0xb1: {  	[dreg:$0x5] =	wrdreg $0x9  }
0xb2: {  	_ =	task.clear_ibuf [dreg:s6], $0x6FFFF;
	_ =	strace $0x90000055  }
0xb3: {  	s29 =	simm.s32 $0x9;
	_ =	strace $0x80000057  }
0xb4: {  	_ =	swait.ge [sflag:s29], $0x1  }
0xb5: {  	[sflag:s29] =	ssyncadd.s32 $0xFFFFFFFF  }
0xb6: {  	_ =	strace $0x90000057  }
0xb7: {  	_ =	sfence  }
0xb8: {  	s30 =	sld [smem:$0x0];
	_ =	sdelay $0x2  }
0xb9: {  	s31 =	sshll.u32 s1, $0xD;
	s1 =	sshrl.u32 s1, $0x2  }
0xba: {  	s3 =	sand.u32 $0x4000, s31;
	s1 =	sadd.s32 s1, s30  }
0xbb: {  	s0 =	sor.u32 s3, s0;
	s1 =	sshll.u32 s1, $0x11  }
0xbc: {  	s0 =	sor.u32 s1, s0  }
0xbd: {  	s0 =	sadd.s32 $0x8F2B, s0  }
0xbe: {  	[sflag:s0] =	ssyncadd.remote.s32 $0x1  }
0xbf: {  	_ =	sfence.sel $0xFFFF  }
0xc0: {  	[dreg:$0x0] =	wrdreg $0xFFFFFFFF;
	(pc) =	sbr.abs _section_cstart, $3  }
0xc1: {  	[dreg:$0x1] =	wrdreg $0xFFFFFFFF  }
0xc2: {  	_ =	task.clear_ibuf [dreg:s6], $0x2FFFF;
	_ =	strace $0x9FFFFFFF  }
0xc3: {  	(tm) =	ssettm $0x7FFFFFFF  }
tec
execute0_lowered:
.L_overlay_start_1:
0x0: {  	(tag) =	ssettag $0x1  }
0x1: {  	s5 =	rddreg [dreg:$0x0]  }
0x2: {  	s0 =	stileid.u32;
	s2 =	rddreg [dreg:$0x1]  }
0x3: {  	s1 =	srdreg.scid;
	s3 =	rddreg [dreg:$0x2]  }
0x4: {  	s4 =	simm.s32 $0x0;
	s18 =	simm.s32 $0x18880;
	s6 =	smul.u32 $0x28000, s0  }
0x5: {  	s19 =	simm.s32 $0x80;
	s7 =	sand.u32 $0x1, s1;
	s9 =	smul.u32 $0x9C40, s0  }
0x6: {  	s20 =	simm.s32 $0x0;
	s28 =	sshll.u32 s0, $0x1;
	s10 =	smul.u32 $0x9C400, s7  }
0x7: {  	[smem:$0x7FF] =	sst s4;
	s1 =	sor.u32 s7, s28;
	s17 =	smul.u32 $0x14000, s7  }
0x8: {  	s31 =	sshll.u32 s0, $0x6;
	s30 =	ssub.s32 $0x2, s7;
	s8 =	smul.u32 $0x500, s1  }
0x9: {  	s1 =	rddreg [dreg:$0x3];
	_ =	strace $0x80000056;
	s12 =	sadd.s32 s6, s5  }
0xa: {  	s11 =	sshrl.u32 s9, $0x3;
	s13 =	sshrl.u32 s30, $0x1;
	s15 =	sadd.s32 s9, s2  }
0xb: {  	s16 =	sadd.s32 s9, s3;
	s29 =	sadd.s32 s9, s10;
	s11 =	sadd.s32 s11, s5  }
0xc: {  	s13 =	ssub.s32 s30, s13;
	s12 =	sadd.s32 s17, s12;
	s17 =	simm.s32 $0x16080  }
0xd: {  	s8 =	sadd.s32 s8, s5;
	s6 =	sshrl.u32 s29, $0x3;
	s12 =	sadd.s32 $0x54A800, s12  }
0xe: {  	s14 =	sadd.s32 s6, s5;
	s5 =	sadd.s32 $0x7CA800, s11;
	s6 =	sor.u32 $0x1C01, s31  }
0xf: {  	s7 =	sadd.s32 $0x19400, s8;
	s8 =	sadd.s32 $0xF400, s8;
	s11 =	smax.u32 s13, $0x1  }
0x10: {  	s13 =	sshrl.u32 s15, $0x3;
	s15 =	sshrl.u32 s16, $0x3;
	s16 =	simm.s32 $0x13880  }
0x11: {  	s9 =	sadd.s32 $0x4A800, s14;
	s10 =	sadd.s32 $0x71900, s14;
	s14 =	simm.s32 $0x1  }
.LBB2_1:
0x12: {  	[spmem:s13], [sflag:s6] =	dma.local [hbm:s5], $0x1388  }
0x13: {  	_ =	swait.ge [sflag:s14], $0x1388  }
0x14: {  	[sflag:s14] =	ssyncset.done $0x0  }
0x15: {  	[sflag:s14] =	ssyncadd.s32 $0xFFFFEC78  }
0x16: {  	[spmem:s15], [sflag:s6] =	dma.local [hbm:s5], $0x1388  }
0x17: {  	_ =	swait.ge [sflag:s14], $0x1388  }
0x18: {  	[sflag:s14] =	ssyncset.done $0x0  }
0x19: {  	[sflag:s14] =	ssyncadd.s32 $0xFFFFEC78  }
0x1a: {  	[tilespmem:s16], [sflag:$0x1] =	stream.linear.gather [hbm4b:s7+s4], $0x2800, $0x38;
	[tilespmem:$0x1A880] =	vst v63  }
0x1b: {  	_ =	swait.ge [sflag:s14], $0x2800  }
0x1c: {  	[sflag:s14] =	ssyncset.done $0x0  }
0x1d: {  	[sflag:s14] =	ssyncadd.s32 $0xFFFFD800  }
0x1e: {  	[tilespmem:s17], [sflag:$0x1] =	stream.linear.gather [hbm4b:s8+s4], $0x2800, $0x38;
	[tilespmem:$0x1A880] =	vst v63  }
0x1f: {  	_ =	swait.ge [sflag:s14], $0x2800  }
0x20: {  	[sflag:s14] =	ssyncset.done $0x0  }
0x21: {  	[sflag:s14] =	ssyncadd.s32 $0xFFFFD800  }
0x22: {  	[bflag:$0x0] =	sbarrier.arrive $0xFFFF  }
0x23: {  	[tilespmem:s18], [sflag:$0x1] =	stream.linear.gather [hbm4b:s12+s4], $0x2000, $0x38;
	[tilespmem:$0x1A880] =	vst v63  }
0x24: {  	_ =	swait.ge [sflag:s14], $0x2000  }
0x25: {  	[sflag:s14] =	ssyncset.done $0x0  }
0x26: {  	s21 =	simm.s32 $0x13880;
	[sflag:s14] =	ssyncadd.s32 $0xFFFFE000  }
0x27: {  	[spmem:s2] =	stream.indirect.scatter.add.f32 [tilespmem:s18], [sflag:$0x1], $0x40, s21, s19, $0xb8;
	[tilespmem:$0x1A880] =	vst v63  }
0x28: {  	_ =	swait.ge [sflag:s14], $0x2000  }
0x29: {  	[sflag:s14] =	ssyncset.done $0x0  }
0x2a: {  	s31 =	simm.s32 $0x16080;
	[sflag:s14] =	ssyncadd.s32 $0xFFFFE000  }
0x2b: {  	[spmem:s3] =	stream.indirect.scatter.add.f32 [tilespmem:s18], [sflag:$0x1], $0x40, s31, s19, $0xb8;
	[tilespmem:$0x1A880] =	vst v63  }
0x2c: {  	_ =	swait.ge [sflag:s14], $0x2000  }
0x2d: {  	s22 =	smov.u32 s12;
	s21 =	simm.s32 $0x200;
	[sflag:s14] =	ssyncset.done $0x0  }
.LBB2_2:
0x2e: {  	p0 =	sne.s32 s21, $0x9E00;
	[sflag:s14] =	ssyncadd.s32 $0xFFFFE000;
	s22 =	sadd.s32 $0x400, s22  }
0x2f: {  	[tilespmem:s18], [sflag:$0x1] =	stream.linear.gather [hbm4b:s22+s4], $0x2000, $0x38;
	[tilespmem:$0x1A880] =	vst v63  }
0x30: {  	s23 =	smov.u32 s21;
	s21 =	sadd.s32 $0x200, s21;
	_ =	swait.ge [sflag:s14], $0x2000  }
0x31: {  	s23 =	sshra.s32 s23, $0x2;
	[sflag:s14] =	ssyncset.done $0x0  }
0x32: {  	s24 =	sadd.s32 $0x13880, s23;
	[sflag:s14] =	ssyncadd.s32 $0xFFFFE000  }
0x33: {  	[spmem:s2] =	stream.indirect.scatter.add.f32 [tilespmem:s18], [sflag:$0x1], $0x40, s24, s19, $0xb8;
	[tilespmem:$0x1A880] =	vst v63  }
0x34: {  	_ =	swait.ge [sflag:s14], $0x2000  }
.Ltmp0:
0x35: {  	[sflag:s14] =	ssyncset.done $0x0;
	(pc) =	sbr.rel @p0 .LBB2_2-.Ltmp0, $4  }
0x36: {  	s23 =	sadd.s32 $0x16080, s23;
	[sflag:s14] =	ssyncadd.s32 $0xFFFFE000  }
0x37: {  	[spmem:s3] =	stream.indirect.scatter.add.f32 [tilespmem:s18], [sflag:$0x1], $0x40, s23, s19, $0xb8;
	[tilespmem:$0x1A880] =	vst v63  }
0x38: {  	_ =	swait.ge [sflag:s14], $0x2000  }
0x39: {  	[sflag:s14] =	ssyncset.done $0x0  }
0x3a: {  	[sflag:s14] =	ssyncadd.s32 $0xFFFFE000  }
0x3b: {  	[bflag:$0x0] =	sbarrier.arrive $0xFFFF  }
0x3c: {  	[hbm:s9], [sflag:s6] =	dma.local [spmem:s13], $0x1388  }
0x3d: {  	s20 =	sadd.s32 $0x1, s20;
	_ =	swait.ge [sflag:s14], $0x1388  }
0x3e: {  	p0 =	sne.s32 s20, s11;
	[sflag:s14] =	ssyncset.done $0x0  }
.Ltmp1:
0x3f: {  	[sflag:s14] =	ssyncadd.s32 $0xFFFFEC78;
	(pc) =	sbr.rel @p0 .LBB2_1-.Ltmp1, $4  }
0x40: {  	[hbm:s10], [sflag:s6] =	dma.local [spmem:s15], $0x1388  }
0x41: {  	_ =	swait.ge [sflag:s14], $0x1388  }
0x42: {  	[sflag:s14] =	ssyncset.done $0x0  }
0x43: {  	[sflag:s14] =	ssyncadd.s32 $0xFFFFEC78  }
0x44: {  	_ =	sfence.sel $0x180000  }
0x45: {  	[bflag:$0x0] =	sbarrier.arrive $0xFFFF  }
0x46: {  	p0 =	sne.s32 s0, $0x0;
	_ =	strace $0x90000056  }
0x47: {  	s0 =	sadd.s32 @!p0 $0x100000, s1;
	[bflag:$0x2] =	sbarrier.arrive $0xFFFF  }
0x48: {  	[sflag:s0] =	ssyncadd.tile.s32 @!p0 $0x1;
	_ =	shalt  }
.Lfunc_end2:
_tile_overlayer_lowered:
.L_overlay_start_2:
0x49: {  	(tag) =	ssettag $0x2  }
0x4a: {  	s0 =	rddreg [dreg:$0x0];
	s2 =	stileid.u32  }
0x4b: {  	s1 =	rddreg [dreg:$0x1];
	p0 =	sne.s32 s2, $0x0  }
0x4c: {  	s3 =	rddreg [dreg:$0x2];
	[bflag:$0x3] =	sbarrier.arrive $0xFFFF;
	s2 =	simm.s32 @!p0 $0x1C01  }
0x4d: {  	[timem:s3], [sflag:s2] =	dma.local @!p0 [hbm:s0], s1  }
0x4e: {  	s0 =	simm.s32 @!p0 $0x1  }
0x4f: {  	_ =	swait.ge @!p0 [sflag:s0], s1  }
0x50: {  	s1 =	ssub.s32 @!p0 $0x0, s1;
	[sflag:s0] =	ssyncset.done @!p0 $0x0  }
0x51: {  	[sflag:s0] =	ssyncadd.s32 @!p0 s1  }
0x52: {  	[bflag:$0x3] =	sbarrier.arrive $0xFFFF  }
0x53: {  	_ =	shalt  }

</sc_bundles>
